<compile_context>
chip_gen: v7x
topology: tpu7x:2x2x1
jax: 0.10.2.dev20260603
libtpu: 0.0.44.dev20260713+nightly
codegen_flags: <defaults>
</compile_context>

<pallas_src>
import functools

import jax
import jax.numpy as jnp
from jax import lax
from jax.experimental import pallas as pl
from jax.experimental.pallas import tpu as pltpu
from jax.experimental.pallas import tpu_sc as plsc

_N = 10000
_E = 320000
_IN = 128
_D = 256
_HD = 128
_NC = 2
_NS = 16
_EB = 100
_EP = _E
_EPT = _EP // _NS
_NB = _EPT // _EB
_NP = 10112
_RPT = _NP // _NS
_STEPS = 6


_CB = 40
_NCHUNK = _NB // _CB


def _sc_scatter_body(m_hbm, gidx_hbm, dst_hbm, zeros_hbm, out_hbm,
                     gidx_v, dst_v, rows0, rows1, rows2, agg_sh,
                     sem0, sem1, sem2):
    c = lax.axis_index("c")
    s = lax.axis_index("s")
    bufs = ((rows0, sem0), (rows1, sem1), (rows2, sem2))
    pltpu.sync_copy(zeros_hbm, agg_sh.at[pl.ds(s * _RPT, _RPT)])
    plsc.subcore_barrier()

    def chunk_body(k, carry):
        pltpu.sync_copy(gidx_hbm.at[c, pl.ds(s * _NB + k * _CB, _CB)], gidx_v)
        pltpu.sync_copy(dst_hbm.at[pl.ds(s * _NB + k * _CB, _CB)], dst_v)
        pltpu.async_copy(m_hbm.at[gidx_v.at[0]], rows0, sem0)
        pltpu.async_copy(m_hbm.at[gidx_v.at[1]], rows1, sem1)

        def body(j, carry2):
            r = lax.rem(j, 3)
            for b in range(3):
                @pl.when(r == b)
                def _(b=b):
                    rows, sem = bufs[b]
                    rows_w, sem_w = bufs[(b + 2) % 3]
                    pltpu.make_async_copy(m_hbm.at[gidx_v.at[j]], rows, sem).wait()
                    pltpu.sync_copy(rows, agg_sh.at[dst_v.at[j]], add=True)
                    pltpu.async_copy(m_hbm.at[gidx_v.at[j + 2]], rows_w, sem_w)
            return carry2

        lax.fori_loop(0, _CB - 2, body, carry)
        for j in (_CB - 2, _CB - 1):
            rows, sem = bufs[j % 3]
            pltpu.make_async_copy(m_hbm.at[gidx_v.at[j]], rows, sem).wait()
            pltpu.sync_copy(rows, agg_sh.at[dst_v.at[j]], add=True)
        return carry

    lax.fori_loop(0, _NCHUNK, chunk_body, 0)
    plsc.subcore_barrier()
    pltpu.sync_copy(agg_sh.at[pl.ds(s * _RPT, _RPT)],
                    out_hbm.at[c, pl.ds(s * _RPT, _RPT)])


_sc_scatter = pl.kernel(
    _sc_scatter_body,
    out_type=jax.ShapeDtypeStruct((_NC, _NP, _HD), jnp.float32),
    mesh=plsc.VectorSubcoreMesh(core_axis_name="c", subcore_axis_name="s"),
    scratch_types=[
        pltpu.VMEM((_CB, _EB), jnp.int32),
        pltpu.VMEM((_CB, _EB), jnp.int32),
        pltpu.VMEM((_EB, _HD), jnp.float32),
        pltpu.VMEM((_EB, _HD), jnp.float32),
        pltpu.VMEM((_EB, _HD), jnp.float32),
        pltpu.VMEM_SHARED((_NP, _HD), jnp.float32),
        pltpu.SemaphoreType.DMA,
        pltpu.SemaphoreType.DMA,
        pltpu.SemaphoreType.DMA,
    ],
)


_BN = 2000


def _m0_body(x_ref, w_ref, o_ref):
    o_ref[...] = jnp.dot(x_ref[...].astype(jnp.bfloat16), w_ref[...],
                         preferred_element_type=jnp.float32)


_m0_call = pl.pallas_call(
    _m0_body,
    grid=(_N // _BN,),
    in_specs=[
        pl.BlockSpec((_BN, _IN), lambda i: (i, 0)),
        pl.BlockSpec((_IN, _D), lambda i: (0, 0)),
    ],
    out_specs=pl.BlockSpec((_BN, _D), lambda i: (i, 0)),
    out_shape=jax.ShapeDtypeStruct((_N, _D), jnp.float32),
)


def _gru_body(h_ref, agg_ref, wih0_ref, wih1_ref, whh_ref, bi_ref, bh_ref,
              wn_ref, h_out_ref, m_out_ref):
    h = h_ref[...]
    bf = jnp.bfloat16
    gi = (jnp.dot(agg_ref[0], wih0_ref[...],
                  preferred_element_type=jnp.float32)
          + jnp.dot(agg_ref[1], wih1_ref[...],
                    preferred_element_type=jnp.float32)
          + bi_ref[...])
    gh = jnp.dot(h.astype(bf), whh_ref[...],
                 preferred_element_type=jnp.float32) + bh_ref[...]
    r = jax.nn.sigmoid(gi[:, :_D] + gh[:, :_D])
    z = jax.nn.sigmoid(gi[:, _D:2 * _D] + gh[:, _D:2 * _D])
    nn_ = jnp.tanh(gi[:, 2 * _D:] + r * gh[:, 2 * _D:])
    h_new = (1.0 - z) * nn_ + z * h
    h_out_ref[...] = h_new
    m_out_ref[...] = jnp.dot(h_new.astype(bf), wn_ref[...],
                             preferred_element_type=jnp.float32)


_gru_call = pl.pallas_call(
    _gru_body,
    grid=(_N // _BN,),
    in_specs=[
        pl.BlockSpec((_BN, _D), lambda i: (i, 0)),
        pl.BlockSpec((_NC, _BN, _HD), lambda i: (0, i, 0)),
        pl.BlockSpec((_HD, 3 * _D), lambda i: (0, 0)),
        pl.BlockSpec((_HD, 3 * _D), lambda i: (0, 0)),
        pl.BlockSpec((_D, 3 * _D), lambda i: (0, 0)),
        pl.BlockSpec((1, 3 * _D), lambda i: (0, 0)),
        pl.BlockSpec((1, 3 * _D), lambda i: (0, 0)),
        pl.BlockSpec((_D, _D), lambda i: (0, 0)),
    ],
    out_specs=[
        pl.BlockSpec((_BN, _D), lambda i: (i, 0)),
        pl.BlockSpec((_BN, _D), lambda i: (i, 0)),
    ],
    out_shape=[
        jax.ShapeDtypeStruct((_N, _D), jnp.float32),
        jax.ShapeDtypeStruct((_N, _D), jnp.float32),
    ],
)



_L0 = 10000
_LIN = 10760
_BL1 = 512
_G1 = 21
_LC1 = 10760
_V1 = _L0 - 2
_BL2 = 256
_G2 = 21
_LP1 = 5376
_V2 = 4998
_BL3 = 128
_G3 = 21
_LY = 2688
_V3 = 2499


def _conv1_body(t_ref, w0_ref, w1_ref, w2_ref, b_ref, o_ref, st_ref):
    j = pl.program_id(0)
    base = j * _BL1
    tt = t_ref[pl.ds(base, _BL1 + 8), :]
    a0 = tt[:_BL1]
    a1 = tt[1:_BL1 + 1]
    a2 = tt[2:_BL1 + 2]
    out = (jnp.dot(a0, w0_ref[...], preferred_element_type=jnp.float32)
           + jnp.dot(a1, w1_ref[...], preferred_element_type=jnp.float32)
           + jnp.dot(a2, w2_ref[...], preferred_element_type=jnp.float32)
           + b_ref[...])
    o_ref[...] = out
    row = base + jax.lax.broadcasted_iota(jnp.int32, out.shape, 0)
    valid = row < _V1
    mout = jnp.where(valid, out, 0.0)

    @pl.when(j == 0)
    def _():
        st_ref[...] = jnp.zeros_like(st_ref)

    st_ref[0:1, :] += jnp.sum(mout, axis=0, keepdims=True)
    st_ref[1:2, :] += jnp.sum(mout * mout, axis=0, keepdims=True)


def _bn_scale_shift(st_ref, g_ref, bb_ref, count):
    mean = st_ref[0:1, :] * (1.0 / count)
    var = st_ref[1:2, :] * (1.0 / count) - mean * mean
    scale = g_ref[0:1, :] * jax.lax.rsqrt(var + 1e-5)
    shift = bb_ref[0:1, :] - mean * scale
    return scale, shift


def _mid_body(c1_ref, st_ref, g_ref, bb_ref, w2_ref, b2_ref, o_ref, st2_ref):
    j = pl.program_id(0)
    scale, shift = _bn_scale_shift(st_ref, g_ref, bb_ref, _V1)

    def nr(rows):
        return jnp.maximum(rows * scale + shift, 0.0)

    base = j * 2 * _BL2
    ss = nr(c1_ref[pl.ds(base, 2 * _BL2 + 8), :])
    a = ss[:2 * _BL2].reshape(_BL2, 2, -1)
    pair = jnp.maximum(a[:, 0, :], a[:, 1, :])
    b = ss[2:2 * _BL2 + 2].reshape(_BL2, 2, -1)[:, 0, :]
    p1 = jnp.maximum(pair, b)
    out = jnp.dot(p1, w2_ref[...], preferred_element_type=jnp.float32) + b2_ref[...]
    o_ref[...] = out
    row = j * _BL2 + jax.lax.broadcasted_iota(jnp.int32, out.shape, 0)
    mout = jnp.where(row < _V2, out, 0.0)

    @pl.when(j == 0)
    def _():
        st2_ref[...] = jnp.zeros_like(st2_ref)

    st2_ref[0:1, :] += jnp.sum(mout, axis=0, keepdims=True)
    st2_ref[1:2, :] += jnp.sum(mout * mout, axis=0, keepdims=True)


def _final_body(p2_ref, st2_ref, g_ref, bb_ref, o_ref):
    scale, shift = _bn_scale_shift(st2_ref, g_ref, bb_ref, _V2)
    a = jnp.maximum(p2_ref[...] * scale + shift, 0.0).reshape(_BL3, 2, -1)
    o_ref[...] = jnp.maximum(a[:, 0, :], a[:, 1, :])


def _make_tower(C):
    conv1 = pl.pallas_call(
        _conv1_body,
        grid=(_G1,),
        in_specs=[
            pl.BlockSpec((_LIN, C), lambda i: (0, 0)),
            pl.BlockSpec((C, C), lambda i: (0, 0)),
            pl.BlockSpec((C, C), lambda i: (0, 0)),
            pl.BlockSpec((C, C), lambda i: (0, 0)),
            pl.BlockSpec((1, C), lambda i: (0, 0)),
        ],
        out_specs=[
            pl.BlockSpec((_BL1, C), lambda i: (i, 0)),
            pl.BlockSpec((8, C), lambda i: (0, 0)),
        ],
        out_shape=[
            jax.ShapeDtypeStruct((_LC1, C), jnp.float32),
            jax.ShapeDtypeStruct((8, C), jnp.float32),
        ],
    )
    mid = pl.pallas_call(
        _mid_body,
        grid=(_G2,),
        in_specs=[
            pl.BlockSpec((_LC1, C), lambda i: (0, 0)),
            pl.BlockSpec((8, C), lambda i: (0, 0)),
            pl.BlockSpec((1, C), lambda i: (0, 0)),
            pl.BlockSpec((1, C), lambda i: (0, 0)),
            pl.BlockSpec((C, C), lambda i: (0, 0)),
            pl.BlockSpec((1, C), lambda i: (0, 0)),
        ],
        out_specs=[
            pl.BlockSpec((_BL2, C), lambda i: (i, 0)),
            pl.BlockSpec((8, C), lambda i: (0, 0)),
        ],
        out_shape=[
            jax.ShapeDtypeStruct((_LP1, C), jnp.float32),
            jax.ShapeDtypeStruct((8, C), jnp.float32),
        ],
    )
    final = pl.pallas_call(
        _final_body,
        grid=(_G3,),
        in_specs=[
            pl.BlockSpec((2 * _BL3, C), lambda i: (i, 0)),
            pl.BlockSpec((8, C), lambda i: (0, 0)),
            pl.BlockSpec((1, C), lambda i: (0, 0)),
            pl.BlockSpec((1, C), lambda i: (0, 0)),
        ],
        out_specs=pl.BlockSpec((_BL3, C), lambda i: (i, 0)),
        out_shape=jax.ShapeDtypeStruct((_LY, C), jnp.float32),
    )

    def tower(t_pad, cw, cb, c2w, c2b, g, bb):
        w0 = cw[:, :, 0].T
        w1 = cw[:, :, 1].T
        w2 = cw[:, :, 2].T
        c1, st = conv1(t_pad, w0, w1, w2, cb.reshape(1, C))
        p2, st2 = mid(c1, st, g.reshape(1, C), bb.reshape(1, C),
                      c2w[:, :, 0].T, c2b.reshape(1, C))
        return final(p2, st2, g.reshape(1, C), bb.reshape(1, C))

    return tower


_tower_y = _make_tower(_D)
_tower_z = _make_tower(_D + _IN)


def _head_body(y_ref, z_ref, wy_ref, by_ref, wz_ref, bz_ref, o_ref):
    ys = jnp.dot(y_ref[...], wy_ref[...], preferred_element_type=jnp.float32) + by_ref[...]
    zs = jnp.dot(z_ref[...], wz_ref[...], preferred_element_type=jnp.float32) + bz_ref[...]
    p = ys * zs
    row = jax.lax.broadcasted_iota(jnp.int32, p.shape, 0)
    p = jnp.where(row < _V3, p, 0.0)
    avg = jnp.sum(p, axis=0, keepdims=True) * (1.0 / _V3)
    o_ref[...] = jax.nn.sigmoid(avg)


_head_call = pl.pallas_call(
    _head_body,
    grid=(1,),
    in_specs=[
        pl.BlockSpec((_LY, _D), lambda i: (0, 0)),
        pl.BlockSpec((_LY, _D + _IN), lambda i: (0, 0)),
        pl.BlockSpec((_D, 8), lambda i: (0, 0)),
        pl.BlockSpec((1, 8), lambda i: (0, 0)),
        pl.BlockSpec((_D + _IN, 8), lambda i: (0, 0)),
        pl.BlockSpec((1, 8), lambda i: (0, 0)),
    ],
    out_specs=pl.BlockSpec((1, 8), lambda i: (0, 0)),
    out_shape=jax.ShapeDtypeStruct((1, 8), jnp.float32),
)


def kernel(x, edge_index, ggnn_w, gru_w_ih, gru_w_hh, gru_b_ih, gru_b_hh,
           conv1_w, conv1_b, conv2_w, conv2_b,
           cconv1_w, cconv1_b, cconv2_w, cconv2_b,
           bn1_g, bn1_b, bnc_g, bnc_b,
           mlp_y_w, mlp_y_b, mlp_z_w, mlp_z_b):
    src = edge_index[0]
    dst = edge_index[1]
    gidx = (src[None, :] * 2 + jnp.arange(2, dtype=jnp.int32)[:, None])
    gidx = gidx.reshape(_NC, _NS * _NB, _EB)
    dstr = dst.reshape(_NS * _NB, _EB)
    zeros = jnp.zeros((_RPT, _HD), jnp.float32)

    wih_t = gru_w_ih.T
    wih0 = wih_t[:_HD].astype(jnp.bfloat16)
    wih1 = wih_t[_HD:].astype(jnp.bfloat16)
    whh_t = gru_w_hh.T.astype(jnp.bfloat16)
    wnext = ggnn_w.astype(jnp.bfloat16)
    bi = gru_b_ih.reshape(1, 3 * _D)
    bh = gru_b_hh.reshape(1, 3 * _D)

    h = jnp.pad(x, ((0, 0), (0, _D - _IN)))
    m = _m0_call(x, wnext[0][:_IN])
    for i in range(_STEPS):
        agg2 = _sc_scatter(m.reshape(2 * _N, _HD), gidx, dstr, zeros)
        h, m = _gru_call(h, agg2, wih0, wih1, whh_t, bi, bh,
                         wnext[(i + 1) % _STEPS])

    t_y = jnp.pad(h, ((0, _LIN - _L0), (0, 0)))
    t_z = jnp.pad(jnp.concatenate((h, x), axis=-1), ((0, _LIN - _L0), (0, 0)))
    y2 = _tower_y(t_y, conv1_w, conv1_b, conv2_w, conv2_b, bn1_g, bn1_b)
    z2 = _tower_z(t_z, cconv1_w, cconv1_b, cconv2_w, cconv2_b, bnc_g, bnc_b)
    out = _head_call(y2, z2,
                     jnp.pad(mlp_y_w.T, ((0, 0), (0, 6))),
                     jnp.pad(mlp_y_b.reshape(1, 2), ((0, 0), (0, 6))),
                     jnp.pad(mlp_z_w.T, ((0, 0), (0, 6))),
                     jnp.pad(mlp_z_b.reshape(1, 2), ((0, 0), (0, 6))))
    return out[:, :2]

# --- scband reference (transcript-rebuilt; emitter-appended) ---
"""Pipeline reference for scband-devign-model-62483184222417 (READ-ONLY COPY).

The authoritative reference and input builder live on the scoring server;
editing this copy changes nothing except your own understanding.
"""

import jax, jax.numpy as jnp
import numpy as np

N_NODES = 10000
N_EDGES = 320000
IN_DIM = 128
OUT_DIM = 256
NUM_STEPS = 6
CAT_DIM = IN_DIM + OUT_DIM


def setup_inputs(seed: int = 0) -> dict:
    key = jax.random.key(seed)
    ks = jax.random.split(key, 24)
    s = 0.05
    inp = {}
    inp['x'] = jax.random.normal(ks[0], (N_NODES, IN_DIM), dtype=jnp.float32)
    inp['edge_index'] = jax.random.randint(ks[1], (2, N_EDGES), 0, N_NODES, dtype=jnp.int32)
    # GatedGraphConv params
    inp['ggnn_w'] = jax.random.normal(ks[2], (NUM_STEPS, OUT_DIM, OUT_DIM), dtype=jnp.float32) * s
    inp['gru_w_ih'] = jax.random.normal(ks[3], (3 * OUT_DIM, OUT_DIM), dtype=jnp.float32) * s
    inp['gru_w_hh'] = jax.random.normal(ks[4], (3 * OUT_DIM, OUT_DIM), dtype=jnp.float32) * s
    inp['gru_b_ih'] = jax.random.normal(ks[5], (3 * OUT_DIM,), dtype=jnp.float32) * s
    inp['gru_b_hh'] = jax.random.normal(ks[6], (3 * OUT_DIM,), dtype=jnp.float32) * s
    # conv path on h_i (channels OUT_DIM)
    inp['conv1_w'] = jax.random.normal(ks[7], (OUT_DIM, OUT_DIM, 3), dtype=jnp.float32) * s
    inp['conv1_b'] = jax.random.normal(ks[8], (OUT_DIM,), dtype=jnp.float32) * s
    inp['conv2_w'] = jax.random.normal(ks[9], (OUT_DIM, OUT_DIM, 1), dtype=jnp.float32) * s
    inp['conv2_b'] = jax.random.normal(ks[10], (OUT_DIM,), dtype=jnp.float32) * s
    # conv path on c_i (channels CAT_DIM)
    inp['cconv1_w'] = jax.random.normal(ks[11], (CAT_DIM, CAT_DIM, 3), dtype=jnp.float32) * s
    inp['cconv1_b'] = jax.random.normal(ks[12], (CAT_DIM,), dtype=jnp.float32) * s
    inp['cconv2_w'] = jax.random.normal(ks[13], (CAT_DIM, CAT_DIM, 1), dtype=jnp.float32) * s
    inp['cconv2_b'] = jax.random.normal(ks[14], (CAT_DIM,), dtype=jnp.float32) * s
    # batchnorms (affine init: gamma=1, beta=0)
    inp['bn1_g'] = jnp.ones((OUT_DIM,), dtype=jnp.float32)
    inp['bn1_b'] = jnp.zeros((OUT_DIM,), dtype=jnp.float32)
    inp['bnc_g'] = jnp.ones((CAT_DIM,), dtype=jnp.float32)
    inp['bnc_b'] = jnp.zeros((CAT_DIM,), dtype=jnp.float32)
    # MLP heads
    inp['mlp_y_w'] = jax.random.normal(ks[15], (2, OUT_DIM), dtype=jnp.float32) * s
    inp['mlp_y_b'] = jax.random.normal(ks[16], (2,), dtype=jnp.float32) * s
    inp['mlp_z_w'] = jax.random.normal(ks[17], (2, CAT_DIM), dtype=jnp.float32) * s
    inp['mlp_z_b'] = jax.random.normal(ks[18], (2,), dtype=jnp.float32) * s
    return inp


def _conv1d(x, w, b):
    # x: [N, C, L], w: [Cout, Cin, K]
    out = jax.lax.conv_general_dilated(x, w, window_strides=(1,), padding='VALID',
                                       dimension_numbers=('NCH', 'OIH', 'NCH'))
    return out + b[None, :, None]


def _batchnorm1d(x, g, b, eps=1e-5):
    # training-mode batch statistics over (N, L)
    mean = jnp.mean(x, axis=(0, 2), keepdims=True)
    var = jnp.var(x, axis=(0, 2), keepdims=True)
    return (x - mean) / jnp.sqrt(var + eps) * g[None, :, None] + b[None, :, None]


def _maxpool1d(x, k, s):
    return jax.lax.reduce_window(x, -jnp.inf, jax.lax.max, (1, 1, k), (1, 1, s), 'VALID')


def _ggnn(x, edge_index, ggnn_w, w_ih, w_hh, b_ih, b_hh):
    n = x.shape[0]
    h = jnp.pad(x, ((0, 0), (0, OUT_DIM - x.shape[1])))
    src = edge_index[0]
    dst = edge_index[1]
    for i in range(NUM_STEPS):
        m = h @ ggnn_w[i]
        agg = jnp.zeros((n, OUT_DIM), dtype=h.dtype).at[dst].add(m[src])
        gi = agg @ w_ih.T + b_ih
        gh = h @ w_hh.T + b_hh
        i_r, i_z, i_n = jnp.split(gi, 3, axis=1)
        h_r, h_z, h_n = jnp.split(gh, 3, axis=1)
        r = jax.nn.sigmoid(i_r + h_r)
        z = jax.nn.sigmoid(i_z + h_z)
        nn_ = jnp.tanh(i_n + r * h_n)
        h = (1.0 - z) * nn_ + z * h
    return h


def reference(x, edge_index, ggnn_w, gru_w_ih, gru_w_hh, gru_b_ih, gru_b_hh,
              conv1_w, conv1_b, conv2_w, conv2_b,
              cconv1_w, cconv1_b, cconv2_w, cconv2_b,
              bn1_g, bn1_b, bnc_g, bnc_b,
              mlp_y_w, mlp_y_b, mlp_z_w, mlp_z_b):
    outputs = _ggnn(x, edge_index, ggnn_w, gru_w_ih, gru_w_hh, gru_b_ih, gru_b_hh)
    x_i = x[None]            # [1, N, IN_DIM]
    h_i = outputs[None]      # [1, N, OUT_DIM]
    c_i = jnp.concatenate((h_i, x_i), axis=-1)  # [1, N, CAT_DIM]

    h_t = jnp.transpose(h_i, (0, 2, 1))
    Y1 = _maxpool1d(jax.nn.relu(_batchnorm1d(_conv1d(h_t, conv1_w, conv1_b), bn1_g, bn1_b)), 3, 2)
    Y2 = jnp.transpose(_maxpool1d(jax.nn.relu(_batchnorm1d(_conv1d(Y1, conv2_w, conv2_b), bn1_g, bn1_b)), 2, 2), (0, 2, 1))

    c_t = jnp.transpose(c_i, (0, 2, 1))
    Z1 = _maxpool1d(jax.nn.relu(_batchnorm1d(_conv1d(c_t, cconv1_w, cconv1_b), bnc_g, bnc_b)), 3, 2)
    Z2 = jnp.transpose(_maxpool1d(jax.nn.relu(_batchnorm1d(_conv1d(Z1, cconv2_w, cconv2_b), bnc_g, bnc_b)), 2, 2), (0, 2, 1))

    before_avg = (Y2 @ mlp_y_w.T + mlp_y_b) * (Z2 @ mlp_z_w.T + mlp_z_b)
    avg = before_avg.mean(axis=1)
    return jax.nn.sigmoid(avg)

if __name__ == "__main__":
    import jax
    _d = setup_inputs()
    print(jax.jit(kernel)(*tuple(_d.values())))

</pallas_src>

<mosaic_0001>
#map = affine_map<(d0, d1) -> (0, 0)>
#map1 = affine_map<(d0, d1) -> (0, 0, 0)>
module attributes {stable_mosaic.version = 14 : i64} {
  func.func @_sc_scatter_body(%arg0: i32, %arg1: i32, %arg2: memref<20000x128xf32, #tpu.memory_space<hbm>>, %arg3: memref<2x3200x100xi32, #tpu.memory_space<hbm>>, %arg4: memref<3200x100xi32, #tpu.memory_space<hbm>>, %arg5: memref<632x128xf32, #tpu.memory_space<hbm>>, %arg6: memref<2x10112x128xf32, #tpu.memory_space<hbm>>, %arg7: memref<40x100xi32, #tpu.memory_space<vmem>>, %arg8: memref<40x100xi32, #tpu.memory_space<vmem>>, %arg9: memref<100x128xf32, #tpu.memory_space<vmem>>, %arg10: memref<100x128xf32, #tpu.memory_space<vmem>>, %arg11: memref<100x128xf32, #tpu.memory_space<vmem>>, %arg12: memref<10112x128xf32, #tpu.memory_space<vmem_shared>>, %arg13: memref<!tpu.dma_semaphore, #tpu.memory_space<semaphore_mem>>, %arg14: memref<!tpu.dma_semaphore, #tpu.memory_space<semaphore_mem>>, %arg15: memref<!tpu.dma_semaphore, #tpu.memory_space<semaphore_mem>>) attributes {dimension_semantics = [#tpu.dimension_semantics<core_parallel>, #tpu.dimension_semantics<subcore_parallel>], iteration_bounds = array<i64: 2, 16>, scalar_prefetch = 0 : i64, scratch_operands = 9 : i64, tpu.core_type = #tpu.core_type<sc_vector_subcore>, window_params = [{transform_indices = #map}, {transform_indices = #map1}, {transform_indices = #map}, {transform_indices = #map}, {transform_indices = #map1}]} {
    %mul3A = arith.constant 632 : i32
    %mul3A_0 = arith.muli %arg1, %mul3A : i32
    "tpu.region"() ({
      %run_scoped3A = tpu.sem_alloc : memref<!tpu.dma_semaphore, #tpu.memory_space<semaphore_mem>>
      %dma_start3A = arith.constant 0 : i32
      %dma_start3A_11 = tpu.memref_slice %arg12[%mul3A_0, %dma_start3A] : memref<10112x128xf32, #tpu.memory_space<vmem_shared>> -> memref<632x128xf32, #tpu.memory_space<vmem_shared>>
      tpu.enqueue_dma source(%arg5 : memref<632x128xf32, #tpu.memory_space<hbm>>) target(%dma_start3A_11 : memref<632x128xf32, #tpu.memory_space<vmem_shared>>) target_semaphore(%run_scoped3A : memref<!tpu.dma_semaphore, #tpu.memory_space<semaphore_mem>>)
      %dma_wait3A = arith.constant 0 : i32
      %dma_wait3A_12 = tpu.memref_slice %arg12[%mul3A_0, %dma_wait3A] : memref<10112x128xf32, #tpu.memory_space<vmem_shared>> -> memref<632x128xf32, #tpu.memory_space<vmem_shared>>
      tpu.wait_dma2 semaphore(%run_scoped3A : memref<!tpu.dma_semaphore, #tpu.memory_space<semaphore_mem>>) src(%arg5 : memref<632x128xf32, #tpu.memory_space<hbm>>) dst(%dma_wait3A_12 : memref<632x128xf32, #tpu.memory_space<vmem_shared>>)
      tpu.yield
    }) : () -> ()
    %barrier3A = arith.constant 0 : index
    tpu.barrier barrier_id(%barrier3A)
    %scan3A = arith.constant 0 : i32
    %scan3A_1 = arith.constant 0 : i32
    %scan3A_2 = arith.constant 5 : i32
    %scan3A_3 = arith.addi %scan3A_1, %scan3A_2 : i32
    %scan3A_4 = arith.constant 1 : i32
    scf.for %scan3A_11 = %scan3A_1 to %scan3A_3 step %scan3A_4  : i32 {
      %mul3A_12 = arith.constant 200 : i32
      %mul3A_13 = arith.muli %arg1, %mul3A_12 : i32
      %mul3A_14 = arith.constant 40 : i32
      %mul3A_15 = arith.muli %scan3A_11, %mul3A_14 : i32
      %add3A = arith.addi %mul3A_13, %mul3A_15 : i32
      "tpu.region"() ({
        %run_scoped3A_53 = tpu.sem_alloc : memref<!tpu.dma_semaphore, #tpu.memory_space<semaphore_mem>>
        %dma_start3A_54 = arith.constant 0 : i32
        %dma_start3A_55 = tpu.memref_slice %arg3[%arg0, %add3A, %dma_start3A_54] : memref<2x3200x100xi32, #tpu.memory_space<hbm>> -> memref<1x40x100xi32, #tpu.memory_space<hbm>>
        %dma_start3A_56 = tpu.memref_squeeze %dma_start3A_55 : memref<1x40x100xi32, #tpu.memory_space<hbm>> -> memref<40x100xi32, #tpu.memory_space<hbm>>
        %dma_start3A_57 = arith.constant 0 : i32
        %dma_start3A_58 = tpu.memref_slice %arg3[%arg0, %add3A, %dma_start3A_57] : memref<2x3200x100xi32, #tpu.memory_space<hbm>> -> memref<1x40x100xi32, #tpu.memory_space<hbm>>
        %dma_start3A_59 = tpu.memref_squeeze %dma_start3A_58 : memref<1x40x100xi32, #tpu.memory_space<hbm>> -> memref<40x100xi32, #tpu.memory_space<hbm>>
        tpu.enqueue_dma source(%dma_start3A_59 : memref<40x100xi32, #tpu.memory_space<hbm>>) target(%arg7 : memref<40x100xi32, #tpu.memory_space<vmem>>) target_semaphore(%run_scoped3A_53 : memref<!tpu.dma_semaphore, #tpu.memory_space<semaphore_mem>>)
        %dma_wait3A_60 = arith.constant 0 : i32
        %dma_wait3A_61 = tpu.memref_slice %arg3[%arg0, %add3A, %dma_wait3A_60] : memref<2x3200x100xi32, #tpu.memory_space<hbm>> -> memref<1x40x100xi32, #tpu.memory_space<hbm>>
        %dma_wait3A_62 = tpu.memref_squeeze %dma_wait3A_61 : memref<1x40x100xi32, #tpu.memory_space<hbm>> -> memref<40x100xi32, #tpu.memory_space<hbm>>
        %dma_wait3A_63 = arith.constant 0 : i32
        %dma_wait3A_64 = tpu.memref_slice %arg3[%arg0, %add3A, %dma_wait3A_63] : memref<2x3200x100xi32, #tpu.memory_space<hbm>> -> memref<1x40x100xi32, #tpu.memory_space<hbm>>
        %dma_wait3A_65 = tpu.memref_squeeze %dma_wait3A_64 : memref<1x40x100xi32, #tpu.memory_space<hbm>> -> memref<40x100xi32, #tpu.memory_space<hbm>>
        tpu.wait_dma2 semaphore(%run_scoped3A_53 : memref<!tpu.dma_semaphore, #tpu.memory_space<semaphore_mem>>) src(%dma_wait3A_65 : memref<40x100xi32, #tpu.memory_space<hbm>>) dst(%arg7 : memref<40x100xi32, #tpu.memory_space<vmem>>)
        tpu.yield
      }) : () -> ()
      %mul3A_16 = arith.constant 200 : i32
      %mul3A_17 = arith.muli %arg1, %mul3A_16 : i32
      %mul3A_18 = arith.constant 40 : i32
      %mul3A_19 = arith.muli %scan3A_11, %mul3A_18 : i32
      %add3A_20 = arith.addi %mul3A_17, %mul3A_19 : i32
      "tpu.region"() ({
        %run_scoped3A_53 = tpu.sem_alloc : memref<!tpu.dma_semaphore, #tpu.memory_space<semaphore_mem>>
        %dma_start3A_54 = arith.constant 0 : i32
        %dma_start3A_55 = tpu.memref_slice %arg4[%add3A_20, %dma_start3A_54] : memref<3200x100xi32, #tpu.memory_space<hbm>> -> memref<40x100xi32, #tpu.memory_space<hbm>>
        %dma_start3A_56 = arith.constant 0 : i32
        %dma_start3A_57 = tpu.memref_slice %arg4[%add3A_20, %dma_start3A_56] : memref<3200x100xi32, #tpu.memory_space<hbm>> -> memref<40x100xi32, #tpu.memory_space<hbm>>
        tpu.enqueue_dma source(%dma_start3A_57 : memref<40x100xi32, #tpu.memory_space<hbm>>) target(%arg8 : memref<40x100xi32, #tpu.memory_space<vmem>>) target_semaphore(%run_scoped3A_53 : memref<!tpu.dma_semaphore, #tpu.memory_space<semaphore_mem>>)
        %dma_wait3A_58 = arith.constant 0 : i32
        %dma_wait3A_59 = tpu.memref_slice %arg4[%add3A_20, %dma_wait3A_58] : memref<3200x100xi32, #tpu.memory_space<hbm>> -> memref<40x100xi32, #tpu.memory_space<hbm>>
        %dma_wait3A_60 = arith.constant 0 : i32
        %dma_wait3A_61 = tpu.memref_slice %arg4[%add3A_20, %dma_wait3A_60] : memref<3200x100xi32, #tpu.memory_space<hbm>> -> memref<40x100xi32, #tpu.memory_space<hbm>>
        tpu.wait_dma2 semaphore(%run_scoped3A_53 : memref<!tpu.dma_semaphore, #tpu.memory_space<semaphore_mem>>) src(%dma_wait3A_61 : memref<40x100xi32, #tpu.memory_space<hbm>>) dst(%arg8 : memref<40x100xi32, #tpu.memory_space<vmem>>)
        tpu.yield
      }) : () -> ()
      %dma_start3A = arith.constant 0 : i32
      %dma_start3A_21 = arith.constant 0 : i32
      %dma_start3A_22 = tpu.memref_slice %arg7[%dma_start3A, %dma_start3A_21] : memref<40x100xi32, #tpu.memory_space<vmem>> -> memref<1x100xi32, #tpu.memory_space<vmem>>
      %dma_start3A_23 = tpu.memref_squeeze %dma_start3A_22 : memref<1x100xi32, #tpu.memory_space<vmem>> -> memref<100xi32, #tpu.memory_space<vmem>>
      %dma_start3A_24 = arith.constant 0 : i32
      %dma_start3A_25 = arith.constant 0 : i32
      %dma_start3A_26 = tpu.memref_slice %arg2[%dma_start3A_24, %dma_start3A_25] : memref<20000x128xf32, #tpu.memory_space<hbm>> -> memref<20000x128xf32, #tpu.memory_space<hbm>>
      tpu.enqueue_indirect_dma source(%dma_start3A_26 : memref<20000x128xf32, #tpu.memory_space<hbm>>) target(%arg9 : memref<100x128xf32, #tpu.memory_space<vmem>>) offsets(%dma_start3A_23 : memref<100xi32, #tpu.memory_space<vmem>>) semaphore(%arg13 : memref<!tpu.dma_semaphore, #tpu.memory_space<semaphore_mem>>)
      %dma_start3A_27 = arith.constant 1 : i32
      %dma_start3A_28 = arith.constant 0 : i32
      %dma_start3A_29 = tpu.memref_slice %arg7[%dma_start3A_27, %dma_start3A_28] : memref<40x100xi32, #tpu.memory_space<vmem>> -> memref<1x100xi32, #tpu.memory_space<vmem>>
      %dma_start3A_30 = tpu.memref_squeeze %dma_start3A_29 : memref<1x100xi32, #tpu.memory_space<vmem>> -> memref<100xi32, #tpu.memory_space<vmem>>
      %dma_start3A_31 = arith.constant 0 : i32
      %dma_start3A_32 = arith.constant 0 : i32
      %dma_start3A_33 = tpu.memref_slice %arg2[%dma_start3A_31, %dma_start3A_32] : memref<20000x128xf32, #tpu.memory_space<hbm>> -> memref<20000x128xf32, #tpu.memory_space<hbm>>
      tpu.enqueue_indirect_dma source(%dma_start3A_33 : memref<20000x128xf32, #tpu.memory_space<hbm>>) target(%arg10 : memref<100x128xf32, #tpu.memory_space<vmem>>) offsets(%dma_start3A_30 : memref<100xi32, #tpu.memory_space<vmem>>) semaphore(%arg14 : memref<!tpu.dma_semaphore, #tpu.memory_space<semaphore_mem>>)
      %scan3A_34 = arith.constant 0 : i32
      %scan3A_35 = arith.constant 38 : i32
      %scan3A_36 = arith.addi %scan3A_34, %scan3A_35 : i32
      %scan3A_37 = arith.constant 1 : i32
      scf.for %scan3A_53 = %scan3A_34 to %scan3A_36 step %scan3A_37  : i32 {
        %rem3A = arith.constant 3 : i32
        %rem3A_54 = arith.remsi %scan3A_53, %rem3A : i32
        %eq3A = arith.constant 0 : i32
        %eq3A_55 = arith.cmpi eq, %rem3A_54, %eq3A : i32
        %convert_element_type3A = arith.extui %eq3A_55 : i1 to i32
        %cond3A = arith.constant 0 : i32
        %cond3A_56 = arith.cmpi ne, %convert_element_type3A, %cond3A : i32
        scf.if %cond3A_56 {
          %dma_wait3A_67 = arith.constant 0 : i32
          %dma_wait3A_68 = tpu.memref_slice %arg7[%scan3A_53, %dma_wait3A_67] : memref<40x100xi32, #tpu.memory_space<vmem>> -> memref<1x100xi32, #tpu.memory_space<vmem>>
          %dma_wait3A_69 = tpu.memref_squeeze %dma_wait3A_68 : memref<1x100xi32, #tpu.memory_space<vmem>> -> memref<100xi32, #tpu.memory_space<vmem>>
          %dma_wait3A_70 = arith.constant 0 : i32
          %dma_wait3A_71 = arith.constant 0 : i32
          %dma_wait3A_72 = tpu.memref_slice %arg2[%dma_wait3A_70, %dma_wait3A_71] : memref<20000x128xf32, #tpu.memory_space<hbm>> -> memref<20000x128xf32, #tpu.memory_space<hbm>>
          tpu.wait_indirect_dma semaphore(%arg13 : memref<!tpu.dma_semaphore, #tpu.memory_space<semaphore_mem>>) src(%dma_wait3A_72 : memref<20000x128xf32, #tpu.memory_space<hbm>>) dst(%arg9 : memref<100x128xf32, #tpu.memory_space<vmem>>)
          "tpu.region"() ({
            %run_scoped3A_81 = tpu.sem_alloc : memref<!tpu.dma_semaphore, #tpu.memory_space<semaphore_mem>>
            %dma_start3A_82 = arith.constant 0 : i32
            %dma_start3A_83 = tpu.memref_slice %arg8[%scan3A_53, %dma_start3A_82] : memref<40x100xi32, #tpu.memory_space<vmem>> -> memref<1x100xi32, #tpu.memory_space<vmem>>
            %dma_start3A_84 = tpu.memref_squeeze %dma_start3A_83 : memref<1x100xi32, #tpu.memory_space<vmem>> -> memref<100xi32, #tpu.memory_space<vmem>>
            %dma_start3A_85 = arith.constant 0 : i32
            %dma_start3A_86 = arith.constant 0 : i32
            %dma_start3A_87 = tpu.memref_slice %arg12[%dma_start3A_85, %dma_start3A_86] : memref<10112x128xf32, #tpu.memory_space<vmem_shared>> -> memref<10112x128xf32, #tpu.memory_space<vmem_shared>>
            tpu.enqueue_indirect_dma source(%arg9 : memref<100x128xf32, #tpu.memory_space<vmem>>) target(%dma_start3A_87 : memref<10112x128xf32, #tpu.memory_space<vmem_shared>>) offsets(%dma_start3A_84 : memref<100xi32, #tpu.memory_space<vmem>>) semaphore(%run_scoped3A_81 : memref<!tpu.dma_semaphore, #tpu.memory_space<semaphore_mem>>) {add = true}
            %dma_wait3A_88 = arith.constant 0 : i32
            %dma_wait3A_89 = tpu.memref_slice %arg8[%scan3A_53, %dma_wait3A_88] : memref<40x100xi32, #tpu.memory_space<vmem>> -> memref<1x100xi32, #tpu.memory_space<vmem>>
            %dma_wait3A_90 = tpu.memref_squeeze %dma_wait3A_89 : memref<1x100xi32, #tpu.memory_space<vmem>> -> memref<100xi32, #tpu.memory_space<vmem>>
            %dma_wait3A_91 = arith.constant 0 : i32
            %dma_wait3A_92 = arith.constant 0 : i32
            %dma_wait3A_93 = tpu.memref_slice %arg12[%dma_wait3A_91, %dma_wait3A_92] : memref<10112x128xf32, #tpu.memory_space<vmem_shared>> -> memref<10112x128xf32, #tpu.memory_space<vmem_shared>>
            tpu.wait_indirect_dma semaphore(%run_scoped3A_81 : memref<!tpu.dma_semaphore, #tpu.memory_space<semaphore_mem>>) src(%arg9 : memref<100x128xf32, #tpu.memory_space<vmem>>) dst(%dma_wait3A_93 : memref<10112x128xf32, #tpu.memory_space<vmem_shared>>)
            tpu.yield
          }) : () -> ()
          %add3A_73 = arith.constant 2 : i32
          %add3A_74 = arith.addi %scan3A_53, %add3A_73 : i32
          %dma_start3A_75 = arith.constant 0 : i32
          %dma_start3A_76 = tpu.memref_slice %arg7[%add3A_74, %dma_start3A_75] : memref<40x100xi32, #tpu.memory_space<vmem>> -> memref<1x100xi32, #tpu.memory_space<vmem>>
          %dma_start3A_77 = tpu.memref_squeeze %dma_start3A_76 : memref<1x100xi32, #tpu.memory_space<vmem>> -> memref<100xi32, #tpu.memory_space<vmem>>
          %dma_start3A_78 = arith.constant 0 : i32
          %dma_start3A_79 = arith.constant 0 : i32
          %dma_start3A_80 = tpu.memref_slice %arg2[%dma_start3A_78, %dma_start3A_79] : memref<20000x128xf32, #tpu.memory_space<hbm>> -> memref<20000x128xf32, #tpu.memory_space<hbm>>
          tpu.enqueue_indirect_dma source(%dma_start3A_80 : memref<20000x128xf32, #tpu.memory_space<hbm>>) target(%arg11 : memref<100x128xf32, #tpu.memory_space<vmem>>) offsets(%dma_start3A_77 : memref<100xi32, #tpu.memory_space<vmem>>) semaphore(%arg15 : memref<!tpu.dma_semaphore, #tpu.memory_space<semaphore_mem>>)
        } else {
        }
        %eq3A_57 = arith.constant 1 : i32
        %eq3A_58 = arith.cmpi eq, %rem3A_54, %eq3A_57 : i32
        %convert_element_type3A_59 = arith.extui %eq3A_58 : i1 to i32
        %cond3A_60 = arith.constant 0 : i32
        %cond3A_61 = arith.cmpi ne, %convert_element_type3A_59, %cond3A_60 : i32
        scf.if %cond3A_61 {
          %dma_wait3A_67 = arith.constant 0 : i32
          %dma_wait3A_68 = tpu.memref_slice %arg7[%scan3A_53, %dma_wait3A_67] : memref<40x100xi32, #tpu.memory_space<vmem>> -> memref<1x100xi32, #tpu.memory_space<vmem>>
          %dma_wait3A_69 = tpu.memref_squeeze %dma_wait3A_68 : memref<1x100xi32, #tpu.memory_space<vmem>> -> memref<100xi32, #tpu.memory_space<vmem>>
          %dma_wait3A_70 = arith.constant 0 : i32
          %dma_wait3A_71 = arith.constant 0 : i32
          %dma_wait3A_72 = tpu.memref_slice %arg2[%dma_wait3A_70, %dma_wait3A_71] : memref<20000x128xf32, #tpu.memory_space<hbm>> -> memref<20000x128xf32, #tpu.memory_space<hbm>>
          tpu.wait_indirect_dma semaphore(%arg14 : memref<!tpu.dma_semaphore, #tpu.memory_space<semaphore_mem>>) src(%dma_wait3A_72 : memref<20000x128xf32, #tpu.memory_space<hbm>>) dst(%arg10 : memref<100x128xf32, #tpu.memory_space<vmem>>)
          "tpu.region"() ({
            %run_scoped3A_81 = tpu.sem_alloc : memref<!tpu.dma_semaphore, #tpu.memory_space<semaphore_mem>>
            %dma_start3A_82 = arith.constant 0 : i32
            %dma_start3A_83 = tpu.memref_slice %arg8[%scan3A_53, %dma_start3A_82] : memref<40x100xi32, #tpu.memory_space<vmem>> -> memref<1x100xi32, #tpu.memory_space<vmem>>
            %dma_start3A_84 = tpu.memref_squeeze %dma_start3A_83 : memref<1x100xi32, #tpu.memory_space<vmem>> -> memref<100xi32, #tpu.memory_space<vmem>>
            %dma_start3A_85 = arith.constant 0 : i32
            %dma_start3A_86 = arith.constant 0 : i32
            %dma_start3A_87 = tpu.memref_slice %arg12[%dma_start3A_85, %dma_start3A_86] : memref<10112x128xf32, #tpu.memory_space<vmem_shared>> -> memref<10112x128xf32, #tpu.memory_space<vmem_shared>>
            tpu.enqueue_indirect_dma source(%arg10 : memref<100x128xf32, #tpu.memory_space<vmem>>) target(%dma_start3A_87 : memref<10112x128xf32, #tpu.memory_space<vmem_shared>>) offsets(%dma_start3A_84 : memref<100xi32, #tpu.memory_space<vmem>>) semaphore(%run_scoped3A_81 : memref<!tpu.dma_semaphore, #tpu.memory_space<semaphore_mem>>) {add = true}
            %dma_wait3A_88 = arith.constant 0 : i32
            %dma_wait3A_89 = tpu.memref_slice %arg8[%scan3A_53, %dma_wait3A_88] : memref<40x100xi32, #tpu.memory_space<vmem>> -> memref<1x100xi32, #tpu.memory_space<vmem>>
            %dma_wait3A_90 = tpu.memref_squeeze %dma_wait3A_89 : memref<1x100xi32, #tpu.memory_space<vmem>> -> memref<100xi32, #tpu.memory_space<vmem>>
            %dma_wait3A_91 = arith.constant 0 : i32
            %dma_wait3A_92 = arith.constant 0 : i32
            %dma_wait3A_93 = tpu.memref_slice %arg12[%dma_wait3A_91, %dma_wait3A_92] : memref<10112x128xf32, #tpu.memory_space<vmem_shared>> -> memref<10112x128xf32, #tpu.memory_space<vmem_shared>>
            tpu.wait_indirect_dma semaphore(%run_scoped3A_81 : memref<!tpu.dma_semaphore, #tpu.memory_space<semaphore_mem>>) src(%arg10 : memref<100x128xf32, #tpu.memory_space<vmem>>) dst(%dma_wait3A_93 : memref<10112x128xf32, #tpu.memory_space<vmem_shared>>)
            tpu.yield
          }) : () -> ()
          %add3A_73 = arith.constant 2 : i32
          %add3A_74 = arith.addi %scan3A_53, %add3A_73 : i32
          %dma_start3A_75 = arith.constant 0 : i32
          %dma_start3A_76 = tpu.memref_slice %arg7[%add3A_74, %dma_start3A_75] : memref<40x100xi32, #tpu.memory_space<vmem>> -> memref<1x100xi32, #tpu.memory_space<vmem>>
          %dma_start3A_77 = tpu.memref_squeeze %dma_start3A_76 : memref<1x100xi32, #tpu.memory_space<vmem>> -> memref<100xi32, #tpu.memory_space<vmem>>
          %dma_start3A_78 = arith.constant 0 : i32
          %dma_start3A_79 = arith.constant 0 : i32
          %dma_start3A_80 = tpu.memref_slice %arg2[%dma_start3A_78, %dma_start3A_79] : memref<20000x128xf32, #tpu.memory_space<hbm>> -> memref<20000x128xf32, #tpu.memory_space<hbm>>
          tpu.enqueue_indirect_dma source(%dma_start3A_80 : memref<20000x128xf32, #tpu.memory_space<hbm>>) target(%arg9 : memref<100x128xf32, #tpu.memory_space<vmem>>) offsets(%dma_start3A_77 : memref<100xi32, #tpu.memory_space<vmem>>) semaphore(%arg13 : memref<!tpu.dma_semaphore, #tpu.memory_space<semaphore_mem>>)
        } else {
        }
        %eq3A_62 = arith.constant 2 : i32
        %eq3A_63 = arith.cmpi eq, %rem3A_54, %eq3A_62 : i32
        %convert_element_type3A_64 = arith.extui %eq3A_63 : i1 to i32
        %cond3A_65 = arith.constant 0 : i32
        %cond3A_66 = arith.cmpi ne, %convert_element_type3A_64, %cond3A_65 : i32
        scf.if %cond3A_66 {
          %dma_wait3A_67 = arith.constant 0 : i32
          %dma_wait3A_68 = tpu.memref_slice %arg7[%scan3A_53, %dma_wait3A_67] : memref<40x100xi32, #tpu.memory_space<vmem>> -> memref<1x100xi32, #tpu.memory_space<vmem>>
          %dma_wait3A_69 = tpu.memref_squeeze %dma_wait3A_68 : memref<1x100xi32, #tpu.memory_space<vmem>> -> memref<100xi32, #tpu.memory_space<vmem>>
          %dma_wait3A_70 = arith.constant 0 : i32
          %dma_wait3A_71 = arith.constant 0 : i32
          %dma_wait3A_72 = tpu.memref_slice %arg2[%dma_wait3A_70, %dma_wait3A_71] : memref<20000x128xf32, #tpu.memory_space<hbm>> -> memref<20000x128xf32, #tpu.memory_space<hbm>>
          tpu.wait_indirect_dma semaphore(%arg15 : memref<!tpu.dma_semaphore, #tpu.memory_space<semaphore_mem>>) src(%dma_wait3A_72 : memref<20000x128xf32, #tpu.memory_space<hbm>>) dst(%arg11 : memref<100x128xf32, #tpu.memory_space<vmem>>)
          "tpu.region"() ({
            %run_scoped3A_81 = tpu.sem_alloc : memref<!tpu.dma_semaphore, #tpu.memory_space<semaphore_mem>>
            %dma_start3A_82 = arith.constant 0 : i32
            %dma_start3A_83 = tpu.memref_slice %arg8[%scan3A_53, %dma_start3A_82] : memref<40x100xi32, #tpu.memory_space<vmem>> -> memref<1x100xi32, #tpu.memory_space<vmem>>
            %dma_start3A_84 = tpu.memref_squeeze %dma_start3A_83 : memref<1x100xi32, #tpu.memory_space<vmem>> -> memref<100xi32, #tpu.memory_space<vmem>>
            %dma_start3A_85 = arith.constant 0 : i32
            %dma_start3A_86 = arith.constant 0 : i32
            %dma_start3A_87 = tpu.memref_slice %arg12[%dma_start3A_85, %dma_start3A_86] : memref<10112x128xf32, #tpu.memory_space<vmem_shared>> -> memref<10112x128xf32, #tpu.memory_space<vmem_shared>>
            tpu.enqueue_indirect_dma source(%arg11 : memref<100x128xf32, #tpu.memory_space<vmem>>) target(%dma_start3A_87 : memref<10112x128xf32, #tpu.memory_space<vmem_shared>>) offsets(%dma_start3A_84 : memref<100xi32, #tpu.memory_space<vmem>>) semaphore(%run_scoped3A_81 : memref<!tpu.dma_semaphore, #tpu.memory_space<semaphore_mem>>) {add = true}
            %dma_wait3A_88 = arith.constant 0 : i32
            %dma_wait3A_89 = tpu.memref_slice %arg8[%scan3A_53, %dma_wait3A_88] : memref<40x100xi32, #tpu.memory_space<vmem>> -> memref<1x100xi32, #tpu.memory_space<vmem>>
            %dma_wait3A_90 = tpu.memref_squeeze %dma_wait3A_89 : memref<1x100xi32, #tpu.memory_space<vmem>> -> memref<100xi32, #tpu.memory_space<vmem>>
            %dma_wait3A_91 = arith.constant 0 : i32
            %dma_wait3A_92 = arith.constant 0 : i32
            %dma_wait3A_93 = tpu.memref_slice %arg12[%dma_wait3A_91, %dma_wait3A_92] : memref<10112x128xf32, #tpu.memory_space<vmem_shared>> -> memref<10112x128xf32, #tpu.memory_space<vmem_shared>>
            tpu.wait_indirect_dma semaphore(%run_scoped3A_81 : memref<!tpu.dma_semaphore, #tpu.memory_space<semaphore_mem>>) src(%arg11 : memref<100x128xf32, #tpu.memory_space<vmem>>) dst(%dma_wait3A_93 : memref<10112x128xf32, #tpu.memory_space<vmem_shared>>)
            tpu.yield
          }) : () -> ()
          %add3A_73 = arith.constant 2 : i32
          %add3A_74 = arith.addi %scan3A_53, %add3A_73 : i32
          %dma_start3A_75 = arith.constant 0 : i32
          %dma_start3A_76 = tpu.memref_slice %arg7[%add3A_74, %dma_start3A_75] : memref<40x100xi32, #tpu.memory_space<vmem>> -> memref<1x100xi32, #tpu.memory_space<vmem>>
          %dma_start3A_77 = tpu.memref_squeeze %dma_start3A_76 : memref<1x100xi32, #tpu.memory_space<vmem>> -> memref<100xi32, #tpu.memory_space<vmem>>
          %dma_start3A_78 = arith.constant 0 : i32
          %dma_start3A_79 = arith.constant 0 : i32
          %dma_start3A_80 = tpu.memref_slice %arg2[%dma_start3A_78, %dma_start3A_79] : memref<20000x128xf32, #tpu.memory_space<hbm>> -> memref<20000x128xf32, #tpu.memory_space<hbm>>
          tpu.enqueue_indirect_dma source(%dma_start3A_80 : memref<20000x128xf32, #tpu.memory_space<hbm>>) target(%arg10 : memref<100x128xf32, #tpu.memory_space<vmem>>) offsets(%dma_start3A_77 : memref<100xi32, #tpu.memory_space<vmem>>) semaphore(%arg14 : memref<!tpu.dma_semaphore, #tpu.memory_space<semaphore_mem>>)
        } else {
        }
      }
      %scan3A_38 = arith.constant 38 : i32
      %dma_wait3A = arith.constant 38 : i32
      %dma_wait3A_39 = arith.constant 0 : i32
      %dma_wait3A_40 = tpu.memref_slice %arg7[%dma_wait3A, %dma_wait3A_39] : memref<40x100xi32, #tpu.memory_space<vmem>> -> memref<1x100xi32, #tpu.memory_space<vmem>>
      %dma_wait3A_41 = tpu.memref_squeeze %dma_wait3A_40 : memref<1x100xi32, #tpu.memory_space<vmem>> -> memref<100xi32, #tpu.memory_space<vmem>>
      %dma_wait3A_42 = arith.constant 0 : i32
      %dma_wait3A_43 = arith.constant 0 : i32
      %dma_wait3A_44 = tpu.memref_slice %arg2[%dma_wait3A_42, %dma_wait3A_43] : memref<20000x128xf32, #tpu.memory_space<hbm>> -> memref<20000x128xf32, #tpu.memory_space<hbm>>
      tpu.wait_indirect_dma semaphore(%arg15 : memref<!tpu.dma_semaphore, #tpu.memory_space<semaphore_mem>>) src(%dma_wait3A_44 : memref<20000x128xf32, #tpu.memory_space<hbm>>) dst(%arg11 : memref<100x128xf32, #tpu.memory_space<vmem>>)
      %run_scoped3A = arith.constant 38 : i32
      "tpu.region"() ({
        %run_scoped3A_53 = tpu.sem_alloc : memref<!tpu.dma_semaphore, #tpu.memory_space<semaphore_mem>>
        %dma_start3A_54 = arith.constant 0 : i32
        %dma_start3A_55 = tpu.memref_slice %arg8[%run_scoped3A, %dma_start3A_54] : memref<40x100xi32, #tpu.memory_space<vmem>> -> memref<1x100xi32, #tpu.memory_space<vmem>>
        %dma_start3A_56 = tpu.memref_squeeze %dma_start3A_55 : memref<1x100xi32, #tpu.memory_space<vmem>> -> memref<100xi32, #tpu.memory_space<vmem>>
        %dma_start3A_57 = arith.constant 0 : i32
        %dma_start3A_58 = arith.constant 0 : i32
        %dma_start3A_59 = tpu.memref_slice %arg12[%dma_start3A_57, %dma_start3A_58] : memref<10112x128xf32, #tpu.memory_space<vmem_shared>> -> memref<10112x128xf32, #tpu.memory_space<vmem_shared>>
        tpu.enqueue_indirect_dma source(%arg11 : memref<100x128xf32, #tpu.memory_space<vmem>>) target(%dma_start3A_59 : memref<10112x128xf32, #tpu.memory_space<vmem_shared>>) offsets(%dma_start3A_56 : memref<100xi32, #tpu.memory_space<vmem>>) semaphore(%run_scoped3A_53 : memref<!tpu.dma_semaphore, #tpu.memory_space<semaphore_mem>>) {add = true}
        %dma_wait3A_60 = arith.constant 0 : i32
        %dma_wait3A_61 = tpu.memref_slice %arg8[%run_scoped3A, %dma_wait3A_60] : memref<40x100xi32, #tpu.memory_space<vmem>> -> memref<1x100xi32, #tpu.memory_space<vmem>>
        %dma_wait3A_62 = tpu.memref_squeeze %dma_wait3A_61 : memref<1x100xi32, #tpu.memory_space<vmem>> -> memref<100xi32, #tpu.memory_space<vmem>>
        %dma_wait3A_63 = arith.constant 0 : i32
        %dma_wait3A_64 = arith.constant 0 : i32
        %dma_wait3A_65 = tpu.memref_slice %arg12[%dma_wait3A_63, %dma_wait3A_64] : memref<10112x128xf32, #tpu.memory_space<vmem_shared>> -> memref<10112x128xf32, #tpu.memory_space<vmem_shared>>
        tpu.wait_indirect_dma semaphore(%run_scoped3A_53 : memref<!tpu.dma_semaphore, #tpu.memory_space<semaphore_mem>>) src(%arg11 : memref<100x128xf32, #tpu.memory_space<vmem>>) dst(%dma_wait3A_65 : memref<10112x128xf32, #tpu.memory_space<vmem_shared>>)
        tpu.yield
      }) : () -> ()
      %dma_wait3A_45 = arith.constant 39 : i32
      %dma_wait3A_46 = arith.constant 0 : i32
      %dma_wait3A_47 = tpu.memref_slice %arg7[%dma_wait3A_45, %dma_wait3A_46] : memref<40x100xi32, #tpu.memory_space<vmem>> -> memref<1x100xi32, #tpu.memory_space<vmem>>
      %dma_wait3A_48 = tpu.memref_squeeze %dma_wait3A_47 : memref<1x100xi32, #tpu.memory_space<vmem>> -> memref<100xi32, #tpu.memory_space<vmem>>
      %dma_wait3A_49 = arith.constant 0 : i32
      %dma_wait3A_50 = arith.constant 0 : i32
      %dma_wait3A_51 = tpu.memref_slice %arg2[%dma_wait3A_49, %dma_wait3A_50] : memref<20000x128xf32, #tpu.memory_space<hbm>> -> memref<20000x128xf32, #tpu.memory_space<hbm>>
      tpu.wait_indirect_dma semaphore(%arg13 : memref<!tpu.dma_semaphore, #tpu.memory_space<semaphore_mem>>) src(%dma_wait3A_51 : memref<20000x128xf32, #tpu.memory_space<hbm>>) dst(%arg9 : memref<100x128xf32, #tpu.memory_space<vmem>>)
      %run_scoped3A_52 = arith.constant 39 : i32
      "tpu.region"() ({
        %run_scoped3A_53 = tpu.sem_alloc : memref<!tpu.dma_semaphore, #tpu.memory_space<semaphore_mem>>
        %dma_start3A_54 = arith.constant 0 : i32
        %dma_start3A_55 = tpu.memref_slice %arg8[%run_scoped3A_52, %dma_start3A_54] : memref<40x100xi32, #tpu.memory_space<vmem>> -> memref<1x100xi32, #tpu.memory_space<vmem>>
        %dma_start3A_56 = tpu.memref_squeeze %dma_start3A_55 : memref<1x100xi32, #tpu.memory_space<vmem>> -> memref<100xi32, #tpu.memory_space<vmem>>
        %dma_start3A_57 = arith.constant 0 : i32
        %dma_start3A_58 = arith.constant 0 : i32
        %dma_start3A_59 = tpu.memref_slice %arg12[%dma_start3A_57, %dma_start3A_58] : memref<10112x128xf32, #tpu.memory_space<vmem_shared>> -> memref<10112x128xf32, #tpu.memory_space<vmem_shared>>
        tpu.enqueue_indirect_dma source(%arg9 : memref<100x128xf32, #tpu.memory_space<vmem>>) target(%dma_start3A_59 : memref<10112x128xf32, #tpu.memory_space<vmem_shared>>) offsets(%dma_start3A_56 : memref<100xi32, #tpu.memory_space<vmem>>) semaphore(%run_scoped3A_53 : memref<!tpu.dma_semaphore, #tpu.memory_space<semaphore_mem>>) {add = true}
        %dma_wait3A_60 = arith.constant 0 : i32
        %dma_wait3A_61 = tpu.memref_slice %arg8[%run_scoped3A_52, %dma_wait3A_60] : memref<40x100xi32, #tpu.memory_space<vmem>> -> memref<1x100xi32, #tpu.memory_space<vmem>>
        %dma_wait3A_62 = tpu.memref_squeeze %dma_wait3A_61 : memref<1x100xi32, #tpu.memory_space<vmem>> -> memref<100xi32, #tpu.memory_space<vmem>>
        %dma_wait3A_63 = arith.constant 0 : i32
        %dma_wait3A_64 = arith.constant 0 : i32
        %dma_wait3A_65 = tpu.memref_slice %arg12[%dma_wait3A_63, %dma_wait3A_64] : memref<10112x128xf32, #tpu.memory_space<vmem_shared>> -> memref<10112x128xf32, #tpu.memory_space<vmem_shared>>
        tpu.wait_indirect_dma semaphore(%run_scoped3A_53 : memref<!tpu.dma_semaphore, #tpu.memory_space<semaphore_mem>>) src(%arg9 : memref<100x128xf32, #tpu.memory_space<vmem>>) dst(%dma_wait3A_65 : memref<10112x128xf32, #tpu.memory_space<vmem_shared>>)
        tpu.yield
      }) : () -> ()
    }
    %scan3A_5 = arith.constant 5 : i32
    %barrier3A_6 = arith.constant 0 : index
    tpu.barrier barrier_id(%barrier3A_6)
    %mul3A_7 = arith.constant 632 : i32
    %mul3A_8 = arith.muli %arg1, %mul3A_7 : i32
    %mul3A_9 = arith.constant 632 : i32
    %mul3A_10 = arith.muli %arg1, %mul3A_9 : i32
    "tpu.region"() ({
      %run_scoped3A = tpu.sem_alloc : memref<!tpu.dma_semaphore, #tpu.memory_space<semaphore_mem>>
      %dma_start3A = arith.constant 0 : i32
      %dma_start3A_11 = tpu.memref_slice %arg6[%arg0, %mul3A_10, %dma_start3A] : memref<2x10112x128xf32, #tpu.memory_space<hbm>> -> memref<1x632x128xf32, #tpu.memory_space<hbm>>
      %dma_start3A_12 = tpu.memref_squeeze %dma_start3A_11 : memref<1x632x128xf32, #tpu.memory_space<hbm>> -> memref<632x128xf32, #tpu.memory_space<hbm>>
      %dma_start3A_13 = arith.constant 0 : i32
      %dma_start3A_14 = tpu.memref_slice %arg12[%mul3A_8, %dma_start3A_13] : memref<10112x128xf32, #tpu.memory_space<vmem_shared>> -> memref<632x128xf32, #tpu.memory_space<vmem_shared>>
      tpu.enqueue_dma source(%dma_start3A_14 : memref<632x128xf32, #tpu.memory_space<vmem_shared>>) target(%dma_start3A_12 : memref<632x128xf32, #tpu.memory_space<hbm>>) target_semaphore(%run_scoped3A : memref<!tpu.dma_semaphore, #tpu.memory_space<semaphore_mem>>)
      %dma_wait3A = arith.constant 0 : i32
      %dma_wait3A_15 = tpu.memref_slice %arg6[%arg0, %mul3A_10, %dma_wait3A] : memref<2x10112x128xf32, #tpu.memory_space<hbm>> -> memref<1x632x128xf32, #tpu.memory_space<hbm>>
      %dma_wait3A_16 = tpu.memref_squeeze %dma_wait3A_15 : memref<1x632x128xf32, #tpu.memory_space<hbm>> -> memref<632x128xf32, #tpu.memory_space<hbm>>
      %dma_wait3A_17 = arith.constant 0 : i32
      %dma_wait3A_18 = tpu.memref_slice %arg12[%mul3A_8, %dma_wait3A_17] : memref<10112x128xf32, #tpu.memory_space<vmem_shared>> -> memref<632x128xf32, #tpu.memory_space<vmem_shared>>
      tpu.wait_dma2 semaphore(%run_scoped3A : memref<!tpu.dma_semaphore, #tpu.memory_space<semaphore_mem>>) src(%dma_wait3A_18 : memref<632x128xf32, #tpu.memory_space<vmem_shared>>) dst(%dma_wait3A_16 : memref<632x128xf32, #tpu.memory_space<hbm>>)
      tpu.yield
    }) : () -> ()
    return
  }
}

#map = affine_map<(d0, d1) -> (0, 0)>
#map1 = affine_map<(d0, d1) -> (0, 0, 0)>
module attributes {stable_mosaic.version = 14 : i64} {
  func.func @_sc_scatter_body(%arg0: i32, %arg1: i32, %arg2: memref<20000x128xf32, #tpu.memory_space<hbm>>, %arg3: memref<2x3200x100xi32, #tpu.memory_space<hbm>>, %arg4: memref<3200x100xi32, #tpu.memory_space<hbm>>, %arg5: memref<632x128xf32, #tpu.memory_space<hbm>>, %arg6: memref<2x10112x128xf32, #tpu.memory_space<hbm>>, %arg7: memref<40x100xi32, #tpu.memory_space<vmem>>, %arg8: memref<40x100xi32, #tpu.memory_space<vmem>>, %arg9: memref<100x128xf32, #tpu.memory_space<vmem>>, %arg10: memref<100x128xf32, #tpu.memory_space<vmem>>, %arg11: memref<100x128xf32, #tpu.memory_space<vmem>>, %arg12: memref<10112x128xf32, #tpu.memory_space<vmem_shared>>, %arg13: memref<!tpu.dma_semaphore, #tpu.memory_space<semaphore_mem>>, %arg14: memref<!tpu.dma_semaphore, #tpu.memory_space<semaphore_mem>>, %arg15: memref<!tpu.dma_semaphore, #tpu.memory_space<semaphore_mem>>) attributes {dimension_semantics = [#tpu.dimension_semantics<core_parallel>, #tpu.dimension_semantics<subcore_parallel>], iteration_bounds = array<i64: 2, 16>, scalar_prefetch = 0 : i64, scratch_operands = 9 : i64, tpu.core_type = #tpu.core_type<sc_vector_subcore>, window_params = [{transform_indices = #map}, {transform_indices = #map1}, {transform_indices = #map}, {transform_indices = #map}, {transform_indices = #map1}]} {
    %mul3A = arith.constant 632 : i32
    %mul3A_0 = arith.muli %arg1, %mul3A : i32
    "tpu.region"() ({
      %run_scoped3A = tpu.sem_alloc : memref<!tpu.dma_semaphore, #tpu.memory_space<semaphore_mem>>
      %dma_start3A = arith.constant 0 : i32
      %dma_start3A_11 = tpu.memref_slice %arg12[%mul3A_0, %dma_start3A] : memref<10112x128xf32, #tpu.memory_space<vmem_shared>> -> memref<632x128xf32, #tpu.memory_space<vmem_shared>>
      tpu.enqueue_dma source(%arg5 : memref<632x128xf32, #tpu.memory_space<hbm>>) target(%dma_start3A_11 : memref<632x128xf32, #tpu.memory_space<vmem_shared>>) target_semaphore(%run_scoped3A : memref<!tpu.dma_semaphore, #tpu.memory_space<semaphore_mem>>)
      %dma_wait3A = arith.constant 0 : i32
      %dma_wait3A_12 = tpu.memref_slice %arg12[%mul3A_0, %dma_wait3A] : memref<10112x128xf32, #tpu.memory_space<vmem_shared>> -> memref<632x128xf32, #tpu.memory_space<vmem_shared>>
      tpu.wait_dma2 semaphore(%run_scoped3A : memref<!tpu.dma_semaphore, #tpu.memory_space<semaphore_mem>>) src(%arg5 : memref<632x128xf32, #tpu.memory_space<hbm>>) dst(%dma_wait3A_12 : memref<632x128xf32, #tpu.memory_space<vmem_shared>>)
      tpu.yield
    }) : () -> ()
    %barrier3A = arith.constant 0 : index
    tpu.barrier barrier_id(%barrier3A)
    %scan3A = arith.constant 0 : i32
    %scan3A_1 = arith.constant 0 : i32
    %scan3A_2 = arith.constant 5 : i32
    %scan3A_3 = arith.addi %scan3A_1, %scan3A_2 : i32
    %scan3A_4 = arith.constant 1 : i32
    scf.for %scan3A_11 = %scan3A_1 to %scan3A_3 step %scan3A_4  : i32 {
      %mul3A_12 = arith.constant 200 : i32
      %mul3A_13 = arith.muli %arg1, %mul3A_12 : i32
      %mul3A_14 = arith.constant 40 : i32
      %mul3A_15 = arith.muli %scan3A_11, %mul3A_14 : i32
      %add3A = arith.addi %mul3A_13, %mul3A_15 : i32
      "tpu.region"() ({
        %run_scoped3A_53 = tpu.sem_alloc : memref<!tpu.dma_semaphore, #tpu.memory_space<semaphore_mem>>
        %dma_start3A_54 = arith.constant 0 : i32
        %dma_start3A_55 = tpu.memref_slice %arg3[%arg0, %add3A, %dma_start3A_54] : memref<2x3200x100xi32, #tpu.memory_space<hbm>> -> memref<1x40x100xi32, #tpu.memory_space<hbm>>
        %dma_start3A_56 = tpu.memref_squeeze %dma_start3A_55 : memref<1x40x100xi32, #tpu.memory_space<hbm>> -> memref<40x100xi32, #tpu.memory_space<hbm>>
        %dma_start3A_57 = arith.constant 0 : i32
        %dma_start3A_58 = tpu.memref_slice %arg3[%arg0, %add3A, %dma_start3A_57] : memref<2x3200x100xi32, #tpu.memory_space<hbm>> -> memref<1x40x100xi32, #tpu.memory_space<hbm>>
        %dma_start3A_59 = tpu.memref_squeeze %dma_start3A_58 : memref<1x40x100xi32, #tpu.memory_space<hbm>> -> memref<40x100xi32, #tpu.memory_space<hbm>>
        tpu.enqueue_dma source(%dma_start3A_59 : memref<40x100xi32, #tpu.memory_space<hbm>>) target(%arg7 : memref<40x100xi32, #tpu.memory_space<vmem>>) target_semaphore(%run_scoped3A_53 : memref<!tpu.dma_semaphore, #tpu.memory_space<semaphore_mem>>)
        %dma_wait3A_60 = arith.constant 0 : i32
        %dma_wait3A_61 = tpu.memref_slice %arg3[%arg0, %add3A, %dma_wait3A_60] : memref<2x3200x100xi32, #tpu.memory_space<hbm>> -> memref<1x40x100xi32, #tpu.memory_space<hbm>>
        %dma_wait3A_62 = tpu.memref_squeeze %dma_wait3A_61 : memref<1x40x100xi32, #tpu.memory_space<hbm>> -> memref<40x100xi32, #tpu.memory_space<hbm>>
        %dma_wait3A_63 = arith.constant 0 : i32
        %dma_wait3A_64 = tpu.memref_slice %arg3[%arg0, %add3A, %dma_wait3A_63] : memref<2x3200x100xi32, #tpu.memory_space<hbm>> -> memref<1x40x100xi32, #tpu.memory_space<hbm>>
        %dma_wait3A_65 = tpu.memref_squeeze %dma_wait3A_64 : memref<1x40x100xi32, #tpu.memory_space<hbm>> -> memref<40x100xi32, #tpu.memory_space<hbm>>
        tpu.wait_dma2 semaphore(%run_scoped3A_53 : memref<!tpu.dma_semaphore, #tpu.memory_space<semaphore_mem>>) src(%dma_wait3A_65 : memref<40x100xi32, #tpu.memory_space<hbm>>) dst(%arg7 : memref<40x100xi32, #tpu.memory_space<vmem>>)
        tpu.yield
      }) : () -> ()
      %mul3A_16 = arith.constant 200 : i32
      %mul3A_17 = arith.muli %arg1, %mul3A_16 : i32
      %mul3A_18 = arith.constant 40 : i32
      %mul3A_19 = arith.muli %scan3A_11, %mul3A_18 : i32
      %add3A_20 = arith.addi %mul3A_17, %mul3A_19 : i32
      "tpu.region"() ({
        %run_scoped3A_53 = tpu.sem_alloc : memref<!tpu.dma_semaphore, #tpu.memory_space<semaphore_mem>>
        %dma_start3A_54 = arith.constant 0 : i32
        %dma_start3A_55 = tpu.memref_slice %arg4[%add3A_20, %dma_start3A_54] : memref<3200x100xi32, #tpu.memory_space<hbm>> -> memref<40x100xi32, #tpu.memory_space<hbm>>
        %dma_start3A_56 = arith.constant 0 : i32
        %dma_start3A_57 = tpu.memref_slice %arg4[%add3A_20, %dma_start3A_56] : memref<3200x100xi32, #tpu.memory_space<hbm>> -> memref<40x100xi32, #tpu.memory_space<hbm>>
        tpu.enqueue_dma source(%dma_start3A_57 : memref<40x100xi32, #tpu.memory_space<hbm>>) target(%arg8 : memref<40x100xi32, #tpu.memory_space<vmem>>) target_semaphore(%run_scoped3A_53 : memref<!tpu.dma_semaphore, #tpu.memory_space<semaphore_mem>>)
        %dma_wait3A_58 = arith.constant 0 : i32
        %dma_wait3A_59 = tpu.memref_slice %arg4[%add3A_20, %dma_wait3A_58] : memref<3200x100xi32, #tpu.memory_space<hbm>> -> memref<40x100xi32, #tpu.memory_space<hbm>>
        %dma_wait3A_60 = arith.constant 0 : i32
        %dma_wait3A_61 = tpu.memref_slice %arg4[%add3A_20, %dma_wait3A_60] : memref<3200x100xi32, #tpu.memory_space<hbm>> -> memref<40x100xi32, #tpu.memory_space<hbm>>
        tpu.wait_dma2 semaphore(%run_scoped3A_53 : memref<!tpu.dma_semaphore, #tpu.memory_space<semaphore_mem>>) src(%dma_wait3A_61 : memref<40x100xi32, #tpu.memory_space<hbm>>) dst(%arg8 : memref<40x100xi32, #tpu.memory_space<vmem>>)
        tpu.yield
      }) : () -> ()
      %dma_start3A = arith.constant 0 : i32
      %dma_start3A_21 = arith.constant 0 : i32
      %dma_start3A_22 = tpu.memref_slice %arg7[%dma_start3A, %dma_start3A_21] : memref<40x100xi32, #tpu.memory_space<vmem>> -> memref<1x100xi32, #tpu.memory_space<vmem>>
      %dma_start3A_23 = tpu.memref_squeeze %dma_start3A_22 : memref<1x100xi32, #tpu.memory_space<vmem>> -> memref<100xi32, #tpu.memory_space<vmem>>
      %dma_start3A_24 = arith.constant 0 : i32
      %dma_start3A_25 = arith.constant 0 : i32
      %dma_start3A_26 = tpu.memref_slice %arg2[%dma_start3A_24, %dma_start3A_25] : memref<20000x128xf32, #tpu.memory_space<hbm>> -> memref<20000x128xf32, #tpu.memory_space<hbm>>
      tpu.enqueue_indirect_dma source(%dma_start3A_26 : memref<20000x128xf32, #tpu.memory_space<hbm>>) target(%arg9 : memref<100x128xf32, #tpu.memory_space<vmem>>) offsets(%dma_start3A_23 : memref<100xi32, #tpu.memory_space<vmem>>) semaphore(%arg13 : memref<!tpu.dma_semaphore, #tpu.memory_space<semaphore_mem>>)
      %dma_start3A_27 = arith.constant 1 : i32
      %dma_start3A_28 = arith.constant 0 : i32
      %dma_start3A_29 = tpu.memref_slice %arg7[%dma_start3A_27, %dma_start3A_28] : memref<40x100xi32, #tpu.memory_space<vmem>> -> memref<1x100xi32, #tpu.memory_space<vmem>>
      %dma_start3A_30 = tpu.memref_squeeze %dma_start3A_29 : memref<1x100xi32, #tpu.memory_space<vmem>> -> memref<100xi32, #tpu.memory_space<vmem>>
      %dma_start3A_31 = arith.constant 0 : i32
      %dma_start3A_32 = arith.constant 0 : i32
      %dma_start3A_33 = tpu.memref_slice %arg2[%dma_start3A_31, %dma_start3A_32] : memref<20000x128xf32, #tpu.memory_space<hbm>> -> memref<20000x128xf32, #tpu.memory_space<hbm>>
      tpu.enqueue_indirect_dma source(%dma_start3A_33 : memref<20000x128xf32, #tpu.memory_space<hbm>>) target(%arg10 : memref<100x128xf32, #tpu.memory_space<vmem>>) offsets(%dma_start3A_30 : memref<100xi32, #tpu.memory_space<vmem>>) semaphore(%arg14 : memref<!tpu.dma_semaphore, #tpu.memory_space<semaphore_mem>>)
      %scan3A_34 = arith.constant 0 : i32
      %scan3A_35 = arith.constant 38 : i32
      %scan3A_36 = arith.addi %scan3A_34, %scan3A_35 : i32
      %scan3A_37 = arith.constant 1 : i32
      scf.for %scan3A_53 = %scan3A_34 to %scan3A_36 step %scan3A_37  : i32 {
        %rem3A = arith.constant 3 : i32
        %rem3A_54 = arith.remsi %scan3A_53, %rem3A : i32
        %eq3A = arith.constant 0 : i32
        %eq3A_55 = arith.cmpi eq, %rem3A_54, %eq3A : i32
        %convert_element_type3A = arith.extui %eq3A_55 : i1 to i32
        %cond3A = arith.constant 0 : i32
        %cond3A_56 = arith.cmpi ne, %convert_element_type3A, %cond3A : i32
        scf.if %cond3A_56 {
          %dma_wait3A_67 = arith.constant 0 : i32
          %dma_wait3A_68 = tpu.memref_slice %arg7[%scan3A_53, %dma_wait3A_67] : memref<40x100xi32, #tpu.memory_space<vmem>> -> memref<1x100xi32, #tpu.memory_space<vmem>>
          %dma_wait3A_69 = tpu.memref_squeeze %dma_wait3A_68 : memref<1x100xi32, #tpu.memory_space<vmem>> -> memref<100xi32, #tpu.memory_space<vmem>>
          %dma_wait3A_70 = arith.constant 0 : i32
          %dma_wait3A_71 = arith.constant 0 : i32
          %dma_wait3A_72 = tpu.memref_slice %arg2[%dma_wait3A_70, %dma_wait3A_71] : memref<20000x128xf32, #tpu.memory_space<hbm>> -> memref<20000x128xf32, #tpu.memory_space<hbm>>
          tpu.wait_indirect_dma semaphore(%arg13 : memref<!tpu.dma_semaphore, #tpu.memory_space<semaphore_mem>>) src(%dma_wait3A_72 : memref<20000x128xf32, #tpu.memory_space<hbm>>) dst(%arg9 : memref<100x128xf32, #tpu.memory_space<vmem>>)
          "tpu.region"() ({
            %run_scoped3A_81 = tpu.sem_alloc : memref<!tpu.dma_semaphore, #tpu.memory_space<semaphore_mem>>
            %dma_start3A_82 = arith.constant 0 : i32
            %dma_start3A_83 = tpu.memref_slice %arg8[%scan3A_53, %dma_start3A_82] : memref<40x100xi32, #tpu.memory_space<vmem>> -> memref<1x100xi32, #tpu.memory_space<vmem>>
            %dma_start3A_84 = tpu.memref_squeeze %dma_start3A_83 : memref<1x100xi32, #tpu.memory_space<vmem>> -> memref<100xi32, #tpu.memory_space<vmem>>
            %dma_start3A_85 = arith.constant 0 : i32
            %dma_start3A_86 = arith.constant 0 : i32
            %dma_start3A_87 = tpu.memref_slice %arg12[%dma_start3A_85, %dma_start3A_86] : memref<10112x128xf32, #tpu.memory_space<vmem_shared>> -> memref<10112x128xf32, #tpu.memory_space<vmem_shared>>
            tpu.enqueue_indirect_dma source(%arg9 : memref<100x128xf32, #tpu.memory_space<vmem>>) target(%dma_start3A_87 : memref<10112x128xf32, #tpu.memory_space<vmem_shared>>) offsets(%dma_start3A_84 : memref<100xi32, #tpu.memory_space<vmem>>) semaphore(%run_scoped3A_81 : memref<!tpu.dma_semaphore, #tpu.memory_space<semaphore_mem>>) {add = true}
            %dma_wait3A_88 = arith.constant 0 : i32
            %dma_wait3A_89 = tpu.memref_slice %arg8[%scan3A_53, %dma_wait3A_88] : memref<40x100xi32, #tpu.memory_space<vmem>> -> memref<1x100xi32, #tpu.memory_space<vmem>>
            %dma_wait3A_90 = tpu.memref_squeeze %dma_wait3A_89 : memref<1x100xi32, #tpu.memory_space<vmem>> -> memref<100xi32, #tpu.memory_space<vmem>>
            %dma_wait3A_91 = arith.constant 0 : i32
            %dma_wait3A_92 = arith.constant 0 : i32
            %dma_wait3A_93 = tpu.memref_slice %arg12[%dma_wait3A_91, %dma_wait3A_92] : memref<10112x128xf32, #tpu.memory_space<vmem_shared>> -> memref<10112x128xf32, #tpu.memory_space<vmem_shared>>
            tpu.wait_indirect_dma semaphore(%run_scoped3A_81 : memref<!tpu.dma_semaphore, #tpu.memory_space<semaphore_mem>>) src(%arg9 : memref<100x128xf32, #tpu.memory_space<vmem>>) dst(%dma_wait3A_93 : memref<10112x128xf32, #tpu.memory_space<vmem_shared>>)
            tpu.yield
          }) : () -> ()
          %add3A_73 = arith.constant 2 : i32
          %add3A_74 = arith.addi %scan3A_53, %add3A_73 : i32
          %dma_start3A_75 = arith.constant 0 : i32
          %dma_start3A_76 = tpu.memref_slice %arg7[%add3A_74, %dma_start3A_75] : memref<40x100xi32, #tpu.memory_space<vmem>> -> memref<1x100xi32, #tpu.memory_space<vmem>>
          %dma_start3A_77 = tpu.memref_squeeze %dma_start3A_76 : memref<1x100xi32, #tpu.memory_space<vmem>> -> memref<100xi32, #tpu.memory_space<vmem>>
          %dma_start3A_78 = arith.constant 0 : i32
          %dma_start3A_79 = arith.constant 0 : i32
          %dma_start3A_80 = tpu.memref_slice %arg2[%dma_start3A_78, %dma_start3A_79] : memref<20000x128xf32, #tpu.memory_space<hbm>> -> memref<20000x128xf32, #tpu.memory_space<hbm>>
          tpu.enqueue_indirect_dma source(%dma_start3A_80 : memref<20000x128xf32, #tpu.memory_space<hbm>>) target(%arg11 : memref<100x128xf32, #tpu.memory_space<vmem>>) offsets(%dma_start3A_77 : memref<100xi32, #tpu.memory_space<vmem>>) semaphore(%arg15 : memref<!tpu.dma_semaphore, #tpu.memory_space<semaphore_mem>>)
        } else {
        }
        %eq3A_57 = arith.constant 1 : i32
        %eq3A_58 = arith.cmpi eq, %rem3A_54, %eq3A_57 : i32
        %convert_element_type3A_59 = arith.extui %eq3A_58 : i1 to i32
        %cond3A_60 = arith.constant 0 : i32
        %cond3A_61 = arith.cmpi ne, %convert_element_type3A_59, %cond3A_60 : i32
        scf.if %cond3A_61 {
          %dma_wait3A_67 = arith.constant 0 : i32
          %dma_wait3A_68 = tpu.memref_slice %arg7[%scan3A_53, %dma_wait3A_67] : memref<40x100xi32, #tpu.memory_space<vmem>> -> memref<1x100xi32, #tpu.memory_space<vmem>>
          %dma_wait3A_69 = tpu.memref_squeeze %dma_wait3A_68 : memref<1x100xi32, #tpu.memory_space<vmem>> -> memref<100xi32, #tpu.memory_space<vmem>>
          %dma_wait3A_70 = arith.constant 0 : i32
          %dma_wait3A_71 = arith.constant 0 : i32
          %dma_wait3A_72 = tpu.memref_slice %arg2[%dma_wait3A_70, %dma_wait3A_71] : memref<20000x128xf32, #tpu.memory_space<hbm>> -> memref<20000x128xf32, #tpu.memory_space<hbm>>
          tpu.wait_indirect_dma semaphore(%arg14 : memref<!tpu.dma_semaphore, #tpu.memory_space<semaphore_mem>>) src(%dma_wait3A_72 : memref<20000x128xf32, #tpu.memory_space<hbm>>) dst(%arg10 : memref<100x128xf32, #tpu.memory_space<vmem>>)
          "tpu.region"() ({
            %run_scoped3A_81 = tpu.sem_alloc : memref<!tpu.dma_semaphore, #tpu.memory_space<semaphore_mem>>
            %dma_start3A_82 = arith.constant 0 : i32
            %dma_start3A_83 = tpu.memref_slice %arg8[%scan3A_53, %dma_start3A_82] : memref<40x100xi32, #tpu.memory_space<vmem>> -> memref<1x100xi32, #tpu.memory_space<vmem>>
            %dma_start3A_84 = tpu.memref_squeeze %dma_start3A_83 : memref<1x100xi32, #tpu.memory_space<vmem>> -> memref<100xi32, #tpu.memory_space<vmem>>
            %dma_start3A_85 = arith.constant 0 : i32
            %dma_start3A_86 = arith.constant 0 : i32
            %dma_start3A_87 = tpu.memref_slice %arg12[%dma_start3A_85, %dma_start3A_86] : memref<10112x128xf32, #tpu.memory_space<vmem_shared>> -> memref<10112x128xf32, #tpu.memory_space<vmem_shared>>
            tpu.enqueue_indirect_dma source(%arg10 : memref<100x128xf32, #tpu.memory_space<vmem>>) target(%dma_start3A_87 : memref<10112x128xf32, #tpu.memory_space<vmem_shared>>) offsets(%dma_start3A_84 : memref<100xi32, #tpu.memory_space<vmem>>) semaphore(%run_scoped3A_81 : memref<!tpu.dma_semaphore, #tpu.memory_space<semaphore_mem>>) {add = true}
            %dma_wait3A_88 = arith.constant 0 : i32
            %dma_wait3A_89 = tpu.memref_slice %arg8[%scan3A_53, %dma_wait3A_88] : memref<40x100xi32, #tpu.memory_space<vmem>> -> memref<1x100xi32, #tpu.memory_space<vmem>>
            %dma_wait3A_90 = tpu.memref_squeeze %dma_wait3A_89 : memref<1x100xi32, #tpu.memory_space<vmem>> -> memref<100xi32, #tpu.memory_space<vmem>>
            %dma_wait3A_91 = arith.constant 0 : i32
            %dma_wait3A_92 = arith.constant 0 : i32
            %dma_wait3A_93 = tpu.memref_slice %arg12[%dma_wait3A_91, %dma_wait3A_92] : memref<10112x128xf32, #tpu.memory_space<vmem_shared>> -> memref<10112x128xf32, #tpu.memory_space<vmem_shared>>
            tpu.wait_indirect_dma semaphore(%run_scoped3A_81 : memref<!tpu.dma_semaphore, #tpu.memory_space<semaphore_mem>>) src(%arg10 : memref<100x128xf32, #tpu.memory_space<vmem>>) dst(%dma_wait3A_93 : memref<10112x128xf32, #tpu.memory_space<vmem_shared>>)
            tpu.yield
          }) : () -> ()
          %add3A_73 = arith.constant 2 : i32
          %add3A_74 = arith.addi %scan3A_53, %add3A_73 : i32
          %dma_start3A_75 = arith.constant 0 : i32
          %dma_start3A_76 = tpu.memref_slice %arg7[%add3A_74, %dma_start3A_75] : memref<40x100xi32, #tpu.memory_space<vmem>> -> memref<1x100xi32, #tpu.memory_space<vmem>>
          %dma_start3A_77 = tpu.memref_squeeze %dma_start3A_76 : memref<1x100xi32, #tpu.memory_space<vmem>> -> memref<100xi32, #tpu.memory_space<vmem>>
          %dma_start3A_78 = arith.constant 0 : i32
          %dma_start3A_79 = arith.constant 0 : i32
          %dma_start3A_80 = tpu.memref_slice %arg2[%dma_start3A_78, %dma_start3A_79] : memref<20000x128xf32, #tpu.memory_space<hbm>> -> memref<20000x128xf32, #tpu.memory_space<hbm>>
          tpu.enqueue_indirect_dma source(%dma_start3A_80 : memref<20000x128xf32, #tpu.memory_space<hbm>>) target(%arg9 : memref<100x128xf32, #tpu.memory_space<vmem>>) offsets(%dma_start3A_77 : memref<100xi32, #tpu.memory_space<vmem>>) semaphore(%arg13 : memref<!tpu.dma_semaphore, #tpu.memory_space<semaphore_mem>>)
        } else {
        }
        %eq3A_62 = arith.constant 2 : i32
        %eq3A_63 = arith.cmpi eq, %rem3A_54, %eq3A_62 : i32
        %convert_element_type3A_64 = arith.extui %eq3A_63 : i1 to i32
        %cond3A_65 = arith.constant 0 : i32
        %cond3A_66 = arith.cmpi ne, %convert_element_type3A_64, %cond3A_65 : i32
        scf.if %cond3A_66 {
          %dma_wait3A_67 = arith.constant 0 : i32
          %dma_wait3A_68 = tpu.memref_slice %arg7[%scan3A_53, %dma_wait3A_67] : memref<40x100xi32, #tpu.memory_space<vmem>> -> memref<1x100xi32, #tpu.memory_space<vmem>>
          %dma_wait3A_69 = tpu.memref_squeeze %dma_wait3A_68 : memref<1x100xi32, #tpu.memory_space<vmem>> -> memref<100xi32, #tpu.memory_space<vmem>>
          %dma_wait3A_70 = arith.constant 0 : i32
          %dma_wait3A_71 = arith.constant 0 : i32
          %dma_wait3A_72 = tpu.memref_slice %arg2[%dma_wait3A_70, %dma_wait3A_71] : memref<20000x128xf32, #tpu.memory_space<hbm>> -> memref<20000x128xf32, #tpu.memory_space<hbm>>
          tpu.wait_indirect_dma semaphore(%arg15 : memref<!tpu.dma_semaphore, #tpu.memory_space<semaphore_mem>>) src(%dma_wait3A_72 : memref<20000x128xf32, #tpu.memory_space<hbm>>) dst(%arg11 : memref<100x128xf32, #tpu.memory_space<vmem>>)
          "tpu.region"() ({
            %run_scoped3A_81 = tpu.sem_alloc : memref<!tpu.dma_semaphore, #tpu.memory_space<semaphore_mem>>
            %dma_start3A_82 = arith.constant 0 : i32
            %dma_start3A_83 = tpu.memref_slice %arg8[%scan3A_53, %dma_start3A_82] : memref<40x100xi32, #tpu.memory_space<vmem>> -> memref<1x100xi32, #tpu.memory_space<vmem>>
            %dma_start3A_84 = tpu.memref_squeeze %dma_start3A_83 : memref<1x100xi32, #tpu.memory_space<vmem>> -> memref<100xi32, #tpu.memory_space<vmem>>
            %dma_start3A_85 = arith.constant 0 : i32
            %dma_start3A_86 = arith.constant 0 : i32
            %dma_start3A_87 = tpu.memref_slice %arg12[%dma_start3A_85, %dma_start3A_86] : memref<10112x128xf32, #tpu.memory_space<vmem_shared>> -> memref<10112x128xf32, #tpu.memory_space<vmem_shared>>
            tpu.enqueue_indirect_dma source(%arg11 : memref<100x128xf32, #tpu.memory_space<vmem>>) target(%dma_start3A_87 : memref<10112x128xf32, #tpu.memory_space<vmem_shared>>) offsets(%dma_start3A_84 : memref<100xi32, #tpu.memory_space<vmem>>) semaphore(%run_scoped3A_81 : memref<!tpu.dma_semaphore, #tpu.memory_space<semaphore_mem>>) {add = true}
            %dma_wait3A_88 = arith.constant 0 : i32
            %dma_wait3A_89 = tpu.memref_slice %arg8[%scan3A_53, %dma_wait3A_88] : memref<40x100xi32, #tpu.memory_space<vmem>> -> memref<1x100xi32, #tpu.memory_space<vmem>>
            %dma_wait3A_90 = tpu.memref_squeeze %dma_wait3A_89 : memref<1x100xi32, #tpu.memory_space<vmem>> -> memref<100xi32, #tpu.memory_space<vmem>>
            %dma_wait3A_91 = arith.constant 0 : i32
            %dma_wait3A_92 = arith.constant 0 : i32
            %dma_wait3A_93 = tpu.memref_slice %arg12[%dma_wait3A_91, %dma_wait3A_92] : memref<10112x128xf32, #tpu.memory_space<vmem_shared>> -> memref<10112x128xf32, #tpu.memory_space<vmem_shared>>
            tpu.wait_indirect_dma semaphore(%run_scoped3A_81 : memref<!tpu.dma_semaphore, #tpu.memory_space<semaphore_mem>>) src(%arg11 : memref<100x128xf32, #tpu.memory_space<vmem>>) dst(%dma_wait3A_93 : memref<10112x128xf32, #tpu.memory_space<vmem_shared>>)
            tpu.yield
          }) : () -> ()
          %add3A_73 = arith.constant 2 : i32
          %add3A_74 = arith.addi %scan3A_53, %add3A_73 : i32
          %dma_start3A_75 = arith.constant 0 : i32
          %dma_start3A_76 = tpu.memref_slice %arg7[%add3A_74, %dma_start3A_75] : memref<40x100xi32, #tpu.memory_space<vmem>> -> memref<1x100xi32, #tpu.memory_space<vmem>>
          %dma_start3A_77 = tpu.memref_squeeze %dma_start3A_76 : memref<1x100xi32, #tpu.memory_space<vmem>> -> memref<100xi32, #tpu.memory_space<vmem>>
          %dma_start3A_78 = arith.constant 0 : i32
          %dma_start3A_79 = arith.constant 0 : i32
          %dma_start3A_80 = tpu.memref_slice %arg2[%dma_start3A_78, %dma_start3A_79] : memref<20000x128xf32, #tpu.memory_space<hbm>> -> memref<20000x128xf32, #tpu.memory_space<hbm>>
          tpu.enqueue_indirect_dma source(%dma_start3A_80 : memref<20000x128xf32, #tpu.memory_space<hbm>>) target(%arg10 : memref<100x128xf32, #tpu.memory_space<vmem>>) offsets(%dma_start3A_77 : memref<100xi32, #tpu.memory_space<vmem>>) semaphore(%arg14 : memref<!tpu.dma_semaphore, #tpu.memory_space<semaphore_mem>>)
        } else {
        }
      }
      %scan3A_38 = arith.constant 38 : i32
      %dma_wait3A = arith.constant 38 : i32
      %dma_wait3A_39 = arith.constant 0 : i32
      %dma_wait3A_40 = tpu.memref_slice %arg7[%dma_wait3A, %dma_wait3A_39] : memref<40x100xi32, #tpu.memory_space<vmem>> -> memref<1x100xi32, #tpu.memory_space<vmem>>
      %dma_wait3A_41 = tpu.memref_squeeze %dma_wait3A_40 : memref<1x100xi32, #tpu.memory_space<vmem>> -> memref<100xi32, #tpu.memory_space<vmem>>
      %dma_wait3A_42 = arith.constant 0 : i32
      %dma_wait3A_43 = arith.constant 0 : i32
      %dma_wait3A_44 = tpu.memref_slice %arg2[%dma_wait3A_42, %dma_wait3A_43] : memref<20000x128xf32, #tpu.memory_space<hbm>> -> memref<20000x128xf32, #tpu.memory_space<hbm>>
      tpu.wait_indirect_dma semaphore(%arg15 : memref<!tpu.dma_semaphore, #tpu.memory_space<semaphore_mem>>) src(%dma_wait3A_44 : memref<20000x128xf32, #tpu.memory_space<hbm>>) dst(%arg11 : memref<100x128xf32, #tpu.memory_space<vmem>>)
      %run_scoped3A = arith.constant 38 : i32
      "tpu.region"() ({
        %run_scoped3A_53 = tpu.sem_alloc : memref<!tpu.dma_semaphore, #tpu.memory_space<semaphore_mem>>
        %dma_start3A_54 = arith.constant 0 : i32
        %dma_start3A_55 = tpu.memref_slice %arg8[%run_scoped3A, %dma_start3A_54] : memref<40x100xi32, #tpu.memory_space<vmem>> -> memref<1x100xi32, #tpu.memory_space<vmem>>
        %dma_start3A_56 = tpu.memref_squeeze %dma_start3A_55 : memref<1x100xi32, #tpu.memory_space<vmem>> -> memref<100xi32, #tpu.memory_space<vmem>>
        %dma_start3A_57 = arith.constant 0 : i32
        %dma_start3A_58 = arith.constant 0 : i32
        %dma_start3A_59 = tpu.memref_slice %arg12[%dma_start3A_57, %dma_start3A_58] : memref<10112x128xf32, #tpu.memory_space<vmem_shared>> -> memref<10112x128xf32, #tpu.memory_space<vmem_shared>>
        tpu.enqueue_indirect_dma source(%arg11 : memref<100x128xf32, #tpu.memory_space<vmem>>) target(%dma_start3A_59 : memref<10112x128xf32, #tpu.memory_space<vmem_shared>>) offsets(%dma_start3A_56 : memref<100xi32, #tpu.memory_space<vmem>>) semaphore(%run_scoped3A_53 : memref<!tpu.dma_semaphore, #tpu.memory_space<semaphore_mem>>) {add = true}
        %dma_wait3A_60 = arith.constant 0 : i32
        %dma_wait3A_61 = tpu.memref_slice %arg8[%run_scoped3A, %dma_wait3A_60] : memref<40x100xi32, #tpu.memory_space<vmem>> -> memref<1x100xi32, #tpu.memory_space<vmem>>
        %dma_wait3A_62 = tpu.memref_squeeze %dma_wait3A_61 : memref<1x100xi32, #tpu.memory_space<vmem>> -> memref<100xi32, #tpu.memory_space<vmem>>
        %dma_wait3A_63 = arith.constant 0 : i32
        %dma_wait3A_64 = arith.constant 0 : i32
        %dma_wait3A_65 = tpu.memref_slice %arg12[%dma_wait3A_63, %dma_wait3A_64] : memref<10112x128xf32, #tpu.memory_space<vmem_shared>> -> memref<10112x128xf32, #tpu.memory_space<vmem_shared>>
        tpu.wait_indirect_dma semaphore(%run_scoped3A_53 : memref<!tpu.dma_semaphore, #tpu.memory_space<semaphore_mem>>) src(%arg11 : memref<100x128xf32, #tpu.memory_space<vmem>>) dst(%dma_wait3A_65 : memref<10112x128xf32, #tpu.memory_space<vmem_shared>>)
        tpu.yield
      }) : () -> ()
      %dma_wait3A_45 = arith.constant 39 : i32
      %dma_wait3A_46 = arith.constant 0 : i32
      %dma_wait3A_47 = tpu.memref_slice %arg7[%dma_wait3A_45, %dma_wait3A_46] : memref<40x100xi32, #tpu.memory_space<vmem>> -> memref<1x100xi32, #tpu.memory_space<vmem>>
      %dma_wait3A_48 = tpu.memref_squeeze %dma_wait3A_47 : memref<1x100xi32, #tpu.memory_space<vmem>> -> memref<100xi32, #tpu.memory_space<vmem>>
      %dma_wait3A_49 = arith.constant 0 : i32
      %dma_wait3A_50 = arith.constant 0 : i32
      %dma_wait3A_51 = tpu.memref_slice %arg2[%dma_wait3A_49, %dma_wait3A_50] : memref<20000x128xf32, #tpu.memory_space<hbm>> -> memref<20000x128xf32, #tpu.memory_space<hbm>>
      tpu.wait_indirect_dma semaphore(%arg13 : memref<!tpu.dma_semaphore, #tpu.memory_space<semaphore_mem>>) src(%dma_wait3A_51 : memref<20000x128xf32, #tpu.memory_space<hbm>>) dst(%arg9 : memref<100x128xf32, #tpu.memory_space<vmem>>)
      %run_scoped3A_52 = arith.constant 39 : i32
      "tpu.region"() ({
        %run_scoped3A_53 = tpu.sem_alloc : memref<!tpu.dma_semaphore, #tpu.memory_space<semaphore_mem>>
        %dma_start3A_54 = arith.constant 0 : i32
        %dma_start3A_55 = tpu.memref_slice %arg8[%run_scoped3A_52, %dma_start3A_54] : memref<40x100xi32, #tpu.memory_space<vmem>> -> memref<1x100xi32, #tpu.memory_space<vmem>>
        %dma_start3A_56 = tpu.memref_squeeze %dma_start3A_55 : memref<1x100xi32, #tpu.memory_space<vmem>> -> memref<100xi32, #tpu.memory_space<vmem>>
        %dma_start3A_57 = arith.constant 0 : i32
        %dma_start3A_58 = arith.constant 0 : i32
        %dma_start3A_59 = tpu.memref_slice %arg12[%dma_start3A_57, %dma_start3A_58] : memref<10112x128xf32, #tpu.memory_space<vmem_shared>> -> memref<10112x128xf32, #tpu.memory_space<vmem_shared>>
        tpu.enqueue_indirect_dma source(%arg9 : memref<100x128xf32, #tpu.memory_space<vmem>>) target(%dma_start3A_59 : memref<10112x128xf32, #tpu.memory_space<vmem_shared>>) offsets(%dma_start3A_56 : memref<100xi32, #tpu.memory_space<vmem>>) semaphore(%run_scoped3A_53 : memref<!tpu.dma_semaphore, #tpu.memory_space<semaphore_mem>>) {add = true}
        %dma_wait3A_60 = arith.constant 0 : i32
        %dma_wait3A_61 = tpu.memref_slice %arg8[%run_scoped3A_52, %dma_wait3A_60] : memref<40x100xi32, #tpu.memory_space<vmem>> -> memref<1x100xi32, #tpu.memory_space<vmem>>
        %dma_wait3A_62 = tpu.memref_squeeze %dma_wait3A_61 : memref<1x100xi32, #tpu.memory_space<vmem>> -> memref<100xi32, #tpu.memory_space<vmem>>
        %dma_wait3A_63 = arith.constant 0 : i32
        %dma_wait3A_64 = arith.constant 0 : i32
        %dma_wait3A_65 = tpu.memref_slice %arg12[%dma_wait3A_63, %dma_wait3A_64] : memref<10112x128xf32, #tpu.memory_space<vmem_shared>> -> memref<10112x128xf32, #tpu.memory_space<vmem_shared>>
        tpu.wait_indirect_dma semaphore(%run_scoped3A_53 : memref<!tpu.dma_semaphore, #tpu.memory_space<semaphore_mem>>) src(%arg9 : memref<100x128xf32, #tpu.memory_space<vmem>>) dst(%dma_wait3A_65 : memref<10112x128xf32, #tpu.memory_space<vmem_shared>>)
        tpu.yield
      }) : () -> ()
    }
    %scan3A_5 = arith.constant 5 : i32
    %barrier3A_6 = arith.constant 0 : index
    tpu.barrier barrier_id(%barrier3A_6)
    %mul3A_7 = arith.constant 632 : i32
    %mul3A_8 = arith.muli %arg1, %mul3A_7 : i32
    %mul3A_9 = arith.constant 632 : i32
    %mul3A_10 = arith.muli %arg1, %mul3A_9 : i32
    "tpu.region"() ({
      %run_scoped3A = tpu.sem_alloc : memref<!tpu.dma_semaphore, #tpu.memory_space<semaphore_mem>>
      %dma_start3A = arith.constant 0 : i32
      %dma_start3A_11 = tpu.memref_slice %arg6[%arg0, %mul3A_10, %dma_start3A] : memref<2x10112x128xf32, #tpu.memory_space<hbm>> -> memref<1x632x128xf32, #tpu.memory_space<hbm>>
      %dma_start3A_12 = tpu.memref_squeeze %dma_start3A_11 : memref<1x632x128xf32, #tpu.memory_space<hbm>> -> memref<632x128xf32, #tpu.memory_space<hbm>>
      %dma_start3A_13 = arith.constant 0 : i32
      %dma_start3A_14 = tpu.memref_slice %arg12[%mul3A_8, %dma_start3A_13] : memref<10112x128xf32, #tpu.memory_space<vmem_shared>> -> memref<632x128xf32, #tpu.memory_space<vmem_shared>>
      tpu.enqueue_dma source(%dma_start3A_14 : memref<632x128xf32, #tpu.memory_space<vmem_shared>>) target(%dma_start3A_12 : memref<632x128xf32, #tpu.memory_space<hbm>>) target_semaphore(%run_scoped3A : memref<!tpu.dma_semaphore, #tpu.memory_space<semaphore_mem>>)
      %dma_wait3A = arith.constant 0 : i32
      %dma_wait3A_15 = tpu.memref_slice %arg6[%arg0, %mul3A_10, %dma_wait3A] : memref<2x10112x128xf32, #tpu.memory_space<hbm>> -> memref<1x632x128xf32, #tpu.memory_space<hbm>>
      %dma_wait3A_16 = tpu.memref_squeeze %dma_wait3A_15 : memref<1x632x128xf32, #tpu.memory_space<hbm>> -> memref<632x128xf32, #tpu.memory_space<hbm>>
      %dma_wait3A_17 = arith.constant 0 : i32
      %dma_wait3A_18 = tpu.memref_slice %arg12[%mul3A_8, %dma_wait3A_17] : memref<10112x128xf32, #tpu.memory_space<vmem_shared>> -> memref<632x128xf32, #tpu.memory_space<vmem_shared>>
      tpu.wait_dma2 semaphore(%run_scoped3A : memref<!tpu.dma_semaphore, #tpu.memory_space<semaphore_mem>>) src(%dma_wait3A_18 : memref<632x128xf32, #tpu.memory_space<vmem_shared>>) dst(%dma_wait3A_16 : memref<632x128xf32, #tpu.memory_space<hbm>>)
      tpu.yield
    }) : () -> ()
    return
  }
}

#map = affine_map<(d0, d1) -> (0, 0)>
#map1 = affine_map<(d0, d1) -> (0, 0, 0)>
module attributes {stable_mosaic.version = 14 : i64} {
  func.func @_sc_scatter_body(%arg0: i32, %arg1: i32, %arg2: memref<20000x128xf32, #tpu.memory_space<hbm>>, %arg3: memref<2x3200x100xi32, #tpu.memory_space<hbm>>, %arg4: memref<3200x100xi32, #tpu.memory_space<hbm>>, %arg5: memref<632x128xf32, #tpu.memory_space<hbm>>, %arg6: memref<2x10112x128xf32, #tpu.memory_space<hbm>>, %arg7: memref<40x100xi32, #tpu.memory_space<vmem>>, %arg8: memref<40x100xi32, #tpu.memory_space<vmem>>, %arg9: memref<100x128xf32, #tpu.memory_space<vmem>>, %arg10: memref<100x128xf32, #tpu.memory_space<vmem>>, %arg11: memref<100x128xf32, #tpu.memory_space<vmem>>, %arg12: memref<10112x128xf32, #tpu.memory_space<vmem_shared>>, %arg13: memref<!tpu.dma_semaphore, #tpu.memory_space<semaphore_mem>>, %arg14: memref<!tpu.dma_semaphore, #tpu.memory_space<semaphore_mem>>, %arg15: memref<!tpu.dma_semaphore, #tpu.memory_space<semaphore_mem>>) attributes {dimension_semantics = [#tpu.dimension_semantics<core_parallel>, #tpu.dimension_semantics<subcore_parallel>], iteration_bounds = array<i64: 2, 16>, scalar_prefetch = 0 : i64, scratch_operands = 9 : i64, tpu.core_type = #tpu.core_type<sc_vector_subcore>, window_params = [{transform_indices = #map}, {transform_indices = #map1}, {transform_indices = #map}, {transform_indices = #map}, {transform_indices = #map1}]} {
    %mul3A = arith.constant 632 : i32
    %mul3A_0 = arith.muli %arg1, %mul3A : i32
    "tpu.region"() ({
      %run_scoped3A = tpu.sem_alloc : memref<!tpu.dma_semaphore, #tpu.memory_space<semaphore_mem>>
      %dma_start3A = arith.constant 0 : i32
      %dma_start3A_11 = tpu.memref_slice %arg12[%mul3A_0, %dma_start3A] : memref<10112x128xf32, #tpu.memory_space<vmem_shared>> -> memref<632x128xf32, #tpu.memory_space<vmem_shared>>
      tpu.enqueue_dma source(%arg5 : memref<632x128xf32, #tpu.memory_space<hbm>>) target(%dma_start3A_11 : memref<632x128xf32, #tpu.memory_space<vmem_shared>>) target_semaphore(%run_scoped3A : memref<!tpu.dma_semaphore, #tpu.memory_space<semaphore_mem>>)
      %dma_wait3A = arith.constant 0 : i32
      %dma_wait3A_12 = tpu.memref_slice %arg12[%mul3A_0, %dma_wait3A] : memref<10112x128xf32, #tpu.memory_space<vmem_shared>> -> memref<632x128xf32, #tpu.memory_space<vmem_shared>>
      tpu.wait_dma2 semaphore(%run_scoped3A : memref<!tpu.dma_semaphore, #tpu.memory_space<semaphore_mem>>) src(%arg5 : memref<632x128xf32, #tpu.memory_space<hbm>>) dst(%dma_wait3A_12 : memref<632x128xf32, #tpu.memory_space<vmem_shared>>)
      tpu.yield
    }) : () -> ()
    %barrier3A = arith.constant 0 : index
    tpu.barrier barrier_id(%barrier3A)
    %scan3A = arith.constant 0 : i32
    %scan3A_1 = arith.constant 0 : i32
    %scan3A_2 = arith.constant 5 : i32
    %scan3A_3 = arith.addi %scan3A_1, %scan3A_2 : i32
    %scan3A_4 = arith.constant 1 : i32
    scf.for %scan3A_11 = %scan3A_1 to %scan3A_3 step %scan3A_4  : i32 {
      %mul3A_12 = arith.constant 200 : i32
      %mul3A_13 = arith.muli %arg1, %mul3A_12 : i32
      %mul3A_14 = arith.constant 40 : i32
      %mul3A_15 = arith.muli %scan3A_11, %mul3A_14 : i32
      %add3A = arith.addi %mul3A_13, %mul3A_15 : i32
      "tpu.region"() ({
        %run_scoped3A_53 = tpu.sem_alloc : memref<!tpu.dma_semaphore, #tpu.memory_space<semaphore_mem>>
        %dma_start3A_54 = arith.constant 0 : i32
        %dma_start3A_55 = tpu.memref_slice %arg3[%arg0, %add3A, %dma_start3A_54] : memref<2x3200x100xi32, #tpu.memory_space<hbm>> -> memref<1x40x100xi32, #tpu.memory_space<hbm>>
        %dma_start3A_56 = tpu.memref_squeeze %dma_start3A_55 : memref<1x40x100xi32, #tpu.memory_space<hbm>> -> memref<40x100xi32, #tpu.memory_space<hbm>>
        %dma_start3A_57 = arith.constant 0 : i32
        %dma_start3A_58 = tpu.memref_slice %arg3[%arg0, %add3A, %dma_start3A_57] : memref<2x3200x100xi32, #tpu.memory_space<hbm>> -> memref<1x40x100xi32, #tpu.memory_space<hbm>>
        %dma_start3A_59 = tpu.memref_squeeze %dma_start3A_58 : memref<1x40x100xi32, #tpu.memory_space<hbm>> -> memref<40x100xi32, #tpu.memory_space<hbm>>
        tpu.enqueue_dma source(%dma_start3A_59 : memref<40x100xi32, #tpu.memory_space<hbm>>) target(%arg7 : memref<40x100xi32, #tpu.memory_space<vmem>>) target_semaphore(%run_scoped3A_53 : memref<!tpu.dma_semaphore, #tpu.memory_space<semaphore_mem>>)
        %dma_wait3A_60 = arith.constant 0 : i32
        %dma_wait3A_61 = tpu.memref_slice %arg3[%arg0, %add3A, %dma_wait3A_60] : memref<2x3200x100xi32, #tpu.memory_space<hbm>> -> memref<1x40x100xi32, #tpu.memory_space<hbm>>
        %dma_wait3A_62 = tpu.memref_squeeze %dma_wait3A_61 : memref<1x40x100xi32, #tpu.memory_space<hbm>> -> memref<40x100xi32, #tpu.memory_space<hbm>>
        %dma_wait3A_63 = arith.constant 0 : i32
        %dma_wait3A_64 = tpu.memref_slice %arg3[%arg0, %add3A, %dma_wait3A_63] : memref<2x3200x100xi32, #tpu.memory_space<hbm>> -> memref<1x40x100xi32, #tpu.memory_space<hbm>>
        %dma_wait3A_65 = tpu.memref_squeeze %dma_wait3A_64 : memref<1x40x100xi32, #tpu.memory_space<hbm>> -> memref<40x100xi32, #tpu.memory_space<hbm>>
        tpu.wait_dma2 semaphore(%run_scoped3A_53 : memref<!tpu.dma_semaphore, #tpu.memory_space<semaphore_mem>>) src(%dma_wait3A_65 : memref<40x100xi32, #tpu.memory_space<hbm>>) dst(%arg7 : memref<40x100xi32, #tpu.memory_space<vmem>>)
        tpu.yield
      }) : () -> ()
      %mul3A_16 = arith.constant 200 : i32
      %mul3A_17 = arith.muli %arg1, %mul3A_16 : i32
      %mul3A_18 = arith.constant 40 : i32
      %mul3A_19 = arith.muli %scan3A_11, %mul3A_18 : i32
      %add3A_20 = arith.addi %mul3A_17, %mul3A_19 : i32
      "tpu.region"() ({
        %run_scoped3A_53 = tpu.sem_alloc : memref<!tpu.dma_semaphore, #tpu.memory_space<semaphore_mem>>
        %dma_start3A_54 = arith.constant 0 : i32
        %dma_start3A_55 = tpu.memref_slice %arg4[%add3A_20, %dma_start3A_54] : memref<3200x100xi32, #tpu.memory_space<hbm>> -> memref<40x100xi32, #tpu.memory_space<hbm>>
        %dma_start3A_56 = arith.constant 0 : i32
        %dma_start3A_57 = tpu.memref_slice %arg4[%add3A_20, %dma_start3A_56] : memref<3200x100xi32, #tpu.memory_space<hbm>> -> memref<40x100xi32, #tpu.memory_space<hbm>>
        tpu.enqueue_dma source(%dma_start3A_57 : memref<40x100xi32, #tpu.memory_space<hbm>>) target(%arg8 : memref<40x100xi32, #tpu.memory_space<vmem>>) target_semaphore(%run_scoped3A_53 : memref<!tpu.dma_semaphore, #tpu.memory_space<semaphore_mem>>)
        %dma_wait3A_58 = arith.constant 0 : i32
        %dma_wait3A_59 = tpu.memref_slice %arg4[%add3A_20, %dma_wait3A_58] : memref<3200x100xi32, #tpu.memory_space<hbm>> -> memref<40x100xi32, #tpu.memory_space<hbm>>
        %dma_wait3A_60 = arith.constant 0 : i32
        %dma_wait3A_61 = tpu.memref_slice %arg4[%add3A_20, %dma_wait3A_60] : memref<3200x100xi32, #tpu.memory_space<hbm>> -> memref<40x100xi32, #tpu.memory_space<hbm>>
        tpu.wait_dma2 semaphore(%run_scoped3A_53 : memref<!tpu.dma_semaphore, #tpu.memory_space<semaphore_mem>>) src(%dma_wait3A_61 : memref<40x100xi32, #tpu.memory_space<hbm>>) dst(%arg8 : memref<40x100xi32, #tpu.memory_space<vmem>>)
        tpu.yield
      }) : () -> ()
      %dma_start3A = arith.constant 0 : i32
      %dma_start3A_21 = arith.constant 0 : i32
      %dma_start3A_22 = tpu.memref_slice %arg7[%dma_start3A, %dma_start3A_21] : memref<40x100xi32, #tpu.memory_space<vmem>> -> memref<1x100xi32, #tpu.memory_space<vmem>>
      %dma_start3A_23 = tpu.memref_squeeze %dma_start3A_22 : memref<1x100xi32, #tpu.memory_space<vmem>> -> memref<100xi32, #tpu.memory_space<vmem>>
      %dma_start3A_24 = arith.constant 0 : i32
      %dma_start3A_25 = arith.constant 0 : i32
      %dma_start3A_26 = tpu.memref_slice %arg2[%dma_start3A_24, %dma_start3A_25] : memref<20000x128xf32, #tpu.memory_space<hbm>> -> memref<20000x128xf32, #tpu.memory_space<hbm>>
      tpu.enqueue_indirect_dma source(%dma_start3A_26 : memref<20000x128xf32, #tpu.memory_space<hbm>>) target(%arg9 : memref<100x128xf32, #tpu.memory_space<vmem>>) offsets(%dma_start3A_23 : memref<100xi32, #tpu.memory_space<vmem>>) semaphore(%arg13 : memref<!tpu.dma_semaphore, #tpu.memory_space<semaphore_mem>>)
      %dma_start3A_27 = arith.constant 1 : i32
      %dma_start3A_28 = arith.constant 0 : i32
      %dma_start3A_29 = tpu.memref_slice %arg7[%dma_start3A_27, %dma_start3A_28] : memref<40x100xi32, #tpu.memory_space<vmem>> -> memref<1x100xi32, #tpu.memory_space<vmem>>
      %dma_start3A_30 = tpu.memref_squeeze %dma_start3A_29 : memref<1x100xi32, #tpu.memory_space<vmem>> -> memref<100xi32, #tpu.memory_space<vmem>>
      %dma_start3A_31 = arith.constant 0 : i32
      %dma_start3A_32 = arith.constant 0 : i32
      %dma_start3A_33 = tpu.memref_slice %arg2[%dma_start3A_31, %dma_start3A_32] : memref<20000x128xf32, #tpu.memory_space<hbm>> -> memref<20000x128xf32, #tpu.memory_space<hbm>>
      tpu.enqueue_indirect_dma source(%dma_start3A_33 : memref<20000x128xf32, #tpu.memory_space<hbm>>) target(%arg10 : memref<100x128xf32, #tpu.memory_space<vmem>>) offsets(%dma_start3A_30 : memref<100xi32, #tpu.memory_space<vmem>>) semaphore(%arg14 : memref<!tpu.dma_semaphore, #tpu.memory_space<semaphore_mem>>)
      %scan3A_34 = arith.constant 0 : i32
      %scan3A_35 = arith.constant 38 : i32
      %scan3A_36 = arith.addi %scan3A_34, %scan3A_35 : i32
      %scan3A_37 = arith.constant 1 : i32
      scf.for %scan3A_53 = %scan3A_34 to %scan3A_36 step %scan3A_37  : i32 {
        %rem3A = arith.constant 3 : i32
        %rem3A_54 = arith.remsi %scan3A_53, %rem3A : i32
        %eq3A = arith.constant 0 : i32
        %eq3A_55 = arith.cmpi eq, %rem3A_54, %eq3A : i32
        %convert_element_type3A = arith.extui %eq3A_55 : i1 to i32
        %cond3A = arith.constant 0 : i32
        %cond3A_56 = arith.cmpi ne, %convert_element_type3A, %cond3A : i32
        scf.if %cond3A_56 {
          %dma_wait3A_67 = arith.constant 0 : i32
          %dma_wait3A_68 = tpu.memref_slice %arg7[%scan3A_53, %dma_wait3A_67] : memref<40x100xi32, #tpu.memory_space<vmem>> -> memref<1x100xi32, #tpu.memory_space<vmem>>
          %dma_wait3A_69 = tpu.memref_squeeze %dma_wait3A_68 : memref<1x100xi32, #tpu.memory_space<vmem>> -> memref<100xi32, #tpu.memory_space<vmem>>
          %dma_wait3A_70 = arith.constant 0 : i32
          %dma_wait3A_71 = arith.constant 0 : i32
          %dma_wait3A_72 = tpu.memref_slice %arg2[%dma_wait3A_70, %dma_wait3A_71] : memref<20000x128xf32, #tpu.memory_space<hbm>> -> memref<20000x128xf32, #tpu.memory_space<hbm>>
          tpu.wait_indirect_dma semaphore(%arg13 : memref<!tpu.dma_semaphore, #tpu.memory_space<semaphore_mem>>) src(%dma_wait3A_72 : memref<20000x128xf32, #tpu.memory_space<hbm>>) dst(%arg9 : memref<100x128xf32, #tpu.memory_space<vmem>>)
          "tpu.region"() ({
            %run_scoped3A_81 = tpu.sem_alloc : memref<!tpu.dma_semaphore, #tpu.memory_space<semaphore_mem>>
            %dma_start3A_82 = arith.constant 0 : i32
            %dma_start3A_83 = tpu.memref_slice %arg8[%scan3A_53, %dma_start3A_82] : memref<40x100xi32, #tpu.memory_space<vmem>> -> memref<1x100xi32, #tpu.memory_space<vmem>>
            %dma_start3A_84 = tpu.memref_squeeze %dma_start3A_83 : memref<1x100xi32, #tpu.memory_space<vmem>> -> memref<100xi32, #tpu.memory_space<vmem>>
            %dma_start3A_85 = arith.constant 0 : i32
            %dma_start3A_86 = arith.constant 0 : i32
            %dma_start3A_87 = tpu.memref_slice %arg12[%dma_start3A_85, %dma_start3A_86] : memref<10112x128xf32, #tpu.memory_space<vmem_shared>> -> memref<10112x128xf32, #tpu.memory_space<vmem_shared>>
            tpu.enqueue_indirect_dma source(%arg9 : memref<100x128xf32, #tpu.memory_space<vmem>>) target(%dma_start3A_87 : memref<10112x128xf32, #tpu.memory_space<vmem_shared>>) offsets(%dma_start3A_84 : memref<100xi32, #tpu.memory_space<vmem>>) semaphore(%run_scoped3A_81 : memref<!tpu.dma_semaphore, #tpu.memory_space<semaphore_mem>>) {add = true}
            %dma_wait3A_88 = arith.constant 0 : i32
            %dma_wait3A_89 = tpu.memref_slice %arg8[%scan3A_53, %dma_wait3A_88] : memref<40x100xi32, #tpu.memory_space<vmem>> -> memref<1x100xi32, #tpu.memory_space<vmem>>
            %dma_wait3A_90 = tpu.memref_squeeze %dma_wait3A_89 : memref<1x100xi32, #tpu.memory_space<vmem>> -> memref<100xi32, #tpu.memory_space<vmem>>
            %dma_wait3A_91 = arith.constant 0 : i32
            %dma_wait3A_92 = arith.constant 0 : i32
            %dma_wait3A_93 = tpu.memref_slice %arg12[%dma_wait3A_91, %dma_wait3A_92] : memref<10112x128xf32, #tpu.memory_space<vmem_shared>> -> memref<10112x128xf32, #tpu.memory_space<vmem_shared>>
            tpu.wait_indirect_dma semaphore(%run_scoped3A_81 : memref<!tpu.dma_semaphore, #tpu.memory_space<semaphore_mem>>) src(%arg9 : memref<100x128xf32, #tpu.memory_space<vmem>>) dst(%dma_wait3A_93 : memref<10112x128xf32, #tpu.memory_space<vmem_shared>>)
            tpu.yield
          }) : () -> ()
          %add3A_73 = arith.constant 2 : i32
          %add3A_74 = arith.addi %scan3A_53, %add3A_73 : i32
          %dma_start3A_75 = arith.constant 0 : i32
          %dma_start3A_76 = tpu.memref_slice %arg7[%add3A_74, %dma_start3A_75] : memref<40x100xi32, #tpu.memory_space<vmem>> -> memref<1x100xi32, #tpu.memory_space<vmem>>
          %dma_start3A_77 = tpu.memref_squeeze %dma_start3A_76 : memref<1x100xi32, #tpu.memory_space<vmem>> -> memref<100xi32, #tpu.memory_space<vmem>>
          %dma_start3A_78 = arith.constant 0 : i32
          %dma_start3A_79 = arith.constant 0 : i32
          %dma_start3A_80 = tpu.memref_slice %arg2[%dma_start3A_78, %dma_start3A_79] : memref<20000x128xf32, #tpu.memory_space<hbm>> -> memref<20000x128xf32, #tpu.memory_space<hbm>>
          tpu.enqueue_indirect_dma source(%dma_start3A_80 : memref<20000x128xf32, #tpu.memory_space<hbm>>) target(%arg11 : memref<100x128xf32, #tpu.memory_space<vmem>>) offsets(%dma_start3A_77 : memref<100xi32, #tpu.memory_space<vmem>>) semaphore(%arg15 : memref<!tpu.dma_semaphore, #tpu.memory_space<semaphore_mem>>)
        } else {
        }
        %eq3A_57 = arith.constant 1 : i32
        %eq3A_58 = arith.cmpi eq, %rem3A_54, %eq3A_57 : i32
        %convert_element_type3A_59 = arith.extui %eq3A_58 : i1 to i32
        %cond3A_60 = arith.constant 0 : i32
        %cond3A_61 = arith.cmpi ne, %convert_element_type3A_59, %cond3A_60 : i32
        scf.if %cond3A_61 {
          %dma_wait3A_67 = arith.constant 0 : i32
          %dma_wait3A_68 = tpu.memref_slice %arg7[%scan3A_53, %dma_wait3A_67] : memref<40x100xi32, #tpu.memory_space<vmem>> -> memref<1x100xi32, #tpu.memory_space<vmem>>
          %dma_wait3A_69 = tpu.memref_squeeze %dma_wait3A_68 : memref<1x100xi32, #tpu.memory_space<vmem>> -> memref<100xi32, #tpu.memory_space<vmem>>
          %dma_wait3A_70 = arith.constant 0 : i32
          %dma_wait3A_71 = arith.constant 0 : i32
          %dma_wait3A_72 = tpu.memref_slice %arg2[%dma_wait3A_70, %dma_wait3A_71] : memref<20000x128xf32, #tpu.memory_space<hbm>> -> memref<20000x128xf32, #tpu.memory_space<hbm>>
          tpu.wait_indirect_dma semaphore(%arg14 : memref<!tpu.dma_semaphore, #tpu.memory_space<semaphore_mem>>) src(%dma_wait3A_72 : memref<20000x128xf32, #tpu.memory_space<hbm>>) dst(%arg10 : memref<100x128xf32, #tpu.memory_space<vmem>>)
          "tpu.region"() ({
            %run_scoped3A_81 = tpu.sem_alloc : memref<!tpu.dma_semaphore, #tpu.memory_space<semaphore_mem>>
            %dma_start3A_82 = arith.constant 0 : i32
            %dma_start3A_83 = tpu.memref_slice %arg8[%scan3A_53, %dma_start3A_82] : memref<40x100xi32, #tpu.memory_space<vmem>> -> memref<1x100xi32, #tpu.memory_space<vmem>>
            %dma_start3A_84 = tpu.memref_squeeze %dma_start3A_83 : memref<1x100xi32, #tpu.memory_space<vmem>> -> memref<100xi32, #tpu.memory_space<vmem>>
            %dma_start3A_85 = arith.constant 0 : i32
            %dma_start3A_86 = arith.constant 0 : i32
            %dma_start3A_87 = tpu.memref_slice %arg12[%dma_start3A_85, %dma_start3A_86] : memref<10112x128xf32, #tpu.memory_space<vmem_shared>> -> memref<10112x128xf32, #tpu.memory_space<vmem_shared>>
            tpu.enqueue_indirect_dma source(%arg10 : memref<100x128xf32, #tpu.memory_space<vmem>>) target(%dma_start3A_87 : memref<10112x128xf32, #tpu.memory_space<vmem_shared>>) offsets(%dma_start3A_84 : memref<100xi32, #tpu.memory_space<vmem>>) semaphore(%run_scoped3A_81 : memref<!tpu.dma_semaphore, #tpu.memory_space<semaphore_mem>>) {add = true}
            %dma_wait3A_88 = arith.constant 0 : i32
            %dma_wait3A_89 = tpu.memref_slice %arg8[%scan3A_53, %dma_wait3A_88] : memref<40x100xi32, #tpu.memory_space<vmem>> -> memref<1x100xi32, #tpu.memory_space<vmem>>
            %dma_wait3A_90 = tpu.memref_squeeze %dma_wait3A_89 : memref<1x100xi32, #tpu.memory_space<vmem>> -> memref<100xi32, #tpu.memory_space<vmem>>
            %dma_wait3A_91 = arith.constant 0 : i32
            %dma_wait3A_92 = arith.constant 0 : i32
            %dma_wait3A_93 = tpu.memref_slice %arg12[%dma_wait3A_91, %dma_wait3A_92] : memref<10112x128xf32, #tpu.memory_space<vmem_shared>> -> memref<10112x128xf32, #tpu.memory_space<vmem_shared>>
            tpu.wait_indirect_dma semaphore(%run_scoped3A_81 : memref<!tpu.dma_semaphore, #tpu.memory_space<semaphore_mem>>) src(%arg10 : memref<100x128xf32, #tpu.memory_space<vmem>>) dst(%dma_wait3A_93 : memref<10112x128xf32, #tpu.memory_space<vmem_shared>>)
            tpu.yield
          }) : () -> ()
          %add3A_73 = arith.constant 2 : i32
          %add3A_74 = arith.addi %scan3A_53, %add3A_73 : i32
          %dma_start3A_75 = arith.constant 0 : i32
          %dma_start3A_76 = tpu.memref_slice %arg7[%add3A_74, %dma_start3A_75] : memref<40x100xi32, #tpu.memory_space<vmem>> -> memref<1x100xi32, #tpu.memory_space<vmem>>
          %dma_start3A_77 = tpu.memref_squeeze %dma_start3A_76 : memref<1x100xi32, #tpu.memory_space<vmem>> -> memref<100xi32, #tpu.memory_space<vmem>>
          %dma_start3A_78 = arith.constant 0 : i32
          %dma_start3A_79 = arith.constant 0 : i32
          %dma_start3A_80 = tpu.memref_slice %arg2[%dma_start3A_78, %dma_start3A_79] : memref<20000x128xf32, #tpu.memory_space<hbm>> -> memref<20000x128xf32, #tpu.memory_space<hbm>>
          tpu.enqueue_indirect_dma source(%dma_start3A_80 : memref<20000x128xf32, #tpu.memory_space<hbm>>) target(%arg9 : memref<100x128xf32, #tpu.memory_space<vmem>>) offsets(%dma_start3A_77 : memref<100xi32, #tpu.memory_space<vmem>>) semaphore(%arg13 : memref<!tpu.dma_semaphore, #tpu.memory_space<semaphore_mem>>)
        } else {
        }
        %eq3A_62 = arith.constant 2 : i32
        %eq3A_63 = arith.cmpi eq, %rem3A_54, %eq3A_62 : i32
        %convert_element_type3A_64 = arith.extui %eq3A_63 : i1 to i32
        %cond3A_65 = arith.constant 0 : i32
        %cond3A_66 = arith.cmpi ne, %convert_element_type3A_64, %cond3A_65 : i32
        scf.if %cond3A_66 {
          %dma_wait3A_67 = arith.constant 0 : i32
          %dma_wait3A_68 = tpu.memref_slice %arg7[%scan3A_53, %dma_wait3A_67] : memref<40x100xi32, #tpu.memory_space<vmem>> -> memref<1x100xi32, #tpu.memory_space<vmem>>
          %dma_wait3A_69 = tpu.memref_squeeze %dma_wait3A_68 : memref<1x100xi32, #tpu.memory_space<vmem>> -> memref<100xi32, #tpu.memory_space<vmem>>
          %dma_wait3A_70 = arith.constant 0 : i32
          %dma_wait3A_71 = arith.constant 0 : i32
          %dma_wait3A_72 = tpu.memref_slice %arg2[%dma_wait3A_70, %dma_wait3A_71] : memref<20000x128xf32, #tpu.memory_space<hbm>> -> memref<20000x128xf32, #tpu.memory_space<hbm>>
          tpu.wait_indirect_dma semaphore(%arg15 : memref<!tpu.dma_semaphore, #tpu.memory_space<semaphore_mem>>) src(%dma_wait3A_72 : memref<20000x128xf32, #tpu.memory_space<hbm>>) dst(%arg11 : memref<100x128xf32, #tpu.memory_space<vmem>>)
          "tpu.region"() ({
            %run_scoped3A_81 = tpu.sem_alloc : memref<!tpu.dma_semaphore, #tpu.memory_space<semaphore_mem>>
            %dma_start3A_82 = arith.constant 0 : i32
            %dma_start3A_83 = tpu.memref_slice %arg8[%scan3A_53, %dma_start3A_82] : memref<40x100xi32, #tpu.memory_space<vmem>> -> memref<1x100xi32, #tpu.memory_space<vmem>>
            %dma_start3A_84 = tpu.memref_squeeze %dma_start3A_83 : memref<1x100xi32, #tpu.memory_space<vmem>> -> memref<100xi32, #tpu.memory_space<vmem>>
            %dma_start3A_85 = arith.constant 0 : i32
            %dma_start3A_86 = arith.constant 0 : i32
            %dma_start3A_87 = tpu.memref_slice %arg12[%dma_start3A_85, %dma_start3A_86] : memref<10112x128xf32, #tpu.memory_space<vmem_shared>> -> memref<10112x128xf32, #tpu.memory_space<vmem_shared>>
            tpu.enqueue_indirect_dma source(%arg11 : memref<100x128xf32, #tpu.memory_space<vmem>>) target(%dma_start3A_87 : memref<10112x128xf32, #tpu.memory_space<vmem_shared>>) offsets(%dma_start3A_84 : memref<100xi32, #tpu.memory_space<vmem>>) semaphore(%run_scoped3A_81 : memref<!tpu.dma_semaphore, #tpu.memory_space<semaphore_mem>>) {add = true}
            %dma_wait3A_88 = arith.constant 0 : i32
            %dma_wait3A_89 = tpu.memref_slice %arg8[%scan3A_53, %dma_wait3A_88] : memref<40x100xi32, #tpu.memory_space<vmem>> -> memref<1x100xi32, #tpu.memory_space<vmem>>
            %dma_wait3A_90 = tpu.memref_squeeze %dma_wait3A_89 : memref<1x100xi32, #tpu.memory_space<vmem>> -> memref<100xi32, #tpu.memory_space<vmem>>
            %dma_wait3A_91 = arith.constant 0 : i32
            %dma_wait3A_92 = arith.constant 0 : i32
            %dma_wait3A_93 = tpu.memref_slice %arg12[%dma_wait3A_91, %dma_wait3A_92] : memref<10112x128xf32, #tpu.memory_space<vmem_shared>> -> memref<10112x128xf32, #tpu.memory_space<vmem_shared>>
            tpu.wait_indirect_dma semaphore(%run_scoped3A_81 : memref<!tpu.dma_semaphore, #tpu.memory_space<semaphore_mem>>) src(%arg11 : memref<100x128xf32, #tpu.memory_space<vmem>>) dst(%dma_wait3A_93 : memref<10112x128xf32, #tpu.memory_space<vmem_shared>>)
            tpu.yield
          }) : () -> ()
          %add3A_73 = arith.constant 2 : i32
          %add3A_74 = arith.addi %scan3A_53, %add3A_73 : i32
          %dma_start3A_75 = arith.constant 0 : i32
          %dma_start3A_76 = tpu.memref_slice %arg7[%add3A_74, %dma_start3A_75] : memref<40x100xi32, #tpu.memory_space<vmem>> -> memref<1x100xi32, #tpu.memory_space<vmem>>
          %dma_start3A_77 = tpu.memref_squeeze %dma_start3A_76 : memref<1x100xi32, #tpu.memory_space<vmem>> -> memref<100xi32, #tpu.memory_space<vmem>>
          %dma_start3A_78 = arith.constant 0 : i32
          %dma_start3A_79 = arith.constant 0 : i32
          %dma_start3A_80 = tpu.memref_slice %arg2[%dma_start3A_78, %dma_start3A_79] : memref<20000x128xf32, #tpu.memory_space<hbm>> -> memref<20000x128xf32, #tpu.memory_space<hbm>>
          tpu.enqueue_indirect_dma source(%dma_start3A_80 : memref<20000x128xf32, #tpu.memory_space<hbm>>) target(%arg10 : memref<100x128xf32, #tpu.memory_space<vmem>>) offsets(%dma_start3A_77 : memref<100xi32, #tpu.memory_space<vmem>>) semaphore(%arg14 : memref<!tpu.dma_semaphore, #tpu.memory_space<semaphore_mem>>)
        } else {
        }
      }
      %scan3A_38 = arith.constant 38 : i32
      %dma_wait3A = arith.constant 38 : i32
      %dma_wait3A_39 = arith.constant 0 : i32
      %dma_wait3A_40 = tpu.memref_slice %arg7[%dma_wait3A, %dma_wait3A_39] : memref<40x100xi32, #tpu.memory_space<vmem>> -> memref<1x100xi32, #tpu.memory_space<vmem>>
      %dma_wait3A_41 = tpu.memref_squeeze %dma_wait3A_40 : memref<1x100xi32, #tpu.memory_space<vmem>> -> memref<100xi32, #tpu.memory_space<vmem>>
      %dma_wait3A_42 = arith.constant 0 : i32
      %dma_wait3A_43 = arith.constant 0 : i32
      %dma_wait3A_44 = tpu.memref_slice %arg2[%dma_wait3A_42, %dma_wait3A_43] : memref<20000x128xf32, #tpu.memory_space<hbm>> -> memref<20000x128xf32, #tpu.memory_space<hbm>>
      tpu.wait_indirect_dma semaphore(%arg15 : memref<!tpu.dma_semaphore, #tpu.memory_space<semaphore_mem>>) src(%dma_wait3A_44 : memref<20000x128xf32, #tpu.memory_space<hbm>>) dst(%arg11 : memref<100x128xf32, #tpu.memory_space<vmem>>)
      %run_scoped3A = arith.constant 38 : i32
      "tpu.region"() ({
        %run_scoped3A_53 = tpu.sem_alloc : memref<!tpu.dma_semaphore, #tpu.memory_space<semaphore_mem>>
        %dma_start3A_54 = arith.constant 0 : i32
        %dma_start3A_55 = tpu.memref_slice %arg8[%run_scoped3A, %dma_start3A_54] : memref<40x100xi32, #tpu.memory_space<vmem>> -> memref<1x100xi32, #tpu.memory_space<vmem>>
        %dma_start3A_56 = tpu.memref_squeeze %dma_start3A_55 : memref<1x100xi32, #tpu.memory_space<vmem>> -> memref<100xi32, #tpu.memory_space<vmem>>
        %dma_start3A_57 = arith.constant 0 : i32
        %dma_start3A_58 = arith.constant 0 : i32
        %dma_start3A_59 = tpu.memref_slice %arg12[%dma_start3A_57, %dma_start3A_58] : memref<10112x128xf32, #tpu.memory_space<vmem_shared>> -> memref<10112x128xf32, #tpu.memory_space<vmem_shared>>
        tpu.enqueue_indirect_dma source(%arg11 : memref<100x128xf32, #tpu.memory_space<vmem>>) target(%dma_start3A_59 : memref<10112x128xf32, #tpu.memory_space<vmem_shared>>) offsets(%dma_start3A_56 : memref<100xi32, #tpu.memory_space<vmem>>) semaphore(%run_scoped3A_53 : memref<!tpu.dma_semaphore, #tpu.memory_space<semaphore_mem>>) {add = true}
        %dma_wait3A_60 = arith.constant 0 : i32
        %dma_wait3A_61 = tpu.memref_slice %arg8[%run_scoped3A, %dma_wait3A_60] : memref<40x100xi32, #tpu.memory_space<vmem>> -> memref<1x100xi32, #tpu.memory_space<vmem>>
        %dma_wait3A_62 = tpu.memref_squeeze %dma_wait3A_61 : memref<1x100xi32, #tpu.memory_space<vmem>> -> memref<100xi32, #tpu.memory_space<vmem>>
        %dma_wait3A_63 = arith.constant 0 : i32
        %dma_wait3A_64 = arith.constant 0 : i32
        %dma_wait3A_65 = tpu.memref_slice %arg12[%dma_wait3A_63, %dma_wait3A_64] : memref<10112x128xf32, #tpu.memory_space<vmem_shared>> -> memref<10112x128xf32, #tpu.memory_space<vmem_shared>>
        tpu.wait_indirect_dma semaphore(%run_scoped3A_53 : memref<!tpu.dma_semaphore, #tpu.memory_space<semaphore_mem>>) src(%arg11 : memref<100x128xf32, #tpu.memory_space<vmem>>) dst(%dma_wait3A_65 : memref<10112x128xf32, #tpu.memory_space<vmem_shared>>)
        tpu.yield
      }) : () -> ()
      %dma_wait3A_45 = arith.constant 39 : i32
      %dma_wait3A_46 = arith.constant 0 : i32
      %dma_wait3A_47 = tpu.memref_slice %arg7[%dma_wait3A_45, %dma_wait3A_46] : memref<40x100xi32, #tpu.memory_space<vmem>> -> memref<1x100xi32, #tpu.memory_space<vmem>>
      %dma_wait3A_48 = tpu.memref_squeeze %dma_wait3A_47 : memref<1x100xi32, #tpu.memory_space<vmem>> -> memref<100xi32, #tpu.memory_space<vmem>>
      %dma_wait3A_49 = arith.constant 0 : i32
      %dma_wait3A_50 = arith.constant 0 : i32
      %dma_wait3A_51 = tpu.memref_slice %arg2[%dma_wait3A_49, %dma_wait3A_50] : memref<20000x128xf32, #tpu.memory_space<hbm>> -> memref<20000x128xf32, #tpu.memory_space<hbm>>
      tpu.wait_indirect_dma semaphore(%arg13 : memref<!tpu.dma_semaphore, #tpu.memory_space<semaphore_mem>>) src(%dma_wait3A_51 : memref<20000x128xf32, #tpu.memory_space<hbm>>) dst(%arg9 : memref<100x128xf32, #tpu.memory_space<vmem>>)
      %run_scoped3A_52 = arith.constant 39 : i32
      "tpu.region"() ({
        %run_scoped3A_53 = tpu.sem_alloc : memref<!tpu.dma_semaphore, #tpu.memory_space<semaphore_mem>>
        %dma_start3A_54 = arith.constant 0 : i32
        %dma_start3A_55 = tpu.memref_slice %arg8[%run_scoped3A_52, %dma_start3A_54] : memref<40x100xi32, #tpu.memory_space<vmem>> -> memref<1x100xi32, #tpu.memory_space<vmem>>
        %dma_start3A_56 = tpu.memref_squeeze %dma_start3A_55 : memref<1x100xi32, #tpu.memory_space<vmem>> -> memref<100xi32, #tpu.memory_space<vmem>>
        %dma_start3A_57 = arith.constant 0 : i32
        %dma_start3A_58 = arith.constant 0 : i32
        %dma_start3A_59 = tpu.memref_slice %arg12[%dma_start3A_57, %dma_start3A_58] : memref<10112x128xf32, #tpu.memory_space<vmem_shared>> -> memref<10112x128xf32, #tpu.memory_space<vmem_shared>>
        tpu.enqueue_indirect_dma source(%arg9 : memref<100x128xf32, #tpu.memory_space<vmem>>) target(%dma_start3A_59 : memref<10112x128xf32, #tpu.memory_space<vmem_shared>>) offsets(%dma_start3A_56 : memref<100xi32, #tpu.memory_space<vmem>>) semaphore(%run_scoped3A_53 : memref<!tpu.dma_semaphore, #tpu.memory_space<semaphore_mem>>) {add = true}
        %dma_wait3A_60 = arith.constant 0 : i32
        %dma_wait3A_61 = tpu.memref_slice %arg8[%run_scoped3A_52, %dma_wait3A_60] : memref<40x100xi32, #tpu.memory_space<vmem>> -> memref<1x100xi32, #tpu.memory_space<vmem>>
        %dma_wait3A_62 = tpu.memref_squeeze %dma_wait3A_61 : memref<1x100xi32, #tpu.memory_space<vmem>> -> memref<100xi32, #tpu.memory_space<vmem>>
        %dma_wait3A_63 = arith.constant 0 : i32
        %dma_wait3A_64 = arith.constant 0 : i32
        %dma_wait3A_65 = tpu.memref_slice %arg12[%dma_wait3A_63, %dma_wait3A_64] : memref<10112x128xf32, #tpu.memory_space<vmem_shared>> -> memref<10112x128xf32, #tpu.memory_space<vmem_shared>>
        tpu.wait_indirect_dma semaphore(%run_scoped3A_53 : memref<!tpu.dma_semaphore, #tpu.memory_space<semaphore_mem>>) src(%arg9 : memref<100x128xf32, #tpu.memory_space<vmem>>) dst(%dma_wait3A_65 : memref<10112x128xf32, #tpu.memory_space<vmem_shared>>)
        tpu.yield
      }) : () -> ()
    }
    %scan3A_5 = arith.constant 5 : i32
    %barrier3A_6 = arith.constant 0 : index
    tpu.barrier barrier_id(%barrier3A_6)
    %mul3A_7 = arith.constant 632 : i32
    %mul3A_8 = arith.muli %arg1, %mul3A_7 : i32
    %mul3A_9 = arith.constant 632 : i32
    %mul3A_10 = arith.muli %arg1, %mul3A_9 : i32
    "tpu.region"() ({
      %run_scoped3A = tpu.sem_alloc : memref<!tpu.dma_semaphore, #tpu.memory_space<semaphore_mem>>
      %dma_start3A = arith.constant 0 : i32
      %dma_start3A_11 = tpu.memref_slice %arg6[%arg0, %mul3A_10, %dma_start3A] : memref<2x10112x128xf32, #tpu.memory_space<hbm>> -> memref<1x632x128xf32, #tpu.memory_space<hbm>>
      %dma_start3A_12 = tpu.memref_squeeze %dma_start3A_11 : memref<1x632x128xf32, #tpu.memory_space<hbm>> -> memref<632x128xf32, #tpu.memory_space<hbm>>
      %dma_start3A_13 = arith.constant 0 : i32
      %dma_start3A_14 = tpu.memref_slice %arg12[%mul3A_8, %dma_start3A_13] : memref<10112x128xf32, #tpu.memory_space<vmem_shared>> -> memref<632x128xf32, #tpu.memory_space<vmem_shared>>
      tpu.enqueue_dma source(%dma_start3A_14 : memref<632x128xf32, #tpu.memory_space<vmem_shared>>) target(%dma_start3A_12 : memref<632x128xf32, #tpu.memory_space<hbm>>) target_semaphore(%run_scoped3A : memref<!tpu.dma_semaphore, #tpu.memory_space<semaphore_mem>>)
      %dma_wait3A = arith.constant 0 : i32
      %dma_wait3A_15 = tpu.memref_slice %arg6[%arg0, %mul3A_10, %dma_wait3A] : memref<2x10112x128xf32, #tpu.memory_space<hbm>> -> memref<1x632x128xf32, #tpu.memory_space<hbm>>
      %dma_wait3A_16 = tpu.memref_squeeze %dma_wait3A_15 : memref<1x632x128xf32, #tpu.memory_space<hbm>> -> memref<632x128xf32, #tpu.memory_space<hbm>>
      %dma_wait3A_17 = arith.constant 0 : i32
      %dma_wait3A_18 = tpu.memref_slice %arg12[%mul3A_8, %dma_wait3A_17] : memref<10112x128xf32, #tpu.memory_space<vmem_shared>> -> memref<632x128xf32, #tpu.memory_space<vmem_shared>>
      tpu.wait_dma2 semaphore(%run_scoped3A : memref<!tpu.dma_semaphore, #tpu.memory_space<semaphore_mem>>) src(%dma_wait3A_18 : memref<632x128xf32, #tpu.memory_space<vmem_shared>>) dst(%dma_wait3A_16 : memref<632x128xf32, #tpu.memory_space<hbm>>)
      tpu.yield
    }) : () -> ()
    return
  }
}

#map = affine_map<(d0, d1) -> (0, 0)>
#map1 = affine_map<(d0, d1) -> (0, 0, 0)>
module attributes {stable_mosaic.version = 14 : i64} {
  func.func @_sc_scatter_body(%arg0: i32, %arg1: i32, %arg2: memref<20000x128xf32, #tpu.memory_space<hbm>>, %arg3: memref<2x3200x100xi32, #tpu.memory_space<hbm>>, %arg4: memref<3200x100xi32, #tpu.memory_space<hbm>>, %arg5: memref<632x128xf32, #tpu.memory_space<hbm>>, %arg6: memref<2x10112x128xf32, #tpu.memory_space<hbm>>, %arg7: memref<40x100xi32, #tpu.memory_space<vmem>>, %arg8: memref<40x100xi32, #tpu.memory_space<vmem>>, %arg9: memref<100x128xf32, #tpu.memory_space<vmem>>, %arg10: memref<100x128xf32, #tpu.memory_space<vmem>>, %arg11: memref<100x128xf32, #tpu.memory_space<vmem>>, %arg12: memref<10112x128xf32, #tpu.memory_space<vmem_shared>>, %arg13: memref<!tpu.dma_semaphore, #tpu.memory_space<semaphore_mem>>, %arg14: memref<!tpu.dma_semaphore, #tpu.memory_space<semaphore_mem>>, %arg15: memref<!tpu.dma_semaphore, #tpu.memory_space<semaphore_mem>>) attributes {dimension_semantics = [#tpu.dimension_semantics<core_parallel>, #tpu.dimension_semantics<subcore_parallel>], iteration_bounds = array<i64: 2, 16>, scalar_prefetch = 0 : i64, scratch_operands = 9 : i64, tpu.core_type = #tpu.core_type<sc_vector_subcore>, window_params = [{transform_indices = #map}, {transform_indices = #map1}, {transform_indices = #map}, {transform_indices = #map}, {transform_indices = #map1}]} {
    %mul3A = arith.constant 632 : i32
    %mul3A_0 = arith.muli %arg1, %mul3A : i32
    "tpu.region"() ({
      %run_scoped3A = tpu.sem_alloc : memref<!tpu.dma_semaphore, #tpu.memory_space<semaphore_mem>>
      %dma_start3A = arith.constant 0 : i32
      %dma_start3A_11 = tpu.memref_slice %arg12[%mul3A_0, %dma_start3A] : memref<10112x128xf32, #tpu.memory_space<vmem_shared>> -> memref<632x128xf32, #tpu.memory_space<vmem_shared>>
      tpu.enqueue_dma source(%arg5 : memref<632x128xf32, #tpu.memory_space<hbm>>) target(%dma_start3A_11 : memref<632x128xf32, #tpu.memory_space<vmem_shared>>) target_semaphore(%run_scoped3A : memref<!tpu.dma_semaphore, #tpu.memory_space<semaphore_mem>>)
      %dma_wait3A = arith.constant 0 : i32
      %dma_wait3A_12 = tpu.memref_slice %arg12[%mul3A_0, %dma_wait3A] : memref<10112x128xf32, #tpu.memory_space<vmem_shared>> -> memref<632x128xf32, #tpu.memory_space<vmem_shared>>
      tpu.wait_dma2 semaphore(%run_scoped3A : memref<!tpu.dma_semaphore, #tpu.memory_space<semaphore_mem>>) src(%arg5 : memref<632x128xf32, #tpu.memory_space<hbm>>) dst(%dma_wait3A_12 : memref<632x128xf32, #tpu.memory_space<vmem_shared>>)
      tpu.yield
    }) : () -> ()
    %barrier3A = arith.constant 0 : index
    tpu.barrier barrier_id(%barrier3A)
    %scan3A = arith.constant 0 : i32
    %scan3A_1 = arith.constant 0 : i32
    %scan3A_2 = arith.constant 5 : i32
    %scan3A_3 = arith.addi %scan3A_1, %scan3A_2 : i32
    %scan3A_4 = arith.constant 1 : i32
    scf.for %scan3A_11 = %scan3A_1 to %scan3A_3 step %scan3A_4  : i32 {
      %mul3A_12 = arith.constant 200 : i32
      %mul3A_13 = arith.muli %arg1, %mul3A_12 : i32
      %mul3A_14 = arith.constant 40 : i32
      %mul3A_15 = arith.muli %scan3A_11, %mul3A_14 : i32
      %add3A = arith.addi %mul3A_13, %mul3A_15 : i32
      "tpu.region"() ({
        %run_scoped3A_53 = tpu.sem_alloc : memref<!tpu.dma_semaphore, #tpu.memory_space<semaphore_mem>>
        %dma_start3A_54 = arith.constant 0 : i32
        %dma_start3A_55 = tpu.memref_slice %arg3[%arg0, %add3A, %dma_start3A_54] : memref<2x3200x100xi32, #tpu.memory_space<hbm>> -> memref<1x40x100xi32, #tpu.memory_space<hbm>>
        %dma_start3A_56 = tpu.memref_squeeze %dma_start3A_55 : memref<1x40x100xi32, #tpu.memory_space<hbm>> -> memref<40x100xi32, #tpu.memory_space<hbm>>
        %dma_start3A_57 = arith.constant 0 : i32
        %dma_start3A_58 = tpu.memref_slice %arg3[%arg0, %add3A, %dma_start3A_57] : memref<2x3200x100xi32, #tpu.memory_space<hbm>> -> memref<1x40x100xi32, #tpu.memory_space<hbm>>
        %dma_start3A_59 = tpu.memref_squeeze %dma_start3A_58 : memref<1x40x100xi32, #tpu.memory_space<hbm>> -> memref<40x100xi32, #tpu.memory_space<hbm>>
        tpu.enqueue_dma source(%dma_start3A_59 : memref<40x100xi32, #tpu.memory_space<hbm>>) target(%arg7 : memref<40x100xi32, #tpu.memory_space<vmem>>) target_semaphore(%run_scoped3A_53 : memref<!tpu.dma_semaphore, #tpu.memory_space<semaphore_mem>>)
        %dma_wait3A_60 = arith.constant 0 : i32
        %dma_wait3A_61 = tpu.memref_slice %arg3[%arg0, %add3A, %dma_wait3A_60] : memref<2x3200x100xi32, #tpu.memory_space<hbm>> -> memref<1x40x100xi32, #tpu.memory_space<hbm>>
        %dma_wait3A_62 = tpu.memref_squeeze %dma_wait3A_61 : memref<1x40x100xi32, #tpu.memory_space<hbm>> -> memref<40x100xi32, #tpu.memory_space<hbm>>
        %dma_wait3A_63 = arith.constant 0 : i32
        %dma_wait3A_64 = tpu.memref_slice %arg3[%arg0, %add3A, %dma_wait3A_63] : memref<2x3200x100xi32, #tpu.memory_space<hbm>> -> memref<1x40x100xi32, #tpu.memory_space<hbm>>
        %dma_wait3A_65 = tpu.memref_squeeze %dma_wait3A_64 : memref<1x40x100xi32, #tpu.memory_space<hbm>> -> memref<40x100xi32, #tpu.memory_space<hbm>>
        tpu.wait_dma2 semaphore(%run_scoped3A_53 : memref<!tpu.dma_semaphore, #tpu.memory_space<semaphore_mem>>) src(%dma_wait3A_65 : memref<40x100xi32, #tpu.memory_space<hbm>>) dst(%arg7 : memref<40x100xi32, #tpu.memory_space<vmem>>)
        tpu.yield
      }) : () -> ()
      %mul3A_16 = arith.constant 200 : i32
      %mul3A_17 = arith.muli %arg1, %mul3A_16 : i32
      %mul3A_18 = arith.constant 40 : i32
      %mul3A_19 = arith.muli %scan3A_11, %mul3A_18 : i32
      %add3A_20 = arith.addi %mul3A_17, %mul3A_19 : i32
      "tpu.region"() ({
        %run_scoped3A_53 = tpu.sem_alloc : memref<!tpu.dma_semaphore, #tpu.memory_space<semaphore_mem>>
        %dma_start3A_54 = arith.constant 0 : i32
        %dma_start3A_55 = tpu.memref_slice %arg4[%add3A_20, %dma_start3A_54] : memref<3200x100xi32, #tpu.memory_space<hbm>> -> memref<40x100xi32, #tpu.memory_space<hbm>>
        %dma_start3A_56 = arith.constant 0 : i32
        %dma_start3A_57 = tpu.memref_slice %arg4[%add3A_20, %dma_start3A_56] : memref<3200x100xi32, #tpu.memory_space<hbm>> -> memref<40x100xi32, #tpu.memory_space<hbm>>
        tpu.enqueue_dma source(%dma_start3A_57 : memref<40x100xi32, #tpu.memory_space<hbm>>) target(%arg8 : memref<40x100xi32, #tpu.memory_space<vmem>>) target_semaphore(%run_scoped3A_53 : memref<!tpu.dma_semaphore, #tpu.memory_space<semaphore_mem>>)
        %dma_wait3A_58 = arith.constant 0 : i32
        %dma_wait3A_59 = tpu.memref_slice %arg4[%add3A_20, %dma_wait3A_58] : memref<3200x100xi32, #tpu.memory_space<hbm>> -> memref<40x100xi32, #tpu.memory_space<hbm>>
        %dma_wait3A_60 = arith.constant 0 : i32
        %dma_wait3A_61 = tpu.memref_slice %arg4[%add3A_20, %dma_wait3A_60] : memref<3200x100xi32, #tpu.memory_space<hbm>> -> memref<40x100xi32, #tpu.memory_space<hbm>>
        tpu.wait_dma2 semaphore(%run_scoped3A_53 : memref<!tpu.dma_semaphore, #tpu.memory_space<semaphore_mem>>) src(%dma_wait3A_61 : memref<40x100xi32, #tpu.memory_space<hbm>>) dst(%arg8 : memref<40x100xi32, #tpu.memory_space<vmem>>)
        tpu.yield
      }) : () -> ()
      %dma_start3A = arith.constant 0 : i32
      %dma_start3A_21 = arith.constant 0 : i32
      %dma_start3A_22 = tpu.memref_slice %arg7[%dma_start3A, %dma_start3A_21] : memref<40x100xi32, #tpu.memory_space<vmem>> -> memref<1x100xi32, #tpu.memory_space<vmem>>
      %dma_start3A_23 = tpu.memref_squeeze %dma_start3A_22 : memref<1x100xi32, #tpu.memory_space<vmem>> -> memref<100xi32, #tpu.memory_space<vmem>>
      %dma_start3A_24 = arith.constant 0 : i32
      %dma_start3A_25 = arith.constant 0 : i32
      %dma_start3A_26 = tpu.memref_slice %arg2[%dma_start3A_24, %dma_start3A_25] : memref<20000x128xf32, #tpu.memory_space<hbm>> -> memref<20000x128xf32, #tpu.memory_space<hbm>>
      tpu.enqueue_indirect_dma source(%dma_start3A_26 : memref<20000x128xf32, #tpu.memory_space<hbm>>) target(%arg9 : memref<100x128xf32, #tpu.memory_space<vmem>>) offsets(%dma_start3A_23 : memref<100xi32, #tpu.memory_space<vmem>>) semaphore(%arg13 : memref<!tpu.dma_semaphore, #tpu.memory_space<semaphore_mem>>)
      %dma_start3A_27 = arith.constant 1 : i32
      %dma_start3A_28 = arith.constant 0 : i32
      %dma_start3A_29 = tpu.memref_slice %arg7[%dma_start3A_27, %dma_start3A_28] : memref<40x100xi32, #tpu.memory_space<vmem>> -> memref<1x100xi32, #tpu.memory_space<vmem>>
      %dma_start3A_30 = tpu.memref_squeeze %dma_start3A_29 : memref<1x100xi32, #tpu.memory_space<vmem>> -> memref<100xi32, #tpu.memory_space<vmem>>
      %dma_start3A_31 = arith.constant 0 : i32
      %dma_start3A_32 = arith.constant 0 : i32
      %dma_start3A_33 = tpu.memref_slice %arg2[%dma_start3A_31, %dma_start3A_32] : memref<20000x128xf32, #tpu.memory_space<hbm>> -> memref<20000x128xf32, #tpu.memory_space<hbm>>
      tpu.enqueue_indirect_dma source(%dma_start3A_33 : memref<20000x128xf32, #tpu.memory_space<hbm>>) target(%arg10 : memref<100x128xf32, #tpu.memory_space<vmem>>) offsets(%dma_start3A_30 : memref<100xi32, #tpu.memory_space<vmem>>) semaphore(%arg14 : memref<!tpu.dma_semaphore, #tpu.memory_space<semaphore_mem>>)
      %scan3A_34 = arith.constant 0 : i32
      %scan3A_35 = arith.constant 38 : i32
      %scan3A_36 = arith.addi %scan3A_34, %scan3A_35 : i32
      %scan3A_37 = arith.constant 1 : i32
      scf.for %scan3A_53 = %scan3A_34 to %scan3A_36 step %scan3A_37  : i32 {
        %rem3A = arith.constant 3 : i32
        %rem3A_54 = arith.remsi %scan3A_53, %rem3A : i32
        %eq3A = arith.constant 0 : i32
        %eq3A_55 = arith.cmpi eq, %rem3A_54, %eq3A : i32
        %convert_element_type3A = arith.extui %eq3A_55 : i1 to i32
        %cond3A = arith.constant 0 : i32
        %cond3A_56 = arith.cmpi ne, %convert_element_type3A, %cond3A : i32
        scf.if %cond3A_56 {
          %dma_wait3A_67 = arith.constant 0 : i32
          %dma_wait3A_68 = tpu.memref_slice %arg7[%scan3A_53, %dma_wait3A_67] : memref<40x100xi32, #tpu.memory_space<vmem>> -> memref<1x100xi32, #tpu.memory_space<vmem>>
          %dma_wait3A_69 = tpu.memref_squeeze %dma_wait3A_68 : memref<1x100xi32, #tpu.memory_space<vmem>> -> memref<100xi32, #tpu.memory_space<vmem>>
          %dma_wait3A_70 = arith.constant 0 : i32
          %dma_wait3A_71 = arith.constant 0 : i32
          %dma_wait3A_72 = tpu.memref_slice %arg2[%dma_wait3A_70, %dma_wait3A_71] : memref<20000x128xf32, #tpu.memory_space<hbm>> -> memref<20000x128xf32, #tpu.memory_space<hbm>>
          tpu.wait_indirect_dma semaphore(%arg13 : memref<!tpu.dma_semaphore, #tpu.memory_space<semaphore_mem>>) src(%dma_wait3A_72 : memref<20000x128xf32, #tpu.memory_space<hbm>>) dst(%arg9 : memref<100x128xf32, #tpu.memory_space<vmem>>)
          "tpu.region"() ({
            %run_scoped3A_81 = tpu.sem_alloc : memref<!tpu.dma_semaphore, #tpu.memory_space<semaphore_mem>>
            %dma_start3A_82 = arith.constant 0 : i32
            %dma_start3A_83 = tpu.memref_slice %arg8[%scan3A_53, %dma_start3A_82] : memref<40x100xi32, #tpu.memory_space<vmem>> -> memref<1x100xi32, #tpu.memory_space<vmem>>
            %dma_start3A_84 = tpu.memref_squeeze %dma_start3A_83 : memref<1x100xi32, #tpu.memory_space<vmem>> -> memref<100xi32, #tpu.memory_space<vmem>>
            %dma_start3A_85 = arith.constant 0 : i32
            %dma_start3A_86 = arith.constant 0 : i32
            %dma_start3A_87 = tpu.memref_slice %arg12[%dma_start3A_85, %dma_start3A_86] : memref<10112x128xf32, #tpu.memory_space<vmem_shared>> -> memref<10112x128xf32, #tpu.memory_space<vmem_shared>>
            tpu.enqueue_indirect_dma source(%arg9 : memref<100x128xf32, #tpu.memory_space<vmem>>) target(%dma_start3A_87 : memref<10112x128xf32, #tpu.memory_space<vmem_shared>>) offsets(%dma_start3A_84 : memref<100xi32, #tpu.memory_space<vmem>>) semaphore(%run_scoped3A_81 : memref<!tpu.dma_semaphore, #tpu.memory_space<semaphore_mem>>) {add = true}
            %dma_wait3A_88 = arith.constant 0 : i32
            %dma_wait3A_89 = tpu.memref_slice %arg8[%scan3A_53, %dma_wait3A_88] : memref<40x100xi32, #tpu.memory_space<vmem>> -> memref<1x100xi32, #tpu.memory_space<vmem>>
            %dma_wait3A_90 = tpu.memref_squeeze %dma_wait3A_89 : memref<1x100xi32, #tpu.memory_space<vmem>> -> memref<100xi32, #tpu.memory_space<vmem>>
            %dma_wait3A_91 = arith.constant 0 : i32
            %dma_wait3A_92 = arith.constant 0 : i32
            %dma_wait3A_93 = tpu.memref_slice %arg12[%dma_wait3A_91, %dma_wait3A_92] : memref<10112x128xf32, #tpu.memory_space<vmem_shared>> -> memref<10112x128xf32, #tpu.memory_space<vmem_shared>>
            tpu.wait_indirect_dma semaphore(%run_scoped3A_81 : memref<!tpu.dma_semaphore, #tpu.memory_space<semaphore_mem>>) src(%arg9 : memref<100x128xf32, #tpu.memory_space<vmem>>) dst(%dma_wait3A_93 : memref<10112x128xf32, #tpu.memory_space<vmem_shared>>)
            tpu.yield
          }) : () -> ()
          %add3A_73 = arith.constant 2 : i32
          %add3A_74 = arith.addi %scan3A_53, %add3A_73 : i32
          %dma_start3A_75 = arith.constant 0 : i32
          %dma_start3A_76 = tpu.memref_slice %arg7[%add3A_74, %dma_start3A_75] : memref<40x100xi32, #tpu.memory_space<vmem>> -> memref<1x100xi32, #tpu.memory_space<vmem>>
          %dma_start3A_77 = tpu.memref_squeeze %dma_start3A_76 : memref<1x100xi32, #tpu.memory_space<vmem>> -> memref<100xi32, #tpu.memory_space<vmem>>
          %dma_start3A_78 = arith.constant 0 : i32
          %dma_start3A_79 = arith.constant 0 : i32
          %dma_start3A_80 = tpu.memref_slice %arg2[%dma_start3A_78, %dma_start3A_79] : memref<20000x128xf32, #tpu.memory_space<hbm>> -> memref<20000x128xf32, #tpu.memory_space<hbm>>
          tpu.enqueue_indirect_dma source(%dma_start3A_80 : memref<20000x128xf32, #tpu.memory_space<hbm>>) target(%arg11 : memref<100x128xf32, #tpu.memory_space<vmem>>) offsets(%dma_start3A_77 : memref<100xi32, #tpu.memory_space<vmem>>) semaphore(%arg15 : memref<!tpu.dma_semaphore, #tpu.memory_space<semaphore_mem>>)
        } else {
        }
        %eq3A_57 = arith.constant 1 : i32
        %eq3A_58 = arith.cmpi eq, %rem3A_54, %eq3A_57 : i32
        %convert_element_type3A_59 = arith.extui %eq3A_58 : i1 to i32
        %cond3A_60 = arith.constant 0 : i32
        %cond3A_61 = arith.cmpi ne, %convert_element_type3A_59, %cond3A_60 : i32
        scf.if %cond3A_61 {
          %dma_wait3A_67 = arith.constant 0 : i32
          %dma_wait3A_68 = tpu.memref_slice %arg7[%scan3A_53, %dma_wait3A_67] : memref<40x100xi32, #tpu.memory_space<vmem>> -> memref<1x100xi32, #tpu.memory_space<vmem>>
          %dma_wait3A_69 = tpu.memref_squeeze %dma_wait3A_68 : memref<1x100xi32, #tpu.memory_space<vmem>> -> memref<100xi32, #tpu.memory_space<vmem>>
          %dma_wait3A_70 = arith.constant 0 : i32
          %dma_wait3A_71 = arith.constant 0 : i32
          %dma_wait3A_72 = tpu.memref_slice %arg2[%dma_wait3A_70, %dma_wait3A_71] : memref<20000x128xf32, #tpu.memory_space<hbm>> -> memref<20000x128xf32, #tpu.memory_space<hbm>>
          tpu.wait_indirect_dma semaphore(%arg14 : memref<!tpu.dma_semaphore, #tpu.memory_space<semaphore_mem>>) src(%dma_wait3A_72 : memref<20000x128xf32, #tpu.memory_space<hbm>>) dst(%arg10 : memref<100x128xf32, #tpu.memory_space<vmem>>)
          "tpu.region"() ({
            %run_scoped3A_81 = tpu.sem_alloc : memref<!tpu.dma_semaphore, #tpu.memory_space<semaphore_mem>>
            %dma_start3A_82 = arith.constant 0 : i32
            %dma_start3A_83 = tpu.memref_slice %arg8[%scan3A_53, %dma_start3A_82] : memref<40x100xi32, #tpu.memory_space<vmem>> -> memref<1x100xi32, #tpu.memory_space<vmem>>
            %dma_start3A_84 = tpu.memref_squeeze %dma_start3A_83 : memref<1x100xi32, #tpu.memory_space<vmem>> -> memref<100xi32, #tpu.memory_space<vmem>>
            %dma_start3A_85 = arith.constant 0 : i32
            %dma_start3A_86 = arith.constant 0 : i32
            %dma_start3A_87 = tpu.memref_slice %arg12[%dma_start3A_85, %dma_start3A_86] : memref<10112x128xf32, #tpu.memory_space<vmem_shared>> -> memref<10112x128xf32, #tpu.memory_space<vmem_shared>>
            tpu.enqueue_indirect_dma source(%arg10 : memref<100x128xf32, #tpu.memory_space<vmem>>) target(%dma_start3A_87 : memref<10112x128xf32, #tpu.memory_space<vmem_shared>>) offsets(%dma_start3A_84 : memref<100xi32, #tpu.memory_space<vmem>>) semaphore(%run_scoped3A_81 : memref<!tpu.dma_semaphore, #tpu.memory_space<semaphore_mem>>) {add = true}
            %dma_wait3A_88 = arith.constant 0 : i32
            %dma_wait3A_89 = tpu.memref_slice %arg8[%scan3A_53, %dma_wait3A_88] : memref<40x100xi32, #tpu.memory_space<vmem>> -> memref<1x100xi32, #tpu.memory_space<vmem>>
            %dma_wait3A_90 = tpu.memref_squeeze %dma_wait3A_89 : memref<1x100xi32, #tpu.memory_space<vmem>> -> memref<100xi32, #tpu.memory_space<vmem>>
            %dma_wait3A_91 = arith.constant 0 : i32
            %dma_wait3A_92 = arith.constant 0 : i32
            %dma_wait3A_93 = tpu.memref_slice %arg12[%dma_wait3A_91, %dma_wait3A_92] : memref<10112x128xf32, #tpu.memory_space<vmem_shared>> -> memref<10112x128xf32, #tpu.memory_space<vmem_shared>>
            tpu.wait_indirect_dma semaphore(%run_scoped3A_81 : memref<!tpu.dma_semaphore, #tpu.memory_space<semaphore_mem>>) src(%arg10 : memref<100x128xf32, #tpu.memory_space<vmem>>) dst(%dma_wait3A_93 : memref<10112x128xf32, #tpu.memory_space<vmem_shared>>)
            tpu.yield
          }) : () -> ()
          %add3A_73 = arith.constant 2 : i32
          %add3A_74 = arith.addi %scan3A_53, %add3A_73 : i32
          %dma_start3A_75 = arith.constant 0 : i32
          %dma_start3A_76 = tpu.memref_slice %arg7[%add3A_74, %dma_start3A_75] : memref<40x100xi32, #tpu.memory_space<vmem>> -> memref<1x100xi32, #tpu.memory_space<vmem>>
          %dma_start3A_77 = tpu.memref_squeeze %dma_start3A_76 : memref<1x100xi32, #tpu.memory_space<vmem>> -> memref<100xi32, #tpu.memory_space<vmem>>
          %dma_start3A_78 = arith.constant 0 : i32
          %dma_start3A_79 = arith.constant 0 : i32
          %dma_start3A_80 = tpu.memref_slice %arg2[%dma_start3A_78, %dma_start3A_79] : memref<20000x128xf32, #tpu.memory_space<hbm>> -> memref<20000x128xf32, #tpu.memory_space<hbm>>
          tpu.enqueue_indirect_dma source(%dma_start3A_80 : memref<20000x128xf32, #tpu.memory_space<hbm>>) target(%arg9 : memref<100x128xf32, #tpu.memory_space<vmem>>) offsets(%dma_start3A_77 : memref<100xi32, #tpu.memory_space<vmem>>) semaphore(%arg13 : memref<!tpu.dma_semaphore, #tpu.memory_space<semaphore_mem>>)
        } else {
        }
        %eq3A_62 = arith.constant 2 : i32
        %eq3A_63 = arith.cmpi eq, %rem3A_54, %eq3A_62 : i32
        %convert_element_type3A_64 = arith.extui %eq3A_63 : i1 to i32
        %cond3A_65 = arith.constant 0 : i32
        %cond3A_66 = arith.cmpi ne, %convert_element_type3A_64, %cond3A_65 : i32
        scf.if %cond3A_66 {
          %dma_wait3A_67 = arith.constant 0 : i32
          %dma_wait3A_68 = tpu.memref_slice %arg7[%scan3A_53, %dma_wait3A_67] : memref<40x100xi32, #tpu.memory_space<vmem>> -> memref<1x100xi32, #tpu.memory_space<vmem>>
          %dma_wait3A_69 = tpu.memref_squeeze %dma_wait3A_68 : memref<1x100xi32, #tpu.memory_space<vmem>> -> memref<100xi32, #tpu.memory_space<vmem>>
          %dma_wait3A_70 = arith.constant 0 : i32
          %dma_wait3A_71 = arith.constant 0 : i32
          %dma_wait3A_72 = tpu.memref_slice %arg2[%dma_wait3A_70, %dma_wait3A_71] : memref<20000x128xf32, #tpu.memory_space<hbm>> -> memref<20000x128xf32, #tpu.memory_space<hbm>>
          tpu.wait_indirect_dma semaphore(%arg15 : memref<!tpu.dma_semaphore, #tpu.memory_space<semaphore_mem>>) src(%dma_wait3A_72 : memref<20000x128xf32, #tpu.memory_space<hbm>>) dst(%arg11 : memref<100x128xf32, #tpu.memory_space<vmem>>)
          "tpu.region"() ({
            %run_scoped3A_81 = tpu.sem_alloc : memref<!tpu.dma_semaphore, #tpu.memory_space<semaphore_mem>>
            %dma_start3A_82 = arith.constant 0 : i32
            %dma_start3A_83 = tpu.memref_slice %arg8[%scan3A_53, %dma_start3A_82] : memref<40x100xi32, #tpu.memory_space<vmem>> -> memref<1x100xi32, #tpu.memory_space<vmem>>
            %dma_start3A_84 = tpu.memref_squeeze %dma_start3A_83 : memref<1x100xi32, #tpu.memory_space<vmem>> -> memref<100xi32, #tpu.memory_space<vmem>>
            %dma_start3A_85 = arith.constant 0 : i32
            %dma_start3A_86 = arith.constant 0 : i32
            %dma_start3A_87 = tpu.memref_slice %arg12[%dma_start3A_85, %dma_start3A_86] : memref<10112x128xf32, #tpu.memory_space<vmem_shared>> -> memref<10112x128xf32, #tpu.memory_space<vmem_shared>>
            tpu.enqueue_indirect_dma source(%arg11 : memref<100x128xf32, #tpu.memory_space<vmem>>) target(%dma_start3A_87 : memref<10112x128xf32, #tpu.memory_space<vmem_shared>>) offsets(%dma_start3A_84 : memref<100xi32, #tpu.memory_space<vmem>>) semaphore(%run_scoped3A_81 : memref<!tpu.dma_semaphore, #tpu.memory_space<semaphore_mem>>) {add = true}
            %dma_wait3A_88 = arith.constant 0 : i32
            %dma_wait3A_89 = tpu.memref_slice %arg8[%scan3A_53, %dma_wait3A_88] : memref<40x100xi32, #tpu.memory_space<vmem>> -> memref<1x100xi32, #tpu.memory_space<vmem>>
            %dma_wait3A_90 = tpu.memref_squeeze %dma_wait3A_89 : memref<1x100xi32, #tpu.memory_space<vmem>> -> memref<100xi32, #tpu.memory_space<vmem>>
            %dma_wait3A_91 = arith.constant 0 : i32
            %dma_wait3A_92 = arith.constant 0 : i32
            %dma_wait3A_93 = tpu.memref_slice %arg12[%dma_wait3A_91, %dma_wait3A_92] : memref<10112x128xf32, #tpu.memory_space<vmem_shared>> -> memref<10112x128xf32, #tpu.memory_space<vmem_shared>>
            tpu.wait_indirect_dma semaphore(%run_scoped3A_81 : memref<!tpu.dma_semaphore, #tpu.memory_space<semaphore_mem>>) src(%arg11 : memref<100x128xf32, #tpu.memory_space<vmem>>) dst(%dma_wait3A_93 : memref<10112x128xf32, #tpu.memory_space<vmem_shared>>)
            tpu.yield
          }) : () -> ()
          %add3A_73 = arith.constant 2 : i32
          %add3A_74 = arith.addi %scan3A_53, %add3A_73 : i32
          %dma_start3A_75 = arith.constant 0 : i32
          %dma_start3A_76 = tpu.memref_slice %arg7[%add3A_74, %dma_start3A_75] : memref<40x100xi32, #tpu.memory_space<vmem>> -> memref<1x100xi32, #tpu.memory_space<vmem>>
          %dma_start3A_77 = tpu.memref_squeeze %dma_start3A_76 : memref<1x100xi32, #tpu.memory_space<vmem>> -> memref<100xi32, #tpu.memory_space<vmem>>
          %dma_start3A_78 = arith.constant 0 : i32
          %dma_start3A_79 = arith.constant 0 : i32
          %dma_start3A_80 = tpu.memref_slice %arg2[%dma_start3A_78, %dma_start3A_79] : memref<20000x128xf32, #tpu.memory_space<hbm>> -> memref<20000x128xf32, #tpu.memory_space<hbm>>
          tpu.enqueue_indirect_dma source(%dma_start3A_80 : memref<20000x128xf32, #tpu.memory_space<hbm>>) target(%arg10 : memref<100x128xf32, #tpu.memory_space<vmem>>) offsets(%dma_start3A_77 : memref<100xi32, #tpu.memory_space<vmem>>) semaphore(%arg14 : memref<!tpu.dma_semaphore, #tpu.memory_space<semaphore_mem>>)
        } else {
        }
      }
      %scan3A_38 = arith.constant 38 : i32
      %dma_wait3A = arith.constant 38 : i32
      %dma_wait3A_39 = arith.constant 0 : i32
      %dma_wait3A_40 = tpu.memref_slice %arg7[%dma_wait3A, %dma_wait3A_39] : memref<40x100xi32, #tpu.memory_space<vmem>> -> memref<1x100xi32, #tpu.memory_space<vmem>>
      %dma_wait3A_41 = tpu.memref_squeeze %dma_wait3A_40 : memref<1x100xi32, #tpu.memory_space<vmem>> -> memref<100xi32, #tpu.memory_space<vmem>>
      %dma_wait3A_42 = arith.constant 0 : i32
      %dma_wait3A_43 = arith.constant 0 : i32
      %dma_wait3A_44 = tpu.memref_slice %arg2[%dma_wait3A_42, %dma_wait3A_43] : memref<20000x128xf32, #tpu.memory_space<hbm>> -> memref<20000x128xf32, #tpu.memory_space<hbm>>
      tpu.wait_indirect_dma semaphore(%arg15 : memref<!tpu.dma_semaphore, #tpu.memory_space<semaphore_mem>>) src(%dma_wait3A_44 : memref<20000x128xf32, #tpu.memory_space<hbm>>) dst(%arg11 : memref<100x128xf32, #tpu.memory_space<vmem>>)
      %run_scoped3A = arith.constant 38 : i32
      "tpu.region"() ({
        %run_scoped3A_53 = tpu.sem_alloc : memref<!tpu.dma_semaphore, #tpu.memory_space<semaphore_mem>>
        %dma_start3A_54 = arith.constant 0 : i32
        %dma_start3A_55 = tpu.memref_slice %arg8[%run_scoped3A, %dma_start3A_54] : memref<40x100xi32, #tpu.memory_space<vmem>> -> memref<1x100xi32, #tpu.memory_space<vmem>>
        %dma_start3A_56 = tpu.memref_squeeze %dma_start3A_55 : memref<1x100xi32, #tpu.memory_space<vmem>> -> memref<100xi32, #tpu.memory_space<vmem>>
        %dma_start3A_57 = arith.constant 0 : i32
        %dma_start3A_58 = arith.constant 0 : i32
        %dma_start3A_59 = tpu.memref_slice %arg12[%dma_start3A_57, %dma_start3A_58] : memref<10112x128xf32, #tpu.memory_space<vmem_shared>> -> memref<10112x128xf32, #tpu.memory_space<vmem_shared>>
        tpu.enqueue_indirect_dma source(%arg11 : memref<100x128xf32, #tpu.memory_space<vmem>>) target(%dma_start3A_59 : memref<10112x128xf32, #tpu.memory_space<vmem_shared>>) offsets(%dma_start3A_56 : memref<100xi32, #tpu.memory_space<vmem>>) semaphore(%run_scoped3A_53 : memref<!tpu.dma_semaphore, #tpu.memory_space<semaphore_mem>>) {add = true}
        %dma_wait3A_60 = arith.constant 0 : i32
        %dma_wait3A_61 = tpu.memref_slice %arg8[%run_scoped3A, %dma_wait3A_60] : memref<40x100xi32, #tpu.memory_space<vmem>> -> memref<1x100xi32, #tpu.memory_space<vmem>>
        %dma_wait3A_62 = tpu.memref_squeeze %dma_wait3A_61 : memref<1x100xi32, #tpu.memory_space<vmem>> -> memref<100xi32, #tpu.memory_space<vmem>>
        %dma_wait3A_63 = arith.constant 0 : i32
        %dma_wait3A_64 = arith.constant 0 : i32
        %dma_wait3A_65 = tpu.memref_slice %arg12[%dma_wait3A_63, %dma_wait3A_64] : memref<10112x128xf32, #tpu.memory_space<vmem_shared>> -> memref<10112x128xf32, #tpu.memory_space<vmem_shared>>
        tpu.wait_indirect_dma semaphore(%run_scoped3A_53 : memref<!tpu.dma_semaphore, #tpu.memory_space<semaphore_mem>>) src(%arg11 : memref<100x128xf32, #tpu.memory_space<vmem>>) dst(%dma_wait3A_65 : memref<10112x128xf32, #tpu.memory_space<vmem_shared>>)
        tpu.yield
      }) : () -> ()
      %dma_wait3A_45 = arith.constant 39 : i32
      %dma_wait3A_46 = arith.constant 0 : i32
      %dma_wait3A_47 = tpu.memref_slice %arg7[%dma_wait3A_45, %dma_wait3A_46] : memref<40x100xi32, #tpu.memory_space<vmem>> -> memref<1x100xi32, #tpu.memory_space<vmem>>
      %dma_wait3A_48 = tpu.memref_squeeze %dma_wait3A_47 : memref<1x100xi32, #tpu.memory_space<vmem>> -> memref<100xi32, #tpu.memory_space<vmem>>
      %dma_wait3A_49 = arith.constant 0 : i32
      %dma_wait3A_50 = arith.constant 0 : i32
      %dma_wait3A_51 = tpu.memref_slice %arg2[%dma_wait3A_49, %dma_wait3A_50] : memref<20000x128xf32, #tpu.memory_space<hbm>> -> memref<20000x128xf32, #tpu.memory_space<hbm>>
      tpu.wait_indirect_dma semaphore(%arg13 : memref<!tpu.dma_semaphore, #tpu.memory_space<semaphore_mem>>) src(%dma_wait3A_51 : memref<20000x128xf32, #tpu.memory_space<hbm>>) dst(%arg9 : memref<100x128xf32, #tpu.memory_space<vmem>>)
      %run_scoped3A_52 = arith.constant 39 : i32
      "tpu.region"() ({
        %run_scoped3A_53 = tpu.sem_alloc : memref<!tpu.dma_semaphore, #tpu.memory_space<semaphore_mem>>
        %dma_start3A_54 = arith.constant 0 : i32
        %dma_start3A_55 = tpu.memref_slice %arg8[%run_scoped3A_52, %dma_start3A_54] : memref<40x100xi32, #tpu.memory_space<vmem>> -> memref<1x100xi32, #tpu.memory_space<vmem>>
        %dma_start3A_56 = tpu.memref_squeeze %dma_start3A_55 : memref<1x100xi32, #tpu.memory_space<vmem>> -> memref<100xi32, #tpu.memory_space<vmem>>
        %dma_start3A_57 = arith.constant 0 : i32
        %dma_start3A_58 = arith.constant 0 : i32
        %dma_start3A_59 = tpu.memref_slice %arg12[%dma_start3A_57, %dma_start3A_58] : memref<10112x128xf32, #tpu.memory_space<vmem_shared>> -> memref<10112x128xf32, #tpu.memory_space<vmem_shared>>
        tpu.enqueue_indirect_dma source(%arg9 : memref<100x128xf32, #tpu.memory_space<vmem>>) target(%dma_start3A_59 : memref<10112x128xf32, #tpu.memory_space<vmem_shared>>) offsets(%dma_start3A_56 : memref<100xi32, #tpu.memory_space<vmem>>) semaphore(%run_scoped3A_53 : memref<!tpu.dma_semaphore, #tpu.memory_space<semaphore_mem>>) {add = true}
        %dma_wait3A_60 = arith.constant 0 : i32
        %dma_wait3A_61 = tpu.memref_slice %arg8[%run_scoped3A_52, %dma_wait3A_60] : memref<40x100xi32, #tpu.memory_space<vmem>> -> memref<1x100xi32, #tpu.memory_space<vmem>>
        %dma_wait3A_62 = tpu.memref_squeeze %dma_wait3A_61 : memref<1x100xi32, #tpu.memory_space<vmem>> -> memref<100xi32, #tpu.memory_space<vmem>>
        %dma_wait3A_63 = arith.constant 0 : i32
        %dma_wait3A_64 = arith.constant 0 : i32
        %dma_wait3A_65 = tpu.memref_slice %arg12[%dma_wait3A_63, %dma_wait3A_64] : memref<10112x128xf32, #tpu.memory_space<vmem_shared>> -> memref<10112x128xf32, #tpu.memory_space<vmem_shared>>
        tpu.wait_indirect_dma semaphore(%run_scoped3A_53 : memref<!tpu.dma_semaphore, #tpu.memory_space<semaphore_mem>>) src(%arg9 : memref<100x128xf32, #tpu.memory_space<vmem>>) dst(%dma_wait3A_65 : memref<10112x128xf32, #tpu.memory_space<vmem_shared>>)
        tpu.yield
      }) : () -> ()
    }
    %scan3A_5 = arith.constant 5 : i32
    %barrier3A_6 = arith.constant 0 : index
    tpu.barrier barrier_id(%barrier3A_6)
    %mul3A_7 = arith.constant 632 : i32
    %mul3A_8 = arith.muli %arg1, %mul3A_7 : i32
    %mul3A_9 = arith.constant 632 : i32
    %mul3A_10 = arith.muli %arg1, %mul3A_9 : i32
    "tpu.region"() ({
      %run_scoped3A = tpu.sem_alloc : memref<!tpu.dma_semaphore, #tpu.memory_space<semaphore_mem>>
      %dma_start3A = arith.constant 0 : i32
      %dma_start3A_11 = tpu.memref_slice %arg6[%arg0, %mul3A_10, %dma_start3A] : memref<2x10112x128xf32, #tpu.memory_space<hbm>> -> memref<1x632x128xf32, #tpu.memory_space<hbm>>
      %dma_start3A_12 = tpu.memref_squeeze %dma_start3A_11 : memref<1x632x128xf32, #tpu.memory_space<hbm>> -> memref<632x128xf32, #tpu.memory_space<hbm>>
      %dma_start3A_13 = arith.constant 0 : i32
      %dma_start3A_14 = tpu.memref_slice %arg12[%mul3A_8, %dma_start3A_13] : memref<10112x128xf32, #tpu.memory_space<vmem_shared>> -> memref<632x128xf32, #tpu.memory_space<vmem_shared>>
      tpu.enqueue_dma source(%dma_start3A_14 : memref<632x128xf32, #tpu.memory_space<vmem_shared>>) target(%dma_start3A_12 : memref<632x128xf32, #tpu.memory_space<hbm>>) target_semaphore(%run_scoped3A : memref<!tpu.dma_semaphore, #tpu.memory_space<semaphore_mem>>)
      %dma_wait3A = arith.constant 0 : i32
      %dma_wait3A_15 = tpu.memref_slice %arg6[%arg0, %mul3A_10, %dma_wait3A] : memref<2x10112x128xf32, #tpu.memory_space<hbm>> -> memref<1x632x128xf32, #tpu.memory_space<hbm>>
      %dma_wait3A_16 = tpu.memref_squeeze %dma_wait3A_15 : memref<1x632x128xf32, #tpu.memory_space<hbm>> -> memref<632x128xf32, #tpu.memory_space<hbm>>
      %dma_wait3A_17 = arith.constant 0 : i32
      %dma_wait3A_18 = tpu.memref_slice %arg12[%mul3A_8, %dma_wait3A_17] : memref<10112x128xf32, #tpu.memory_space<vmem_shared>> -> memref<632x128xf32, #tpu.memory_space<vmem_shared>>
      tpu.wait_dma2 semaphore(%run_scoped3A : memref<!tpu.dma_semaphore, #tpu.memory_space<semaphore_mem>>) src(%dma_wait3A_18 : memref<632x128xf32, #tpu.memory_space<vmem_shared>>) dst(%dma_wait3A_16 : memref<632x128xf32, #tpu.memory_space<hbm>>)
      tpu.yield
    }) : () -> ()
    return
  }
}

#map = affine_map<(d0, d1) -> (0, 0)>
#map1 = affine_map<(d0, d1) -> (0, 0, 0)>
module attributes {stable_mosaic.version = 14 : i64} {
  func.func @_sc_scatter_body(%arg0: i32, %arg1: i32, %arg2: memref<20000x128xf32, #tpu.memory_space<hbm>>, %arg3: memref<2x3200x100xi32, #tpu.memory_space<hbm>>, %arg4: memref<3200x100xi32, #tpu.memory_space<hbm>>, %arg5: memref<632x128xf32, #tpu.memory_space<hbm>>, %arg6: memref<2x10112x128xf32, #tpu.memory_space<hbm>>, %arg7: memref<40x100xi32, #tpu.memory_space<vmem>>, %arg8: memref<40x100xi32, #tpu.memory_space<vmem>>, %arg9: memref<100x128xf32, #tpu.memory_space<vmem>>, %arg10: memref<100x128xf32, #tpu.memory_space<vmem>>, %arg11: memref<100x128xf32, #tpu.memory_space<vmem>>, %arg12: memref<10112x128xf32, #tpu.memory_space<vmem_shared>>, %arg13: memref<!tpu.dma_semaphore, #tpu.memory_space<semaphore_mem>>, %arg14: memref<!tpu.dma_semaphore, #tpu.memory_space<semaphore_mem>>, %arg15: memref<!tpu.dma_semaphore, #tpu.memory_space<semaphore_mem>>) attributes {dimension_semantics = [#tpu.dimension_semantics<core_parallel>, #tpu.dimension_semantics<subcore_parallel>], iteration_bounds = array<i64: 2, 16>, scalar_prefetch = 0 : i64, scratch_operands = 9 : i64, tpu.core_type = #tpu.core_type<sc_vector_subcore>, window_params = [{transform_indices = #map}, {transform_indices = #map1}, {transform_indices = #map}, {transform_indices = #map}, {transform_indices = #map1}]} {
    %mul3A = arith.constant 632 : i32
    %mul3A_0 = arith.muli %arg1, %mul3A : i32
    "tpu.region"() ({
      %run_scoped3A = tpu.sem_alloc : memref<!tpu.dma_semaphore, #tpu.memory_space<semaphore_mem>>
      %dma_start3A = arith.constant 0 : i32
      %dma_start3A_11 = tpu.memref_slice %arg12[%mul3A_0, %dma_start3A] : memref<10112x128xf32, #tpu.memory_space<vmem_shared>> -> memref<632x128xf32, #tpu.memory_space<vmem_shared>>
      tpu.enqueue_dma source(%arg5 : memref<632x128xf32, #tpu.memory_space<hbm>>) target(%dma_start3A_11 : memref<632x128xf32, #tpu.memory_space<vmem_shared>>) target_semaphore(%run_scoped3A : memref<!tpu.dma_semaphore, #tpu.memory_space<semaphore_mem>>)
      %dma_wait3A = arith.constant 0 : i32
      %dma_wait3A_12 = tpu.memref_slice %arg12[%mul3A_0, %dma_wait3A] : memref<10112x128xf32, #tpu.memory_space<vmem_shared>> -> memref<632x128xf32, #tpu.memory_space<vmem_shared>>
      tpu.wait_dma2 semaphore(%run_scoped3A : memref<!tpu.dma_semaphore, #tpu.memory_space<semaphore_mem>>) src(%arg5 : memref<632x128xf32, #tpu.memory_space<hbm>>) dst(%dma_wait3A_12 : memref<632x128xf32, #tpu.memory_space<vmem_shared>>)
      tpu.yield
    }) : () -> ()
    %barrier3A = arith.constant 0 : index
    tpu.barrier barrier_id(%barrier3A)
    %scan3A = arith.constant 0 : i32
    %scan3A_1 = arith.constant 0 : i32
    %scan3A_2 = arith.constant 5 : i32
    %scan3A_3 = arith.addi %scan3A_1, %scan3A_2 : i32
    %scan3A_4 = arith.constant 1 : i32
    scf.for %scan3A_11 = %scan3A_1 to %scan3A_3 step %scan3A_4  : i32 {
      %mul3A_12 = arith.constant 200 : i32
      %mul3A_13 = arith.muli %arg1, %mul3A_12 : i32
      %mul3A_14 = arith.constant 40 : i32
      %mul3A_15 = arith.muli %scan3A_11, %mul3A_14 : i32
      %add3A = arith.addi %mul3A_13, %mul3A_15 : i32
      "tpu.region"() ({
        %run_scoped3A_53 = tpu.sem_alloc : memref<!tpu.dma_semaphore, #tpu.memory_space<semaphore_mem>>
        %dma_start3A_54 = arith.constant 0 : i32
        %dma_start3A_55 = tpu.memref_slice %arg3[%arg0, %add3A, %dma_start3A_54] : memref<2x3200x100xi32, #tpu.memory_space<hbm>> -> memref<1x40x100xi32, #tpu.memory_space<hbm>>
        %dma_start3A_56 = tpu.memref_squeeze %dma_start3A_55 : memref<1x40x100xi32, #tpu.memory_space<hbm>> -> memref<40x100xi32, #tpu.memory_space<hbm>>
        %dma_start3A_57 = arith.constant 0 : i32
        %dma_start3A_58 = tpu.memref_slice %arg3[%arg0, %add3A, %dma_start3A_57] : memref<2x3200x100xi32, #tpu.memory_space<hbm>> -> memref<1x40x100xi32, #tpu.memory_space<hbm>>
        %dma_start3A_59 = tpu.memref_squeeze %dma_start3A_58 : memref<1x40x100xi32, #tpu.memory_space<hbm>> -> memref<40x100xi32, #tpu.memory_space<hbm>>
        tpu.enqueue_dma source(%dma_start3A_59 : memref<40x100xi32, #tpu.memory_space<hbm>>) target(%arg7 : memref<40x100xi32, #tpu.memory_space<vmem>>) target_semaphore(%run_scoped3A_53 : memref<!tpu.dma_semaphore, #tpu.memory_space<semaphore_mem>>)
        %dma_wait3A_60 = arith.constant 0 : i32
        %dma_wait3A_61 = tpu.memref_slice %arg3[%arg0, %add3A, %dma_wait3A_60] : memref<2x3200x100xi32, #tpu.memory_space<hbm>> -> memref<1x40x100xi32, #tpu.memory_space<hbm>>
        %dma_wait3A_62 = tpu.memref_squeeze %dma_wait3A_61 : memref<1x40x100xi32, #tpu.memory_space<hbm>> -> memref<40x100xi32, #tpu.memory_space<hbm>>
        %dma_wait3A_63 = arith.constant 0 : i32
        %dma_wait3A_64 = tpu.memref_slice %arg3[%arg0, %add3A, %dma_wait3A_63] : memref<2x3200x100xi32, #tpu.memory_space<hbm>> -> memref<1x40x100xi32, #tpu.memory_space<hbm>>
        %dma_wait3A_65 = tpu.memref_squeeze %dma_wait3A_64 : memref<1x40x100xi32, #tpu.memory_space<hbm>> -> memref<40x100xi32, #tpu.memory_space<hbm>>
        tpu.wait_dma2 semaphore(%run_scoped3A_53 : memref<!tpu.dma_semaphore, #tpu.memory_space<semaphore_mem>>) src(%dma_wait3A_65 : memref<40x100xi32, #tpu.memory_space<hbm>>) dst(%arg7 : memref<40x100xi32, #tpu.memory_space<vmem>>)
        tpu.yield
      }) : () -> ()
      %mul3A_16 = arith.constant 200 : i32
      %mul3A_17 = arith.muli %arg1, %mul3A_16 : i32
      %mul3A_18 = arith.constant 40 : i32
      %mul3A_19 = arith.muli %scan3A_11, %mul3A_18 : i32
      %add3A_20 = arith.addi %mul3A_17, %mul3A_19 : i32
      "tpu.region"() ({
        %run_scoped3A_53 = tpu.sem_alloc : memref<!tpu.dma_semaphore, #tpu.memory_space<semaphore_mem>>
        %dma_start3A_54 = arith.constant 0 : i32
        %dma_start3A_55 = tpu.memref_slice %arg4[%add3A_20, %dma_start3A_54] : memref<3200x100xi32, #tpu.memory_space<hbm>> -> memref<40x100xi32, #tpu.memory_space<hbm>>
        %dma_start3A_56 = arith.constant 0 : i32
        %dma_start3A_57 = tpu.memref_slice %arg4[%add3A_20, %dma_start3A_56] : memref<3200x100xi32, #tpu.memory_space<hbm>> -> memref<40x100xi32, #tpu.memory_space<hbm>>
        tpu.enqueue_dma source(%dma_start3A_57 : memref<40x100xi32, #tpu.memory_space<hbm>>) target(%arg8 : memref<40x100xi32, #tpu.memory_space<vmem>>) target_semaphore(%run_scoped3A_53 : memref<!tpu.dma_semaphore, #tpu.memory_space<semaphore_mem>>)
        %dma_wait3A_58 = arith.constant 0 : i32
        %dma_wait3A_59 = tpu.memref_slice %arg4[%add3A_20, %dma_wait3A_58] : memref<3200x100xi32, #tpu.memory_space<hbm>> -> memref<40x100xi32, #tpu.memory_space<hbm>>
        %dma_wait3A_60 = arith.constant 0 : i32
        %dma_wait3A_61 = tpu.memref_slice %arg4[%add3A_20, %dma_wait3A_60] : memref<3200x100xi32, #tpu.memory_space<hbm>> -> memref<40x100xi32, #tpu.memory_space<hbm>>
        tpu.wait_dma2 semaphore(%run_scoped3A_53 : memref<!tpu.dma_semaphore, #tpu.memory_space<semaphore_mem>>) src(%dma_wait3A_61 : memref<40x100xi32, #tpu.memory_space<hbm>>) dst(%arg8 : memref<40x100xi32, #tpu.memory_space<vmem>>)
        tpu.yield
      }) : () -> ()
      %dma_start3A = arith.constant 0 : i32
      %dma_start3A_21 = arith.constant 0 : i32
      %dma_start3A_22 = tpu.memref_slice %arg7[%dma_start3A, %dma_start3A_21] : memref<40x100xi32, #tpu.memory_space<vmem>> -> memref<1x100xi32, #tpu.memory_space<vmem>>
      %dma_start3A_23 = tpu.memref_squeeze %dma_start3A_22 : memref<1x100xi32, #tpu.memory_space<vmem>> -> memref<100xi32, #tpu.memory_space<vmem>>
      %dma_start3A_24 = arith.constant 0 : i32
      %dma_start3A_25 = arith.constant 0 : i32
      %dma_start3A_26 = tpu.memref_slice %arg2[%dma_start3A_24, %dma_start3A_25] : memref<20000x128xf32, #tpu.memory_space<hbm>> -> memref<20000x128xf32, #tpu.memory_space<hbm>>
      tpu.enqueue_indirect_dma source(%dma_start3A_26 : memref<20000x128xf32, #tpu.memory_space<hbm>>) target(%arg9 : memref<100x128xf32, #tpu.memory_space<vmem>>) offsets(%dma_start3A_23 : memref<100xi32, #tpu.memory_space<vmem>>) semaphore(%arg13 : memref<!tpu.dma_semaphore, #tpu.memory_space<semaphore_mem>>)
      %dma_start3A_27 = arith.constant 1 : i32
      %dma_start3A_28 = arith.constant 0 : i32
      %dma_start3A_29 = tpu.memref_slice %arg7[%dma_start3A_27, %dma_start3A_28] : memref<40x100xi32, #tpu.memory_space<vmem>> -> memref<1x100xi32, #tpu.memory_space<vmem>>
      %dma_start3A_30 = tpu.memref_squeeze %dma_start3A_29 : memref<1x100xi32, #tpu.memory_space<vmem>> -> memref<100xi32, #tpu.memory_space<vmem>>
      %dma_start3A_31 = arith.constant 0 : i32
      %dma_start3A_32 = arith.constant 0 : i32
      %dma_start3A_33 = tpu.memref_slice %arg2[%dma_start3A_31, %dma_start3A_32] : memref<20000x128xf32, #tpu.memory_space<hbm>> -> memref<20000x128xf32, #tpu.memory_space<hbm>>
      tpu.enqueue_indirect_dma source(%dma_start3A_33 : memref<20000x128xf32, #tpu.memory_space<hbm>>) target(%arg10 : memref<100x128xf32, #tpu.memory_space<vmem>>) offsets(%dma_start3A_30 : memref<100xi32, #tpu.memory_space<vmem>>) semaphore(%arg14 : memref<!tpu.dma_semaphore, #tpu.memory_space<semaphore_mem>>)
      %scan3A_34 = arith.constant 0 : i32
      %scan3A_35 = arith.constant 38 : i32
      %scan3A_36 = arith.addi %scan3A_34, %scan3A_35 : i32
      %scan3A_37 = arith.constant 1 : i32
      scf.for %scan3A_53 = %scan3A_34 to %scan3A_36 step %scan3A_37  : i32 {
        %rem3A = arith.constant 3 : i32
        %rem3A_54 = arith.remsi %scan3A_53, %rem3A : i32
        %eq3A = arith.constant 0 : i32
        %eq3A_55 = arith.cmpi eq, %rem3A_54, %eq3A : i32
        %convert_element_type3A = arith.extui %eq3A_55 : i1 to i32
        %cond3A = arith.constant 0 : i32
        %cond3A_56 = arith.cmpi ne, %convert_element_type3A, %cond3A : i32
        scf.if %cond3A_56 {
          %dma_wait3A_67 = arith.constant 0 : i32
          %dma_wait3A_68 = tpu.memref_slice %arg7[%scan3A_53, %dma_wait3A_67] : memref<40x100xi32, #tpu.memory_space<vmem>> -> memref<1x100xi32, #tpu.memory_space<vmem>>
          %dma_wait3A_69 = tpu.memref_squeeze %dma_wait3A_68 : memref<1x100xi32, #tpu.memory_space<vmem>> -> memref<100xi32, #tpu.memory_space<vmem>>
          %dma_wait3A_70 = arith.constant 0 : i32
          %dma_wait3A_71 = arith.constant 0 : i32
          %dma_wait3A_72 = tpu.memref_slice %arg2[%dma_wait3A_70, %dma_wait3A_71] : memref<20000x128xf32, #tpu.memory_space<hbm>> -> memref<20000x128xf32, #tpu.memory_space<hbm>>
          tpu.wait_indirect_dma semaphore(%arg13 : memref<!tpu.dma_semaphore, #tpu.memory_space<semaphore_mem>>) src(%dma_wait3A_72 : memref<20000x128xf32, #tpu.memory_space<hbm>>) dst(%arg9 : memref<100x128xf32, #tpu.memory_space<vmem>>)
          "tpu.region"() ({
            %run_scoped3A_81 = tpu.sem_alloc : memref<!tpu.dma_semaphore, #tpu.memory_space<semaphore_mem>>
            %dma_start3A_82 = arith.constant 0 : i32
            %dma_start3A_83 = tpu.memref_slice %arg8[%scan3A_53, %dma_start3A_82] : memref<40x100xi32, #tpu.memory_space<vmem>> -> memref<1x100xi32, #tpu.memory_space<vmem>>
            %dma_start3A_84 = tpu.memref_squeeze %dma_start3A_83 : memref<1x100xi32, #tpu.memory_space<vmem>> -> memref<100xi32, #tpu.memory_space<vmem>>
            %dma_start3A_85 = arith.constant 0 : i32
            %dma_start3A_86 = arith.constant 0 : i32
            %dma_start3A_87 = tpu.memref_slice %arg12[%dma_start3A_85, %dma_start3A_86] : memref<10112x128xf32, #tpu.memory_space<vmem_shared>> -> memref<10112x128xf32, #tpu.memory_space<vmem_shared>>
            tpu.enqueue_indirect_dma source(%arg9 : memref<100x128xf32, #tpu.memory_space<vmem>>) target(%dma_start3A_87 : memref<10112x128xf32, #tpu.memory_space<vmem_shared>>) offsets(%dma_start3A_84 : memref<100xi32, #tpu.memory_space<vmem>>) semaphore(%run_scoped3A_81 : memref<!tpu.dma_semaphore, #tpu.memory_space<semaphore_mem>>) {add = true}
            %dma_wait3A_88 = arith.constant 0 : i32
            %dma_wait3A_89 = tpu.memref_slice %arg8[%scan3A_53, %dma_wait3A_88] : memref<40x100xi32, #tpu.memory_space<vmem>> -> memref<1x100xi32, #tpu.memory_space<vmem>>
            %dma_wait3A_90 = tpu.memref_squeeze %dma_wait3A_89 : memref<1x100xi32, #tpu.memory_space<vmem>> -> memref<100xi32, #tpu.memory_space<vmem>>
            %dma_wait3A_91 = arith.constant 0 : i32
            %dma_wait3A_92 = arith.constant 0 : i32
            %dma_wait3A_93 = tpu.memref_slice %arg12[%dma_wait3A_91, %dma_wait3A_92] : memref<10112x128xf32, #tpu.memory_space<vmem_shared>> -> memref<10112x128xf32, #tpu.memory_space<vmem_shared>>
            tpu.wait_indirect_dma semaphore(%run_scoped3A_81 : memref<!tpu.dma_semaphore, #tpu.memory_space<semaphore_mem>>) src(%arg9 : memref<100x128xf32, #tpu.memory_space<vmem>>) dst(%dma_wait3A_93 : memref<10112x128xf32, #tpu.memory_space<vmem_shared>>)
            tpu.yield
          }) : () -> ()
          %add3A_73 = arith.constant 2 : i32
          %add3A_74 = arith.addi %scan3A_53, %add3A_73 : i32
          %dma_start3A_75 = arith.constant 0 : i32
          %dma_start3A_76 = tpu.memref_slice %arg7[%add3A_74, %dma_start3A_75] : memref<40x100xi32, #tpu.memory_space<vmem>> -> memref<1x100xi32, #tpu.memory_space<vmem>>
          %dma_start3A_77 = tpu.memref_squeeze %dma_start3A_76 : memref<1x100xi32, #tpu.memory_space<vmem>> -> memref<100xi32, #tpu.memory_space<vmem>>
          %dma_start3A_78 = arith.constant 0 : i32
          %dma_start3A_79 = arith.constant 0 : i32
          %dma_start3A_80 = tpu.memref_slice %arg2[%dma_start3A_78, %dma_start3A_79] : memref<20000x128xf32, #tpu.memory_space<hbm>> -> memref<20000x128xf32, #tpu.memory_space<hbm>>
          tpu.enqueue_indirect_dma source(%dma_start3A_80 : memref<20000x128xf32, #tpu.memory_space<hbm>>) target(%arg11 : memref<100x128xf32, #tpu.memory_space<vmem>>) offsets(%dma_start3A_77 : memref<100xi32, #tpu.memory_space<vmem>>) semaphore(%arg15 : memref<!tpu.dma_semaphore, #tpu.memory_space<semaphore_mem>>)
        } else {
        }
        %eq3A_57 = arith.constant 1 : i32
        %eq3A_58 = arith.cmpi eq, %rem3A_54, %eq3A_57 : i32
        %convert_element_type3A_59 = arith.extui %eq3A_58 : i1 to i32
        %cond3A_60 = arith.constant 0 : i32
        %cond3A_61 = arith.cmpi ne, %convert_element_type3A_59, %cond3A_60 : i32
        scf.if %cond3A_61 {
          %dma_wait3A_67 = arith.constant 0 : i32
          %dma_wait3A_68 = tpu.memref_slice %arg7[%scan3A_53, %dma_wait3A_67] : memref<40x100xi32, #tpu.memory_space<vmem>> -> memref<1x100xi32, #tpu.memory_space<vmem>>
          %dma_wait3A_69 = tpu.memref_squeeze %dma_wait3A_68 : memref<1x100xi32, #tpu.memory_space<vmem>> -> memref<100xi32, #tpu.memory_space<vmem>>
          %dma_wait3A_70 = arith.constant 0 : i32
          %dma_wait3A_71 = arith.constant 0 : i32
          %dma_wait3A_72 = tpu.memref_slice %arg2[%dma_wait3A_70, %dma_wait3A_71] : memref<20000x128xf32, #tpu.memory_space<hbm>> -> memref<20000x128xf32, #tpu.memory_space<hbm>>
          tpu.wait_indirect_dma semaphore(%arg14 : memref<!tpu.dma_semaphore, #tpu.memory_space<semaphore_mem>>) src(%dma_wait3A_72 : memref<20000x128xf32, #tpu.memory_space<hbm>>) dst(%arg10 : memref<100x128xf32, #tpu.memory_space<vmem>>)
          "tpu.region"() ({
            %run_scoped3A_81 = tpu.sem_alloc : memref<!tpu.dma_semaphore, #tpu.memory_space<semaphore_mem>>
            %dma_start3A_82 = arith.constant 0 : i32
            %dma_start3A_83 = tpu.memref_slice %arg8[%scan3A_53, %dma_start3A_82] : memref<40x100xi32, #tpu.memory_space<vmem>> -> memref<1x100xi32, #tpu.memory_space<vmem>>
            %dma_start3A_84 = tpu.memref_squeeze %dma_start3A_83 : memref<1x100xi32, #tpu.memory_space<vmem>> -> memref<100xi32, #tpu.memory_space<vmem>>
            %dma_start3A_85 = arith.constant 0 : i32
            %dma_start3A_86 = arith.constant 0 : i32
            %dma_start3A_87 = tpu.memref_slice %arg12[%dma_start3A_85, %dma_start3A_86] : memref<10112x128xf32, #tpu.memory_space<vmem_shared>> -> memref<10112x128xf32, #tpu.memory_space<vmem_shared>>
            tpu.enqueue_indirect_dma source(%arg10 : memref<100x128xf32, #tpu.memory_space<vmem>>) target(%dma_start3A_87 : memref<10112x128xf32, #tpu.memory_space<vmem_shared>>) offsets(%dma_start3A_84 : memref<100xi32, #tpu.memory_space<vmem>>) semaphore(%run_scoped3A_81 : memref<!tpu.dma_semaphore, #tpu.memory_space<semaphore_mem>>) {add = true}
            %dma_wait3A_88 = arith.constant 0 : i32
            %dma_wait3A_89 = tpu.memref_slice %arg8[%scan3A_53, %dma_wait3A_88] : memref<40x100xi32, #tpu.memory_space<vmem>> -> memref<1x100xi32, #tpu.memory_space<vmem>>
            %dma_wait3A_90 = tpu.memref_squeeze %dma_wait3A_89 : memref<1x100xi32, #tpu.memory_space<vmem>> -> memref<100xi32, #tpu.memory_space<vmem>>
            %dma_wait3A_91 = arith.constant 0 : i32
            %dma_wait3A_92 = arith.constant 0 : i32
            %dma_wait3A_93 = tpu.memref_slice %arg12[%dma_wait3A_91, %dma_wait3A_92] : memref<10112x128xf32, #tpu.memory_space<vmem_shared>> -> memref<10112x128xf32, #tpu.memory_space<vmem_shared>>
            tpu.wait_indirect_dma semaphore(%run_scoped3A_81 : memref<!tpu.dma_semaphore, #tpu.memory_space<semaphore_mem>>) src(%arg10 : memref<100x128xf32, #tpu.memory_space<vmem>>) dst(%dma_wait3A_93 : memref<10112x128xf32, #tpu.memory_space<vmem_shared>>)
            tpu.yield
          }) : () -> ()
          %add3A_73 = arith.constant 2 : i32
          %add3A_74 = arith.addi %scan3A_53, %add3A_73 : i32
          %dma_start3A_75 = arith.constant 0 : i32
          %dma_start3A_76 = tpu.memref_slice %arg7[%add3A_74, %dma_start3A_75] : memref<40x100xi32, #tpu.memory_space<vmem>> -> memref<1x100xi32, #tpu.memory_space<vmem>>
          %dma_start3A_77 = tpu.memref_squeeze %dma_start3A_76 : memref<1x100xi32, #tpu.memory_space<vmem>> -> memref<100xi32, #tpu.memory_space<vmem>>
          %dma_start3A_78 = arith.constant 0 : i32
          %dma_start3A_79 = arith.constant 0 : i32
          %dma_start3A_80 = tpu.memref_slice %arg2[%dma_start3A_78, %dma_start3A_79] : memref<20000x128xf32, #tpu.memory_space<hbm>> -> memref<20000x128xf32, #tpu.memory_space<hbm>>
          tpu.enqueue_indirect_dma source(%dma_start3A_80 : memref<20000x128xf32, #tpu.memory_space<hbm>>) target(%arg9 : memref<100x128xf32, #tpu.memory_space<vmem>>) offsets(%dma_start3A_77 : memref<100xi32, #tpu.memory_space<vmem>>) semaphore(%arg13 : memref<!tpu.dma_semaphore, #tpu.memory_space<semaphore_mem>>)
        } else {
        }
        %eq3A_62 = arith.constant 2 : i32
        %eq3A_63 = arith.cmpi eq, %rem3A_54, %eq3A_62 : i32
        %convert_element_type3A_64 = arith.extui %eq3A_63 : i1 to i32
        %cond3A_65 = arith.constant 0 : i32
        %cond3A_66 = arith.cmpi ne, %convert_element_type3A_64, %cond3A_65 : i32
        scf.if %cond3A_66 {
          %dma_wait3A_67 = arith.constant 0 : i32
          %dma_wait3A_68 = tpu.memref_slice %arg7[%scan3A_53, %dma_wait3A_67] : memref<40x100xi32, #tpu.memory_space<vmem>> -> memref<1x100xi32, #tpu.memory_space<vmem>>
          %dma_wait3A_69 = tpu.memref_squeeze %dma_wait3A_68 : memref<1x100xi32, #tpu.memory_space<vmem>> -> memref<100xi32, #tpu.memory_space<vmem>>
          %dma_wait3A_70 = arith.constant 0 : i32
          %dma_wait3A_71 = arith.constant 0 : i32
          %dma_wait3A_72 = tpu.memref_slice %arg2[%dma_wait3A_70, %dma_wait3A_71] : memref<20000x128xf32, #tpu.memory_space<hbm>> -> memref<20000x128xf32, #tpu.memory_space<hbm>>
          tpu.wait_indirect_dma semaphore(%arg15 : memref<!tpu.dma_semaphore, #tpu.memory_space<semaphore_mem>>) src(%dma_wait3A_72 : memref<20000x128xf32, #tpu.memory_space<hbm>>) dst(%arg11 : memref<100x128xf32, #tpu.memory_space<vmem>>)
          "tpu.region"() ({
            %run_scoped3A_81 = tpu.sem_alloc : memref<!tpu.dma_semaphore, #tpu.memory_space<semaphore_mem>>
            %dma_start3A_82 = arith.constant 0 : i32
            %dma_start3A_83 = tpu.memref_slice %arg8[%scan3A_53, %dma_start3A_82] : memref<40x100xi32, #tpu.memory_space<vmem>> -> memref<1x100xi32, #tpu.memory_space<vmem>>
            %dma_start3A_84 = tpu.memref_squeeze %dma_start3A_83 : memref<1x100xi32, #tpu.memory_space<vmem>> -> memref<100xi32, #tpu.memory_space<vmem>>
            %dma_start3A_85 = arith.constant 0 : i32
            %dma_start3A_86 = arith.constant 0 : i32
            %dma_start3A_87 = tpu.memref_slice %arg12[%dma_start3A_85, %dma_start3A_86] : memref<10112x128xf32, #tpu.memory_space<vmem_shared>> -> memref<10112x128xf32, #tpu.memory_space<vmem_shared>>
            tpu.enqueue_indirect_dma source(%arg11 : memref<100x128xf32, #tpu.memory_space<vmem>>) target(%dma_start3A_87 : memref<10112x128xf32, #tpu.memory_space<vmem_shared>>) offsets(%dma_start3A_84 : memref<100xi32, #tpu.memory_space<vmem>>) semaphore(%run_scoped3A_81 : memref<!tpu.dma_semaphore, #tpu.memory_space<semaphore_mem>>) {add = true}
            %dma_wait3A_88 = arith.constant 0 : i32
            %dma_wait3A_89 = tpu.memref_slice %arg8[%scan3A_53, %dma_wait3A_88] : memref<40x100xi32, #tpu.memory_space<vmem>> -> memref<1x100xi32, #tpu.memory_space<vmem>>
            %dma_wait3A_90 = tpu.memref_squeeze %dma_wait3A_89 : memref<1x100xi32, #tpu.memory_space<vmem>> -> memref<100xi32, #tpu.memory_space<vmem>>
            %dma_wait3A_91 = arith.constant 0 : i32
            %dma_wait3A_92 = arith.constant 0 : i32
            %dma_wait3A_93 = tpu.memref_slice %arg12[%dma_wait3A_91, %dma_wait3A_92] : memref<10112x128xf32, #tpu.memory_space<vmem_shared>> -> memref<10112x128xf32, #tpu.memory_space<vmem_shared>>
            tpu.wait_indirect_dma semaphore(%run_scoped3A_81 : memref<!tpu.dma_semaphore, #tpu.memory_space<semaphore_mem>>) src(%arg11 : memref<100x128xf32, #tpu.memory_space<vmem>>) dst(%dma_wait3A_93 : memref<10112x128xf32, #tpu.memory_space<vmem_shared>>)
            tpu.yield
          }) : () -> ()
          %add3A_73 = arith.constant 2 : i32
          %add3A_74 = arith.addi %scan3A_53, %add3A_73 : i32
          %dma_start3A_75 = arith.constant 0 : i32
          %dma_start3A_76 = tpu.memref_slice %arg7[%add3A_74, %dma_start3A_75] : memref<40x100xi32, #tpu.memory_space<vmem>> -> memref<1x100xi32, #tpu.memory_space<vmem>>
          %dma_start3A_77 = tpu.memref_squeeze %dma_start3A_76 : memref<1x100xi32, #tpu.memory_space<vmem>> -> memref<100xi32, #tpu.memory_space<vmem>>
          %dma_start3A_78 = arith.constant 0 : i32
          %dma_start3A_79 = arith.constant 0 : i32
          %dma_start3A_80 = tpu.memref_slice %arg2[%dma_start3A_78, %dma_start3A_79] : memref<20000x128xf32, #tpu.memory_space<hbm>> -> memref<20000x128xf32, #tpu.memory_space<hbm>>
          tpu.enqueue_indirect_dma source(%dma_start3A_80 : memref<20000x128xf32, #tpu.memory_space<hbm>>) target(%arg10 : memref<100x128xf32, #tpu.memory_space<vmem>>) offsets(%dma_start3A_77 : memref<100xi32, #tpu.memory_space<vmem>>) semaphore(%arg14 : memref<!tpu.dma_semaphore, #tpu.memory_space<semaphore_mem>>)
        } else {
        }
      }
      %scan3A_38 = arith.constant 38 : i32
      %dma_wait3A = arith.constant 38 : i32
      %dma_wait3A_39 = arith.constant 0 : i32
      %dma_wait3A_40 = tpu.memref_slice %arg7[%dma_wait3A, %dma_wait3A_39] : memref<40x100xi32, #tpu.memory_space<vmem>> -> memref<1x100xi32, #tpu.memory_space<vmem>>
      %dma_wait3A_41 = tpu.memref_squeeze %dma_wait3A_40 : memref<1x100xi32, #tpu.memory_space<vmem>> -> memref<100xi32, #tpu.memory_space<vmem>>
      %dma_wait3A_42 = arith.constant 0 : i32
      %dma_wait3A_43 = arith.constant 0 : i32
      %dma_wait3A_44 = tpu.memref_slice %arg2[%dma_wait3A_42, %dma_wait3A_43] : memref<20000x128xf32, #tpu.memory_space<hbm>> -> memref<20000x128xf32, #tpu.memory_space<hbm>>
      tpu.wait_indirect_dma semaphore(%arg15 : memref<!tpu.dma_semaphore, #tpu.memory_space<semaphore_mem>>) src(%dma_wait3A_44 : memref<20000x128xf32, #tpu.memory_space<hbm>>) dst(%arg11 : memref<100x128xf32, #tpu.memory_space<vmem>>)
      %run_scoped3A = arith.constant 38 : i32
      "tpu.region"() ({
        %run_scoped3A_53 = tpu.sem_alloc : memref<!tpu.dma_semaphore, #tpu.memory_space<semaphore_mem>>
        %dma_start3A_54 = arith.constant 0 : i32
        %dma_start3A_55 = tpu.memref_slice %arg8[%run_scoped3A, %dma_start3A_54] : memref<40x100xi32, #tpu.memory_space<vmem>> -> memref<1x100xi32, #tpu.memory_space<vmem>>
        %dma_start3A_56 = tpu.memref_squeeze %dma_start3A_55 : memref<1x100xi32, #tpu.memory_space<vmem>> -> memref<100xi32, #tpu.memory_space<vmem>>
        %dma_start3A_57 = arith.constant 0 : i32
        %dma_start3A_58 = arith.constant 0 : i32
        %dma_start3A_59 = tpu.memref_slice %arg12[%dma_start3A_57, %dma_start3A_58] : memref<10112x128xf32, #tpu.memory_space<vmem_shared>> -> memref<10112x128xf32, #tpu.memory_space<vmem_shared>>
        tpu.enqueue_indirect_dma source(%arg11 : memref<100x128xf32, #tpu.memory_space<vmem>>) target(%dma_start3A_59 : memref<10112x128xf32, #tpu.memory_space<vmem_shared>>) offsets(%dma_start3A_56 : memref<100xi32, #tpu.memory_space<vmem>>) semaphore(%run_scoped3A_53 : memref<!tpu.dma_semaphore, #tpu.memory_space<semaphore_mem>>) {add = true}
        %dma_wait3A_60 = arith.constant 0 : i32
        %dma_wait3A_61 = tpu.memref_slice %arg8[%run_scoped3A, %dma_wait3A_60] : memref<40x100xi32, #tpu.memory_space<vmem>> -> memref<1x100xi32, #tpu.memory_space<vmem>>
        %dma_wait3A_62 = tpu.memref_squeeze %dma_wait3A_61 : memref<1x100xi32, #tpu.memory_space<vmem>> -> memref<100xi32, #tpu.memory_space<vmem>>
        %dma_wait3A_63 = arith.constant 0 : i32
        %dma_wait3A_64 = arith.constant 0 : i32
        %dma_wait3A_65 = tpu.memref_slice %arg12[%dma_wait3A_63, %dma_wait3A_64] : memref<10112x128xf32, #tpu.memory_space<vmem_shared>> -> memref<10112x128xf32, #tpu.memory_space<vmem_shared>>
        tpu.wait_indirect_dma semaphore(%run_scoped3A_53 : memref<!tpu.dma_semaphore, #tpu.memory_space<semaphore_mem>>) src(%arg11 : memref<100x128xf32, #tpu.memory_space<vmem>>) dst(%dma_wait3A_65 : memref<10112x128xf32, #tpu.memory_space<vmem_shared>>)
        tpu.yield
      }) : () -> ()
      %dma_wait3A_45 = arith.constant 39 : i32
      %dma_wait3A_46 = arith.constant 0 : i32
      %dma_wait3A_47 = tpu.memref_slice %arg7[%dma_wait3A_45, %dma_wait3A_46] : memref<40x100xi32, #tpu.memory_space<vmem>> -> memref<1x100xi32, #tpu.memory_space<vmem>>
      %dma_wait3A_48 = tpu.memref_squeeze %dma_wait3A_47 : memref<1x100xi32, #tpu.memory_space<vmem>> -> memref<100xi32, #tpu.memory_space<vmem>>
      %dma_wait3A_49 = arith.constant 0 : i32
      %dma_wait3A_50 = arith.constant 0 : i32
      %dma_wait3A_51 = tpu.memref_slice %arg2[%dma_wait3A_49, %dma_wait3A_50] : memref<20000x128xf32, #tpu.memory_space<hbm>> -> memref<20000x128xf32, #tpu.memory_space<hbm>>
      tpu.wait_indirect_dma semaphore(%arg13 : memref<!tpu.dma_semaphore, #tpu.memory_space<semaphore_mem>>) src(%dma_wait3A_51 : memref<20000x128xf32, #tpu.memory_space<hbm>>) dst(%arg9 : memref<100x128xf32, #tpu.memory_space<vmem>>)
      %run_scoped3A_52 = arith.constant 39 : i32
      "tpu.region"() ({
        %run_scoped3A_53 = tpu.sem_alloc : memref<!tpu.dma_semaphore, #tpu.memory_space<semaphore_mem>>
        %dma_start3A_54 = arith.constant 0 : i32
        %dma_start3A_55 = tpu.memref_slice %arg8[%run_scoped3A_52, %dma_start3A_54] : memref<40x100xi32, #tpu.memory_space<vmem>> -> memref<1x100xi32, #tpu.memory_space<vmem>>
        %dma_start3A_56 = tpu.memref_squeeze %dma_start3A_55 : memref<1x100xi32, #tpu.memory_space<vmem>> -> memref<100xi32, #tpu.memory_space<vmem>>
        %dma_start3A_57 = arith.constant 0 : i32
        %dma_start3A_58 = arith.constant 0 : i32
        %dma_start3A_59 = tpu.memref_slice %arg12[%dma_start3A_57, %dma_start3A_58] : memref<10112x128xf32, #tpu.memory_space<vmem_shared>> -> memref<10112x128xf32, #tpu.memory_space<vmem_shared>>
        tpu.enqueue_indirect_dma source(%arg9 : memref<100x128xf32, #tpu.memory_space<vmem>>) target(%dma_start3A_59 : memref<10112x128xf32, #tpu.memory_space<vmem_shared>>) offsets(%dma_start3A_56 : memref<100xi32, #tpu.memory_space<vmem>>) semaphore(%run_scoped3A_53 : memref<!tpu.dma_semaphore, #tpu.memory_space<semaphore_mem>>) {add = true}
        %dma_wait3A_60 = arith.constant 0 : i32
        %dma_wait3A_61 = tpu.memref_slice %arg8[%run_scoped3A_52, %dma_wait3A_60] : memref<40x100xi32, #tpu.memory_space<vmem>> -> memref<1x100xi32, #tpu.memory_space<vmem>>
        %dma_wait3A_62 = tpu.memref_squeeze %dma_wait3A_61 : memref<1x100xi32, #tpu.memory_space<vmem>> -> memref<100xi32, #tpu.memory_space<vmem>>
        %dma_wait3A_63 = arith.constant 0 : i32
        %dma_wait3A_64 = arith.constant 0 : i32
        %dma_wait3A_65 = tpu.memref_slice %arg12[%dma_wait3A_63, %dma_wait3A_64] : memref<10112x128xf32, #tpu.memory_space<vmem_shared>> -> memref<10112x128xf32, #tpu.memory_space<vmem_shared>>
        tpu.wait_indirect_dma semaphore(%run_scoped3A_53 : memref<!tpu.dma_semaphore, #tpu.memory_space<semaphore_mem>>) src(%arg9 : memref<100x128xf32, #tpu.memory_space<vmem>>) dst(%dma_wait3A_65 : memref<10112x128xf32, #tpu.memory_space<vmem_shared>>)
        tpu.yield
      }) : () -> ()
    }
    %scan3A_5 = arith.constant 5 : i32
    %barrier3A_6 = arith.constant 0 : index
    tpu.barrier barrier_id(%barrier3A_6)
    %mul3A_7 = arith.constant 632 : i32
    %mul3A_8 = arith.muli %arg1, %mul3A_7 : i32
    %mul3A_9 = arith.constant 632 : i32
    %mul3A_10 = arith.muli %arg1, %mul3A_9 : i32
    "tpu.region"() ({
      %run_scoped3A = tpu.sem_alloc : memref<!tpu.dma_semaphore, #tpu.memory_space<semaphore_mem>>
      %dma_start3A = arith.constant 0 : i32
      %dma_start3A_11 = tpu.memref_slice %arg6[%arg0, %mul3A_10, %dma_start3A] : memref<2x10112x128xf32, #tpu.memory_space<hbm>> -> memref<1x632x128xf32, #tpu.memory_space<hbm>>
      %dma_start3A_12 = tpu.memref_squeeze %dma_start3A_11 : memref<1x632x128xf32, #tpu.memory_space<hbm>> -> memref<632x128xf32, #tpu.memory_space<hbm>>
      %dma_start3A_13 = arith.constant 0 : i32
      %dma_start3A_14 = tpu.memref_slice %arg12[%mul3A_8, %dma_start3A_13] : memref<10112x128xf32, #tpu.memory_space<vmem_shared>> -> memref<632x128xf32, #tpu.memory_space<vmem_shared>>
      tpu.enqueue_dma source(%dma_start3A_14 : memref<632x128xf32, #tpu.memory_space<vmem_shared>>) target(%dma_start3A_12 : memref<632x128xf32, #tpu.memory_space<hbm>>) target_semaphore(%run_scoped3A : memref<!tpu.dma_semaphore, #tpu.memory_space<semaphore_mem>>)
      %dma_wait3A = arith.constant 0 : i32
      %dma_wait3A_15 = tpu.memref_slice %arg6[%arg0, %mul3A_10, %dma_wait3A] : memref<2x10112x128xf32, #tpu.memory_space<hbm>> -> memref<1x632x128xf32, #tpu.memory_space<hbm>>
      %dma_wait3A_16 = tpu.memref_squeeze %dma_wait3A_15 : memref<1x632x128xf32, #tpu.memory_space<hbm>> -> memref<632x128xf32, #tpu.memory_space<hbm>>
      %dma_wait3A_17 = arith.constant 0 : i32
      %dma_wait3A_18 = tpu.memref_slice %arg12[%mul3A_8, %dma_wait3A_17] : memref<10112x128xf32, #tpu.memory_space<vmem_shared>> -> memref<632x128xf32, #tpu.memory_space<vmem_shared>>
      tpu.wait_dma2 semaphore(%run_scoped3A : memref<!tpu.dma_semaphore, #tpu.memory_space<semaphore_mem>>) src(%dma_wait3A_18 : memref<632x128xf32, #tpu.memory_space<vmem_shared>>) dst(%dma_wait3A_16 : memref<632x128xf32, #tpu.memory_space<hbm>>)
      tpu.yield
    }) : () -> ()
    return
  }
}

#map = affine_map<(d0, d1) -> (0, 0)>
#map1 = affine_map<(d0, d1) -> (0, 0, 0)>
module attributes {stable_mosaic.version = 14 : i64} {
  func.func @_sc_scatter_body(%arg0: i32, %arg1: i32, %arg2: memref<20000x128xf32, #tpu.memory_space<hbm>>, %arg3: memref<2x3200x100xi32, #tpu.memory_space<hbm>>, %arg4: memref<3200x100xi32, #tpu.memory_space<hbm>>, %arg5: memref<632x128xf32, #tpu.memory_space<hbm>>, %arg6: memref<2x10112x128xf32, #tpu.memory_space<hbm>>, %arg7: memref<40x100xi32, #tpu.memory_space<vmem>>, %arg8: memref<40x100xi32, #tpu.memory_space<vmem>>, %arg9: memref<100x128xf32, #tpu.memory_space<vmem>>, %arg10: memref<100x128xf32, #tpu.memory_space<vmem>>, %arg11: memref<100x128xf32, #tpu.memory_space<vmem>>, %arg12: memref<10112x128xf32, #tpu.memory_space<vmem_shared>>, %arg13: memref<!tpu.dma_semaphore, #tpu.memory_space<semaphore_mem>>, %arg14: memref<!tpu.dma_semaphore, #tpu.memory_space<semaphore_mem>>, %arg15: memref<!tpu.dma_semaphore, #tpu.memory_space<semaphore_mem>>) attributes {dimension_semantics = [#tpu.dimension_semantics<core_parallel>, #tpu.dimension_semantics<subcore_parallel>], iteration_bounds = array<i64: 2, 16>, scalar_prefetch = 0 : i64, scratch_operands = 9 : i64, tpu.core_type = #tpu.core_type<sc_vector_subcore>, window_params = [{transform_indices = #map}, {transform_indices = #map1}, {transform_indices = #map}, {transform_indices = #map}, {transform_indices = #map1}]} {
    %mul3A = arith.constant 632 : i32
    %mul3A_0 = arith.muli %arg1, %mul3A : i32
    "tpu.region"() ({
      %run_scoped3A = tpu.sem_alloc : memref<!tpu.dma_semaphore, #tpu.memory_space<semaphore_mem>>
      %dma_start3A = arith.constant 0 : i32
      %dma_start3A_11 = tpu.memref_slice %arg12[%mul3A_0, %dma_start3A] : memref<10112x128xf32, #tpu.memory_space<vmem_shared>> -> memref<632x128xf32, #tpu.memory_space<vmem_shared>>
      tpu.enqueue_dma source(%arg5 : memref<632x128xf32, #tpu.memory_space<hbm>>) target(%dma_start3A_11 : memref<632x128xf32, #tpu.memory_space<vmem_shared>>) target_semaphore(%run_scoped3A : memref<!tpu.dma_semaphore, #tpu.memory_space<semaphore_mem>>)
      %dma_wait3A = arith.constant 0 : i32
      %dma_wait3A_12 = tpu.memref_slice %arg12[%mul3A_0, %dma_wait3A] : memref<10112x128xf32, #tpu.memory_space<vmem_shared>> -> memref<632x128xf32, #tpu.memory_space<vmem_shared>>
      tpu.wait_dma2 semaphore(%run_scoped3A : memref<!tpu.dma_semaphore, #tpu.memory_space<semaphore_mem>>) src(%arg5 : memref<632x128xf32, #tpu.memory_space<hbm>>) dst(%dma_wait3A_12 : memref<632x128xf32, #tpu.memory_space<vmem_shared>>)
      tpu.yield
    }) : () -> ()
    %barrier3A = arith.constant 0 : index
    tpu.barrier barrier_id(%barrier3A)
    %scan3A = arith.constant 0 : i32
    %scan3A_1 = arith.constant 0 : i32
    %scan3A_2 = arith.constant 5 : i32
    %scan3A_3 = arith.addi %scan3A_1, %scan3A_2 : i32
    %scan3A_4 = arith.constant 1 : i32
    scf.for %scan3A_11 = %scan3A_1 to %scan3A_3 step %scan3A_4  : i32 {
      %mul3A_12 = arith.constant 200 : i32
      %mul3A_13 = arith.muli %arg1, %mul3A_12 : i32
      %mul3A_14 = arith.constant 40 : i32
      %mul3A_15 = arith.muli %scan3A_11, %mul3A_14 : i32
      %add3A = arith.addi %mul3A_13, %mul3A_15 : i32
      "tpu.region"() ({
        %run_scoped3A_53 = tpu.sem_alloc : memref<!tpu.dma_semaphore, #tpu.memory_space<semaphore_mem>>
        %dma_start3A_54 = arith.constant 0 : i32
        %dma_start3A_55 = tpu.memref_slice %arg3[%arg0, %add3A, %dma_start3A_54] : memref<2x3200x100xi32, #tpu.memory_space<hbm>> -> memref<1x40x100xi32, #tpu.memory_space<hbm>>
        %dma_start3A_56 = tpu.memref_squeeze %dma_start3A_55 : memref<1x40x100xi32, #tpu.memory_space<hbm>> -> memref<40x100xi32, #tpu.memory_space<hbm>>
        %dma_start3A_57 = arith.constant 0 : i32
        %dma_start3A_58 = tpu.memref_slice %arg3[%arg0, %add3A, %dma_start3A_57] : memref<2x3200x100xi32, #tpu.memory_space<hbm>> -> memref<1x40x100xi32, #tpu.memory_space<hbm>>
        %dma_start3A_59 = tpu.memref_squeeze %dma_start3A_58 : memref<1x40x100xi32, #tpu.memory_space<hbm>> -> memref<40x100xi32, #tpu.memory_space<hbm>>
        tpu.enqueue_dma source(%dma_start3A_59 : memref<40x100xi32, #tpu.memory_space<hbm>>) target(%arg7 : memref<40x100xi32, #tpu.memory_space<vmem>>) target_semaphore(%run_scoped3A_53 : memref<!tpu.dma_semaphore, #tpu.memory_space<semaphore_mem>>)
        %dma_wait3A_60 = arith.constant 0 : i32
        %dma_wait3A_61 = tpu.memref_slice %arg3[%arg0, %add3A, %dma_wait3A_60] : memref<2x3200x100xi32, #tpu.memory_space<hbm>> -> memref<1x40x100xi32, #tpu.memory_space<hbm>>
        %dma_wait3A_62 = tpu.memref_squeeze %dma_wait3A_61 : memref<1x40x100xi32, #tpu.memory_space<hbm>> -> memref<40x100xi32, #tpu.memory_space<hbm>>
        %dma_wait3A_63 = arith.constant 0 : i32
        %dma_wait3A_64 = tpu.memref_slice %arg3[%arg0, %add3A, %dma_wait3A_63] : memref<2x3200x100xi32, #tpu.memory_space<hbm>> -> memref<1x40x100xi32, #tpu.memory_space<hbm>>
        %dma_wait3A_65 = tpu.memref_squeeze %dma_wait3A_64 : memref<1x40x100xi32, #tpu.memory_space<hbm>> -> memref<40x100xi32, #tpu.memory_space<hbm>>
        tpu.wait_dma2 semaphore(%run_scoped3A_53 : memref<!tpu.dma_semaphore, #tpu.memory_space<semaphore_mem>>) src(%dma_wait3A_65 : memref<40x100xi32, #tpu.memory_space<hbm>>) dst(%arg7 : memref<40x100xi32, #tpu.memory_space<vmem>>)
        tpu.yield
      }) : () -> ()
      %mul3A_16 = arith.constant 200 : i32
      %mul3A_17 = arith.muli %arg1, %mul3A_16 : i32
      %mul3A_18 = arith.constant 40 : i32
      %mul3A_19 = arith.muli %scan3A_11, %mul3A_18 : i32
      %add3A_20 = arith.addi %mul3A_17, %mul3A_19 : i32
      "tpu.region"() ({
        %run_scoped3A_53 = tpu.sem_alloc : memref<!tpu.dma_semaphore, #tpu.memory_space<semaphore_mem>>
        %dma_start3A_54 = arith.constant 0 : i32
        %dma_start3A_55 = tpu.memref_slice %arg4[%add3A_20, %dma_start3A_54] : memref<3200x100xi32, #tpu.memory_space<hbm>> -> memref<40x100xi32, #tpu.memory_space<hbm>>
        %dma_start3A_56 = arith.constant 0 : i32
        %dma_start3A_57 = tpu.memref_slice %arg4[%add3A_20, %dma_start3A_56] : memref<3200x100xi32, #tpu.memory_space<hbm>> -> memref<40x100xi32, #tpu.memory_space<hbm>>
        tpu.enqueue_dma source(%dma_start3A_57 : memref<40x100xi32, #tpu.memory_space<hbm>>) target(%arg8 : memref<40x100xi32, #tpu.memory_space<vmem>>) target_semaphore(%run_scoped3A_53 : memref<!tpu.dma_semaphore, #tpu.memory_space<semaphore_mem>>)
        %dma_wait3A_58 = arith.constant 0 : i32
        %dma_wait3A_59 = tpu.memref_slice %arg4[%add3A_20, %dma_wait3A_58] : memref<3200x100xi32, #tpu.memory_space<hbm>> -> memref<40x100xi32, #tpu.memory_space<hbm>>
        %dma_wait3A_60 = arith.constant 0 : i32
        %dma_wait3A_61 = tpu.memref_slice %arg4[%add3A_20, %dma_wait3A_60] : memref<3200x100xi32, #tpu.memory_space<hbm>> -> memref<40x100xi32, #tpu.memory_space<hbm>>
        tpu.wait_dma2 semaphore(%run_scoped3A_53 : memref<!tpu.dma_semaphore, #tpu.memory_space<semaphore_mem>>) src(%dma_wait3A_61 : memref<40x100xi32, #tpu.memory_space<hbm>>) dst(%arg8 : memref<40x100xi32, #tpu.memory_space<vmem>>)
        tpu.yield
      }) : () -> ()
      %dma_start3A = arith.constant 0 : i32
      %dma_start3A_21 = arith.constant 0 : i32
      %dma_start3A_22 = tpu.memref_slice %arg7[%dma_start3A, %dma_start3A_21] : memref<40x100xi32, #tpu.memory_space<vmem>> -> memref<1x100xi32, #tpu.memory_space<vmem>>
      %dma_start3A_23 = tpu.memref_squeeze %dma_start3A_22 : memref<1x100xi32, #tpu.memory_space<vmem>> -> memref<100xi32, #tpu.memory_space<vmem>>
      %dma_start3A_24 = arith.constant 0 : i32
      %dma_start3A_25 = arith.constant 0 : i32
      %dma_start3A_26 = tpu.memref_slice %arg2[%dma_start3A_24, %dma_start3A_25] : memref<20000x128xf32, #tpu.memory_space<hbm>> -> memref<20000x128xf32, #tpu.memory_space<hbm>>
      tpu.enqueue_indirect_dma source(%dma_start3A_26 : memref<20000x128xf32, #tpu.memory_space<hbm>>) target(%arg9 : memref<100x128xf32, #tpu.memory_space<vmem>>) offsets(%dma_start3A_23 : memref<100xi32, #tpu.memory_space<vmem>>) semaphore(%arg13 : memref<!tpu.dma_semaphore, #tpu.memory_space<semaphore_mem>>)
      %dma_start3A_27 = arith.constant 1 : i32
      %dma_start3A_28 = arith.constant 0 : i32
      %dma_start3A_29 = tpu.memref_slice %arg7[%dma_start3A_27, %dma_start3A_28] : memref<40x100xi32, #tpu.memory_space<vmem>> -> memref<1x100xi32, #tpu.memory_space<vmem>>
      %dma_start3A_30 = tpu.memref_squeeze %dma_start3A_29 : memref<1x100xi32, #tpu.memory_space<vmem>> -> memref<100xi32, #tpu.memory_space<vmem>>
      %dma_start3A_31 = arith.constant 0 : i32
      %dma_start3A_32 = arith.constant 0 : i32
      %dma_start3A_33 = tpu.memref_slice %arg2[%dma_start3A_31, %dma_start3A_32] : memref<20000x128xf32, #tpu.memory_space<hbm>> -> memref<20000x128xf32, #tpu.memory_space<hbm>>
      tpu.enqueue_indirect_dma source(%dma_start3A_33 : memref<20000x128xf32, #tpu.memory_space<hbm>>) target(%arg10 : memref<100x128xf32, #tpu.memory_space<vmem>>) offsets(%dma_start3A_30 : memref<100xi32, #tpu.memory_space<vmem>>) semaphore(%arg14 : memref<!tpu.dma_semaphore, #tpu.memory_space<semaphore_mem>>)
      %scan3A_34 = arith.constant 0 : i32
      %scan3A_35 = arith.constant 38 : i32
      %scan3A_36 = arith.addi %scan3A_34, %scan3A_35 : i32
      %scan3A_37 = arith.constant 1 : i32
      scf.for %scan3A_53 = %scan3A_34 to %scan3A_36 step %scan3A_37  : i32 {
        %rem3A = arith.constant 3 : i32
        %rem3A_54 = arith.remsi %scan3A_53, %rem3A : i32
        %eq3A = arith.constant 0 : i32
        %eq3A_55 = arith.cmpi eq, %rem3A_54, %eq3A : i32
        %convert_element_type3A = arith.extui %eq3A_55 : i1 to i32
        %cond3A = arith.constant 0 : i32
        %cond3A_56 = arith.cmpi ne, %convert_element_type3A, %cond3A : i32
        scf.if %cond3A_56 {
          %dma_wait3A_67 = arith.constant 0 : i32
          %dma_wait3A_68 = tpu.memref_slice %arg7[%scan3A_53, %dma_wait3A_67] : memref<40x100xi32, #tpu.memory_space<vmem>> -> memref<1x100xi32, #tpu.memory_space<vmem>>
          %dma_wait3A_69 = tpu.memref_squeeze %dma_wait3A_68 : memref<1x100xi32, #tpu.memory_space<vmem>> -> memref<100xi32, #tpu.memory_space<vmem>>
          %dma_wait3A_70 = arith.constant 0 : i32
          %dma_wait3A_71 = arith.constant 0 : i32
          %dma_wait3A_72 = tpu.memref_slice %arg2[%dma_wait3A_70, %dma_wait3A_71] : memref<20000x128xf32, #tpu.memory_space<hbm>> -> memref<20000x128xf32, #tpu.memory_space<hbm>>
          tpu.wait_indirect_dma semaphore(%arg13 : memref<!tpu.dma_semaphore, #tpu.memory_space<semaphore_mem>>) src(%dma_wait3A_72 : memref<20000x128xf32, #tpu.memory_space<hbm>>) dst(%arg9 : memref<100x128xf32, #tpu.memory_space<vmem>>)
          "tpu.region"() ({
            %run_scoped3A_81 = tpu.sem_alloc : memref<!tpu.dma_semaphore, #tpu.memory_space<semaphore_mem>>
            %dma_start3A_82 = arith.constant 0 : i32
            %dma_start3A_83 = tpu.memref_slice %arg8[%scan3A_53, %dma_start3A_82] : memref<40x100xi32, #tpu.memory_space<vmem>> -> memref<1x100xi32, #tpu.memory_space<vmem>>
            %dma_start3A_84 = tpu.memref_squeeze %dma_start3A_83 : memref<1x100xi32, #tpu.memory_space<vmem>> -> memref<100xi32, #tpu.memory_space<vmem>>
            %dma_start3A_85 = arith.constant 0 : i32
            %dma_start3A_86 = arith.constant 0 : i32
            %dma_start3A_87 = tpu.memref_slice %arg12[%dma_start3A_85, %dma_start3A_86] : memref<10112x128xf32, #tpu.memory_space<vmem_shared>> -> memref<10112x128xf32, #tpu.memory_space<vmem_shared>>
            tpu.enqueue_indirect_dma source(%arg9 : memref<100x128xf32, #tpu.memory_space<vmem>>) target(%dma_start3A_87 : memref<10112x128xf32, #tpu.memory_space<vmem_shared>>) offsets(%dma_start3A_84 : memref<100xi32, #tpu.memory_space<vmem>>) semaphore(%run_scoped3A_81 : memref<!tpu.dma_semaphore, #tpu.memory_space<semaphore_mem>>) {add = true}
            %dma_wait3A_88 = arith.constant 0 : i32
            %dma_wait3A_89 = tpu.memref_slice %arg8[%scan3A_53, %dma_wait3A_88] : memref<40x100xi32, #tpu.memory_space<vmem>> -> memref<1x100xi32, #tpu.memory_space<vmem>>
            %dma_wait3A_90 = tpu.memref_squeeze %dma_wait3A_89 : memref<1x100xi32, #tpu.memory_space<vmem>> -> memref<100xi32, #tpu.memory_space<vmem>>
            %dma_wait3A_91 = arith.constant 0 : i32
            %dma_wait3A_92 = arith.constant 0 : i32
            %dma_wait3A_93 = tpu.memref_slice %arg12[%dma_wait3A_91, %dma_wait3A_92] : memref<10112x128xf32, #tpu.memory_space<vmem_shared>> -> memref<10112x128xf32, #tpu.memory_space<vmem_shared>>
            tpu.wait_indirect_dma semaphore(%run_scoped3A_81 : memref<!tpu.dma_semaphore, #tpu.memory_space<semaphore_mem>>) src(%arg9 : memref<100x128xf32, #tpu.memory_space<vmem>>) dst(%dma_wait3A_93 : memref<10112x128xf32, #tpu.memory_space<vmem_shared>>)
            tpu.yield
          }) : () -> ()
          %add3A_73 = arith.constant 2 : i32
          %add3A_74 = arith.addi %scan3A_53, %add3A_73 : i32
          %dma_start3A_75 = arith.constant 0 : i32
          %dma_start3A_76 = tpu.memref_slice %arg7[%add3A_74, %dma_start3A_75] : memref<40x100xi32, #tpu.memory_space<vmem>> -> memref<1x100xi32, #tpu.memory_space<vmem>>
          %dma_start3A_77 = tpu.memref_squeeze %dma_start3A_76 : memref<1x100xi32, #tpu.memory_space<vmem>> -> memref<100xi32, #tpu.memory_space<vmem>>
          %dma_start3A_78 = arith.constant 0 : i32
          %dma_start3A_79 = arith.constant 0 : i32
          %dma_start3A_80 = tpu.memref_slice %arg2[%dma_start3A_78, %dma_start3A_79] : memref<20000x128xf32, #tpu.memory_space<hbm>> -> memref<20000x128xf32, #tpu.memory_space<hbm>>
          tpu.enqueue_indirect_dma source(%dma_start3A_80 : memref<20000x128xf32, #tpu.memory_space<hbm>>) target(%arg11 : memref<100x128xf32, #tpu.memory_space<vmem>>) offsets(%dma_start3A_77 : memref<100xi32, #tpu.memory_space<vmem>>) semaphore(%arg15 : memref<!tpu.dma_semaphore, #tpu.memory_space<semaphore_mem>>)
        } else {
        }
        %eq3A_57 = arith.constant 1 : i32
        %eq3A_58 = arith.cmpi eq, %rem3A_54, %eq3A_57 : i32
        %convert_element_type3A_59 = arith.extui %eq3A_58 : i1 to i32
        %cond3A_60 = arith.constant 0 : i32
        %cond3A_61 = arith.cmpi ne, %convert_element_type3A_59, %cond3A_60 : i32
        scf.if %cond3A_61 {
          %dma_wait3A_67 = arith.constant 0 : i32
          %dma_wait3A_68 = tpu.memref_slice %arg7[%scan3A_53, %dma_wait3A_67] : memref<40x100xi32, #tpu.memory_space<vmem>> -> memref<1x100xi32, #tpu.memory_space<vmem>>
          %dma_wait3A_69 = tpu.memref_squeeze %dma_wait3A_68 : memref<1x100xi32, #tpu.memory_space<vmem>> -> memref<100xi32, #tpu.memory_space<vmem>>
          %dma_wait3A_70 = arith.constant 0 : i32
          %dma_wait3A_71 = arith.constant 0 : i32
          %dma_wait3A_72 = tpu.memref_slice %arg2[%dma_wait3A_70, %dma_wait3A_71] : memref<20000x128xf32, #tpu.memory_space<hbm>> -> memref<20000x128xf32, #tpu.memory_space<hbm>>
          tpu.wait_indirect_dma semaphore(%arg14 : memref<!tpu.dma_semaphore, #tpu.memory_space<semaphore_mem>>) src(%dma_wait3A_72 : memref<20000x128xf32, #tpu.memory_space<hbm>>) dst(%arg10 : memref<100x128xf32, #tpu.memory_space<vmem>>)
          "tpu.region"() ({
            %run_scoped3A_81 = tpu.sem_alloc : memref<!tpu.dma_semaphore, #tpu.memory_space<semaphore_mem>>
            %dma_start3A_82 = arith.constant 0 : i32
            %dma_start3A_83 = tpu.memref_slice %arg8[%scan3A_53, %dma_start3A_82] : memref<40x100xi32, #tpu.memory_space<vmem>> -> memref<1x100xi32, #tpu.memory_space<vmem>>
            %dma_start3A_84 = tpu.memref_squeeze %dma_start3A_83 : memref<1x100xi32, #tpu.memory_space<vmem>> -> memref<100xi32, #tpu.memory_space<vmem>>
            %dma_start3A_85 = arith.constant 0 : i32
            %dma_start3A_86 = arith.constant 0 : i32
            %dma_start3A_87 = tpu.memref_slice %arg12[%dma_start3A_85, %dma_start3A_86] : memref<10112x128xf32, #tpu.memory_space<vmem_shared>> -> memref<10112x128xf32, #tpu.memory_space<vmem_shared>>
            tpu.enqueue_indirect_dma source(%arg10 : memref<100x128xf32, #tpu.memory_space<vmem>>) target(%dma_start3A_87 : memref<10112x128xf32, #tpu.memory_space<vmem_shared>>) offsets(%dma_start3A_84 : memref<100xi32, #tpu.memory_space<vmem>>) semaphore(%run_scoped3A_81 : memref<!tpu.dma_semaphore, #tpu.memory_space<semaphore_mem>>) {add = true}
            %dma_wait3A_88 = arith.constant 0 : i32
            %dma_wait3A_89 = tpu.memref_slice %arg8[%scan3A_53, %dma_wait3A_88] : memref<40x100xi32, #tpu.memory_space<vmem>> -> memref<1x100xi32, #tpu.memory_space<vmem>>
            %dma_wait3A_90 = tpu.memref_squeeze %dma_wait3A_89 : memref<1x100xi32, #tpu.memory_space<vmem>> -> memref<100xi32, #tpu.memory_space<vmem>>
            %dma_wait3A_91 = arith.constant 0 : i32
            %dma_wait3A_92 = arith.constant 0 : i32
            %dma_wait3A_93 = tpu.memref_slice %arg12[%dma_wait3A_91, %dma_wait3A_92] : memref<10112x128xf32, #tpu.memory_space<vmem_shared>> -> memref<10112x128xf32, #tpu.memory_space<vmem_shared>>
            tpu.wait_indirect_dma semaphore(%run_scoped3A_81 : memref<!tpu.dma_semaphore, #tpu.memory_space<semaphore_mem>>) src(%arg10 : memref<100x128xf32, #tpu.memory_space<vmem>>) dst(%dma_wait3A_93 : memref<10112x128xf32, #tpu.memory_space<vmem_shared>>)
            tpu.yield
          }) : () -> ()
          %add3A_73 = arith.constant 2 : i32
          %add3A_74 = arith.addi %scan3A_53, %add3A_73 : i32
          %dma_start3A_75 = arith.constant 0 : i32
          %dma_start3A_76 = tpu.memref_slice %arg7[%add3A_74, %dma_start3A_75] : memref<40x100xi32, #tpu.memory_space<vmem>> -> memref<1x100xi32, #tpu.memory_space<vmem>>
          %dma_start3A_77 = tpu.memref_squeeze %dma_start3A_76 : memref<1x100xi32, #tpu.memory_space<vmem>> -> memref<100xi32, #tpu.memory_space<vmem>>
          %dma_start3A_78 = arith.constant 0 : i32
          %dma_start3A_79 = arith.constant 0 : i32
          %dma_start3A_80 = tpu.memref_slice %arg2[%dma_start3A_78, %dma_start3A_79] : memref<20000x128xf32, #tpu.memory_space<hbm>> -> memref<20000x128xf32, #tpu.memory_space<hbm>>
          tpu.enqueue_indirect_dma source(%dma_start3A_80 : memref<20000x128xf32, #tpu.memory_space<hbm>>) target(%arg9 : memref<100x128xf32, #tpu.memory_space<vmem>>) offsets(%dma_start3A_77 : memref<100xi32, #tpu.memory_space<vmem>>) semaphore(%arg13 : memref<!tpu.dma_semaphore, #tpu.memory_space<semaphore_mem>>)
        } else {
        }
        %eq3A_62 = arith.constant 2 : i32
        %eq3A_63 = arith.cmpi eq, %rem3A_54, %eq3A_62 : i32
        %convert_element_type3A_64 = arith.extui %eq3A_63 : i1 to i32
        %cond3A_65 = arith.constant 0 : i32
        %cond3A_66 = arith.cmpi ne, %convert_element_type3A_64, %cond3A_65 : i32
        scf.if %cond3A_66 {
          %dma_wait3A_67 = arith.constant 0 : i32
          %dma_wait3A_68 = tpu.memref_slice %arg7[%scan3A_53, %dma_wait3A_67] : memref<40x100xi32, #tpu.memory_space<vmem>> -> memref<1x100xi32, #tpu.memory_space<vmem>>
          %dma_wait3A_69 = tpu.memref_squeeze %dma_wait3A_68 : memref<1x100xi32, #tpu.memory_space<vmem>> -> memref<100xi32, #tpu.memory_space<vmem>>
          %dma_wait3A_70 = arith.constant 0 : i32
          %dma_wait3A_71 = arith.constant 0 : i32
          %dma_wait3A_72 = tpu.memref_slice %arg2[%dma_wait3A_70, %dma_wait3A_71] : memref<20000x128xf32, #tpu.memory_space<hbm>> -> memref<20000x128xf32, #tpu.memory_space<hbm>>
          tpu.wait_indirect_dma semaphore(%arg15 : memref<!tpu.dma_semaphore, #tpu.memory_space<semaphore_mem>>) src(%dma_wait3A_72 : memref<20000x128xf32, #tpu.memory_space<hbm>>) dst(%arg11 : memref<100x128xf32, #tpu.memory_space<vmem>>)
          "tpu.region"() ({
            %run_scoped3A_81 = tpu.sem_alloc : memref<!tpu.dma_semaphore, #tpu.memory_space<semaphore_mem>>
            %dma_start3A_82 = arith.constant 0 : i32
            %dma_start3A_83 = tpu.memref_slice %arg8[%scan3A_53, %dma_start3A_82] : memref<40x100xi32, #tpu.memory_space<vmem>> -> memref<1x100xi32, #tpu.memory_space<vmem>>
            %dma_start3A_84 = tpu.memref_squeeze %dma_start3A_83 : memref<1x100xi32, #tpu.memory_space<vmem>> -> memref<100xi32, #tpu.memory_space<vmem>>
            %dma_start3A_85 = arith.constant 0 : i32
            %dma_start3A_86 = arith.constant 0 : i32
            %dma_start3A_87 = tpu.memref_slice %arg12[%dma_start3A_85, %dma_start3A_86] : memref<10112x128xf32, #tpu.memory_space<vmem_shared>> -> memref<10112x128xf32, #tpu.memory_space<vmem_shared>>
            tpu.enqueue_indirect_dma source(%arg11 : memref<100x128xf32, #tpu.memory_space<vmem>>) target(%dma_start3A_87 : memref<10112x128xf32, #tpu.memory_space<vmem_shared>>) offsets(%dma_start3A_84 : memref<100xi32, #tpu.memory_space<vmem>>) semaphore(%run_scoped3A_81 : memref<!tpu.dma_semaphore, #tpu.memory_space<semaphore_mem>>) {add = true}
            %dma_wait3A_88 = arith.constant 0 : i32
            %dma_wait3A_89 = tpu.memref_slice %arg8[%scan3A_53, %dma_wait3A_88] : memref<40x100xi32, #tpu.memory_space<vmem>> -> memref<1x100xi32, #tpu.memory_space<vmem>>
            %dma_wait3A_90 = tpu.memref_squeeze %dma_wait3A_89 : memref<1x100xi32, #tpu.memory_space<vmem>> -> memref<100xi32, #tpu.memory_space<vmem>>
            %dma_wait3A_91 = arith.constant 0 : i32
            %dma_wait3A_92 = arith.constant 0 : i32
            %dma_wait3A_93 = tpu.memref_slice %arg12[%dma_wait3A_91, %dma_wait3A_92] : memref<10112x128xf32, #tpu.memory_space<vmem_shared>> -> memref<10112x128xf32, #tpu.memory_space<vmem_shared>>
            tpu.wait_indirect_dma semaphore(%run_scoped3A_81 : memref<!tpu.dma_semaphore, #tpu.memory_space<semaphore_mem>>) src(%arg11 : memref<100x128xf32, #tpu.memory_space<vmem>>) dst(%dma_wait3A_93 : memref<10112x128xf32, #tpu.memory_space<vmem_shared>>)
            tpu.yield
          }) : () -> ()
          %add3A_73 = arith.constant 2 : i32
          %add3A_74 = arith.addi %scan3A_53, %add3A_73 : i32
          %dma_start3A_75 = arith.constant 0 : i32
          %dma_start3A_76 = tpu.memref_slice %arg7[%add3A_74, %dma_start3A_75] : memref<40x100xi32, #tpu.memory_space<vmem>> -> memref<1x100xi32, #tpu.memory_space<vmem>>
          %dma_start3A_77 = tpu.memref_squeeze %dma_start3A_76 : memref<1x100xi32, #tpu.memory_space<vmem>> -> memref<100xi32, #tpu.memory_space<vmem>>
          %dma_start3A_78 = arith.constant 0 : i32
          %dma_start3A_79 = arith.constant 0 : i32
          %dma_start3A_80 = tpu.memref_slice %arg2[%dma_start3A_78, %dma_start3A_79] : memref<20000x128xf32, #tpu.memory_space<hbm>> -> memref<20000x128xf32, #tpu.memory_space<hbm>>
          tpu.enqueue_indirect_dma source(%dma_start3A_80 : memref<20000x128xf32, #tpu.memory_space<hbm>>) target(%arg10 : memref<100x128xf32, #tpu.memory_space<vmem>>) offsets(%dma_start3A_77 : memref<100xi32, #tpu.memory_space<vmem>>) semaphore(%arg14 : memref<!tpu.dma_semaphore, #tpu.memory_space<semaphore_mem>>)
        } else {
        }
      }
      %scan3A_38 = arith.constant 38 : i32
      %dma_wait3A = arith.constant 38 : i32
      %dma_wait3A_39 = arith.constant 0 : i32
      %dma_wait3A_40 = tpu.memref_slice %arg7[%dma_wait3A, %dma_wait3A_39] : memref<40x100xi32, #tpu.memory_space<vmem>> -> memref<1x100xi32, #tpu.memory_space<vmem>>
      %dma_wait3A_41 = tpu.memref_squeeze %dma_wait3A_40 : memref<1x100xi32, #tpu.memory_space<vmem>> -> memref<100xi32, #tpu.memory_space<vmem>>
      %dma_wait3A_42 = arith.constant 0 : i32
      %dma_wait3A_43 = arith.constant 0 : i32
      %dma_wait3A_44 = tpu.memref_slice %arg2[%dma_wait3A_42, %dma_wait3A_43] : memref<20000x128xf32, #tpu.memory_space<hbm>> -> memref<20000x128xf32, #tpu.memory_space<hbm>>
      tpu.wait_indirect_dma semaphore(%arg15 : memref<!tpu.dma_semaphore, #tpu.memory_space<semaphore_mem>>) src(%dma_wait3A_44 : memref<20000x128xf32, #tpu.memory_space<hbm>>) dst(%arg11 : memref<100x128xf32, #tpu.memory_space<vmem>>)
      %run_scoped3A = arith.constant 38 : i32
      "tpu.region"() ({
        %run_scoped3A_53 = tpu.sem_alloc : memref<!tpu.dma_semaphore, #tpu.memory_space<semaphore_mem>>
        %dma_start3A_54 = arith.constant 0 : i32
        %dma_start3A_55 = tpu.memref_slice %arg8[%run_scoped3A, %dma_start3A_54] : memref<40x100xi32, #tpu.memory_space<vmem>> -> memref<1x100xi32, #tpu.memory_space<vmem>>
        %dma_start3A_56 = tpu.memref_squeeze %dma_start3A_55 : memref<1x100xi32, #tpu.memory_space<vmem>> -> memref<100xi32, #tpu.memory_space<vmem>>
        %dma_start3A_57 = arith.constant 0 : i32
        %dma_start3A_58 = arith.constant 0 : i32
        %dma_start3A_59 = tpu.memref_slice %arg12[%dma_start3A_57, %dma_start3A_58] : memref<10112x128xf32, #tpu.memory_space<vmem_shared>> -> memref<10112x128xf32, #tpu.memory_space<vmem_shared>>
        tpu.enqueue_indirect_dma source(%arg11 : memref<100x128xf32, #tpu.memory_space<vmem>>) target(%dma_start3A_59 : memref<10112x128xf32, #tpu.memory_space<vmem_shared>>) offsets(%dma_start3A_56 : memref<100xi32, #tpu.memory_space<vmem>>) semaphore(%run_scoped3A_53 : memref<!tpu.dma_semaphore, #tpu.memory_space<semaphore_mem>>) {add = true}
        %dma_wait3A_60 = arith.constant 0 : i32
        %dma_wait3A_61 = tpu.memref_slice %arg8[%run_scoped3A, %dma_wait3A_60] : memref<40x100xi32, #tpu.memory_space<vmem>> -> memref<1x100xi32, #tpu.memory_space<vmem>>
        %dma_wait3A_62 = tpu.memref_squeeze %dma_wait3A_61 : memref<1x100xi32, #tpu.memory_space<vmem>> -> memref<100xi32, #tpu.memory_space<vmem>>
        %dma_wait3A_63 = arith.constant 0 : i32
        %dma_wait3A_64 = arith.constant 0 : i32
        %dma_wait3A_65 = tpu.memref_slice %arg12[%dma_wait3A_63, %dma_wait3A_64] : memref<10112x128xf32, #tpu.memory_space<vmem_shared>> -> memref<10112x128xf32, #tpu.memory_space<vmem_shared>>
        tpu.wait_indirect_dma semaphore(%run_scoped3A_53 : memref<!tpu.dma_semaphore, #tpu.memory_space<semaphore_mem>>) src(%arg11 : memref<100x128xf32, #tpu.memory_space<vmem>>) dst(%dma_wait3A_65 : memref<10112x128xf32, #tpu.memory_space<vmem_shared>>)
        tpu.yield
      }) : () -> ()
      %dma_wait3A_45 = arith.constant 39 : i32
      %dma_wait3A_46 = arith.constant 0 : i32
      %dma_wait3A_47 = tpu.memref_slice %arg7[%dma_wait3A_45, %dma_wait3A_46] : memref<40x100xi32, #tpu.memory_space<vmem>> -> memref<1x100xi32, #tpu.memory_space<vmem>>
      %dma_wait3A_48 = tpu.memref_squeeze %dma_wait3A_47 : memref<1x100xi32, #tpu.memory_space<vmem>> -> memref<100xi32, #tpu.memory_space<vmem>>
      %dma_wait3A_49 = arith.constant 0 : i32
      %dma_wait3A_50 = arith.constant 0 : i32
      %dma_wait3A_51 = tpu.memref_slice %arg2[%dma_wait3A_49, %dma_wait3A_50] : memref<20000x128xf32, #tpu.memory_space<hbm>> -> memref<20000x128xf32, #tpu.memory_space<hbm>>
      tpu.wait_indirect_dma semaphore(%arg13 : memref<!tpu.dma_semaphore, #tpu.memory_space<semaphore_mem>>) src(%dma_wait3A_51 : memref<20000x128xf32, #tpu.memory_space<hbm>>) dst(%arg9 : memref<100x128xf32, #tpu.memory_space<vmem>>)
      %run_scoped3A_52 = arith.constant 39 : i32
      "tpu.region"() ({
        %run_scoped3A_53 = tpu.sem_alloc : memref<!tpu.dma_semaphore, #tpu.memory_space<semaphore_mem>>
        %dma_start3A_54 = arith.constant 0 : i32
        %dma_start3A_55 = tpu.memref_slice %arg8[%run_scoped3A_52, %dma_start3A_54] : memref<40x100xi32, #tpu.memory_space<vmem>> -> memref<1x100xi32, #tpu.memory_space<vmem>>
        %dma_start3A_56 = tpu.memref_squeeze %dma_start3A_55 : memref<1x100xi32, #tpu.memory_space<vmem>> -> memref<100xi32, #tpu.memory_space<vmem>>
        %dma_start3A_57 = arith.constant 0 : i32
        %dma_start3A_58 = arith.constant 0 : i32
        %dma_start3A_59 = tpu.memref_slice %arg12[%dma_start3A_57, %dma_start3A_58] : memref<10112x128xf32, #tpu.memory_space<vmem_shared>> -> memref<10112x128xf32, #tpu.memory_space<vmem_shared>>
        tpu.enqueue_indirect_dma source(%arg9 : memref<100x128xf32, #tpu.memory_space<vmem>>) target(%dma_start3A_59 : memref<10112x128xf32, #tpu.memory_space<vmem_shared>>) offsets(%dma_start3A_56 : memref<100xi32, #tpu.memory_space<vmem>>) semaphore(%run_scoped3A_53 : memref<!tpu.dma_semaphore, #tpu.memory_space<semaphore_mem>>) {add = true}
        %dma_wait3A_60 = arith.constant 0 : i32
        %dma_wait3A_61 = tpu.memref_slice %arg8[%run_scoped3A_52, %dma_wait3A_60] : memref<40x100xi32, #tpu.memory_space<vmem>> -> memref<1x100xi32, #tpu.memory_space<vmem>>
        %dma_wait3A_62 = tpu.memref_squeeze %dma_wait3A_61 : memref<1x100xi32, #tpu.memory_space<vmem>> -> memref<100xi32, #tpu.memory_space<vmem>>
        %dma_wait3A_63 = arith.constant 0 : i32
        %dma_wait3A_64 = arith.constant 0 : i32
        %dma_wait3A_65 = tpu.memref_slice %arg12[%dma_wait3A_63, %dma_wait3A_64] : memref<10112x128xf32, #tpu.memory_space<vmem_shared>> -> memref<10112x128xf32, #tpu.memory_space<vmem_shared>>
        tpu.wait_indirect_dma semaphore(%run_scoped3A_53 : memref<!tpu.dma_semaphore, #tpu.memory_space<semaphore_mem>>) src(%arg9 : memref<100x128xf32, #tpu.memory_space<vmem>>) dst(%dma_wait3A_65 : memref<10112x128xf32, #tpu.memory_space<vmem_shared>>)
        tpu.yield
      }) : () -> ()
    }
    %scan3A_5 = arith.constant 5 : i32
    %barrier3A_6 = arith.constant 0 : index
    tpu.barrier barrier_id(%barrier3A_6)
    %mul3A_7 = arith.constant 632 : i32
    %mul3A_8 = arith.muli %arg1, %mul3A_7 : i32
    %mul3A_9 = arith.constant 632 : i32
    %mul3A_10 = arith.muli %arg1, %mul3A_9 : i32
    "tpu.region"() ({
      %run_scoped3A = tpu.sem_alloc : memref<!tpu.dma_semaphore, #tpu.memory_space<semaphore_mem>>
      %dma_start3A = arith.constant 0 : i32
      %dma_start3A_11 = tpu.memref_slice %arg6[%arg0, %mul3A_10, %dma_start3A] : memref<2x10112x128xf32, #tpu.memory_space<hbm>> -> memref<1x632x128xf32, #tpu.memory_space<hbm>>
      %dma_start3A_12 = tpu.memref_squeeze %dma_start3A_11 : memref<1x632x128xf32, #tpu.memory_space<hbm>> -> memref<632x128xf32, #tpu.memory_space<hbm>>
      %dma_start3A_13 = arith.constant 0 : i32
      %dma_start3A_14 = tpu.memref_slice %arg12[%mul3A_8, %dma_start3A_13] : memref<10112x128xf32, #tpu.memory_space<vmem_shared>> -> memref<632x128xf32, #tpu.memory_space<vmem_shared>>
      tpu.enqueue_dma source(%dma_start3A_14 : memref<632x128xf32, #tpu.memory_space<vmem_shared>>) target(%dma_start3A_12 : memref<632x128xf32, #tpu.memory_space<hbm>>) target_semaphore(%run_scoped3A : memref<!tpu.dma_semaphore, #tpu.memory_space<semaphore_mem>>)
      %dma_wait3A = arith.constant 0 : i32
      %dma_wait3A_15 = tpu.memref_slice %arg6[%arg0, %mul3A_10, %dma_wait3A] : memref<2x10112x128xf32, #tpu.memory_space<hbm>> -> memref<1x632x128xf32, #tpu.memory_space<hbm>>
      %dma_wait3A_16 = tpu.memref_squeeze %dma_wait3A_15 : memref<1x632x128xf32, #tpu.memory_space<hbm>> -> memref<632x128xf32, #tpu.memory_space<hbm>>
      %dma_wait3A_17 = arith.constant 0 : i32
      %dma_wait3A_18 = tpu.memref_slice %arg12[%mul3A_8, %dma_wait3A_17] : memref<10112x128xf32, #tpu.memory_space<vmem_shared>> -> memref<632x128xf32, #tpu.memory_space<vmem_shared>>
      tpu.wait_dma2 semaphore(%run_scoped3A : memref<!tpu.dma_semaphore, #tpu.memory_space<semaphore_mem>>) src(%dma_wait3A_18 : memref<632x128xf32, #tpu.memory_space<vmem_shared>>) dst(%dma_wait3A_16 : memref<632x128xf32, #tpu.memory_space<hbm>>)
      tpu.yield
    }) : () -> ()
    return
  }
}

module attributes {stable_mosaic.version = 14 : i64} {
  func.func @_m0_body(%arg0: i32, %arg1: memref<2000x128xf32, #tpu.memory_space<vmem>>, %arg2: memref<128x256xbf16, #tpu.memory_space<vmem>>, %arg3: memref<2000x256xf32, #tpu.memory_space<vmem>>) attributes {dimension_semantics = [#tpu.dimension_semantics<arbitrary>], iteration_bounds = array<i64: 5>, scalar_prefetch = 0 : i64, scratch_operands = 0 : i64, tpu.core_type = #tpu.core_type<tc>, window_params = [{transform_indices = @transform_0, window_bounds = array<i64: 2000, 128>}, {pipeline_mode = #tpu.pipeline_mode<synchronous>, transform_indices = @transform_1, window_bounds = array<i64: 128, 256>}, {transform_indices = @transform_2, window_bounds = array<i64: 2000, 256>}]} {
    %get3A = arith.constant 0 : index
    %get3A_0 = arith.constant 0 : index
    %get3A_1 = vector.load %arg1[%get3A, %get3A_0] : memref<2000x128xf32, #tpu.memory_space<vmem>>, vector<2000x128xf32>
    %convert_element_type3A = arith.truncf %get3A_1 : vector<2000x128xf32> to vector<2000x128xbf16>
    %get3A_2 = arith.constant 0 : index
    %get3A_3 = arith.constant 0 : index
    %get3A_4 = vector.load %arg2[%get3A_2, %get3A_3] : memref<128x256xbf16, #tpu.memory_space<vmem>>, vector<128x256xbf16>
    %dot_general3A = arith.constant dense<0.000000e+00> : vector<2000x256xf32>
    %dot_general3A_5 = tpu.matmul %convert_element_type3A, %get3A_4, %dot_general3A {dimension_numbers = #tpu.dot_dimension_numbers<[1], [0], [0], [1], [0, 0, 1, 1], [], []>, transpose_lhs_hint = false} : vector<2000x128xbf16>, vector<128x256xbf16>, vector<2000x256xf32> -> vector<2000x256xf32>
    %swap3A = arith.constant 0 : index
    %swap3A_6 = arith.constant 0 : index
    %swap3A_7 = vector.load %arg3[%swap3A, %swap3A_6] : memref<2000x256xf32, #tpu.memory_space<vmem>>, vector<2000x256xf32>
    tpu.vector_store %arg3[%swap3A, %swap3A_6], %dot_general3A_5 {strides = array<i32>} : memref<2000x256xf32, #tpu.memory_space<vmem>>, vector<2000x256xf32>,
    return
  }
  func.func @transform_0(%arg0: i32) -> (i32, i32) {
    %c0_i32 = arith.constant 0 : i32
    %c0_i32_0 = arith.constant 0 : i32
    return %arg0, %c0_i32 : i32, i32
  }
  func.func @transform_1(%arg0: i32) -> (i32, i32) {
    %c0_i32 = arith.constant 0 : i32
    %c0_i32_0 = arith.constant 0 : i32
    %c0_i32_1 = arith.constant 0 : i32
    return %c0_i32, %c0_i32_0 : i32, i32
  }
  func.func @transform_2(%arg0: i32) -> (i32, i32) {
    %c0_i32 = arith.constant 0 : i32
    %c0_i32_0 = arith.constant 0 : i32
    return %arg0, %c0_i32 : i32, i32
  }
}

module attributes {stable_mosaic.version = 14 : i64} {
  func.func @_gru_body(%arg0: i32, %arg1: memref<2000x256xf32, #tpu.memory_space<vmem>>, %arg2: memref<2x2000x128xf32, #tpu.memory_space<vmem>>, %arg3: memref<128x768xbf16, #tpu.memory_space<vmem>>, %arg4: memref<128x768xbf16, #tpu.memory_space<vmem>>, %arg5: memref<256x768xbf16, #tpu.memory_space<vmem>>, %arg6: memref<1x768xf32, #tpu.memory_space<vmem>>, %arg7: memref<1x768xf32, #tpu.memory_space<vmem>>, %arg8: memref<256x256xbf16, #tpu.memory_space<vmem>>, %arg9: memref<2000x256xf32, #tpu.memory_space<vmem>>, %arg10: memref<2000x256xf32, #tpu.memory_space<vmem>>) attributes {dimension_semantics = [#tpu.dimension_semantics<arbitrary>], iteration_bounds = array<i64: 5>, scalar_prefetch = 0 : i64, scratch_operands = 0 : i64, tpu.core_type = #tpu.core_type<tc>, window_params = [{transform_indices = @transform_0, window_bounds = array<i64: 2000, 256>}, {transform_indices = @transform_1, window_bounds = array<i64: 2, 2000, 128>}, {pipeline_mode = #tpu.pipeline_mode<synchronous>, transform_indices = @transform_2, window_bounds = array<i64: 128, 768>}, {pipeline_mode = #tpu.pipeline_mode<synchronous>, transform_indices = @transform_3, window_bounds = array<i64: 128, 768>}, {pipeline_mode = #tpu.pipeline_mode<synchronous>, transform_indices = @transform_4, window_bounds = array<i64: 256, 768>}, {pipeline_mode = #tpu.pipeline_mode<synchronous>, transform_indices = @transform_5, window_bounds = array<i64: 1, 768>}, {pipeline_mode = #tpu.pipeline_mode<synchronous>, transform_indices = @transform_6, window_bounds = array<i64: 1, 768>}, {pipeline_mode = #tpu.pipeline_mode<synchronous>, transform_indices = @transform_7, window_bounds = array<i64: 256, 256>}, {transform_indices = @transform_8, window_bounds = array<i64: 2000, 256>}, {transform_indices = @transform_9, window_bounds = array<i64: 2000, 256>}]} {
    %get3A = arith.constant 0 : index
    %get3A_0 = arith.constant 0 : index
    %get3A_1 = vector.load %arg1[%get3A, %get3A_0] : memref<2000x256xf32, #tpu.memory_space<vmem>>, vector<2000x256xf32>
    %get3A_2 = arith.constant 0 : index
    %get3A_3 = arith.constant 0 : index
    %get3A_4 = arith.constant 0 : index
    %get3A_5 = vector.load %arg2[%get3A_2, %get3A_3, %get3A_4] : memref<2x2000x128xf32, #tpu.memory_space<vmem>>, vector<1x2000x128xf32>
    %get3A_6 = vector.shape_cast %get3A_5 : vector<1x2000x128xf32> to vector<2000x128xf32>
    %get3A_7 = arith.constant 0 : index
    %get3A_8 = arith.constant 0 : index
    %get3A_9 = vector.load %arg3[%get3A_7, %get3A_8] : memref<128x768xbf16, #tpu.memory_space<vmem>>, vector<128x768xbf16>
    %dot_general3A = arith.constant dense<0.000000e+00> : vector<2000x768xf32>
    %dot_general3A_10 = tpu.matmul %get3A_6, %get3A_9, %dot_general3A {dimension_numbers = #tpu.dot_dimension_numbers<[1], [0], [0], [1], [0, 0, 1, 1], [], []>, transpose_lhs_hint = false} : vector<2000x128xf32>, vector<128x768xbf16>, vector<2000x768xf32> -> vector<2000x768xf32>
    %get3A_11 = arith.constant 1 : index
    %get3A_12 = arith.constant 0 : index
    %get3A_13 = arith.constant 0 : index
    %get3A_14 = vector.load %arg2[%get3A_11, %get3A_12, %get3A_13] : memref<2x2000x128xf32, #tpu.memory_space<vmem>>, vector<1x2000x128xf32>
    %get3A_15 = vector.shape_cast %get3A_14 : vector<1x2000x128xf32> to vector<2000x128xf32>
    %get3A_16 = arith.constant 0 : index
    %get3A_17 = arith.constant 0 : index
    %get3A_18 = vector.load %arg4[%get3A_16, %get3A_17] : memref<128x768xbf16, #tpu.memory_space<vmem>>, vector<128x768xbf16>
    %dot_general3A_19 = arith.constant dense<0.000000e+00> : vector<2000x768xf32>
    %dot_general3A_20 = tpu.matmul %get3A_15, %get3A_18, %dot_general3A_19 {dimension_numbers = #tpu.dot_dimension_numbers<[1], [0], [0], [1], [0, 0, 1, 1], [], []>, transpose_lhs_hint = false} : vector<2000x128xf32>, vector<128x768xbf16>, vector<2000x768xf32> -> vector<2000x768xf32>
    %add3A = arith.addf %dot_general3A_10, %dot_general3A_20 : vector<2000x768xf32>
    %get3A_21 = arith.constant 0 : index
    %get3A_22 = arith.constant 0 : index
    %get3A_23 = vector.load %arg6[%get3A_21, %get3A_22] : memref<1x768xf32, #tpu.memory_space<vmem>>, vector<1x768xf32>
    %add3A_24 = vector.broadcast %get3A_23 : vector<1x768xf32> to vector<2000x768xf32>
    %add3A_25 = arith.addf %add3A, %add3A_24 : vector<2000x768xf32>
    %convert_element_type3A = arith.truncf %get3A_1 : vector<2000x256xf32> to vector<2000x256xbf16>
    %get3A_26 = arith.constant 0 : index
    %get3A_27 = arith.constant 0 : index
    %get3A_28 = vector.load %arg5[%get3A_26, %get3A_27] : memref<256x768xbf16, #tpu.memory_space<vmem>>, vector<256x768xbf16>
    %dot_general3A_29 = arith.constant dense<0.000000e+00> : vector<2000x768xf32>
    %dot_general3A_30 = tpu.matmul %convert_element_type3A, %get3A_28, %dot_general3A_29 {dimension_numbers = #tpu.dot_dimension_numbers<[1], [0], [0], [1], [0, 0, 1, 1], [], []>, transpose_lhs_hint = false} : vector<2000x256xbf16>, vector<256x768xbf16>, vector<2000x768xf32> -> vector<2000x768xf32>
    %get3A_31 = arith.constant 0 : index
    %get3A_32 = arith.constant 0 : index
    %get3A_33 = vector.load %arg7[%get3A_31, %get3A_32] : memref<1x768xf32, #tpu.memory_space<vmem>>, vector<1x768xf32>
    %add3A_34 = vector.broadcast %get3A_33 : vector<1x768xf32> to vector<2000x768xf32>
    %add3A_35 = arith.addf %dot_general3A_30, %add3A_34 : vector<2000x768xf32>
    %slice3A = vector.extract_strided_slice %add3A_25 {offsets = [0, 0], sizes = [2000, 256], strides = [1, 1]} : vector<2000x768xf32> to vector<2000x256xf32>
    %slice3A_36 = vector.extract_strided_slice %add3A_35 {offsets = [0, 0], sizes = [2000, 256], strides = [1, 1]} : vector<2000x768xf32> to vector<2000x256xf32>
    %add3A_37 = arith.addf %slice3A, %slice3A_36 : vector<2000x256xf32>
    %logistic3A = arith.negf %add3A_37 : vector<2000x256xf32>
    %logistic3A_38 = math.exp %logistic3A : vector<2000x256xf32>
    %logistic3A_39 = arith.constant 1.000000e+00 : f32
    %logistic3A_40 = vector.broadcast %logistic3A_39 : f32 to vector<2000x256xf32>
    %logistic3A_41 = arith.addf %logistic3A_40, %logistic3A_38 : vector<2000x256xf32>
    %logistic3A_42 = arith.divf %logistic3A_40, %logistic3A_41 : vector<2000x256xf32>
    %slice3A_43 = vector.extract_strided_slice %add3A_25 {offsets = [0, 256], sizes = [2000, 256], strides = [1, 1]} : vector<2000x768xf32> to vector<2000x256xf32>
    %slice3A_44 = vector.extract_strided_slice %add3A_35 {offsets = [0, 256], sizes = [2000, 256], strides = [1, 1]} : vector<2000x768xf32> to vector<2000x256xf32>
    %add3A_45 = arith.addf %slice3A_43, %slice3A_44 : vector<2000x256xf32>
    %logistic3A_46 = arith.negf %add3A_45 : vector<2000x256xf32>
    %logistic3A_47 = math.exp %logistic3A_46 : vector<2000x256xf32>
    %logistic3A_48 = arith.constant 1.000000e+00 : f32
    %logistic3A_49 = vector.broadcast %logistic3A_48 : f32 to vector<2000x256xf32>
    %logistic3A_50 = arith.addf %logistic3A_49, %logistic3A_47 : vector<2000x256xf32>
    %logistic3A_51 = arith.divf %logistic3A_49, %logistic3A_50 : vector<2000x256xf32>
    %slice3A_52 = vector.extract_strided_slice %add3A_25 {offsets = [0, 512], sizes = [2000, 256], strides = [1, 1]} : vector<2000x768xf32> to vector<2000x256xf32>
    %slice3A_53 = vector.extract_strided_slice %add3A_35 {offsets = [0, 512], sizes = [2000, 256], strides = [1, 1]} : vector<2000x768xf32> to vector<2000x256xf32>
    %mul3A = arith.mulf %logistic3A_42, %slice3A_53 : vector<2000x256xf32>
    %add3A_54 = arith.addf %slice3A_52, %mul3A : vector<2000x256xf32>
    %tanh3A = math.tanh %add3A_54 : vector<2000x256xf32>
    %sub3A = arith.constant 1.000000e+00 : f32
    %sub3A_55 = vector.broadcast %sub3A : f32 to vector<2000x256xf32>
    %sub3A_56 = arith.subf %sub3A_55, %logistic3A_51 : vector<2000x256xf32>
    %mul3A_57 = arith.mulf %sub3A_56, %tanh3A : vector<2000x256xf32>
    %mul3A_58 = arith.mulf %logistic3A_51, %get3A_1 : vector<2000x256xf32>
    %add3A_59 = arith.addf %mul3A_57, %mul3A_58 : vector<2000x256xf32>
    %swap3A = arith.constant 0 : index
    %swap3A_60 = arith.constant 0 : index
    %swap3A_61 = vector.load %arg9[%swap3A, %swap3A_60] : memref<2000x256xf32, #tpu.memory_space<vmem>>, vector<2000x256xf32>
    tpu.vector_store %arg9[%swap3A, %swap3A_60], %add3A_59 {strides = array<i32>} : memref<2000x256xf32, #tpu.memory_space<vmem>>, vector<2000x256xf32>,
    %convert_element_type3A_62 = arith.truncf %add3A_59 : vector<2000x256xf32> to vector<2000x256xbf16>
    %get3A_63 = arith.constant 0 : index
    %get3A_64 = arith.constant 0 : index
    %get3A_65 = vector.load %arg8[%get3A_63, %get3A_64] : memref<256x256xbf16, #tpu.memory_space<vmem>>, vector<256x256xbf16>
    %dot_general3A_66 = arith.constant dense<0.000000e+00> : vector<2000x256xf32>
    %dot_general3A_67 = tpu.matmul %convert_element_type3A_62, %get3A_65, %dot_general3A_66 {dimension_numbers = #tpu.dot_dimension_numbers<[1], [0], [0], [1], [0, 0, 1, 1], [], []>, transpose_lhs_hint = false} : vector<2000x256xbf16>, vector<256x256xbf16>, vector<2000x256xf32> -> vector<2000x256xf32>
    %swap3A_68 = arith.constant 0 : index
    %swap3A_69 = arith.constant 0 : index
    %swap3A_70 = vector.load %arg10[%swap3A_68, %swap3A_69] : memref<2000x256xf32, #tpu.memory_space<vmem>>, vector<2000x256xf32>
    tpu.vector_store %arg10[%swap3A_68, %swap3A_69], %dot_general3A_67 {strides = array<i32>} : memref<2000x256xf32, #tpu.memory_space<vmem>>, vector<2000x256xf32>,
    return
  }
  func.func @transform_0(%arg0: i32) -> (i32, i32) {
    %c0_i32 = arith.constant 0 : i32
    %c0_i32_0 = arith.constant 0 : i32
    return %arg0, %c0_i32 : i32, i32
  }
  func.func @transform_1(%arg0: i32) -> (i32, i32, i32) {
    %c0_i32 = arith.constant 0 : i32
    %c0_i32_0 = arith.constant 0 : i32
    %c0_i32_1 = arith.constant 0 : i32
    return %c0_i32, %arg0, %c0_i32_0 : i32, i32, i32
  }
  func.func @transform_2(%arg0: i32) -> (i32, i32) {
    %c0_i32 = arith.constant 0 : i32
    %c0_i32_0 = arith.constant 0 : i32
    %c0_i32_1 = arith.constant 0 : i32
    return %c0_i32, %c0_i32_0 : i32, i32
  }
  func.func @transform_3(%arg0: i32) -> (i32, i32) {
    %c0_i32 = arith.constant 0 : i32
    %c0_i32_0 = arith.constant 0 : i32
    %c0_i32_1 = arith.constant 0 : i32
    return %c0_i32, %c0_i32_0 : i32, i32
  }
  func.func @transform_4(%arg0: i32) -> (i32, i32) {
    %c0_i32 = arith.constant 0 : i32
    %c0_i32_0 = arith.constant 0 : i32
    %c0_i32_1 = arith.constant 0 : i32
    return %c0_i32, %c0_i32_0 : i32, i32
  }
  func.func @transform_5(%arg0: i32) -> (i32, i32) {
    %c0_i32 = arith.constant 0 : i32
    %c0_i32_0 = arith.constant 0 : i32
    %c0_i32_1 = arith.constant 0 : i32
    return %c0_i32, %c0_i32_0 : i32, i32
  }
  func.func @transform_6(%arg0: i32) -> (i32, i32) {
    %c0_i32 = arith.constant 0 : i32
    %c0_i32_0 = arith.constant 0 : i32
    %c0_i32_1 = arith.constant 0 : i32
    return %c0_i32, %c0_i32_0 : i32, i32
  }
  func.func @transform_7(%arg0: i32) -> (i32, i32) {
    %c0_i32 = arith.constant 0 : i32
    %c0_i32_0 = arith.constant 0 : i32
    %c0_i32_1 = arith.constant 0 : i32
    return %c0_i32, %c0_i32_0 : i32, i32
  }
  func.func @transform_8(%arg0: i32) -> (i32, i32) {
    %c0_i32 = arith.constant 0 : i32
    %c0_i32_0 = arith.constant 0 : i32
    return %arg0, %c0_i32 : i32, i32
  }
  func.func @transform_9(%arg0: i32) -> (i32, i32) {
    %c0_i32 = arith.constant 0 : i32
    %c0_i32_0 = arith.constant 0 : i32
    return %arg0, %c0_i32 : i32, i32
  }
}

module attributes {stable_mosaic.version = 14 : i64} {
  func.func @_gru_body(%arg0: i32, %arg1: memref<2000x256xf32, #tpu.memory_space<vmem>>, %arg2: memref<2x2000x128xf32, #tpu.memory_space<vmem>>, %arg3: memref<128x768xbf16, #tpu.memory_space<vmem>>, %arg4: memref<128x768xbf16, #tpu.memory_space<vmem>>, %arg5: memref<256x768xbf16, #tpu.memory_space<vmem>>, %arg6: memref<1x768xf32, #tpu.memory_space<vmem>>, %arg7: memref<1x768xf32, #tpu.memory_space<vmem>>, %arg8: memref<256x256xbf16, #tpu.memory_space<vmem>>, %arg9: memref<2000x256xf32, #tpu.memory_space<vmem>>, %arg10: memref<2000x256xf32, #tpu.memory_space<vmem>>) attributes {dimension_semantics = [#tpu.dimension_semantics<arbitrary>], iteration_bounds = array<i64: 5>, scalar_prefetch = 0 : i64, scratch_operands = 0 : i64, tpu.core_type = #tpu.core_type<tc>, window_params = [{transform_indices = @transform_0, window_bounds = array<i64: 2000, 256>}, {transform_indices = @transform_1, window_bounds = array<i64: 2, 2000, 128>}, {pipeline_mode = #tpu.pipeline_mode<synchronous>, transform_indices = @transform_2, window_bounds = array<i64: 128, 768>}, {pipeline_mode = #tpu.pipeline_mode<synchronous>, transform_indices = @transform_3, window_bounds = array<i64: 128, 768>}, {pipeline_mode = #tpu.pipeline_mode<synchronous>, transform_indices = @transform_4, window_bounds = array<i64: 256, 768>}, {pipeline_mode = #tpu.pipeline_mode<synchronous>, transform_indices = @transform_5, window_bounds = array<i64: 1, 768>}, {pipeline_mode = #tpu.pipeline_mode<synchronous>, transform_indices = @transform_6, window_bounds = array<i64: 1, 768>}, {pipeline_mode = #tpu.pipeline_mode<synchronous>, transform_indices = @transform_7, window_bounds = array<i64: 256, 256>}, {transform_indices = @transform_8, window_bounds = array<i64: 2000, 256>}, {transform_indices = @transform_9, window_bounds = array<i64: 2000, 256>}]} {
    %get3A = arith.constant 0 : index
    %get3A_0 = arith.constant 0 : index
    %get3A_1 = vector.load %arg1[%get3A, %get3A_0] : memref<2000x256xf32, #tpu.memory_space<vmem>>, vector<2000x256xf32>
    %get3A_2 = arith.constant 0 : index
    %get3A_3 = arith.constant 0 : index
    %get3A_4 = arith.constant 0 : index
    %get3A_5 = vector.load %arg2[%get3A_2, %get3A_3, %get3A_4] : memref<2x2000x128xf32, #tpu.memory_space<vmem>>, vector<1x2000x128xf32>
    %get3A_6 = vector.shape_cast %get3A_5 : vector<1x2000x128xf32> to vector<2000x128xf32>
    %get3A_7 = arith.constant 0 : index
    %get3A_8 = arith.constant 0 : index
    %get3A_9 = vector.load %arg3[%get3A_7, %get3A_8] : memref<128x768xbf16, #tpu.memory_space<vmem>>, vector<128x768xbf16>
    %dot_general3A = arith.constant dense<0.000000e+00> : vector<2000x768xf32>
    %dot_general3A_10 = tpu.matmul %get3A_6, %get3A_9, %dot_general3A {dimension_numbers = #tpu.dot_dimension_numbers<[1], [0], [0], [1], [0, 0, 1, 1], [], []>, transpose_lhs_hint = false} : vector<2000x128xf32>, vector<128x768xbf16>, vector<2000x768xf32> -> vector<2000x768xf32>
    %get3A_11 = arith.constant 1 : index
    %get3A_12 = arith.constant 0 : index
    %get3A_13 = arith.constant 0 : index
    %get3A_14 = vector.load %arg2[%get3A_11, %get3A_12, %get3A_13] : memref<2x2000x128xf32, #tpu.memory_space<vmem>>, vector<1x2000x128xf32>
    %get3A_15 = vector.shape_cast %get3A_14 : vector<1x2000x128xf32> to vector<2000x128xf32>
    %get3A_16 = arith.constant 0 : index
    %get3A_17 = arith.constant 0 : index
    %get3A_18 = vector.load %arg4[%get3A_16, %get3A_17] : memref<128x768xbf16, #tpu.memory_space<vmem>>, vector<128x768xbf16>
    %dot_general3A_19 = arith.constant dense<0.000000e+00> : vector<2000x768xf32>
    %dot_general3A_20 = tpu.matmul %get3A_15, %get3A_18, %dot_general3A_19 {dimension_numbers = #tpu.dot_dimension_numbers<[1], [0], [0], [1], [0, 0, 1, 1], [], []>, transpose_lhs_hint = false} : vector<2000x128xf32>, vector<128x768xbf16>, vector<2000x768xf32> -> vector<2000x768xf32>
    %add3A = arith.addf %dot_general3A_10, %dot_general3A_20 : vector<2000x768xf32>
    %get3A_21 = arith.constant 0 : index
    %get3A_22 = arith.constant 0 : index
    %get3A_23 = vector.load %arg6[%get3A_21, %get3A_22] : memref<1x768xf32, #tpu.memory_space<vmem>>, vector<1x768xf32>
    %add3A_24 = vector.broadcast %get3A_23 : vector<1x768xf32> to vector<2000x768xf32>
    %add3A_25 = arith.addf %add3A, %add3A_24 : vector<2000x768xf32>
    %convert_element_type3A = arith.truncf %get3A_1 : vector<2000x256xf32> to vector<2000x256xbf16>
    %get3A_26 = arith.constant 0 : index
    %get3A_27 = arith.constant 0 : index
    %get3A_28 = vector.load %arg5[%get3A_26, %get3A_27] : memref<256x768xbf16, #tpu.memory_space<vmem>>, vector<256x768xbf16>
    %dot_general3A_29 = arith.constant dense<0.000000e+00> : vector<2000x768xf32>
    %dot_general3A_30 = tpu.matmul %convert_element_type3A, %get3A_28, %dot_general3A_29 {dimension_numbers = #tpu.dot_dimension_numbers<[1], [0], [0], [1], [0, 0, 1, 1], [], []>, transpose_lhs_hint = false} : vector<2000x256xbf16>, vector<256x768xbf16>, vector<2000x768xf32> -> vector<2000x768xf32>
    %get3A_31 = arith.constant 0 : index
    %get3A_32 = arith.constant 0 : index
    %get3A_33 = vector.load %arg7[%get3A_31, %get3A_32] : memref<1x768xf32, #tpu.memory_space<vmem>>, vector<1x768xf32>
    %add3A_34 = vector.broadcast %get3A_33 : vector<1x768xf32> to vector<2000x768xf32>
    %add3A_35 = arith.addf %dot_general3A_30, %add3A_34 : vector<2000x768xf32>
    %slice3A = vector.extract_strided_slice %add3A_25 {offsets = [0, 0], sizes = [2000, 256], strides = [1, 1]} : vector<2000x768xf32> to vector<2000x256xf32>
    %slice3A_36 = vector.extract_strided_slice %add3A_35 {offsets = [0, 0], sizes = [2000, 256], strides = [1, 1]} : vector<2000x768xf32> to vector<2000x256xf32>
    %add3A_37 = arith.addf %slice3A, %slice3A_36 : vector<2000x256xf32>
    %logistic3A = arith.negf %add3A_37 : vector<2000x256xf32>
    %logistic3A_38 = math.exp %logistic3A : vector<2000x256xf32>
    %logistic3A_39 = arith.constant 1.000000e+00 : f32
    %logistic3A_40 = vector.broadcast %logistic3A_39 : f32 to vector<2000x256xf32>
    %logistic3A_41 = arith.addf %logistic3A_40, %logistic3A_38 : vector<2000x256xf32>
    %logistic3A_42 = arith.divf %logistic3A_40, %logistic3A_41 : vector<2000x256xf32>
    %slice3A_43 = vector.extract_strided_slice %add3A_25 {offsets = [0, 256], sizes = [2000, 256], strides = [1, 1]} : vector<2000x768xf32> to vector<2000x256xf32>
    %slice3A_44 = vector.extract_strided_slice %add3A_35 {offsets = [0, 256], sizes = [2000, 256], strides = [1, 1]} : vector<2000x768xf32> to vector<2000x256xf32>
    %add3A_45 = arith.addf %slice3A_43, %slice3A_44 : vector<2000x256xf32>
    %logistic3A_46 = arith.negf %add3A_45 : vector<2000x256xf32>
    %logistic3A_47 = math.exp %logistic3A_46 : vector<2000x256xf32>
    %logistic3A_48 = arith.constant 1.000000e+00 : f32
    %logistic3A_49 = vector.broadcast %logistic3A_48 : f32 to vector<2000x256xf32>
    %logistic3A_50 = arith.addf %logistic3A_49, %logistic3A_47 : vector<2000x256xf32>
    %logistic3A_51 = arith.divf %logistic3A_49, %logistic3A_50 : vector<2000x256xf32>
    %slice3A_52 = vector.extract_strided_slice %add3A_25 {offsets = [0, 512], sizes = [2000, 256], strides = [1, 1]} : vector<2000x768xf32> to vector<2000x256xf32>
    %slice3A_53 = vector.extract_strided_slice %add3A_35 {offsets = [0, 512], sizes = [2000, 256], strides = [1, 1]} : vector<2000x768xf32> to vector<2000x256xf32>
    %mul3A = arith.mulf %logistic3A_42, %slice3A_53 : vector<2000x256xf32>
    %add3A_54 = arith.addf %slice3A_52, %mul3A : vector<2000x256xf32>
    %tanh3A = math.tanh %add3A_54 : vector<2000x256xf32>
    %sub3A = arith.constant 1.000000e+00 : f32
    %sub3A_55 = vector.broadcast %sub3A : f32 to vector<2000x256xf32>
    %sub3A_56 = arith.subf %sub3A_55, %logistic3A_51 : vector<2000x256xf32>
    %mul3A_57 = arith.mulf %sub3A_56, %tanh3A : vector<2000x256xf32>
    %mul3A_58 = arith.mulf %logistic3A_51, %get3A_1 : vector<2000x256xf32>
    %add3A_59 = arith.addf %mul3A_57, %mul3A_58 : vector<2000x256xf32>
    %swap3A = arith.constant 0 : index
    %swap3A_60 = arith.constant 0 : index
    %swap3A_61 = vector.load %arg9[%swap3A, %swap3A_60] : memref<2000x256xf32, #tpu.memory_space<vmem>>, vector<2000x256xf32>
    tpu.vector_store %arg9[%swap3A, %swap3A_60], %add3A_59 {strides = array<i32>} : memref<2000x256xf32, #tpu.memory_space<vmem>>, vector<2000x256xf32>,
    %convert_element_type3A_62 = arith.truncf %add3A_59 : vector<2000x256xf32> to vector<2000x256xbf16>
    %get3A_63 = arith.constant 0 : index
    %get3A_64 = arith.constant 0 : index
    %get3A_65 = vector.load %arg8[%get3A_63, %get3A_64] : memref<256x256xbf16, #tpu.memory_space<vmem>>, vector<256x256xbf16>
    %dot_general3A_66 = arith.constant dense<0.000000e+00> : vector<2000x256xf32>
    %dot_general3A_67 = tpu.matmul %convert_element_type3A_62, %get3A_65, %dot_general3A_66 {dimension_numbers = #tpu.dot_dimension_numbers<[1], [0], [0], [1], [0, 0, 1, 1], [], []>, transpose_lhs_hint = false} : vector<2000x256xbf16>, vector<256x256xbf16>, vector<2000x256xf32> -> vector<2000x256xf32>
    %swap3A_68 = arith.constant 0 : index
    %swap3A_69 = arith.constant 0 : index
    %swap3A_70 = vector.load %arg10[%swap3A_68, %swap3A_69] : memref<2000x256xf32, #tpu.memory_space<vmem>>, vector<2000x256xf32>
    tpu.vector_store %arg10[%swap3A_68, %swap3A_69], %dot_general3A_67 {strides = array<i32>} : memref<2000x256xf32, #tpu.memory_space<vmem>>, vector<2000x256xf32>,
    return
  }
  func.func @transform_0(%arg0: i32) -> (i32, i32) {
    %c0_i32 = arith.constant 0 : i32
    %c0_i32_0 = arith.constant 0 : i32
    return %arg0, %c0_i32 : i32, i32
  }
  func.func @transform_1(%arg0: i32) -> (i32, i32, i32) {
    %c0_i32 = arith.constant 0 : i32
    %c0_i32_0 = arith.constant 0 : i32
    %c0_i32_1 = arith.constant 0 : i32
    return %c0_i32, %arg0, %c0_i32_0 : i32, i32, i32
  }
  func.func @transform_2(%arg0: i32) -> (i32, i32) {
    %c0_i32 = arith.constant 0 : i32
    %c0_i32_0 = arith.constant 0 : i32
    %c0_i32_1 = arith.constant 0 : i32
    return %c0_i32, %c0_i32_0 : i32, i32
  }
  func.func @transform_3(%arg0: i32) -> (i32, i32) {
    %c0_i32 = arith.constant 0 : i32
    %c0_i32_0 = arith.constant 0 : i32
    %c0_i32_1 = arith.constant 0 : i32
    return %c0_i32, %c0_i32_0 : i32, i32
  }
  func.func @transform_4(%arg0: i32) -> (i32, i32) {
    %c0_i32 = arith.constant 0 : i32
    %c0_i32_0 = arith.constant 0 : i32
    %c0_i32_1 = arith.constant 0 : i32
    return %c0_i32, %c0_i32_0 : i32, i32
  }
  func.func @transform_5(%arg0: i32) -> (i32, i32) {
    %c0_i32 = arith.constant 0 : i32
    %c0_i32_0 = arith.constant 0 : i32
    %c0_i32_1 = arith.constant 0 : i32
    return %c0_i32, %c0_i32_0 : i32, i32
  }
  func.func @transform_6(%arg0: i32) -> (i32, i32) {
    %c0_i32 = arith.constant 0 : i32
    %c0_i32_0 = arith.constant 0 : i32
    %c0_i32_1 = arith.constant 0 : i32
    return %c0_i32, %c0_i32_0 : i32, i32
  }
  func.func @transform_7(%arg0: i32) -> (i32, i32) {
    %c0_i32 = arith.constant 0 : i32
    %c0_i32_0 = arith.constant 0 : i32
    %c0_i32_1 = arith.constant 0 : i32
    return %c0_i32, %c0_i32_0 : i32, i32
  }
  func.func @transform_8(%arg0: i32) -> (i32, i32) {
    %c0_i32 = arith.constant 0 : i32
    %c0_i32_0 = arith.constant 0 : i32
    return %arg0, %c0_i32 : i32, i32
  }
  func.func @transform_9(%arg0: i32) -> (i32, i32) {
    %c0_i32 = arith.constant 0 : i32
    %c0_i32_0 = arith.constant 0 : i32
    return %arg0, %c0_i32 : i32, i32
  }
}

module attributes {stable_mosaic.version = 14 : i64} {
  func.func @_conv1_body(%arg0: i32, %arg1: memref<10760x384xf32, #tpu.memory_space<vmem>>, %arg2: memref<384x384xf32, #tpu.memory_space<vmem>>, %arg3: memref<384x384xf32, #tpu.memory_space<vmem>>, %arg4: memref<384x384xf32, #tpu.memory_space<vmem>>, %arg5: memref<1x384xf32, #tpu.memory_space<vmem>>, %arg6: memref<512x384xf32, #tpu.memory_space<vmem>>, %arg7: memref<8x384xf32, #tpu.memory_space<vmem>>) attributes {dimension_semantics = [#tpu.dimension_semantics<arbitrary>], iteration_bounds = array<i64: 21>, scalar_prefetch = 0 : i64, scratch_operands = 0 : i64, tpu.core_type = #tpu.core_type<tc>, window_params = [{pipeline_mode = #tpu.pipeline_mode<synchronous>, transform_indices = @transform_0, window_bounds = array<i64: 10760, 384>}, {pipeline_mode = #tpu.pipeline_mode<synchronous>, transform_indices = @transform_1, window_bounds = array<i64: 384, 384>}, {pipeline_mode = #tpu.pipeline_mode<synchronous>, transform_indices = @transform_2, window_bounds = array<i64: 384, 384>}, {pipeline_mode = #tpu.pipeline_mode<synchronous>, transform_indices = @transform_3, window_bounds = array<i64: 384, 384>}, {pipeline_mode = #tpu.pipeline_mode<synchronous>, transform_indices = @transform_4, window_bounds = array<i64: 1, 384>}, {transform_indices = @transform_5, window_bounds = array<i64: 512, 384>}, {pipeline_mode = #tpu.pipeline_mode<synchronous>, transform_indices = @transform_6, window_bounds = array<i64: 8, 384>}]} {
    %mul3A = arith.constant 512 : i32
    %mul3A_0 = arith.muli %arg0, %mul3A : i32
    %get3A = arith.index_cast %mul3A_0 : i32 to index
    %get3A_1 = arith.constant 0 : index
    %get3A_2 = vector.load %arg1[%get3A, %get3A_1] : memref<10760x384xf32, #tpu.memory_space<vmem>>, vector<520x384xf32>
    %slice3A = vector.extract_strided_slice %get3A_2 {offsets = [0, 0], sizes = [512, 384], strides = [1, 1]} : vector<520x384xf32> to vector<512x384xf32>
    %slice3A_3 = vector.extract_strided_slice %get3A_2 {offsets = [1, 0], sizes = [512, 384], strides = [1, 1]} : vector<520x384xf32> to vector<512x384xf32>
    %slice3A_4 = vector.extract_strided_slice %get3A_2 {offsets = [2, 0], sizes = [512, 384], strides = [1, 1]} : vector<520x384xf32> to vector<512x384xf32>
    %get3A_5 = arith.constant 0 : index
    %get3A_6 = arith.constant 0 : index
    %get3A_7 = vector.load %arg2[%get3A_5, %get3A_6] : memref<384x384xf32, #tpu.memory_space<vmem>>, vector<384x384xf32>
    %dot_general3A = arith.constant dense<0.000000e+00> : vector<512x384xf32>
    %dot_general3A_8 = tpu.matmul %slice3A, %get3A_7, %dot_general3A {dimension_numbers = #tpu.dot_dimension_numbers<[1], [0], [0], [1], [0, 0, 1, 1], [], []>, transpose_lhs_hint = false} : vector<512x384xf32>, vector<384x384xf32>, vector<512x384xf32> -> vector<512x384xf32>
    %get3A_9 = arith.constant 0 : index
    %get3A_10 = arith.constant 0 : index
    %get3A_11 = vector.load %arg3[%get3A_9, %get3A_10] : memref<384x384xf32, #tpu.memory_space<vmem>>, vector<384x384xf32>
    %dot_general3A_12 = arith.constant dense<0.000000e+00> : vector<512x384xf32>
    %dot_general3A_13 = tpu.matmul %slice3A_3, %get3A_11, %dot_general3A_12 {dimension_numbers = #tpu.dot_dimension_numbers<[1], [0], [0], [1], [0, 0, 1, 1], [], []>, transpose_lhs_hint = false} : vector<512x384xf32>, vector<384x384xf32>, vector<512x384xf32> -> vector<512x384xf32>
    %add3A = arith.addf %dot_general3A_8, %dot_general3A_13 : vector<512x384xf32>
    %get3A_14 = arith.constant 0 : index
    %get3A_15 = arith.constant 0 : index
    %get3A_16 = vector.load %arg4[%get3A_14, %get3A_15] : memref<384x384xf32, #tpu.memory_space<vmem>>, vector<384x384xf32>
    %dot_general3A_17 = arith.constant dense<0.000000e+00> : vector<512x384xf32>
    %dot_general3A_18 = tpu.matmul %slice3A_4, %get3A_16, %dot_general3A_17 {dimension_numbers = #tpu.dot_dimension_numbers<[1], [0], [0], [1], [0, 0, 1, 1], [], []>, transpose_lhs_hint = false} : vector<512x384xf32>, vector<384x384xf32>, vector<512x384xf32> -> vector<512x384xf32>
    %add3A_19 = arith.addf %add3A, %dot_general3A_18 : vector<512x384xf32>
    %get3A_20 = arith.constant 0 : index
    %get3A_21 = arith.constant 0 : index
    %get3A_22 = vector.load %arg5[%get3A_20, %get3A_21] : memref<1x384xf32, #tpu.memory_space<vmem>>, vector<1x384xf32>
    %add3A_23 = vector.broadcast %get3A_22 : vector<1x384xf32> to vector<512x384xf32>
    %add3A_24 = arith.addf %add3A_19, %add3A_23 : vector<512x384xf32>
    %swap3A = arith.constant 0 : index
    %swap3A_25 = arith.constant 0 : index
    %swap3A_26 = vector.load %arg6[%swap3A, %swap3A_25] : memref<512x384xf32, #tpu.memory_space<vmem>>, vector<512x384xf32>
    tpu.vector_store %arg6[%swap3A, %swap3A_25], %add3A_24 {strides = array<i32>} : memref<512x384xf32, #tpu.memory_space<vmem>>, vector<512x384xf32>,
    %iota3A = tpu.iota {dimensions = array<i32: 0>} : vector<512x384xi32>
    %add3A_27 = vector.broadcast %mul3A_0 : i32 to vector<512x384xi32>
    %add3A_28 = arith.addi %add3A_27, %iota3A : vector<512x384xi32>
    %lt3A = arith.constant 9998 : i32
    %lt3A_29 = vector.broadcast %lt3A : i32 to vector<512x384xi32>
    %lt3A_30 = arith.cmpi slt, %add3A_28, %lt3A_29 : vector<512x384xi32>
    %jit3A = arith.constant 0.000000e+00 : f32
    %broadcast_in_dim3A = vector.broadcast %jit3A : f32 to vector<512x384xf32>
    %select_n3A = arith.select %lt3A_30, %add3A_24, %broadcast_in_dim3A : vector<512x384xi1>, vector<512x384xf32>
    %eq3A = arith.constant 0 : i32
    %eq3A_31 = arith.cmpi eq, %arg0, %eq3A : i32
    %convert_element_type3A = arith.extui %eq3A_31 : i1 to i32
    %cond3A = arith.constant 0 : i32
    %cond3A_32 = arith.cmpi ne, %convert_element_type3A, %cond3A : i32
    scf.if %cond3A_32 {
      %broadcast_in_dim3A_53 = arith.constant 0.000000e+00 : f32
      %broadcast_in_dim3A_54 = vector.broadcast %broadcast_in_dim3A_53 : f32 to vector<8x384xf32>
      %swap3A_55 = arith.constant 0 : index
      %swap3A_56 = arith.constant 0 : index
      %swap3A_57 = vector.load %arg7[%swap3A_55, %swap3A_56] : memref<8x384xf32, #tpu.memory_space<vmem>>, vector<8x384xf32>
      tpu.vector_store %arg7[%swap3A_55, %swap3A_56], %broadcast_in_dim3A_54 {strides = array<i32>} : memref<8x384xf32, #tpu.memory_space<vmem>>, vector<8x384xf32>,
    } else {
    }
    %get3A_33 = arith.constant 0 : index
    %get3A_34 = arith.constant 0 : index
    %get3A_35 = vector.load %arg7[%get3A_33, %get3A_34] : memref<8x384xf32, #tpu.memory_space<vmem>>, vector<1x384xf32>
    %reduce_sum3A = arith.constant dense<0.000000e+00> : vector<384xf32>
    %reduce_sum3A_36 = vector.multi_reduction <add>, %select_n3A, %reduce_sum3A [0] : vector<512x384xf32> to vector<384xf32>
    %broadcast_in_dim3A_37 = vector.shape_cast %reduce_sum3A_36 : vector<384xf32> to vector<1x384xf32>
    %add3A_38 = arith.addf %get3A_35, %broadcast_in_dim3A_37 : vector<1x384xf32>
    %swap3A_39 = arith.constant 0 : index
    %swap3A_40 = arith.constant 0 : index
    %swap3A_41 = vector.load %arg7[%swap3A_39, %swap3A_40] : memref<8x384xf32, #tpu.memory_space<vmem>>, vector<1x384xf32>
    tpu.vector_store %arg7[%swap3A_39, %swap3A_40], %add3A_38 {strides = array<i32>} : memref<8x384xf32, #tpu.memory_space<vmem>>, vector<1x384xf32>,
    %get3A_42 = arith.constant 1 : index
    %get3A_43 = arith.constant 0 : index
    %get3A_44 = vector.load %arg7[%get3A_42, %get3A_43] : memref<8x384xf32, #tpu.memory_space<vmem>>, vector<1x384xf32>
    %mul3A_45 = arith.mulf %select_n3A, %select_n3A : vector<512x384xf32>
    %reduce_sum3A_46 = arith.constant dense<0.000000e+00> : vector<384xf32>
    %reduce_sum3A_47 = vector.multi_reduction <add>, %mul3A_45, %reduce_sum3A_46 [0] : vector<512x384xf32> to vector<384xf32>
    %broadcast_in_dim3A_48 = vector.shape_cast %reduce_sum3A_47 : vector<384xf32> to vector<1x384xf32>
    %add3A_49 = arith.addf %get3A_44, %broadcast_in_dim3A_48 : vector<1x384xf32>
    %swap3A_50 = arith.constant 1 : index
    %swap3A_51 = arith.constant 0 : index
    %swap3A_52 = vector.load %arg7[%swap3A_50, %swap3A_51] : memref<8x384xf32, #tpu.memory_space<vmem>>, vector<1x384xf32>
    tpu.vector_store %arg7[%swap3A_50, %swap3A_51], %add3A_49 {strides = array<i32>} : memref<8x384xf32, #tpu.memory_space<vmem>>, vector<1x384xf32>,
    return
  }
  func.func @transform_0(%arg0: i32) -> (i32, i32) {
    %c0_i32 = arith.constant 0 : i32
    %c0_i32_0 = arith.constant 0 : i32
    %c0_i32_1 = arith.constant 0 : i32
    return %c0_i32, %c0_i32_0 : i32, i32
  }
  func.func @transform_1(%arg0: i32) -> (i32, i32) {
    %c0_i32 = arith.constant 0 : i32
    %c0_i32_0 = arith.constant 0 : i32
    %c0_i32_1 = arith.constant 0 : i32
    return %c0_i32, %c0_i32_0 : i32, i32
  }
  func.func @transform_2(%arg0: i32) -> (i32, i32) {
    %c0_i32 = arith.constant 0 : i32
    %c0_i32_0 = arith.constant 0 : i32
    %c0_i32_1 = arith.constant 0 : i32
    return %c0_i32, %c0_i32_0 : i32, i32
  }
  func.func @transform_3(%arg0: i32) -> (i32, i32) {
    %c0_i32 = arith.constant 0 : i32
    %c0_i32_0 = arith.constant 0 : i32
    %c0_i32_1 = arith.constant 0 : i32
    return %c0_i32, %c0_i32_0 : i32, i32
  }
  func.func @transform_4(%arg0: i32) -> (i32, i32) {
    %c0_i32 = arith.constant 0 : i32
    %c0_i32_0 = arith.constant 0 : i32
    %c0_i32_1 = arith.constant 0 : i32
    return %c0_i32, %c0_i32_0 : i32, i32
  }
  func.func @transform_5(%arg0: i32) -> (i32, i32) {
    %c0_i32 = arith.constant 0 : i32
    %c0_i32_0 = arith.constant 0 : i32
    return %arg0, %c0_i32 : i32, i32
  }
  func.func @transform_6(%arg0: i32) -> (i32, i32) {
    %c0_i32 = arith.constant 0 : i32
    %c0_i32_0 = arith.constant 0 : i32
    %c0_i32_1 = arith.constant 0 : i32
    return %c0_i32, %c0_i32_0 : i32, i32
  }
}

module attributes {stable_mosaic.version = 14 : i64} {
  func.func @_mid_body(%arg0: i32, %arg1: memref<10760x384xf32, #tpu.memory_space<vmem>>, %arg2: memref<8x384xf32, #tpu.memory_space<vmem>>, %arg3: memref<1x384xf32, #tpu.memory_space<vmem>>, %arg4: memref<1x384xf32, #tpu.memory_space<vmem>>, %arg5: memref<384x384xf32, #tpu.memory_space<vmem>>, %arg6: memref<1x384xf32, #tpu.memory_space<vmem>>, %arg7: memref<256x384xf32, #tpu.memory_space<vmem>>, %arg8: memref<8x384xf32, #tpu.memory_space<vmem>>) attributes {dimension_semantics = [#tpu.dimension_semantics<arbitrary>], iteration_bounds = array<i64: 21>, scalar_prefetch = 0 : i64, scratch_operands = 0 : i64, tpu.core_type = #tpu.core_type<tc>, window_params = [{pipeline_mode = #tpu.pipeline_mode<synchronous>, transform_indices = @transform_0, window_bounds = array<i64: 10760, 384>}, {pipeline_mode = #tpu.pipeline_mode<synchronous>, transform_indices = @transform_1, window_bounds = array<i64: 8, 384>}, {pipeline_mode = #tpu.pipeline_mode<synchronous>, transform_indices = @transform_2, window_bounds = array<i64: 1, 384>}, {pipeline_mode = #tpu.pipeline_mode<synchronous>, transform_indices = @transform_3, window_bounds = array<i64: 1, 384>}, {pipeline_mode = #tpu.pipeline_mode<synchronous>, transform_indices = @transform_4, window_bounds = array<i64: 384, 384>}, {pipeline_mode = #tpu.pipeline_mode<synchronous>, transform_indices = @transform_5, window_bounds = array<i64: 1, 384>}, {transform_indices = @transform_6, window_bounds = array<i64: 256, 384>}, {pipeline_mode = #tpu.pipeline_mode<synchronous>, transform_indices = @transform_7, window_bounds = array<i64: 8, 384>}]} {
    %get3A = arith.constant 0 : index
    %get3A_0 = arith.constant 0 : index
    %get3A_1 = vector.load %arg2[%get3A, %get3A_0] : memref<8x384xf32, #tpu.memory_space<vmem>>, vector<1x384xf32>
    %mul3A = arith.constant 1.00020006E-4 : f32
    %mul3A_2 = vector.broadcast %mul3A : f32 to vector<1x384xf32>
    %mul3A_3 = arith.mulf %get3A_1, %mul3A_2 : vector<1x384xf32>
    %get3A_4 = arith.constant 1 : index
    %get3A_5 = arith.constant 0 : index
    %get3A_6 = vector.load %arg2[%get3A_4, %get3A_5] : memref<8x384xf32, #tpu.memory_space<vmem>>, vector<1x384xf32>
    %mul3A_7 = arith.constant 1.00020006E-4 : f32
    %mul3A_8 = vector.broadcast %mul3A_7 : f32 to vector<1x384xf32>
    %mul3A_9 = arith.mulf %get3A_6, %mul3A_8 : vector<1x384xf32>
    %mul3A_10 = arith.mulf %mul3A_3, %mul3A_3 : vector<1x384xf32>
    %sub3A = arith.subf %mul3A_9, %mul3A_10 : vector<1x384xf32>
    %get3A_11 = arith.constant 0 : index
    %get3A_12 = arith.constant 0 : index
    %get3A_13 = vector.load %arg3[%get3A_11, %get3A_12] : memref<1x384xf32, #tpu.memory_space<vmem>>, vector<1x384xf32>
    %add3A = arith.constant 9.99999974E-6 : f32
    %add3A_14 = vector.broadcast %add3A : f32 to vector<1x384xf32>
    %add3A_15 = arith.addf %sub3A, %add3A_14 : vector<1x384xf32>
    %rsqrt3A = math.rsqrt %add3A_15 : vector<1x384xf32>
    %mul3A_16 = arith.mulf %get3A_13, %rsqrt3A : vector<1x384xf32>
    %get3A_17 = arith.constant 0 : index
    %get3A_18 = arith.constant 0 : index
    %get3A_19 = vector.load %arg4[%get3A_17, %get3A_18] : memref<1x384xf32, #tpu.memory_space<vmem>>, vector<1x384xf32>
    %mul3A_20 = arith.mulf %mul3A_3, %mul3A_16 : vector<1x384xf32>
    %sub3A_21 = arith.subf %get3A_19, %mul3A_20 : vector<1x384xf32>
    %mul3A_22 = arith.constant 2 : i32
    %mul3A_23 = arith.muli %arg0, %mul3A_22 : i32
    %mul3A_24 = arith.constant 256 : i32
    %mul3A_25 = arith.muli %mul3A_23, %mul3A_24 : i32
    %get3A_26 = arith.index_cast %mul3A_25 : i32 to index
    %get3A_27 = arith.constant 0 : index
    %get3A_28 = vector.load %arg1[%get3A_26, %get3A_27] : memref<10760x384xf32, #tpu.memory_space<vmem>>, vector<520x384xf32>
    %mul3A_29 = vector.broadcast %mul3A_16 : vector<1x384xf32> to vector<520x384xf32>
    %mul3A_30 = arith.mulf %get3A_28, %mul3A_29 : vector<520x384xf32>
    %add3A_31 = vector.broadcast %sub3A_21 : vector<1x384xf32> to vector<520x384xf32>
    %add3A_32 = arith.addf %mul3A_30, %add3A_31 : vector<520x384xf32>
    %max3A = arith.constant 0.000000e+00 : f32
    %max3A_33 = vector.broadcast %max3A : f32 to vector<520x384xf32>
    %max3A_34 = arith.maximumf %add3A_32, %max3A_33 : vector<520x384xf32>
    %slice3A = vector.extract_strided_slice %max3A_34 {offsets = [0, 0], sizes = [512, 384], strides = [1, 1]} : vector<520x384xf32> to vector<512x384xf32>
    %reshape3A = vector.shape_cast %slice3A : vector<512x384xf32> to vector<256x2x384xf32>
    %slice3A_35 = vector.extract_strided_slice %reshape3A {offsets = [0, 0, 0], sizes = [256, 1, 384], strides = [1, 1, 1]} : vector<256x2x384xf32> to vector<256x1x384xf32>
    %squeeze3A = vector.shape_cast %slice3A_35 : vector<256x1x384xf32> to vector<256x384xf32>
    %slice3A_36 = vector.extract_strided_slice %reshape3A {offsets = [0, 1, 0], sizes = [256, 1, 384], strides = [1, 1, 1]} : vector<256x2x384xf32> to vector<256x1x384xf32>
    %squeeze3A_37 = vector.shape_cast %slice3A_36 : vector<256x1x384xf32> to vector<256x384xf32>
    %max3A_38 = arith.maximumf %squeeze3A, %squeeze3A_37 : vector<256x384xf32>
    %slice3A_39 = vector.extract_strided_slice %max3A_34 {offsets = [2, 0], sizes = [512, 384], strides = [1, 1]} : vector<520x384xf32> to vector<512x384xf32>
    %reshape3A_40 = vector.shape_cast %slice3A_39 : vector<512x384xf32> to vector<256x2x384xf32>
    %slice3A_41 = vector.extract_strided_slice %reshape3A_40 {offsets = [0, 0, 0], sizes = [256, 1, 384], strides = [1, 1, 1]} : vector<256x2x384xf32> to vector<256x1x384xf32>
    %squeeze3A_42 = vector.shape_cast %slice3A_41 : vector<256x1x384xf32> to vector<256x384xf32>
    %max3A_43 = arith.maximumf %max3A_38, %squeeze3A_42 : vector<256x384xf32>
    %get3A_44 = arith.constant 0 : index
    %get3A_45 = arith.constant 0 : index
    %get3A_46 = vector.load %arg5[%get3A_44, %get3A_45] : memref<384x384xf32, #tpu.memory_space<vmem>>, vector<384x384xf32>
    %dot_general3A = arith.constant dense<0.000000e+00> : vector<256x384xf32>
    %dot_general3A_47 = tpu.matmul %max3A_43, %get3A_46, %dot_general3A {dimension_numbers = #tpu.dot_dimension_numbers<[1], [0], [0], [1], [0, 0, 1, 1], [], []>, transpose_lhs_hint = false} : vector<256x384xf32>, vector<384x384xf32>, vector<256x384xf32> -> vector<256x384xf32>
    %get3A_48 = arith.constant 0 : index
    %get3A_49 = arith.constant 0 : index
    %get3A_50 = vector.load %arg6[%get3A_48, %get3A_49] : memref<1x384xf32, #tpu.memory_space<vmem>>, vector<1x384xf32>
    %add3A_51 = vector.broadcast %get3A_50 : vector<1x384xf32> to vector<256x384xf32>
    %add3A_52 = arith.addf %dot_general3A_47, %add3A_51 : vector<256x384xf32>
    %swap3A = arith.constant 0 : index
    %swap3A_53 = arith.constant 0 : index
    %swap3A_54 = vector.load %arg7[%swap3A, %swap3A_53] : memref<256x384xf32, #tpu.memory_space<vmem>>, vector<256x384xf32>
    tpu.vector_store %arg7[%swap3A, %swap3A_53], %add3A_52 {strides = array<i32>} : memref<256x384xf32, #tpu.memory_space<vmem>>, vector<256x384xf32>,
    %mul3A_55 = arith.constant 256 : i32
    %mul3A_56 = arith.muli %arg0, %mul3A_55 : i32
    %iota3A = tpu.iota {dimensions = array<i32: 0>} : vector<256x384xi32>
    %add3A_57 = vector.broadcast %mul3A_56 : i32 to vector<256x384xi32>
    %add3A_58 = arith.addi %add3A_57, %iota3A : vector<256x384xi32>
    %lt3A = arith.constant 4998 : i32
    %lt3A_59 = vector.broadcast %lt3A : i32 to vector<256x384xi32>
    %lt3A_60 = arith.cmpi slt, %add3A_58, %lt3A_59 : vector<256x384xi32>
    %jit3A = arith.constant 0.000000e+00 : f32
    %broadcast_in_dim3A = vector.broadcast %jit3A : f32 to vector<256x384xf32>
    %select_n3A = arith.select %lt3A_60, %add3A_52, %broadcast_in_dim3A : vector<256x384xi1>, vector<256x384xf32>
    %eq3A = arith.constant 0 : i32
    %eq3A_61 = arith.cmpi eq, %arg0, %eq3A : i32
    %convert_element_type3A = arith.extui %eq3A_61 : i1 to i32
    %cond3A = arith.constant 0 : i32
    %cond3A_62 = arith.cmpi ne, %convert_element_type3A, %cond3A : i32
    scf.if %cond3A_62 {
      %broadcast_in_dim3A_83 = arith.constant 0.000000e+00 : f32
      %broadcast_in_dim3A_84 = vector.broadcast %broadcast_in_dim3A_83 : f32 to vector<8x384xf32>
      %swap3A_85 = arith.constant 0 : index
      %swap3A_86 = arith.constant 0 : index
      %swap3A_87 = vector.load %arg8[%swap3A_85, %swap3A_86] : memref<8x384xf32, #tpu.memory_space<vmem>>, vector<8x384xf32>
      tpu.vector_store %arg8[%swap3A_85, %swap3A_86], %broadcast_in_dim3A_84 {strides = array<i32>} : memref<8x384xf32, #tpu.memory_space<vmem>>, vector<8x384xf32>,
    } else {
    }
    %get3A_63 = arith.constant 0 : index
    %get3A_64 = arith.constant 0 : index
    %get3A_65 = vector.load %arg8[%get3A_63, %get3A_64] : memref<8x384xf32, #tpu.memory_space<vmem>>, vector<1x384xf32>
    %reduce_sum3A = arith.constant dense<0.000000e+00> : vector<384xf32>
    %reduce_sum3A_66 = vector.multi_reduction <add>, %select_n3A, %reduce_sum3A [0] : vector<256x384xf32> to vector<384xf32>
    %broadcast_in_dim3A_67 = vector.shape_cast %reduce_sum3A_66 : vector<384xf32> to vector<1x384xf32>
    %add3A_68 = arith.addf %get3A_65, %broadcast_in_dim3A_67 : vector<1x384xf32>
    %swap3A_69 = arith.constant 0 : index
    %swap3A_70 = arith.constant 0 : index
    %swap3A_71 = vector.load %arg8[%swap3A_69, %swap3A_70] : memref<8x384xf32, #tpu.memory_space<vmem>>, vector<1x384xf32>
    tpu.vector_store %arg8[%swap3A_69, %swap3A_70], %add3A_68 {strides = array<i32>} : memref<8x384xf32, #tpu.memory_space<vmem>>, vector<1x384xf32>,
    %get3A_72 = arith.constant 1 : index
    %get3A_73 = arith.constant 0 : index
    %get3A_74 = vector.load %arg8[%get3A_72, %get3A_73] : memref<8x384xf32, #tpu.memory_space<vmem>>, vector<1x384xf32>
    %mul3A_75 = arith.mulf %select_n3A, %select_n3A : vector<256x384xf32>
    %reduce_sum3A_76 = arith.constant dense<0.000000e+00> : vector<384xf32>
    %reduce_sum3A_77 = vector.multi_reduction <add>, %mul3A_75, %reduce_sum3A_76 [0] : vector<256x384xf32> to vector<384xf32>
    %broadcast_in_dim3A_78 = vector.shape_cast %reduce_sum3A_77 : vector<384xf32> to vector<1x384xf32>
    %add3A_79 = arith.addf %get3A_74, %broadcast_in_dim3A_78 : vector<1x384xf32>
    %swap3A_80 = arith.constant 1 : index
    %swap3A_81 = arith.constant 0 : index
    %swap3A_82 = vector.load %arg8[%swap3A_80, %swap3A_81] : memref<8x384xf32, #tpu.memory_space<vmem>>, vector<1x384xf32>
    tpu.vector_store %arg8[%swap3A_80, %swap3A_81], %add3A_79 {strides = array<i32>} : memref<8x384xf32, #tpu.memory_space<vmem>>, vector<1x384xf32>,
    return
  }
  func.func @transform_0(%arg0: i32) -> (i32, i32) {
    %c0_i32 = arith.constant 0 : i32
    %c0_i32_0 = arith.constant 0 : i32
    %c0_i32_1 = arith.constant 0 : i32
    return %c0_i32, %c0_i32_0 : i32, i32
  }
  func.func @transform_1(%arg0: i32) -> (i32, i32) {
    %c0_i32 = arith.constant 0 : i32
    %c0_i32_0 = arith.constant 0 : i32
    %c0_i32_1 = arith.constant 0 : i32
    return %c0_i32, %c0_i32_0 : i32, i32
  }
  func.func @transform_2(%arg0: i32) -> (i32, i32) {
    %c0_i32 = arith.constant 0 : i32
    %c0_i32_0 = arith.constant 0 : i32
    %c0_i32_1 = arith.constant 0 : i32
    return %c0_i32, %c0_i32_0 : i32, i32
  }
  func.func @transform_3(%arg0: i32) -> (i32, i32) {
    %c0_i32 = arith.constant 0 : i32
    %c0_i32_0 = arith.constant 0 : i32
    %c0_i32_1 = arith.constant 0 : i32
    return %c0_i32, %c0_i32_0 : i32, i32
  }
  func.func @transform_4(%arg0: i32) -> (i32, i32) {
    %c0_i32 = arith.constant 0 : i32
    %c0_i32_0 = arith.constant 0 : i32
    %c0_i32_1 = arith.constant 0 : i32
    return %c0_i32, %c0_i32_0 : i32, i32
  }
  func.func @transform_5(%arg0: i32) -> (i32, i32) {
    %c0_i32 = arith.constant 0 : i32
    %c0_i32_0 = arith.constant 0 : i32
    %c0_i32_1 = arith.constant 0 : i32
    return %c0_i32, %c0_i32_0 : i32, i32
  }
  func.func @transform_6(%arg0: i32) -> (i32, i32) {
    %c0_i32 = arith.constant 0 : i32
    %c0_i32_0 = arith.constant 0 : i32
    return %arg0, %c0_i32 : i32, i32
  }
  func.func @transform_7(%arg0: i32) -> (i32, i32) {
    %c0_i32 = arith.constant 0 : i32
    %c0_i32_0 = arith.constant 0 : i32
    %c0_i32_1 = arith.constant 0 : i32
    return %c0_i32, %c0_i32_0 : i32, i32
  }
}

module attributes {stable_mosaic.version = 14 : i64} {
  func.func @_final_body(%arg0: i32, %arg1: memref<256x384xf32, #tpu.memory_space<vmem>>, %arg2: memref<8x384xf32, #tpu.memory_space<vmem>>, %arg3: memref<1x384xf32, #tpu.memory_space<vmem>>, %arg4: memref<1x384xf32, #tpu.memory_space<vmem>>, %arg5: memref<128x384xf32, #tpu.memory_space<vmem>>) attributes {dimension_semantics = [#tpu.dimension_semantics<arbitrary>], iteration_bounds = array<i64: 21>, scalar_prefetch = 0 : i64, scratch_operands = 0 : i64, tpu.core_type = #tpu.core_type<tc>, window_params = [{transform_indices = @transform_0, window_bounds = array<i64: 256, 384>}, {pipeline_mode = #tpu.pipeline_mode<synchronous>, transform_indices = @transform_1, window_bounds = array<i64: 8, 384>}, {pipeline_mode = #tpu.pipeline_mode<synchronous>, transform_indices = @transform_2, window_bounds = array<i64: 1, 384>}, {pipeline_mode = #tpu.pipeline_mode<synchronous>, transform_indices = @transform_3, window_bounds = array<i64: 1, 384>}, {transform_indices = @transform_4, window_bounds = array<i64: 128, 384>}]} {
    %get3A = arith.constant 0 : index
    %get3A_0 = arith.constant 0 : index
    %get3A_1 = vector.load %arg2[%get3A, %get3A_0] : memref<8x384xf32, #tpu.memory_space<vmem>>, vector<1x384xf32>
    %mul3A = arith.constant 2.0008003E-4 : f32
    %mul3A_2 = vector.broadcast %mul3A : f32 to vector<1x384xf32>
    %mul3A_3 = arith.mulf %get3A_1, %mul3A_2 : vector<1x384xf32>
    %get3A_4 = arith.constant 1 : index
    %get3A_5 = arith.constant 0 : index
    %get3A_6 = vector.load %arg2[%get3A_4, %get3A_5] : memref<8x384xf32, #tpu.memory_space<vmem>>, vector<1x384xf32>
    %mul3A_7 = arith.constant 2.0008003E-4 : f32
    %mul3A_8 = vector.broadcast %mul3A_7 : f32 to vector<1x384xf32>
    %mul3A_9 = arith.mulf %get3A_6, %mul3A_8 : vector<1x384xf32>
    %mul3A_10 = arith.mulf %mul3A_3, %mul3A_3 : vector<1x384xf32>
    %sub3A = arith.subf %mul3A_9, %mul3A_10 : vector<1x384xf32>
    %get3A_11 = arith.constant 0 : index
    %get3A_12 = arith.constant 0 : index
    %get3A_13 = vector.load %arg3[%get3A_11, %get3A_12] : memref<1x384xf32, #tpu.memory_space<vmem>>, vector<1x384xf32>
    %add3A = arith.constant 9.99999974E-6 : f32
    %add3A_14 = vector.broadcast %add3A : f32 to vector<1x384xf32>
    %add3A_15 = arith.addf %sub3A, %add3A_14 : vector<1x384xf32>
    %rsqrt3A = math.rsqrt %add3A_15 : vector<1x384xf32>
    %mul3A_16 = arith.mulf %get3A_13, %rsqrt3A : vector<1x384xf32>
    %get3A_17 = arith.constant 0 : index
    %get3A_18 = arith.constant 0 : index
    %get3A_19 = vector.load %arg4[%get3A_17, %get3A_18] : memref<1x384xf32, #tpu.memory_space<vmem>>, vector<1x384xf32>
    %mul3A_20 = arith.mulf %mul3A_3, %mul3A_16 : vector<1x384xf32>
    %sub3A_21 = arith.subf %get3A_19, %mul3A_20 : vector<1x384xf32>
    %get3A_22 = arith.constant 0 : index
    %get3A_23 = arith.constant 0 : index
    %get3A_24 = vector.load %arg1[%get3A_22, %get3A_23] : memref<256x384xf32, #tpu.memory_space<vmem>>, vector<256x384xf32>
    %mul3A_25 = vector.broadcast %mul3A_16 : vector<1x384xf32> to vector<256x384xf32>
    %mul3A_26 = arith.mulf %get3A_24, %mul3A_25 : vector<256x384xf32>
    %add3A_27 = vector.broadcast %sub3A_21 : vector<1x384xf32> to vector<256x384xf32>
    %add3A_28 = arith.addf %mul3A_26, %add3A_27 : vector<256x384xf32>
    %max3A = arith.constant 0.000000e+00 : f32
    %max3A_29 = vector.broadcast %max3A : f32 to vector<256x384xf32>
    %max3A_30 = arith.maximumf %add3A_28, %max3A_29 : vector<256x384xf32>
    %reshape3A = vector.shape_cast %max3A_30 : vector<256x384xf32> to vector<128x2x384xf32>
    %slice3A = vector.extract_strided_slice %reshape3A {offsets = [0, 0, 0], sizes = [128, 1, 384], strides = [1, 1, 1]} : vector<128x2x384xf32> to vector<128x1x384xf32>
    %squeeze3A = vector.shape_cast %slice3A : vector<128x1x384xf32> to vector<128x384xf32>
    %slice3A_31 = vector.extract_strided_slice %reshape3A {offsets = [0, 1, 0], sizes = [128, 1, 384], strides = [1, 1, 1]} : vector<128x2x384xf32> to vector<128x1x384xf32>
    %squeeze3A_32 = vector.shape_cast %slice3A_31 : vector<128x1x384xf32> to vector<128x384xf32>
    %max3A_33 = arith.maximumf %squeeze3A, %squeeze3A_32 : vector<128x384xf32>
    %swap3A = arith.constant 0 : index
    %swap3A_34 = arith.constant 0 : index
    %swap3A_35 = vector.load %arg5[%swap3A, %swap3A_34] : memref<128x384xf32, #tpu.memory_space<vmem>>, vector<128x384xf32>
    tpu.vector_store %arg5[%swap3A, %swap3A_34], %max3A_33 {strides = array<i32>} : memref<128x384xf32, #tpu.memory_space<vmem>>, vector<128x384xf32>,
    return
  }
  func.func @transform_0(%arg0: i32) -> (i32, i32) {
    %c0_i32 = arith.constant 0 : i32
    %c0_i32_0 = arith.constant 0 : i32
    return %arg0, %c0_i32 : i32, i32
  }
  func.func @transform_1(%arg0: i32) -> (i32, i32) {
    %c0_i32 = arith.constant 0 : i32
    %c0_i32_0 = arith.constant 0 : i32
    %c0_i32_1 = arith.constant 0 : i32
    return %c0_i32, %c0_i32_0 : i32, i32
  }
  func.func @transform_2(%arg0: i32) -> (i32, i32) {
    %c0_i32 = arith.constant 0 : i32
    %c0_i32_0 = arith.constant 0 : i32
    %c0_i32_1 = arith.constant 0 : i32
    return %c0_i32, %c0_i32_0 : i32, i32
  }
  func.func @transform_3(%arg0: i32) -> (i32, i32) {
    %c0_i32 = arith.constant 0 : i32
    %c0_i32_0 = arith.constant 0 : i32
    %c0_i32_1 = arith.constant 0 : i32
    return %c0_i32, %c0_i32_0 : i32, i32
  }
  func.func @transform_4(%arg0: i32) -> (i32, i32) {
    %c0_i32 = arith.constant 0 : i32
    %c0_i32_0 = arith.constant 0 : i32
    return %arg0, %c0_i32 : i32, i32
  }
}

module attributes {stable_mosaic.version = 14 : i64} {
  func.func @_conv1_body(%arg0: i32, %arg1: memref<10760x256xf32, #tpu.memory_space<vmem>>, %arg2: memref<256x256xf32, #tpu.memory_space<vmem>>, %arg3: memref<256x256xf32, #tpu.memory_space<vmem>>, %arg4: memref<256x256xf32, #tpu.memory_space<vmem>>, %arg5: memref<1x256xf32, #tpu.memory_space<vmem>>, %arg6: memref<512x256xf32, #tpu.memory_space<vmem>>, %arg7: memref<8x256xf32, #tpu.memory_space<vmem>>) attributes {dimension_semantics = [#tpu.dimension_semantics<arbitrary>], iteration_bounds = array<i64: 21>, scalar_prefetch = 0 : i64, scratch_operands = 0 : i64, tpu.core_type = #tpu.core_type<tc>, window_params = [{pipeline_mode = #tpu.pipeline_mode<synchronous>, transform_indices = @transform_0, window_bounds = array<i64: 10760, 256>}, {pipeline_mode = #tpu.pipeline_mode<synchronous>, transform_indices = @transform_1, window_bounds = array<i64: 256, 256>}, {pipeline_mode = #tpu.pipeline_mode<synchronous>, transform_indices = @transform_2, window_bounds = array<i64: 256, 256>}, {pipeline_mode = #tpu.pipeline_mode<synchronous>, transform_indices = @transform_3, window_bounds = array<i64: 256, 256>}, {pipeline_mode = #tpu.pipeline_mode<synchronous>, transform_indices = @transform_4, window_bounds = array<i64: 1, 256>}, {transform_indices = @transform_5, window_bounds = array<i64: 512, 256>}, {pipeline_mode = #tpu.pipeline_mode<synchronous>, transform_indices = @transform_6, window_bounds = array<i64: 8, 256>}]} {
    %mul3A = arith.constant 512 : i32
    %mul3A_0 = arith.muli %arg0, %mul3A : i32
    %get3A = arith.index_cast %mul3A_0 : i32 to index
    %get3A_1 = arith.constant 0 : index
    %get3A_2 = vector.load %arg1[%get3A, %get3A_1] : memref<10760x256xf32, #tpu.memory_space<vmem>>, vector<520x256xf32>
    %slice3A = vector.extract_strided_slice %get3A_2 {offsets = [0, 0], sizes = [512, 256], strides = [1, 1]} : vector<520x256xf32> to vector<512x256xf32>
    %slice3A_3 = vector.extract_strided_slice %get3A_2 {offsets = [1, 0], sizes = [512, 256], strides = [1, 1]} : vector<520x256xf32> to vector<512x256xf32>
    %slice3A_4 = vector.extract_strided_slice %get3A_2 {offsets = [2, 0], sizes = [512, 256], strides = [1, 1]} : vector<520x256xf32> to vector<512x256xf32>
    %get3A_5 = arith.constant 0 : index
    %get3A_6 = arith.constant 0 : index
    %get3A_7 = vector.load %arg2[%get3A_5, %get3A_6] : memref<256x256xf32, #tpu.memory_space<vmem>>, vector<256x256xf32>
    %dot_general3A = arith.constant dense<0.000000e+00> : vector<512x256xf32>
    %dot_general3A_8 = tpu.matmul %slice3A, %get3A_7, %dot_general3A {dimension_numbers = #tpu.dot_dimension_numbers<[1], [0], [0], [1], [0, 0, 1, 1], [], []>, transpose_lhs_hint = false} : vector<512x256xf32>, vector<256x256xf32>, vector<512x256xf32> -> vector<512x256xf32>
    %get3A_9 = arith.constant 0 : index
    %get3A_10 = arith.constant 0 : index
    %get3A_11 = vector.load %arg3[%get3A_9, %get3A_10] : memref<256x256xf32, #tpu.memory_space<vmem>>, vector<256x256xf32>
    %dot_general3A_12 = arith.constant dense<0.000000e+00> : vector<512x256xf32>
    %dot_general3A_13 = tpu.matmul %slice3A_3, %get3A_11, %dot_general3A_12 {dimension_numbers = #tpu.dot_dimension_numbers<[1], [0], [0], [1], [0, 0, 1, 1], [], []>, transpose_lhs_hint = false} : vector<512x256xf32>, vector<256x256xf32>, vector<512x256xf32> -> vector<512x256xf32>
    %add3A = arith.addf %dot_general3A_8, %dot_general3A_13 : vector<512x256xf32>
    %get3A_14 = arith.constant 0 : index
    %get3A_15 = arith.constant 0 : index
    %get3A_16 = vector.load %arg4[%get3A_14, %get3A_15] : memref<256x256xf32, #tpu.memory_space<vmem>>, vector<256x256xf32>
    %dot_general3A_17 = arith.constant dense<0.000000e+00> : vector<512x256xf32>
    %dot_general3A_18 = tpu.matmul %slice3A_4, %get3A_16, %dot_general3A_17 {dimension_numbers = #tpu.dot_dimension_numbers<[1], [0], [0], [1], [0, 0, 1, 1], [], []>, transpose_lhs_hint = false} : vector<512x256xf32>, vector<256x256xf32>, vector<512x256xf32> -> vector<512x256xf32>
    %add3A_19 = arith.addf %add3A, %dot_general3A_18 : vector<512x256xf32>
    %get3A_20 = arith.constant 0 : index
    %get3A_21 = arith.constant 0 : index
    %get3A_22 = vector.load %arg5[%get3A_20, %get3A_21] : memref<1x256xf32, #tpu.memory_space<vmem>>, vector<1x256xf32>
    %add3A_23 = vector.broadcast %get3A_22 : vector<1x256xf32> to vector<512x256xf32>
    %add3A_24 = arith.addf %add3A_19, %add3A_23 : vector<512x256xf32>
    %swap3A = arith.constant 0 : index
    %swap3A_25 = arith.constant 0 : index
    %swap3A_26 = vector.load %arg6[%swap3A, %swap3A_25] : memref<512x256xf32, #tpu.memory_space<vmem>>, vector<512x256xf32>
    tpu.vector_store %arg6[%swap3A, %swap3A_25], %add3A_24 {strides = array<i32>} : memref<512x256xf32, #tpu.memory_space<vmem>>, vector<512x256xf32>,
    %iota3A = tpu.iota {dimensions = array<i32: 0>} : vector<512x256xi32>
    %add3A_27 = vector.broadcast %mul3A_0 : i32 to vector<512x256xi32>
    %add3A_28 = arith.addi %add3A_27, %iota3A : vector<512x256xi32>
    %lt3A = arith.constant 9998 : i32
    %lt3A_29 = vector.broadcast %lt3A : i32 to vector<512x256xi32>
    %lt3A_30 = arith.cmpi slt, %add3A_28, %lt3A_29 : vector<512x256xi32>
    %jit3A = arith.constant 0.000000e+00 : f32
    %broadcast_in_dim3A = vector.broadcast %jit3A : f32 to vector<512x256xf32>
    %select_n3A = arith.select %lt3A_30, %add3A_24, %broadcast_in_dim3A : vector<512x256xi1>, vector<512x256xf32>
    %eq3A = arith.constant 0 : i32
    %eq3A_31 = arith.cmpi eq, %arg0, %eq3A : i32
    %convert_element_type3A = arith.extui %eq3A_31 : i1 to i32
    %cond3A = arith.constant 0 : i32
    %cond3A_32 = arith.cmpi ne, %convert_element_type3A, %cond3A : i32
    scf.if %cond3A_32 {
      %broadcast_in_dim3A_53 = arith.constant 0.000000e+00 : f32
      %broadcast_in_dim3A_54 = vector.broadcast %broadcast_in_dim3A_53 : f32 to vector<8x256xf32>
      %swap3A_55 = arith.constant 0 : index
      %swap3A_56 = arith.constant 0 : index
      %swap3A_57 = vector.load %arg7[%swap3A_55, %swap3A_56] : memref<8x256xf32, #tpu.memory_space<vmem>>, vector<8x256xf32>
      tpu.vector_store %arg7[%swap3A_55, %swap3A_56], %broadcast_in_dim3A_54 {strides = array<i32>} : memref<8x256xf32, #tpu.memory_space<vmem>>, vector<8x256xf32>,
    } else {
    }
    %get3A_33 = arith.constant 0 : index
    %get3A_34 = arith.constant 0 : index
    %get3A_35 = vector.load %arg7[%get3A_33, %get3A_34] : memref<8x256xf32, #tpu.memory_space<vmem>>, vector<1x256xf32>
    %reduce_sum3A = arith.constant dense<0.000000e+00> : vector<256xf32>
    %reduce_sum3A_36 = vector.multi_reduction <add>, %select_n3A, %reduce_sum3A [0] : vector<512x256xf32> to vector<256xf32>
    %broadcast_in_dim3A_37 = vector.shape_cast %reduce_sum3A_36 : vector<256xf32> to vector<1x256xf32>
    %add3A_38 = arith.addf %get3A_35, %broadcast_in_dim3A_37 : vector<1x256xf32>
    %swap3A_39 = arith.constant 0 : index
    %swap3A_40 = arith.constant 0 : index
    %swap3A_41 = vector.load %arg7[%swap3A_39, %swap3A_40] : memref<8x256xf32, #tpu.memory_space<vmem>>, vector<1x256xf32>
    tpu.vector_store %arg7[%swap3A_39, %swap3A_40], %add3A_38 {strides = array<i32>} : memref<8x256xf32, #tpu.memory_space<vmem>>, vector<1x256xf32>,
    %get3A_42 = arith.constant 1 : index
    %get3A_43 = arith.constant 0 : index
    %get3A_44 = vector.load %arg7[%get3A_42, %get3A_43] : memref<8x256xf32, #tpu.memory_space<vmem>>, vector<1x256xf32>
    %mul3A_45 = arith.mulf %select_n3A, %select_n3A : vector<512x256xf32>
    %reduce_sum3A_46 = arith.constant dense<0.000000e+00> : vector<256xf32>
    %reduce_sum3A_47 = vector.multi_reduction <add>, %mul3A_45, %reduce_sum3A_46 [0] : vector<512x256xf32> to vector<256xf32>
    %broadcast_in_dim3A_48 = vector.shape_cast %reduce_sum3A_47 : vector<256xf32> to vector<1x256xf32>
    %add3A_49 = arith.addf %get3A_44, %broadcast_in_dim3A_48 : vector<1x256xf32>
    %swap3A_50 = arith.constant 1 : index
    %swap3A_51 = arith.constant 0 : index
    %swap3A_52 = vector.load %arg7[%swap3A_50, %swap3A_51] : memref<8x256xf32, #tpu.memory_space<vmem>>, vector<1x256xf32>
    tpu.vector_store %arg7[%swap3A_50, %swap3A_51], %add3A_49 {strides = array<i32>} : memref<8x256xf32, #tpu.memory_space<vmem>>, vector<1x256xf32>,
    return
  }
  func.func @transform_0(%arg0: i32) -> (i32, i32) {
    %c0_i32 = arith.constant 0 : i32
    %c0_i32_0 = arith.constant 0 : i32
    %c0_i32_1 = arith.constant 0 : i32
    return %c0_i32, %c0_i32_0 : i32, i32
  }
  func.func @transform_1(%arg0: i32) -> (i32, i32) {
    %c0_i32 = arith.constant 0 : i32
    %c0_i32_0 = arith.constant 0 : i32
    %c0_i32_1 = arith.constant 0 : i32
    return %c0_i32, %c0_i32_0 : i32, i32
  }
  func.func @transform_2(%arg0: i32) -> (i32, i32) {
    %c0_i32 = arith.constant 0 : i32
    %c0_i32_0 = arith.constant 0 : i32
    %c0_i32_1 = arith.constant 0 : i32
    return %c0_i32, %c0_i32_0 : i32, i32
  }
  func.func @transform_3(%arg0: i32) -> (i32, i32) {
    %c0_i32 = arith.constant 0 : i32
    %c0_i32_0 = arith.constant 0 : i32
    %c0_i32_1 = arith.constant 0 : i32
    return %c0_i32, %c0_i32_0 : i32, i32
  }
  func.func @transform_4(%arg0: i32) -> (i32, i32) {
    %c0_i32 = arith.constant 0 : i32
    %c0_i32_0 = arith.constant 0 : i32
    %c0_i32_1 = arith.constant 0 : i32
    return %c0_i32, %c0_i32_0 : i32, i32
  }
  func.func @transform_5(%arg0: i32) -> (i32, i32) {
    %c0_i32 = arith.constant 0 : i32
    %c0_i32_0 = arith.constant 0 : i32
    return %arg0, %c0_i32 : i32, i32
  }
  func.func @transform_6(%arg0: i32) -> (i32, i32) {
    %c0_i32 = arith.constant 0 : i32
    %c0_i32_0 = arith.constant 0 : i32
    %c0_i32_1 = arith.constant 0 : i32
    return %c0_i32, %c0_i32_0 : i32, i32
  }
}

module attributes {stable_mosaic.version = 14 : i64} {
  func.func @_mid_body(%arg0: i32, %arg1: memref<10760x256xf32, #tpu.memory_space<vmem>>, %arg2: memref<8x256xf32, #tpu.memory_space<vmem>>, %arg3: memref<1x256xf32, #tpu.memory_space<vmem>>, %arg4: memref<1x256xf32, #tpu.memory_space<vmem>>, %arg5: memref<256x256xf32, #tpu.memory_space<vmem>>, %arg6: memref<1x256xf32, #tpu.memory_space<vmem>>, %arg7: memref<256x256xf32, #tpu.memory_space<vmem>>, %arg8: memref<8x256xf32, #tpu.memory_space<vmem>>) attributes {dimension_semantics = [#tpu.dimension_semantics<arbitrary>], iteration_bounds = array<i64: 21>, scalar_prefetch = 0 : i64, scratch_operands = 0 : i64, tpu.core_type = #tpu.core_type<tc>, window_params = [{pipeline_mode = #tpu.pipeline_mode<synchronous>, transform_indices = @transform_0, window_bounds = array<i64: 10760, 256>}, {pipeline_mode = #tpu.pipeline_mode<synchronous>, transform_indices = @transform_1, window_bounds = array<i64: 8, 256>}, {pipeline_mode = #tpu.pipeline_mode<synchronous>, transform_indices = @transform_2, window_bounds = array<i64: 1, 256>}, {pipeline_mode = #tpu.pipeline_mode<synchronous>, transform_indices = @transform_3, window_bounds = array<i64: 1, 256>}, {pipeline_mode = #tpu.pipeline_mode<synchronous>, transform_indices = @transform_4, window_bounds = array<i64: 256, 256>}, {pipeline_mode = #tpu.pipeline_mode<synchronous>, transform_indices = @transform_5, window_bounds = array<i64: 1, 256>}, {transform_indices = @transform_6, window_bounds = array<i64: 256, 256>}, {pipeline_mode = #tpu.pipeline_mode<synchronous>, transform_indices = @transform_7, window_bounds = array<i64: 8, 256>}]} {
    %get3A = arith.constant 0 : index
    %get3A_0 = arith.constant 0 : index
    %get3A_1 = vector.load %arg2[%get3A, %get3A_0] : memref<8x256xf32, #tpu.memory_space<vmem>>, vector<1x256xf32>
    %mul3A = arith.constant 1.00020006E-4 : f32
    %mul3A_2 = vector.broadcast %mul3A : f32 to vector<1x256xf32>
    %mul3A_3 = arith.mulf %get3A_1, %mul3A_2 : vector<1x256xf32>
    %get3A_4 = arith.constant 1 : index
    %get3A_5 = arith.constant 0 : index
    %get3A_6 = vector.load %arg2[%get3A_4, %get3A_5] : memref<8x256xf32, #tpu.memory_space<vmem>>, vector<1x256xf32>
    %mul3A_7 = arith.constant 1.00020006E-4 : f32
    %mul3A_8 = vector.broadcast %mul3A_7 : f32 to vector<1x256xf32>
    %mul3A_9 = arith.mulf %get3A_6, %mul3A_8 : vector<1x256xf32>
    %mul3A_10 = arith.mulf %mul3A_3, %mul3A_3 : vector<1x256xf32>
    %sub3A = arith.subf %mul3A_9, %mul3A_10 : vector<1x256xf32>
    %get3A_11 = arith.constant 0 : index
    %get3A_12 = arith.constant 0 : index
    %get3A_13 = vector.load %arg3[%get3A_11, %get3A_12] : memref<1x256xf32, #tpu.memory_space<vmem>>, vector<1x256xf32>
    %add3A = arith.constant 9.99999974E-6 : f32
    %add3A_14 = vector.broadcast %add3A : f32 to vector<1x256xf32>
    %add3A_15 = arith.addf %sub3A, %add3A_14 : vector<1x256xf32>
    %rsqrt3A = math.rsqrt %add3A_15 : vector<1x256xf32>
    %mul3A_16 = arith.mulf %get3A_13, %rsqrt3A : vector<1x256xf32>
    %get3A_17 = arith.constant 0 : index
    %get3A_18 = arith.constant 0 : index
    %get3A_19 = vector.load %arg4[%get3A_17, %get3A_18] : memref<1x256xf32, #tpu.memory_space<vmem>>, vector<1x256xf32>
    %mul3A_20 = arith.mulf %mul3A_3, %mul3A_16 : vector<1x256xf32>
    %sub3A_21 = arith.subf %get3A_19, %mul3A_20 : vector<1x256xf32>
    %mul3A_22 = arith.constant 2 : i32
    %mul3A_23 = arith.muli %arg0, %mul3A_22 : i32
    %mul3A_24 = arith.constant 256 : i32
    %mul3A_25 = arith.muli %mul3A_23, %mul3A_24 : i32
    %get3A_26 = arith.index_cast %mul3A_25 : i32 to index
    %get3A_27 = arith.constant 0 : index
    %get3A_28 = vector.load %arg1[%get3A_26, %get3A_27] : memref<10760x256xf32, #tpu.memory_space<vmem>>, vector<520x256xf32>
    %mul3A_29 = vector.broadcast %mul3A_16 : vector<1x256xf32> to vector<520x256xf32>
    %mul3A_30 = arith.mulf %get3A_28, %mul3A_29 : vector<520x256xf32>
    %add3A_31 = vector.broadcast %sub3A_21 : vector<1x256xf32> to vector<520x256xf32>
    %add3A_32 = arith.addf %mul3A_30, %add3A_31 : vector<520x256xf32>
    %max3A = arith.constant 0.000000e+00 : f32
    %max3A_33 = vector.broadcast %max3A : f32 to vector<520x256xf32>
    %max3A_34 = arith.maximumf %add3A_32, %max3A_33 : vector<520x256xf32>
    %slice3A = vector.extract_strided_slice %max3A_34 {offsets = [0, 0], sizes = [512, 256], strides = [1, 1]} : vector<520x256xf32> to vector<512x256xf32>
    %reshape3A = vector.shape_cast %slice3A : vector<512x256xf32> to vector<256x2x256xf32>
    %slice3A_35 = vector.extract_strided_slice %reshape3A {offsets = [0, 0, 0], sizes = [256, 1, 256], strides = [1, 1, 1]} : vector<256x2x256xf32> to vector<256x1x256xf32>
    %squeeze3A = vector.shape_cast %slice3A_35 : vector<256x1x256xf32> to vector<256x256xf32>
    %slice3A_36 = vector.extract_strided_slice %reshape3A {offsets = [0, 1, 0], sizes = [256, 1, 256], strides = [1, 1, 1]} : vector<256x2x256xf32> to vector<256x1x256xf32>
    %squeeze3A_37 = vector.shape_cast %slice3A_36 : vector<256x1x256xf32> to vector<256x256xf32>
    %max3A_38 = arith.maximumf %squeeze3A, %squeeze3A_37 : vector<256x256xf32>
    %slice3A_39 = vector.extract_strided_slice %max3A_34 {offsets = [2, 0], sizes = [512, 256], strides = [1, 1]} : vector<520x256xf32> to vector<512x256xf32>
    %reshape3A_40 = vector.shape_cast %slice3A_39 : vector<512x256xf32> to vector<256x2x256xf32>
    %slice3A_41 = vector.extract_strided_slice %reshape3A_40 {offsets = [0, 0, 0], sizes = [256, 1, 256], strides = [1, 1, 1]} : vector<256x2x256xf32> to vector<256x1x256xf32>
    %squeeze3A_42 = vector.shape_cast %slice3A_41 : vector<256x1x256xf32> to vector<256x256xf32>
    %max3A_43 = arith.maximumf %max3A_38, %squeeze3A_42 : vector<256x256xf32>
    %get3A_44 = arith.constant 0 : index
    %get3A_45 = arith.constant 0 : index
    %get3A_46 = vector.load %arg5[%get3A_44, %get3A_45] : memref<256x256xf32, #tpu.memory_space<vmem>>, vector<256x256xf32>
    %dot_general3A = arith.constant dense<0.000000e+00> : vector<256x256xf32>
    %dot_general3A_47 = tpu.matmul %max3A_43, %get3A_46, %dot_general3A {dimension_numbers = #tpu.dot_dimension_numbers<[1], [0], [0], [1], [0, 0, 1, 1], [], []>, transpose_lhs_hint = false} : vector<256x256xf32>, vector<256x256xf32>, vector<256x256xf32> -> vector<256x256xf32>
    %get3A_48 = arith.constant 0 : index
    %get3A_49 = arith.constant 0 : index
    %get3A_50 = vector.load %arg6[%get3A_48, %get3A_49] : memref<1x256xf32, #tpu.memory_space<vmem>>, vector<1x256xf32>
    %add3A_51 = vector.broadcast %get3A_50 : vector<1x256xf32> to vector<256x256xf32>
    %add3A_52 = arith.addf %dot_general3A_47, %add3A_51 : vector<256x256xf32>
    %swap3A = arith.constant 0 : index
    %swap3A_53 = arith.constant 0 : index
    %swap3A_54 = vector.load %arg7[%swap3A, %swap3A_53] : memref<256x256xf32, #tpu.memory_space<vmem>>, vector<256x256xf32>
    tpu.vector_store %arg7[%swap3A, %swap3A_53], %add3A_52 {strides = array<i32>} : memref<256x256xf32, #tpu.memory_space<vmem>>, vector<256x256xf32>,
    %mul3A_55 = arith.constant 256 : i32
    %mul3A_56 = arith.muli %arg0, %mul3A_55 : i32
    %iota3A = tpu.iota {dimensions = array<i32: 0>} : vector<256x256xi32>
    %add3A_57 = vector.broadcast %mul3A_56 : i32 to vector<256x256xi32>
    %add3A_58 = arith.addi %add3A_57, %iota3A : vector<256x256xi32>
    %lt3A = arith.constant 4998 : i32
    %lt3A_59 = vector.broadcast %lt3A : i32 to vector<256x256xi32>
    %lt3A_60 = arith.cmpi slt, %add3A_58, %lt3A_59 : vector<256x256xi32>
    %jit3A = arith.constant 0.000000e+00 : f32
    %broadcast_in_dim3A = vector.broadcast %jit3A : f32 to vector<256x256xf32>
    %select_n3A = arith.select %lt3A_60, %add3A_52, %broadcast_in_dim3A : vector<256x256xi1>, vector<256x256xf32>
    %eq3A = arith.constant 0 : i32
    %eq3A_61 = arith.cmpi eq, %arg0, %eq3A : i32
    %convert_element_type3A = arith.extui %eq3A_61 : i1 to i32
    %cond3A = arith.constant 0 : i32
    %cond3A_62 = arith.cmpi ne, %convert_element_type3A, %cond3A : i32
    scf.if %cond3A_62 {
      %broadcast_in_dim3A_83 = arith.constant 0.000000e+00 : f32
      %broadcast_in_dim3A_84 = vector.broadcast %broadcast_in_dim3A_83 : f32 to vector<8x256xf32>
      %swap3A_85 = arith.constant 0 : index
      %swap3A_86 = arith.constant 0 : index
      %swap3A_87 = vector.load %arg8[%swap3A_85, %swap3A_86] : memref<8x256xf32, #tpu.memory_space<vmem>>, vector<8x256xf32>
      tpu.vector_store %arg8[%swap3A_85, %swap3A_86], %broadcast_in_dim3A_84 {strides = array<i32>} : memref<8x256xf32, #tpu.memory_space<vmem>>, vector<8x256xf32>,
    } else {
    }
    %get3A_63 = arith.constant 0 : index
    %get3A_64 = arith.constant 0 : index
    %get3A_65 = vector.load %arg8[%get3A_63, %get3A_64] : memref<8x256xf32, #tpu.memory_space<vmem>>, vector<1x256xf32>
    %reduce_sum3A = arith.constant dense<0.000000e+00> : vector<256xf32>
    %reduce_sum3A_66 = vector.multi_reduction <add>, %select_n3A, %reduce_sum3A [0] : vector<256x256xf32> to vector<256xf32>
    %broadcast_in_dim3A_67 = vector.shape_cast %reduce_sum3A_66 : vector<256xf32> to vector<1x256xf32>
    %add3A_68 = arith.addf %get3A_65, %broadcast_in_dim3A_67 : vector<1x256xf32>
    %swap3A_69 = arith.constant 0 : index
    %swap3A_70 = arith.constant 0 : index
    %swap3A_71 = vector.load %arg8[%swap3A_69, %swap3A_70] : memref<8x256xf32, #tpu.memory_space<vmem>>, vector<1x256xf32>
    tpu.vector_store %arg8[%swap3A_69, %swap3A_70], %add3A_68 {strides = array<i32>} : memref<8x256xf32, #tpu.memory_space<vmem>>, vector<1x256xf32>,
    %get3A_72 = arith.constant 1 : index
    %get3A_73 = arith.constant 0 : index
    %get3A_74 = vector.load %arg8[%get3A_72, %get3A_73] : memref<8x256xf32, #tpu.memory_space<vmem>>, vector<1x256xf32>
    %mul3A_75 = arith.mulf %select_n3A, %select_n3A : vector<256x256xf32>
    %reduce_sum3A_76 = arith.constant dense<0.000000e+00> : vector<256xf32>
    %reduce_sum3A_77 = vector.multi_reduction <add>, %mul3A_75, %reduce_sum3A_76 [0] : vector<256x256xf32> to vector<256xf32>
    %broadcast_in_dim3A_78 = vector.shape_cast %reduce_sum3A_77 : vector<256xf32> to vector<1x256xf32>
    %add3A_79 = arith.addf %get3A_74, %broadcast_in_dim3A_78 : vector<1x256xf32>
    %swap3A_80 = arith.constant 1 : index
    %swap3A_81 = arith.constant 0 : index
    %swap3A_82 = vector.load %arg8[%swap3A_80, %swap3A_81] : memref<8x256xf32, #tpu.memory_space<vmem>>, vector<1x256xf32>
    tpu.vector_store %arg8[%swap3A_80, %swap3A_81], %add3A_79 {strides = array<i32>} : memref<8x256xf32, #tpu.memory_space<vmem>>, vector<1x256xf32>,
    return
  }
  func.func @transform_0(%arg0: i32) -> (i32, i32) {
    %c0_i32 = arith.constant 0 : i32
    %c0_i32_0 = arith.constant 0 : i32
    %c0_i32_1 = arith.constant 0 : i32
    return %c0_i32, %c0_i32_0 : i32, i32
  }
  func.func @transform_1(%arg0: i32) -> (i32, i32) {
    %c0_i32 = arith.constant 0 : i32
    %c0_i32_0 = arith.constant 0 : i32
    %c0_i32_1 = arith.constant 0 : i32
    return %c0_i32, %c0_i32_0 : i32, i32
  }
  func.func @transform_2(%arg0: i32) -> (i32, i32) {
    %c0_i32 = arith.constant 0 : i32
    %c0_i32_0 = arith.constant 0 : i32
    %c0_i32_1 = arith.constant 0 : i32
    return %c0_i32, %c0_i32_0 : i32, i32
  }
  func.func @transform_3(%arg0: i32) -> (i32, i32) {
    %c0_i32 = arith.constant 0 : i32
    %c0_i32_0 = arith.constant 0 : i32
    %c0_i32_1 = arith.constant 0 : i32
    return %c0_i32, %c0_i32_0 : i32, i32
  }
  func.func @transform_4(%arg0: i32) -> (i32, i32) {
    %c0_i32 = arith.constant 0 : i32
    %c0_i32_0 = arith.constant 0 : i32
    %c0_i32_1 = arith.constant 0 : i32
    return %c0_i32, %c0_i32_0 : i32, i32
  }
  func.func @transform_5(%arg0: i32) -> (i32, i32) {
    %c0_i32 = arith.constant 0 : i32
    %c0_i32_0 = arith.constant 0 : i32
    %c0_i32_1 = arith.constant 0 : i32
    return %c0_i32, %c0_i32_0 : i32, i32
  }
  func.func @transform_6(%arg0: i32) -> (i32, i32) {
    %c0_i32 = arith.constant 0 : i32
    %c0_i32_0 = arith.constant 0 : i32
    return %arg0, %c0_i32 : i32, i32
  }
  func.func @transform_7(%arg0: i32) -> (i32, i32) {
    %c0_i32 = arith.constant 0 : i32
    %c0_i32_0 = arith.constant 0 : i32
    %c0_i32_1 = arith.constant 0 : i32
    return %c0_i32, %c0_i32_0 : i32, i32
  }
}

module attributes {stable_mosaic.version = 14 : i64} {
  func.func @_final_body(%arg0: i32, %arg1: memref<256x256xf32, #tpu.memory_space<vmem>>, %arg2: memref<8x256xf32, #tpu.memory_space<vmem>>, %arg3: memref<1x256xf32, #tpu.memory_space<vmem>>, %arg4: memref<1x256xf32, #tpu.memory_space<vmem>>, %arg5: memref<128x256xf32, #tpu.memory_space<vmem>>) attributes {dimension_semantics = [#tpu.dimension_semantics<arbitrary>], iteration_bounds = array<i64: 21>, scalar_prefetch = 0 : i64, scratch_operands = 0 : i64, tpu.core_type = #tpu.core_type<tc>, window_params = [{transform_indices = @transform_0, window_bounds = array<i64: 256, 256>}, {pipeline_mode = #tpu.pipeline_mode<synchronous>, transform_indices = @transform_1, window_bounds = array<i64: 8, 256>}, {pipeline_mode = #tpu.pipeline_mode<synchronous>, transform_indices = @transform_2, window_bounds = array<i64: 1, 256>}, {pipeline_mode = #tpu.pipeline_mode<synchronous>, transform_indices = @transform_3, window_bounds = array<i64: 1, 256>}, {transform_indices = @transform_4, window_bounds = array<i64: 128, 256>}]} {
    %get3A = arith.constant 0 : index
    %get3A_0 = arith.constant 0 : index
    %get3A_1 = vector.load %arg2[%get3A, %get3A_0] : memref<8x256xf32, #tpu.memory_space<vmem>>, vector<1x256xf32>
    %mul3A = arith.constant 2.0008003E-4 : f32
    %mul3A_2 = vector.broadcast %mul3A : f32 to vector<1x256xf32>
    %mul3A_3 = arith.mulf %get3A_1, %mul3A_2 : vector<1x256xf32>
    %get3A_4 = arith.constant 1 : index
    %get3A_5 = arith.constant 0 : index
    %get3A_6 = vector.load %arg2[%get3A_4, %get3A_5] : memref<8x256xf32, #tpu.memory_space<vmem>>, vector<1x256xf32>
    %mul3A_7 = arith.constant 2.0008003E-4 : f32
    %mul3A_8 = vector.broadcast %mul3A_7 : f32 to vector<1x256xf32>
    %mul3A_9 = arith.mulf %get3A_6, %mul3A_8 : vector<1x256xf32>
    %mul3A_10 = arith.mulf %mul3A_3, %mul3A_3 : vector<1x256xf32>
    %sub3A = arith.subf %mul3A_9, %mul3A_10 : vector<1x256xf32>
    %get3A_11 = arith.constant 0 : index
    %get3A_12 = arith.constant 0 : index
    %get3A_13 = vector.load %arg3[%get3A_11, %get3A_12] : memref<1x256xf32, #tpu.memory_space<vmem>>, vector<1x256xf32>
    %add3A = arith.constant 9.99999974E-6 : f32
    %add3A_14 = vector.broadcast %add3A : f32 to vector<1x256xf32>
    %add3A_15 = arith.addf %sub3A, %add3A_14 : vector<1x256xf32>
    %rsqrt3A = math.rsqrt %add3A_15 : vector<1x256xf32>
    %mul3A_16 = arith.mulf %get3A_13, %rsqrt3A : vector<1x256xf32>
    %get3A_17 = arith.constant 0 : index
    %get3A_18 = arith.constant 0 : index
    %get3A_19 = vector.load %arg4[%get3A_17, %get3A_18] : memref<1x256xf32, #tpu.memory_space<vmem>>, vector<1x256xf32>
    %mul3A_20 = arith.mulf %mul3A_3, %mul3A_16 : vector<1x256xf32>
    %sub3A_21 = arith.subf %get3A_19, %mul3A_20 : vector<1x256xf32>
    %get3A_22 = arith.constant 0 : index
    %get3A_23 = arith.constant 0 : index
    %get3A_24 = vector.load %arg1[%get3A_22, %get3A_23] : memref<256x256xf32, #tpu.memory_space<vmem>>, vector<256x256xf32>
    %mul3A_25 = vector.broadcast %mul3A_16 : vector<1x256xf32> to vector<256x256xf32>
    %mul3A_26 = arith.mulf %get3A_24, %mul3A_25 : vector<256x256xf32>
    %add3A_27 = vector.broadcast %sub3A_21 : vector<1x256xf32> to vector<256x256xf32>
    %add3A_28 = arith.addf %mul3A_26, %add3A_27 : vector<256x256xf32>
    %max3A = arith.constant 0.000000e+00 : f32
    %max3A_29 = vector.broadcast %max3A : f32 to vector<256x256xf32>
    %max3A_30 = arith.maximumf %add3A_28, %max3A_29 : vector<256x256xf32>
    %reshape3A = vector.shape_cast %max3A_30 : vector<256x256xf32> to vector<128x2x256xf32>
    %slice3A = vector.extract_strided_slice %reshape3A {offsets = [0, 0, 0], sizes = [128, 1, 256], strides = [1, 1, 1]} : vector<128x2x256xf32> to vector<128x1x256xf32>
    %squeeze3A = vector.shape_cast %slice3A : vector<128x1x256xf32> to vector<128x256xf32>
    %slice3A_31 = vector.extract_strided_slice %reshape3A {offsets = [0, 1, 0], sizes = [128, 1, 256], strides = [1, 1, 1]} : vector<128x2x256xf32> to vector<128x1x256xf32>
    %squeeze3A_32 = vector.shape_cast %slice3A_31 : vector<128x1x256xf32> to vector<128x256xf32>
    %max3A_33 = arith.maximumf %squeeze3A, %squeeze3A_32 : vector<128x256xf32>
    %swap3A = arith.constant 0 : index
    %swap3A_34 = arith.constant 0 : index
    %swap3A_35 = vector.load %arg5[%swap3A, %swap3A_34] : memref<128x256xf32, #tpu.memory_space<vmem>>, vector<128x256xf32>
    tpu.vector_store %arg5[%swap3A, %swap3A_34], %max3A_33 {strides = array<i32>} : memref<128x256xf32, #tpu.memory_space<vmem>>, vector<128x256xf32>,
    return
  }
  func.func @transform_0(%arg0: i32) -> (i32, i32) {
    %c0_i32 = arith.constant 0 : i32
    %c0_i32_0 = arith.constant 0 : i32
    return %arg0, %c0_i32 : i32, i32
  }
  func.func @transform_1(%arg0: i32) -> (i32, i32) {
    %c0_i32 = arith.constant 0 : i32
    %c0_i32_0 = arith.constant 0 : i32
    %c0_i32_1 = arith.constant 0 : i32
    return %c0_i32, %c0_i32_0 : i32, i32
  }
  func.func @transform_2(%arg0: i32) -> (i32, i32) {
    %c0_i32 = arith.constant 0 : i32
    %c0_i32_0 = arith.constant 0 : i32
    %c0_i32_1 = arith.constant 0 : i32
    return %c0_i32, %c0_i32_0 : i32, i32
  }
  func.func @transform_3(%arg0: i32) -> (i32, i32) {
    %c0_i32 = arith.constant 0 : i32
    %c0_i32_0 = arith.constant 0 : i32
    %c0_i32_1 = arith.constant 0 : i32
    return %c0_i32, %c0_i32_0 : i32, i32
  }
  func.func @transform_4(%arg0: i32) -> (i32, i32) {
    %c0_i32 = arith.constant 0 : i32
    %c0_i32_0 = arith.constant 0 : i32
    return %arg0, %c0_i32 : i32, i32
  }
}

module attributes {stable_mosaic.version = 14 : i64} {
  func.func @_head_body(%arg0: i32, %arg1: memref<2688x256xf32, #tpu.memory_space<vmem>>, %arg2: memref<2688x384xf32, #tpu.memory_space<vmem>>, %arg3: memref<256x8xf32, #tpu.memory_space<vmem>>, %arg4: memref<1x8xf32, #tpu.memory_space<vmem>>, %arg5: memref<384x8xf32, #tpu.memory_space<vmem>>, %arg6: memref<1x8xf32, #tpu.memory_space<vmem>>, %arg7: memref<1x8xf32, #tpu.memory_space<vmem>>) attributes {dimension_semantics = [#tpu.dimension_semantics<arbitrary>], iteration_bounds = array<i64: 1>, scalar_prefetch = 0 : i64, scratch_operands = 0 : i64, tpu.core_type = #tpu.core_type<tc>, window_params = [{pipeline_mode = #tpu.pipeline_mode<synchronous>, transform_indices = @transform_0, window_bounds = array<i64: 2688, 256>}, {pipeline_mode = #tpu.pipeline_mode<synchronous>, transform_indices = @transform_1, window_bounds = array<i64: 2688, 384>}, {pipeline_mode = #tpu.pipeline_mode<synchronous>, transform_indices = @transform_2, window_bounds = array<i64: 256, 8>}, {pipeline_mode = #tpu.pipeline_mode<synchronous>, transform_indices = @transform_3, window_bounds = array<i64: 1, 8>}, {pipeline_mode = #tpu.pipeline_mode<synchronous>, transform_indices = @transform_4, window_bounds = array<i64: 384, 8>}, {pipeline_mode = #tpu.pipeline_mode<synchronous>, transform_indices = @transform_5, window_bounds = array<i64: 1, 8>}, {pipeline_mode = #tpu.pipeline_mode<synchronous>, transform_indices = @transform_6, window_bounds = array<i64: 1, 8>}]} {
    %get3A = arith.constant 0 : index
    %get3A_0 = arith.constant 0 : index
    %get3A_1 = vector.load %arg1[%get3A, %get3A_0] : memref<2688x256xf32, #tpu.memory_space<vmem>>, vector<2688x256xf32>
    %get3A_2 = arith.constant 0 : index
    %get3A_3 = arith.constant 0 : index
    %get3A_4 = vector.load %arg3[%get3A_2, %get3A_3] : memref<256x8xf32, #tpu.memory_space<vmem>>, vector<256x8xf32>
    %dot_general3A = arith.constant dense<0.000000e+00> : vector<2688x8xf32>
    %dot_general3A_5 = tpu.matmul %get3A_1, %get3A_4, %dot_general3A {dimension_numbers = #tpu.dot_dimension_numbers<[1], [0], [0], [1], [0, 0, 1, 1], [], []>, transpose_lhs_hint = false} : vector<2688x256xf32>, vector<256x8xf32>, vector<2688x8xf32> -> vector<2688x8xf32>
    %get3A_6 = arith.constant 0 : index
    %get3A_7 = arith.constant 0 : index
    %get3A_8 = vector.load %arg4[%get3A_6, %get3A_7] : memref<1x8xf32, #tpu.memory_space<vmem>>, vector<1x8xf32>
    %add3A = vector.broadcast %get3A_8 : vector<1x8xf32> to vector<2688x8xf32>
    %add3A_9 = arith.addf %dot_general3A_5, %add3A : vector<2688x8xf32>
    %get3A_10 = arith.constant 0 : index
    %get3A_11 = arith.constant 0 : index
    %get3A_12 = vector.load %arg2[%get3A_10, %get3A_11] : memref<2688x384xf32, #tpu.memory_space<vmem>>, vector<2688x384xf32>
    %get3A_13 = arith.constant 0 : index
    %get3A_14 = arith.constant 0 : index
    %get3A_15 = vector.load %arg5[%get3A_13, %get3A_14] : memref<384x8xf32, #tpu.memory_space<vmem>>, vector<384x8xf32>
    %dot_general3A_16 = arith.constant dense<0.000000e+00> : vector<2688x8xf32>
    %dot_general3A_17 = tpu.matmul %get3A_12, %get3A_15, %dot_general3A_16 {dimension_numbers = #tpu.dot_dimension_numbers<[1], [0], [0], [1], [0, 0, 1, 1], [], []>, transpose_lhs_hint = false} : vector<2688x384xf32>, vector<384x8xf32>, vector<2688x8xf32> -> vector<2688x8xf32>
    %get3A_18 = arith.constant 0 : index
    %get3A_19 = arith.constant 0 : index
    %get3A_20 = vector.load %arg6[%get3A_18, %get3A_19] : memref<1x8xf32, #tpu.memory_space<vmem>>, vector<1x8xf32>
    %add3A_21 = vector.broadcast %get3A_20 : vector<1x8xf32> to vector<2688x8xf32>
    %add3A_22 = arith.addf %dot_general3A_17, %add3A_21 : vector<2688x8xf32>
    %mul3A = arith.mulf %add3A_9, %add3A_22 : vector<2688x8xf32>
    %iota3A = tpu.iota {dimensions = array<i32: 0>} : vector<2688x8xi32>
    %lt3A = arith.constant 2499 : i32
    %lt3A_23 = vector.broadcast %lt3A : i32 to vector<2688x8xi32>
    %lt3A_24 = arith.cmpi slt, %iota3A, %lt3A_23 : vector<2688x8xi32>
    %jit3A = arith.constant 0.000000e+00 : f32
    %broadcast_in_dim3A = vector.broadcast %jit3A : f32 to vector<2688x8xf32>
    %select_n3A = arith.select %lt3A_24, %mul3A, %broadcast_in_dim3A : vector<2688x8xi1>, vector<2688x8xf32>
    %reduce_sum3A = arith.constant dense<0.000000e+00> : vector<8xf32>
    %reduce_sum3A_25 = vector.multi_reduction <add>, %select_n3A, %reduce_sum3A [0] : vector<2688x8xf32> to vector<8xf32>
    %broadcast_in_dim3A_26 = vector.shape_cast %reduce_sum3A_25 : vector<8xf32> to vector<1x8xf32>
    %mul3A_27 = arith.constant 4.00160061E-4 : f32
    %mul3A_28 = vector.broadcast %mul3A_27 : f32 to vector<1x8xf32>
    %mul3A_29 = arith.mulf %broadcast_in_dim3A_26, %mul3A_28 : vector<1x8xf32>
    %logistic3A = arith.negf %mul3A_29 : vector<1x8xf32>
    %logistic3A_30 = math.exp %logistic3A : vector<1x8xf32>
    %logistic3A_31 = arith.constant 1.000000e+00 : f32
    %logistic3A_32 = vector.broadcast %logistic3A_31 : f32 to vector<1x8xf32>
    %logistic3A_33 = arith.addf %logistic3A_32, %logistic3A_30 : vector<1x8xf32>
    %logistic3A_34 = arith.divf %logistic3A_32, %logistic3A_33 : vector<1x8xf32>
    %swap3A = arith.constant 0 : index
    %swap3A_35 = arith.constant 0 : index
    %swap3A_36 = vector.load %arg7[%swap3A, %swap3A_35] : memref<1x8xf32, #tpu.memory_space<vmem>>, vector<1x8xf32>
    tpu.vector_store %arg7[%swap3A, %swap3A_35], %logistic3A_34 {strides = array<i32>} : memref<1x8xf32, #tpu.memory_space<vmem>>, vector<1x8xf32>,
    return
  }
  func.func @transform_0(%arg0: i32) -> (i32, i32) {
    %c0_i32 = arith.constant 0 : i32
    %c0_i32_0 = arith.constant 0 : i32
    %c0_i32_1 = arith.constant 0 : i32
    return %c0_i32, %c0_i32_0 : i32, i32
  }
  func.func @transform_1(%arg0: i32) -> (i32, i32) {
    %c0_i32 = arith.constant 0 : i32
    %c0_i32_0 = arith.constant 0 : i32
    %c0_i32_1 = arith.constant 0 : i32
    return %c0_i32, %c0_i32_0 : i32, i32
  }
  func.func @transform_2(%arg0: i32) -> (i32, i32) {
    %c0_i32 = arith.constant 0 : i32
    %c0_i32_0 = arith.constant 0 : i32
    %c0_i32_1 = arith.constant 0 : i32
    return %c0_i32, %c0_i32_0 : i32, i32
  }
  func.func @transform_3(%arg0: i32) -> (i32, i32) {
    %c0_i32 = arith.constant 0 : i32
    %c0_i32_0 = arith.constant 0 : i32
    %c0_i32_1 = arith.constant 0 : i32
    return %c0_i32, %c0_i32_0 : i32, i32
  }
  func.func @transform_4(%arg0: i32) -> (i32, i32) {
    %c0_i32 = arith.constant 0 : i32
    %c0_i32_0 = arith.constant 0 : i32
    %c0_i32_1 = arith.constant 0 : i32
    return %c0_i32, %c0_i32_0 : i32, i32
  }
  func.func @transform_5(%arg0: i32) -> (i32, i32) {
    %c0_i32 = arith.constant 0 : i32
    %c0_i32_0 = arith.constant 0 : i32
    %c0_i32_1 = arith.constant 0 : i32
    return %c0_i32, %c0_i32_0 : i32, i32
  }
  func.func @transform_6(%arg0: i32) -> (i32, i32) {
    %c0_i32 = arith.constant 0 : i32
    %c0_i32_0 = arith.constant 0 : i32
    %c0_i32_1 = arith.constant 0 : i32
    return %c0_i32, %c0_i32_0 : i32, i32
  }
}

</mosaic_0001>

<sc_bundles>
// kernel: kernel.22.cloned.1.call-start
scs
__scs_entry_jumppad:
0x0: {  	(pc) =	sbr.rel $0x88, $3  }
0x1: {  	(tag) =	ssettag $0x0;
	lr =	simm.s32 $0x1  }
0x2: {  	[smem:$0x3F8A] =	sst lr;
	_ =	strace $0xD0000000  }
0x3: {  	_ = 	snop  }
0x4: {  	_ = 	snop  }
0x5: {  	_ = 	snop  }
0x6: {  	_ = 	snop  }
0x7: {  	_ = 	snop  }
__scs_overlays_trampoline_lowered:
0x8: {  	[smem:$0x3F99] =	sst s0  }
0x9: {  	[smem:$0x3F9A] =	sst s1  }
0xa: {  	[smem:$0x3F9B] =	sst s2  }
0xb: {  	[smem:$0x3F9C] =	sst s3  }
0xc: {  	[smem:$0x3F9D] =	sst s4  }
0xd: {  	[smem:$0x3F9E] =	sst s5  }
0xe: {  	[smem:$0x3F9F] =	sst s6  }
0xf: {  	[smem:$0x3FA0] =	sst s7  }
0x10: {  	[smem:$0x3FA1] =	sst s8  }
0x11: {  	[smem:$0x3FA2] =	sst s9;
	s0 =	simm.s32 @!p0 $0x0  }
0x12: {  	s1 =	sld [smem:$0x3F88];
	s0 =	simm.s32 @p0 $0x1  }
0x13: {  	[smem:$0x3FA3] =	sst s0;
	s0 =	simm.s32 @!p1 $0x0  }
0x14: {  	s2 =	sld [smem:$0x3F87];
	s0 =	simm.s32 @p1 $0x1  }
0x15: {  	[smem:$0x3FA4] =	sst s0;
	s0 =	simm.s32 @!p2 $0x0  }
0x16: {  	s3 =	sld [smem:$0x3FDB];
	s0 =	simm.s32 @p2 $0x1  }
0x17: {  	s4 =	simm.s32 $0x1BF5;
	[smem:$0x3FA6] =	sst s0  }
0x18: {  	s0 =	sld [smem:$0x3F89];
	_ =	swait.ge [sflag:s4], $0x0  }
0x19: {  	s7 =	sld [smem:$0x3F8A]  }
0x1a: {  	s8 =	sadd.s32 $0xFFFFE003, lr  }
0x1b: {  	s9 =	sadd.s32 $0xFFFFFEF7, lr;
	s5 =	simm.s32 $0xFFFFFFFF;
	p2 =	slt.u32 s8, $0xFFFFF086  }
0x1c: {  	p1 =	slt.u32 s9, $0xF7A;
	s5 =	simm.s32 @!p2 $0x0  }
0x1d: {  	s5 =	simm.s32 @p1 $0x1;
	p0 =	seq.s32 s7, s2  }
0x1e: {  	s7 =	smul.u32 @!p0 $0xF7A, s2;
	p2 =	seq.s32 @!p0 s5, $0x0  }
0x1f: {  	s9 =	smul.u32 $0xF7A, s1;
	s8 =	simm.s32 @!p0 $0x1BF5;
	p2 =	por !p2, p0  }
0x20: {  	[sflag:s8] =	ssyncset.s32 @!p0 $0xFFFFF086;
	s6 =	sadd.s32 @!p0 s3, s7;
	s7 =	simm.s32 @!p0 $0x108  }
0x21: {  	s3 =	sadd.s32 s3, s9;
	s6 =	sadd.s32 @!p0 $0x88, s6;
	s7 =	simm.s32 @p2 $0x1082  }
0x22: {  	[simem:s7], [sflag:s8] =	dma.local @!p0 [hbm:s6], $0xF7A  }
0x23: {  	s9 =	sor.u32 $0xD0000000, s2;
	s6 =	simm.s32 $0x108;
	_ =	swait.ge @!p0 [sflag:s8], $0x0  }
0x24: {  	s3 =	sadd.s32 $0x88, s3;
	s6 =	simm.s32 @!p1 $0x1082;
	[sflag:s4] =	ssyncset.s32 $0xFFFFF086  }
0x25: {  	[simem:s6], [sflag:s4] =	dma.local [hbm:s3], $0xF7A  }
0x26: {  	[smem:$0x3F8A] =	sst s1;
	(tag) =	ssettag s2;
	_ =	strace s9  }
0x27: {  	s1 =	sld [smem:$0x3F9A]  }
0x28: {  	s2 =	sld [smem:$0x3F9B]  }
0x29: {  	s4 =	sld [smem:$0x3F9D]  }
0x2a: {  	p0 =	seq.s32 s5, $0x0;
	s5 =	sld [smem:$0x3F9E]  }
0x2b: {  	s6 =	sld [smem:$0x3F9F]  }
0x2c: {  	s7 =	sld [smem:$0x3FA0]  }
0x2d: {  	s3 =	simm.s32 $0x108;
	s8 =	sld [smem:$0x3FA1]  }
0x2e: {  	s3 =	simm.s32 @!p0 $0x1082;
	s9 =	sld [smem:$0x3FA2]  }
0x2f: {  	lr =	sadd.s32 s0, s3;
	s0 =	sld [smem:$0x3F99]  }
0x30: {  	s3 =	sld [smem:$0x3F9C]  }
0x31: {  	[smem:$0x3FA5] =	sst s10  }
0x32: {  	s10 =	sld [smem:$0x3FA3];
	_ =	sdelay $0x3  }
0x33: {  	p0 =	seq.s32 s10, $0x1;
	s10 =	sld [smem:$0x3FA5];
	_ =	sdelay $0x3  }
0x34: {  	[smem:$0x3FA5] =	sst s10  }
0x35: {  	s10 =	sld [smem:$0x3FA4];
	_ =	sdelay $0x3  }
0x36: {  	p1 =	seq.s32 s10, $0x1;
	s10 =	sld [smem:$0x3FA5];
	_ =	sdelay $0x3  }
0x37: {  	[smem:$0x3FA5] =	sst s10  }
0x38: {  	s10 =	sld [smem:$0x3FA6]  }
0x39: {  	_ = 	snop;
	(pc) =	sbr.ind lr, $3  }
0x3a: {  	_ = 	snop  }
0x3b: {  	_ = 	snop  }
0x3c: {  	p2 =	seq.s32 s10, $0x1;
	s10 =	sld [smem:$0x3FA5]  }
0x3d: {  	_ =	shalt  }
0x3e: {  	_ =	shalt  }
0x3f: {  	_ =	shalt  }
0x40: {  	_ =	shalt  }
0x41: {  	_ =	shalt  }
0x42: {  	_ =	shalt  }
0x43: {  	_ =	shalt  }
0x44: {  	_ =	shalt  }
0x45: {  	_ =	shalt  }
0x46: {  	_ =	shalt  }
0x47: {  	_ =	shalt  }
0x48: {  	_ =	shalt  }
0x49: {  	_ =	shalt  }
0x4a: {  	_ =	shalt  }
0x4b: {  	_ =	shalt  }
0x4c: {  	_ =	shalt  }
0x4d: {  	_ =	shalt  }
0x4e: {  	_ =	shalt  }
0x4f: {  	_ =	shalt  }
0x50: {  	_ =	shalt  }
0x51: {  	_ =	shalt  }
0x52: {  	_ =	shalt  }
0x53: {  	_ =	shalt  }
0x54: {  	_ =	shalt  }
0x55: {  	_ =	shalt  }
0x56: {  	_ =	shalt  }
0x57: {  	_ =	shalt  }
0x58: {  	_ =	shalt  }
0x59: {  	_ =	shalt  }
0x5a: {  	_ =	shalt  }
0x5b: {  	_ =	shalt  }
0x5c: {  	_ =	shalt  }
0x5d: {  	_ =	shalt  }
0x5e: {  	_ =	shalt  }
0x5f: {  	_ =	shalt  }
0x60: {  	_ =	shalt  }
0x61: {  	_ =	shalt  }
0x62: {  	_ =	shalt  }
0x63: {  	_ =	shalt  }
0x64: {  	_ =	shalt  }
0x65: {  	_ =	shalt  }
0x66: {  	_ =	shalt  }
0x67: {  	_ =	shalt  }
0x68: {  	_ =	shalt  }
0x69: {  	_ =	shalt  }
0x6a: {  	_ =	shalt  }
0x6b: {  	_ =	shalt  }
0x6c: {  	_ =	shalt  }
0x6d: {  	_ =	shalt  }
0x6e: {  	_ =	shalt  }
0x6f: {  	_ =	shalt  }
0x70: {  	_ =	shalt  }
0x71: {  	_ =	shalt  }
0x72: {  	_ =	shalt  }
0x73: {  	_ =	shalt  }
0x74: {  	_ =	shalt  }
0x75: {  	_ =	shalt  }
0x76: {  	_ =	shalt  }
0x77: {  	_ =	shalt  }
0x78: {  	_ =	shalt  }
0x79: {  	_ =	shalt  }
0x7a: {  	_ =	shalt  }
0x7b: {  	_ =	shalt  }
0x7c: {  	_ =	shalt  }
0x7d: {  	_ =	shalt  }
0x7e: {  	_ =	shalt  }
0x7f: {  	_ =	shalt  }
0x80: {  	_ =	shalt  }
0x81: {  	_ =	shalt  }
0x82: {  	_ =	shalt  }
0x83: {  	_ =	shalt  }
0x84: {  	_ =	shalt  }
0x85: {  	_ =	shalt  }
0x86: {  	_ =	shalt  }
0x87: {  	_ =	shalt  }
.Lfunc_end0:
.L_simem_size_0:
called_computation_lowered:
.L_overlay_start_0:
0x88: {  	s2 =	sld [smem:$0x3FD9]  }
0x89: {  	s3 =	sld [smem:$0x3FFE];
	_ =	sdelay $0x1  }
0x8a: {  	s1 =	srdreg.scid  }
0x8b: {  	s0 =	sand.u32 $0x1, s1  }
0x8c: {  	s16 =	sshll.u32 s0, $0xA;
	s2 =	sadd.s32 s3, s2  }
0x8d: {  	s2 =	sadd.s32 s2, s16  }
0x8e: {  	[smem:$0x3FB1] =	sst s2  }
0x8f: {  	_ = 	snop  }
0x90: {  	(tm) =	ssettm $0x1  }
0x91: {  	s17 =	sld [smem:$0x3FFB];
	_ =	sdelay $0x3  }
0x92: {  	_ =	strace s17  }
0x93: {  	s2 =	sld [smem:$0x3FFC];
	_ =	sdelay $0x3  }
0x94: {  	_ =	strace s2  }
0x95: {  	s2 =	sld [smem:$0x3FFD];
	_ =	sdelay $0x3  }
0x96: {  	_ =	strace s2  }
0x97: {  	_ =	strace $0x8FFFFFFF  }
0x98: {  	s18 =	sld [smem:$0x3FDB];
	_ =	sdelay $0x1  }
0x99: {  	s19 =	simm.s32 $_scs_section_size  }
0x9a: {  	s4 =	simm.s32 $_size__tile_overlayer_lowered;
	s5 =	simm.s32 $_tile_overlayer_lowered  }
0x9b: {  	s22 =	simm.s32 $0x1BFF;
	s21 =	sshll.u32 s5, $0x1;
	s2 =	sadd.s32 s19, s18  }
0x9c: {  	s6 =	simm.s32 $0x0;
	s20 =	sshll.u32 s4, $0x1;
	s4 =	sadd.s32 s21, s2  }
0x9d: {  	[timem:s6], [sflag:s22] =	dma.local [hbm:s4], s20  }
0x9e: {  	_ =	swait.ge [sflag:s22], s20  }
0x9f: {  	s3 =	ssub.s32 $0x0, s20;
	[sflag:s22] =	ssyncset.done $0x0  }
0xa0: {  	[sflag:s22] =	ssyncadd.s32 s3;
	_ =	sdelay $0x1  }
0xa1: {  	s23 =	simm.s32 $0x1B8B  }
0xa2: {  	_ =	swait.ge [sflag:s23], $0x1  }
0xa3: {  	[sflag:s23] =	ssyncset.done $0x0  }
0xa4: {  	s25 =	simm.s32 $0x1B8E;
	s24 =	sld [smem:$0x3FFE];
	[sflag:s23] =	ssyncadd.s32 $0xFFFFFFFF  }
0xa5: {  	s26 =	simm.s32 $execute0_lowered;
	[smem:$0x3FD2] =	sst s25  }
0xa6: {  	s4 =	sshll.u32 s26, $0x1;
	_ =	strace $0x80000046;
	[dreg:$0x1] =	wrdreg $0xFFFFFFFF  }
0xa7: {  	s28 =	simm.s32 $_size_execute0_lowered;
	s2 =	sadd.s32 s2, s4;
	[dreg:$0x0] =	wrdreg $0x0  }
0xa8: {  	s4 =	sshll.u32 s28, $0x1;
	[dreg:$0x2] =	wrdreg s2  }
0xa9: {  	[dreg:$0x3] =	wrdreg s4  }
0xaa: {  	[dreg:$0x4] =	wrdreg $0xC0  }
0xab: {  	_ =	task [dreg:s6], $0x5FFFF  }
0xac: {  	[dreg:$0x1] =	wrdreg $0xFFFFFFFF  }
0xad: {  	[dreg:$0x0] =	wrdreg $0x60  }
0xae: {  	[dreg:$0x2] =	wrdreg s24  }
0xaf: {  	[dreg:$0x3] =	wrdreg $0xC4000  }
0xb0: {  	[dreg:$0x4] =	wrdreg $0x9  }
0xb1: {  	_ =	task.clear_ibuf [dreg:s6], $0x5FFFF;
	_ =	strace $0x90000046  }
0xb2: {  	s29 =	simm.s32 $0x9;
	_ =	strace $0x80000048  }
0xb3: {  	_ =	swait.ge [sflag:s29], $0x1  }
0xb4: {  	[sflag:s29] =	ssyncadd.s32 $0xFFFFFFFF  }
0xb5: {  	_ =	strace $0x90000048  }
0xb6: {  	_ =	sfence  }
0xb7: {  	s30 =	sld [smem:$0x0];
	_ =	sdelay $0x2  }
0xb8: {  	s31 =	sshll.u32 s1, $0xD;
	s1 =	sshrl.u32 s1, $0x2  }
0xb9: {  	s3 =	sand.u32 $0x4000, s31;
	s1 =	sadd.s32 s1, s30  }
0xba: {  	s0 =	sor.u32 s3, s0;
	s1 =	sshll.u32 s1, $0x11  }
0xbb: {  	s0 =	sor.u32 s1, s0  }
0xbc: {  	s0 =	sadd.s32 $0x8F2B, s0  }
0xbd: {  	[sflag:s0] =	ssyncadd.remote.s32 $0x1  }
0xbe: {  	_ =	sfence.sel $0xFFFF  }
0xbf: {  	[dreg:$0x0] =	wrdreg $0xFFFFFFFF;
	(pc) =	sbr.abs _section_cstart, $3  }
0xc0: {  	[dreg:$0x1] =	wrdreg $0xFFFFFFFF  }
0xc1: {  	_ =	task.clear_ibuf [dreg:s6], $0x2FFFF;
	_ =	strace $0x9FFFFFFF  }
0xc2: {  	(tm) =	ssettm $0x7FFFFFFF  }
0xc3: {  	_ =	shalt  }
tec
execute0_lowered:
.L_overlay_start_1:
0x0: {  	(tag) =	ssettag $0x1  }
0x1: {  	s8 =	rddreg [dreg:$0x0]  }
0x2: {  	s1 =	rddreg [dreg:$0x1]  }
0x3: {  	s2 =	srdreg.scid;
	s0 =	rddreg [dreg:$0x2]  }
0x4: {  	s3 =	simm.s32 $0x0;
	s16 =	simm.s32 $0x2800;
	s17 =	simm.s32 $0x80  }
0x5: {  	s18 =	simm.s32 $0x5C00;
	s19 =	simm.s32 $0x3;
	s20 =	simm.s32 $0x9000  }
0x6: {  	s21 =	simm.s32 $0x2700;
	s22 =	simm.s32 $0x1;
	s23 =	simm.s32 $0x2780  }
0x7: {  	s24 =	simm.s32 $0x2;
	s10 =	sand.u32 $0x1, s2;
	s2 =	stileid.u32  }
0x8: {  	[smem:$0x7FF] =	sst s3;
	s4 =	sadd.s32 $0x2D200, s8;
	s7 =	smul.u32 $0x13C000, s10  }
0x9: {  	s5 =	sadd.s32 $0x7A00, s8;
	s6 =	sadd.s32 $0x20A00, s8;
	s9 =	smul.u32 $0x13C00, s2  }
0xa: {  	_ =	strace $0x80000047;
	s11 =	ssub.s32 $0x2, s10;
	s12 =	smul.u32 $0x4F000, s2  }
0xb: {  	s31 =	sshll.u32 s2, $0x6;
	s10 =	smul.u32 $0x64000, s10;
	s29 =	sshrl.u32 s11, $0x1  }
.Ltmp0:
0xc: {  	s7 =	sadd.s32 s9, s7;
	s14 =	ssub.s32 s11, s29;
	(pc) =	sbr.rel .LBB2_1-.Ltmp0, $4  }
0xd: {  	s30 =	sshrl.u32 s12, $0x2;
	s9 =	sshrl.u32 s7, $0x3;
	s7 =	sadd.s32 $0x7B400, s8  }
0xe: {  	s15 =	sadd.s32 s30, s1;
	s12 =	smax.u32 s14, $0x1;
	s14 =	simm.s32 $0x4  }
0xf: {  	s13 =	sadd.s32 s9, s8;
	s8 =	sor.u32 $0x1C04, s31;
	s9 =	smul.u32 $0xC8, s2  }
0x10: {  	s11 =	sadd.s32 $0x7DC00, s13;
	s13 =	sshrl.u32 s15, $0x3;
	s15 =	simm.s32 $0x64  }
.LBB2_8:
0x11: {  	s3 =	sadd.s32 $0x1, s3  }
0x12: {  	p0 =	sne.s32 s3, s12  }
.Ltmp1:
0x13: {  	[bflag:$0x0] =	sbarrier.arrive $0xFFFF;
	(pc) =	sbr.rel @!p0 .LBB2_9-.Ltmp1, $4  }
0x14: {  	[hbm:s11], [sflag:s8] =	dma.local [spmem:s13], $0x2780  }
0x15: {  	_ =	swait.ge [sflag:s14], $0x2780  }
0x16: {  	[sflag:s14] =	ssyncset.done $0x0  }
0x17: {  	[sflag:s14] =	ssyncadd.s32 $0xFFFFD880  }
.LBB2_1:
0x18: {  	[spmem:s13], [sflag:s8] =	dma.local [hbm:s7], $0x2780  }
.Ltmp2:
0x19: {  	_ =	swait.ge [sflag:s14], $0x2780;
	(pc) =	sbr.rel .LBB2_2-.Ltmp2, $4  }
0x1a: {  	[sflag:s14] =	ssyncset.done $0x0  }
0x1b: {  	[sflag:s14] =	ssyncadd.s32 $0xFFFFD880  }
0x1c: {  	[bflag:$0x0] =	sbarrier.arrive $0xFFFF  }
0x1d: {  	s25 =	simm.s32 $0x0  }
.LBB2_7:
0x1e: {  	_ =	swait.ge [sflag:s19], $0x3200  }
0x1f: {  	[sflag:s19] =	ssyncset.done $0x0  }
0x20: {  	[sflag:s19] =	ssyncadd.s32 $0xFFFFCE00  }
0x21: {  	[spmem:s1] =	stream.indirect.scatter.add.f32 [tilespmem:s20], [sflag:$0x4], $0x80, s21, s15, $0xb8;
	v63 =	vld [tilespmem:$0x0]  }
0x22: {  	_ =	swait.ge [sflag:s14], $0x3200  }
0x23: {  	[sflag:s14] =	ssyncset.done $0x0  }
0x24: {  	[sflag:s14] =	ssyncadd.s32 $0xFFFFCE00  }
0x25: {  	s25 =	sadd.s32 $0x1, s25;
	_ =	swait.ge [sflag:s22], $0x3200  }
0x26: {  	p0 =	sne.s32 s25, $0x5;
	[sflag:s22] =	ssyncset.done $0x0  }
.Ltmp3:
0x27: {  	[sflag:s22] =	ssyncadd.s32 $0xFFFFCE00;
	(pc) =	sbr.rel @!p0 .LBB2_8-.Ltmp3, $4  }
0x28: {  	[spmem:s1] =	stream.indirect.scatter.add.f32 [tilespmem:s16], [sflag:$0x4], $0x80, s23, s15, $0xb8;
	v63 =	vld [tilespmem:$0x0]  }
0x29: {  	_ =	swait.ge [sflag:s14], $0x3200  }
0x2a: {  	[sflag:s14] =	ssyncset.done $0x0  }
0x2b: {  	[sflag:s14] =	ssyncadd.s32 $0xFFFFCE00  }
.LBB2_2:
0x2c: {  	s26 =	smul.u32 $0x28, s25;
	_ =	sdelay $0x1  }
0x2d: {  	s28 =	sadd.s32 s9, s26  }
0x2e: {  	s26 =	sshll.u32 s28, $0x7  }
0x2f: {  	s26 =	sadd.s32 s10, s26  }
0x30: {  	s26 =	sshrl.u32 s26, $0x3  }
0x31: {  	s29 =	sadd.s32 s5, s26;
	s26 =	simm.s32 $0x0  }
0x32: {  	[tilespmem:s26], [sflag:$0x4] =	stream.linear.gather [hbm4b:s29+s26], $0x1400, $0x38;
	v63 =	vld [tilespmem:$0x0]  }
0x33: {  	_ =	swait.ge [sflag:s14], $0x1400  }
0x34: {  	s28 =	sshll.u32 s28, $0x4;
	[sflag:s14] =	ssyncset.done $0x0  }
0x35: {  	s29 =	sadd.s32 s6, s28;
	s28 =	simm.s32 $0x1400;
	[sflag:s14] =	ssyncadd.s32 $0xFFFFEC00  }
0x36: {  	[tilespmem:s28], [sflag:$0x4] =	stream.linear.gather [hbm4b:s29+s26], $0x1400, $0x38;
	v63 =	vld [tilespmem:$0x0]  }
0x37: {  	_ =	swait.ge [sflag:s14], $0x1400  }
.Ltmp4:
0x38: {  	[sflag:s14] =	ssyncset.done $0x0;
	(pc) =	sbr.rel .LBB2_3-.Ltmp4, $4  }
0x39: {  	[sflag:s14] =	ssyncadd.s32 $0xFFFFEC00  }
0x3a: {  	[tilespmem:s16], [sflag:$0x1] =	stream.indirect.gather [hbm4b:s4+s15], $0x80, s26, s15, $0xb8;
	v63 =	vld [tilespmem:$0x0]  }
0x3b: {  	s29 =	simm.s32 $0x100  }
0x3c: {  	[tilespmem:s18], [sflag:$0x2] =	stream.indirect.gather [hbm4b:s4+s15], $0x80, s17, s15, $0xb8;
	v63 =	vld [tilespmem:$0x0]  }
.LBB2_5:
0x3d: {  	_ =	swait.ge [sflag:s19], $0x3200  }
0x3e: {  	[sflag:s19] =	ssyncset.done $0x0  }
0x3f: {  	[sflag:s19] =	ssyncadd.s32 $0xFFFFCE00  }
0x40: {  	[spmem:s1] =	stream.indirect.scatter.add.f32 [tilespmem:s20], [sflag:$0x4], $0x80, s28, s15, $0xb8;
	v63 =	vld [tilespmem:$0x0]  }
0x41: {  	_ =	swait.ge [sflag:s14], $0x3200  }
0x42: {  	[sflag:s14] =	ssyncset.done $0x0  }
0x43: {  	[sflag:s14] =	ssyncadd.s32 $0xFFFFCE00  }
0x44: {  	[tilespmem:s18], [sflag:$0x2] =	stream.indirect.gather [hbm4b:s4+s15], $0x80, s29, s15, $0xb8;
	v63 =	vld [tilespmem:$0x0]  }
.LBB2_6:
0x45: {  	s26 =	sadd.s32 $0x1, s26  }
0x46: {  	p0 =	sne.s32 s26, $0x26  }
.Ltmp5:
0x47: {  	_ = 	snop;
	(pc) =	sbr.rel @!p0 .LBB2_7-.Ltmp5, $2  }
0x48: {  	_ =	sdelay $0x2  }
0x49: {  	s29 =	sadd.s32 $0x80, s29;
	s28 =	sadd.s32 $0x80, s28  }
.LBB2_3:
0x4a: {  	s30 =	smul.u32 $0xAB, s26;
	_ =	sdelay $0x1  }
0x4b: {  	s30 =	sshrl.u32 s30, $0x9  }
0x4c: {  	s30 =	sand.u32 $0x7F, s30  }
0x4d: {  	s30 =	smul.u32 $0x3, s30;
	_ =	sdelay $0x1  }
0x4e: {  	s30 =	ssub.s32 s26, s30  }
0x4f: {  	s30 =	sand.u32 $0xFF, s30  }
0x50: {  	p0 =	seq.s32 s30, $0x2  }
.Ltmp6:
0x51: {  	_ = 	snop;
	(pc) =	sbr.rel @p0 .LBB2_5-.Ltmp6, $1  }
0x52: {  	_ =	sdelay $0x3  }
0x53: {  	p0 =	seq.s32 s30, $0x1  }
0x54: {  	_ =	swait.ge @p0 [sflag:s24], $0x3200  }
0x55: {  	[sflag:s24] =	ssyncset.done @p0 $0x0  }
0x56: {  	[sflag:s24] =	ssyncadd.s32 @p0 $0xFFFFCE00  }
0x57: {  	[spmem:s1] =	stream.indirect.scatter.add.f32 @p0 [tilespmem:s18], [sflag:$0x4], $0x80, s28, s15, $0xb8;
	v63 =	vld [tilespmem:$0x0]  }
0x58: {  	_ =	swait.ge @p0 [sflag:s14], $0x3200  }
0x59: {  	[sflag:s14] =	ssyncset.done @p0 $0x0  }
0x5a: {  	[sflag:s14] =	ssyncadd.s32 @p0 $0xFFFFCE00  }
0x5b: {  	[tilespmem:s16], [sflag:$0x1] =	stream.indirect.gather @p0 [hbm4b:s4+s15], $0x80, s29, s15, $0xb8;
	v63 =	vld [tilespmem:$0x0]  }
0x5c: {  	_ =	swait.ge @!p0 [sflag:s22], $0x3200  }
0x5d: {  	[sflag:s22] =	ssyncset.done @!p0 $0x0  }
0x5e: {  	[sflag:s22] =	ssyncadd.s32 @!p0 $0xFFFFCE00  }
0x5f: {  	[spmem:s1] =	stream.indirect.scatter.add.f32 @!p0 [tilespmem:s16], [sflag:$0x4], $0x80, s28, s15, $0xb8;
	v63 =	vld [tilespmem:$0x0]  }
.Ltmp7:
0x60: {  	_ = 	snop;
	(pc) =	sbr.rel .LBB2_6-.Ltmp7, $4  }
0x61: {  	_ =	swait.ge @!p0 [sflag:s14], $0x3200  }
0x62: {  	[sflag:s14] =	ssyncset.done @!p0 $0x0  }
0x63: {  	[sflag:s14] =	ssyncadd.s32 @!p0 $0xFFFFCE00  }
0x64: {  	[tilespmem:s20], [sflag:$0x3] =	stream.indirect.gather @!p0 [hbm4b:s4+s15], $0x80, s29, s15, $0xb8;
	v63 =	vld [tilespmem:$0x0]  }
.LBB2_9:
0x65: {  	_ =	sfence.sel $0x180000  }
0x66: {  	[bflag:$0x0] =	sbarrier.arrive $0xFFFF  }
0x67: {  	p0 =	sne.s32 s2, $0x0;
	_ =	strace $0x90000047  }
0x68: {  	s0 =	sadd.s32 @!p0 $0x100000, s0;
	[bflag:$0x2] =	sbarrier.arrive $0xFFFF  }
0x69: {  	[sflag:s0] =	ssyncadd.tile.s32 @!p0 $0x1;
	_ =	shalt  }
.Lfunc_end2:
_tile_overlayer_lowered:
.L_overlay_start_2:
0x6a: {  	(tag) =	ssettag $0x2  }
0x6b: {  	s0 =	rddreg [dreg:$0x0];
	s2 =	stileid.u32  }
0x6c: {  	s1 =	rddreg [dreg:$0x1];
	p0 =	sne.s32 s2, $0x0  }
0x6d: {  	s3 =	rddreg [dreg:$0x2];
	[bflag:$0x3] =	sbarrier.arrive $0xFFFF;
	s2 =	simm.s32 @!p0 $0x1C04  }
0x6e: {  	[timem:s3], [sflag:s2] =	dma.local @!p0 [hbm:s0], s1  }
0x6f: {  	s0 =	simm.s32 @!p0 $0x4  }
0x70: {  	_ =	swait.ge @!p0 [sflag:s0], s1  }
0x71: {  	s1 =	ssub.s32 @!p0 $0x0, s1;
	[sflag:s0] =	ssyncset.done @!p0 $0x0  }
0x72: {  	[sflag:s0] =	ssyncadd.s32 @!p0 s1  }
0x73: {  	[bflag:$0x3] =	sbarrier.arrive $0xFFFF  }
0x74: {  	_ =	shalt  }

// kernel: kernel.25.cloned.1.call-start
scs
__scs_entry_jumppad:
0x0: {  	(pc) =	sbr.rel $0x88, $3  }
0x1: {  	(tag) =	ssettag $0x0;
	lr =	simm.s32 $0x1  }
0x2: {  	[smem:$0x3F8A] =	sst lr;
	_ =	strace $0xD0000000  }
0x3: {  	_ = 	snop  }
0x4: {  	_ = 	snop  }
0x5: {  	_ = 	snop  }
0x6: {  	_ = 	snop  }
0x7: {  	_ = 	snop  }
__scs_overlays_trampoline_lowered:
0x8: {  	[smem:$0x3F99] =	sst s0  }
0x9: {  	[smem:$0x3F9A] =	sst s1  }
0xa: {  	[smem:$0x3F9B] =	sst s2  }
0xb: {  	[smem:$0x3F9C] =	sst s3  }
0xc: {  	[smem:$0x3F9D] =	sst s4  }
0xd: {  	[smem:$0x3F9E] =	sst s5  }
0xe: {  	[smem:$0x3F9F] =	sst s6  }
0xf: {  	[smem:$0x3FA0] =	sst s7  }
0x10: {  	[smem:$0x3FA1] =	sst s8  }
0x11: {  	[smem:$0x3FA2] =	sst s9;
	s0 =	simm.s32 @!p0 $0x0  }
0x12: {  	s1 =	sld [smem:$0x3F88];
	s0 =	simm.s32 @p0 $0x1  }
0x13: {  	[smem:$0x3FA3] =	sst s0;
	s0 =	simm.s32 @!p1 $0x0  }
0x14: {  	s2 =	sld [smem:$0x3F87];
	s0 =	simm.s32 @p1 $0x1  }
0x15: {  	[smem:$0x3FA4] =	sst s0;
	s0 =	simm.s32 @!p2 $0x0  }
0x16: {  	s3 =	sld [smem:$0x3FDB];
	s0 =	simm.s32 @p2 $0x1  }
0x17: {  	s4 =	simm.s32 $0x1BF5;
	[smem:$0x3FA6] =	sst s0  }
0x18: {  	s0 =	sld [smem:$0x3F89];
	_ =	swait.ge [sflag:s4], $0x0  }
0x19: {  	s7 =	sld [smem:$0x3F8A]  }
0x1a: {  	s8 =	sadd.s32 $0xFFFFE003, lr  }
0x1b: {  	s9 =	sadd.s32 $0xFFFFFEF7, lr;
	s5 =	simm.s32 $0xFFFFFFFF;
	p2 =	slt.u32 s8, $0xFFFFF086  }
0x1c: {  	p1 =	slt.u32 s9, $0xF7A;
	s5 =	simm.s32 @!p2 $0x0  }
0x1d: {  	s5 =	simm.s32 @p1 $0x1;
	p0 =	seq.s32 s7, s2  }
0x1e: {  	s7 =	smul.u32 @!p0 $0xF7A, s2;
	p2 =	seq.s32 @!p0 s5, $0x0  }
0x1f: {  	s9 =	smul.u32 $0xF7A, s1;
	s8 =	simm.s32 @!p0 $0x1BF5;
	p2 =	por !p2, p0  }
0x20: {  	[sflag:s8] =	ssyncset.s32 @!p0 $0xFFFFF086;
	s6 =	sadd.s32 @!p0 s3, s7;
	s7 =	simm.s32 @!p0 $0x108  }
0x21: {  	s3 =	sadd.s32 s3, s9;
	s6 =	sadd.s32 @!p0 $0x88, s6;
	s7 =	simm.s32 @p2 $0x1082  }
0x22: {  	[simem:s7], [sflag:s8] =	dma.local @!p0 [hbm:s6], $0xF7A  }
0x23: {  	s9 =	sor.u32 $0xD0000000, s2;
	s6 =	simm.s32 $0x108;
	_ =	swait.ge @!p0 [sflag:s8], $0x0  }
0x24: {  	s3 =	sadd.s32 $0x88, s3;
	s6 =	simm.s32 @!p1 $0x1082;
	[sflag:s4] =	ssyncset.s32 $0xFFFFF086  }
0x25: {  	[simem:s6], [sflag:s4] =	dma.local [hbm:s3], $0xF7A  }
0x26: {  	[smem:$0x3F8A] =	sst s1;
	(tag) =	ssettag s2;
	_ =	strace s9  }
0x27: {  	s1 =	sld [smem:$0x3F9A]  }
0x28: {  	s2 =	sld [smem:$0x3F9B]  }
0x29: {  	s4 =	sld [smem:$0x3F9D]  }
0x2a: {  	p0 =	seq.s32 s5, $0x0;
	s5 =	sld [smem:$0x3F9E]  }
0x2b: {  	s6 =	sld [smem:$0x3F9F]  }
0x2c: {  	s7 =	sld [smem:$0x3FA0]  }
0x2d: {  	s3 =	simm.s32 $0x108;
	s8 =	sld [smem:$0x3FA1]  }
0x2e: {  	s3 =	simm.s32 @!p0 $0x1082;
	s9 =	sld [smem:$0x3FA2]  }
0x2f: {  	lr =	sadd.s32 s0, s3;
	s0 =	sld [smem:$0x3F99]  }
0x30: {  	s3 =	sld [smem:$0x3F9C]  }
0x31: {  	[smem:$0x3FA5] =	sst s10  }
0x32: {  	s10 =	sld [smem:$0x3FA3];
	_ =	sdelay $0x3  }
0x33: {  	p0 =	seq.s32 s10, $0x1;
	s10 =	sld [smem:$0x3FA5];
	_ =	sdelay $0x3  }
0x34: {  	[smem:$0x3FA5] =	sst s10  }
0x35: {  	s10 =	sld [smem:$0x3FA4];
	_ =	sdelay $0x3  }
0x36: {  	p1 =	seq.s32 s10, $0x1;
	s10 =	sld [smem:$0x3FA5];
	_ =	sdelay $0x3  }
0x37: {  	[smem:$0x3FA5] =	sst s10  }
0x38: {  	s10 =	sld [smem:$0x3FA6]  }
0x39: {  	_ = 	snop;
	(pc) =	sbr.ind lr, $3  }
0x3a: {  	_ = 	snop  }
0x3b: {  	_ = 	snop  }
0x3c: {  	p2 =	seq.s32 s10, $0x1;
	s10 =	sld [smem:$0x3FA5]  }
0x3d: {  	_ =	shalt  }
0x3e: {  	_ =	shalt  }
0x3f: {  	_ =	shalt  }
0x40: {  	_ =	shalt  }
0x41: {  	_ =	shalt  }
0x42: {  	_ =	shalt  }
0x43: {  	_ =	shalt  }
0x44: {  	_ =	shalt  }
0x45: {  	_ =	shalt  }
0x46: {  	_ =	shalt  }
0x47: {  	_ =	shalt  }
0x48: {  	_ =	shalt  }
0x49: {  	_ =	shalt  }
0x4a: {  	_ =	shalt  }
0x4b: {  	_ =	shalt  }
0x4c: {  	_ =	shalt  }
0x4d: {  	_ =	shalt  }
0x4e: {  	_ =	shalt  }
0x4f: {  	_ =	shalt  }
0x50: {  	_ =	shalt  }
0x51: {  	_ =	shalt  }
0x52: {  	_ =	shalt  }
0x53: {  	_ =	shalt  }
0x54: {  	_ =	shalt  }
0x55: {  	_ =	shalt  }
0x56: {  	_ =	shalt  }
0x57: {  	_ =	shalt  }
0x58: {  	_ =	shalt  }
0x59: {  	_ =	shalt  }
0x5a: {  	_ =	shalt  }
0x5b: {  	_ =	shalt  }
0x5c: {  	_ =	shalt  }
0x5d: {  	_ =	shalt  }
0x5e: {  	_ =	shalt  }
0x5f: {  	_ =	shalt  }
0x60: {  	_ =	shalt  }
0x61: {  	_ =	shalt  }
0x62: {  	_ =	shalt  }
0x63: {  	_ =	shalt  }
0x64: {  	_ =	shalt  }
0x65: {  	_ =	shalt  }
0x66: {  	_ =	shalt  }
0x67: {  	_ =	shalt  }
0x68: {  	_ =	shalt  }
0x69: {  	_ =	shalt  }
0x6a: {  	_ =	shalt  }
0x6b: {  	_ =	shalt  }
0x6c: {  	_ =	shalt  }
0x6d: {  	_ =	shalt  }
0x6e: {  	_ =	shalt  }
0x6f: {  	_ =	shalt  }
0x70: {  	_ =	shalt  }
0x71: {  	_ =	shalt  }
0x72: {  	_ =	shalt  }
0x73: {  	_ =	shalt  }
0x74: {  	_ =	shalt  }
0x75: {  	_ =	shalt  }
0x76: {  	_ =	shalt  }
0x77: {  	_ =	shalt  }
0x78: {  	_ =	shalt  }
0x79: {  	_ =	shalt  }
0x7a: {  	_ =	shalt  }
0x7b: {  	_ =	shalt  }
0x7c: {  	_ =	shalt  }
0x7d: {  	_ =	shalt  }
0x7e: {  	_ =	shalt  }
0x7f: {  	_ =	shalt  }
0x80: {  	_ =	shalt  }
0x81: {  	_ =	shalt  }
0x82: {  	_ =	shalt  }
0x83: {  	_ =	shalt  }
0x84: {  	_ =	shalt  }
0x85: {  	_ =	shalt  }
0x86: {  	_ =	shalt  }
0x87: {  	_ =	shalt  }
.Lfunc_end0:
.L_simem_size_0:
called_computation.1_lowered:
.L_overlay_start_0:
0x88: {  	s2 =	sld [smem:$0x3FD9]  }
0x89: {  	s3 =	sld [smem:$0x3FFE];
	_ =	sdelay $0x1  }
0x8a: {  	s1 =	srdreg.scid  }
0x8b: {  	s0 =	sand.u32 $0x1, s1  }
0x8c: {  	s16 =	sshll.u32 s0, $0xA;
	s2 =	sadd.s32 s3, s2  }
0x8d: {  	s2 =	sadd.s32 s2, s16  }
0x8e: {  	[smem:$0x3FB1] =	sst s2  }
0x8f: {  	_ = 	snop  }
0x90: {  	(tm) =	ssettm $0x1  }
0x91: {  	s17 =	sld [smem:$0x3FFB];
	_ =	sdelay $0x3  }
0x92: {  	_ =	strace s17  }
0x93: {  	s2 =	sld [smem:$0x3FFC];
	_ =	sdelay $0x3  }
0x94: {  	_ =	strace s2  }
0x95: {  	s2 =	sld [smem:$0x3FFD];
	_ =	sdelay $0x3  }
0x96: {  	_ =	strace s2  }
0x97: {  	_ =	strace $0x8FFFFFFF  }
0x98: {  	s18 =	sld [smem:$0x3FDB];
	_ =	sdelay $0x1  }
0x99: {  	s19 =	simm.s32 $_scs_section_size  }
0x9a: {  	s4 =	simm.s32 $_size__tile_overlayer_lowered;
	s5 =	simm.s32 $_tile_overlayer_lowered  }
0x9b: {  	s22 =	simm.s32 $0x1BFF;
	s21 =	sshll.u32 s5, $0x1;
	s2 =	sadd.s32 s19, s18  }
0x9c: {  	s6 =	simm.s32 $0x0;
	s20 =	sshll.u32 s4, $0x1;
	s4 =	sadd.s32 s21, s2  }
0x9d: {  	[timem:s6], [sflag:s22] =	dma.local [hbm:s4], s20  }
0x9e: {  	_ =	swait.ge [sflag:s22], s20  }
0x9f: {  	s3 =	ssub.s32 $0x0, s20;
	[sflag:s22] =	ssyncset.done $0x0  }
0xa0: {  	[sflag:s22] =	ssyncadd.s32 s3;
	_ =	sdelay $0x1  }
0xa1: {  	s23 =	simm.s32 $0x1B8B  }
0xa2: {  	_ =	swait.ge [sflag:s23], $0x1  }
0xa3: {  	[sflag:s23] =	ssyncset.done $0x0  }
0xa4: {  	s25 =	simm.s32 $0x1B8E;
	s24 =	sld [smem:$0x3FFE];
	[sflag:s23] =	ssyncadd.s32 $0xFFFFFFFF  }
0xa5: {  	s26 =	simm.s32 $execute0_lowered;
	[smem:$0x3FD2] =	sst s25  }
0xa6: {  	s4 =	sshll.u32 s26, $0x1;
	_ =	strace $0x80000049;
	[dreg:$0x1] =	wrdreg $0xFFFFFFFF  }
0xa7: {  	s28 =	simm.s32 $_size_execute0_lowered;
	s2 =	sadd.s32 s2, s4;
	[dreg:$0x0] =	wrdreg $0x0  }
0xa8: {  	s4 =	sshll.u32 s28, $0x1;
	[dreg:$0x2] =	wrdreg s2  }
0xa9: {  	[dreg:$0x3] =	wrdreg s4  }
0xaa: {  	[dreg:$0x4] =	wrdreg $0xC0  }
0xab: {  	_ =	task [dreg:s6], $0x5FFFF  }
0xac: {  	[dreg:$0x1] =	wrdreg $0xFFFFFFFF  }
0xad: {  	[dreg:$0x0] =	wrdreg $0x60  }
0xae: {  	[dreg:$0x2] =	wrdreg s24  }
0xaf: {  	[dreg:$0x3] =	wrdreg $0xC4000  }
0xb0: {  	[dreg:$0x4] =	wrdreg $0x9  }
0xb1: {  	_ =	task.clear_ibuf [dreg:s6], $0x5FFFF;
	_ =	strace $0x90000049  }
0xb2: {  	s29 =	simm.s32 $0x9;
	_ =	strace $0x8000004B  }
0xb3: {  	_ =	swait.ge [sflag:s29], $0x1  }
0xb4: {  	[sflag:s29] =	ssyncadd.s32 $0xFFFFFFFF  }
0xb5: {  	_ =	strace $0x9000004B  }
0xb6: {  	_ =	sfence  }
0xb7: {  	s30 =	sld [smem:$0x0];
	_ =	sdelay $0x2  }
0xb8: {  	s31 =	sshll.u32 s1, $0xD;
	s1 =	sshrl.u32 s1, $0x2  }
0xb9: {  	s3 =	sand.u32 $0x4000, s31;
	s1 =	sadd.s32 s1, s30  }
0xba: {  	s0 =	sor.u32 s3, s0;
	s1 =	sshll.u32 s1, $0x11  }
0xbb: {  	s0 =	sor.u32 s1, s0  }
0xbc: {  	s0 =	sadd.s32 $0x8F2B, s0  }
0xbd: {  	[sflag:s0] =	ssyncadd.remote.s32 $0x1  }
0xbe: {  	_ =	sfence.sel $0xFFFF  }
0xbf: {  	[dreg:$0x0] =	wrdreg $0xFFFFFFFF;
	(pc) =	sbr.abs _section_cstart, $3  }
0xc0: {  	[dreg:$0x1] =	wrdreg $0xFFFFFFFF  }
0xc1: {  	_ =	task.clear_ibuf [dreg:s6], $0x2FFFF;
	_ =	strace $0x9FFFFFFF  }
0xc2: {  	(tm) =	ssettm $0x7FFFFFFF  }
0xc3: {  	_ =	shalt  }
tec
execute0_lowered:
.L_overlay_start_1:
0x0: {  	(tag) =	ssettag $0x1  }
0x1: {  	s8 =	rddreg [dreg:$0x0]  }
0x2: {  	s1 =	rddreg [dreg:$0x1]  }
0x3: {  	s2 =	srdreg.scid;
	s0 =	rddreg [dreg:$0x2]  }
0x4: {  	s3 =	simm.s32 $0x0;
	s16 =	simm.s32 $0x2800;
	s17 =	simm.s32 $0x80  }
0x5: {  	s18 =	simm.s32 $0x5C00;
	s19 =	simm.s32 $0x3;
	s20 =	simm.s32 $0x9000  }
0x6: {  	s21 =	simm.s32 $0x2700;
	s22 =	simm.s32 $0x1;
	s23 =	simm.s32 $0x2780  }
0x7: {  	s24 =	simm.s32 $0x2;
	s10 =	sand.u32 $0x1, s2;
	s2 =	stileid.u32  }
0x8: {  	[smem:$0x7FF] =	sst s3;
	s4 =	sadd.s32 $0x7DC00, s8;
	s7 =	smul.u32 $0x13C000, s10  }
0x9: {  	s5 =	sadd.s32 $0x7A00, s8;
	s6 =	sadd.s32 $0x20A00, s8;
	s9 =	smul.u32 $0x13C00, s2  }
0xa: {  	_ =	strace $0x8000004A;
	s11 =	ssub.s32 $0x2, s10;
	s12 =	smul.u32 $0x4F000, s2  }
0xb: {  	s31 =	sshll.u32 s2, $0x6;
	s10 =	smul.u32 $0x64000, s10;
	s29 =	sshrl.u32 s11, $0x1  }
.Ltmp0:
0xc: {  	s7 =	sadd.s32 s9, s7;
	s14 =	ssub.s32 s11, s29;
	(pc) =	sbr.rel .LBB2_1-.Ltmp0, $4  }
0xd: {  	s30 =	sshrl.u32 s12, $0x2;
	s9 =	sshrl.u32 s7, $0x3;
	s7 =	sadd.s32 $0x7B400, s8  }
0xe: {  	s15 =	sadd.s32 s30, s1;
	s12 =	smax.u32 s14, $0x1;
	s14 =	simm.s32 $0x4  }
0xf: {  	s13 =	sadd.s32 s9, s8;
	s8 =	sor.u32 $0x1C04, s31;
	s9 =	smul.u32 $0xC8, s2  }
0x10: {  	s11 =	sadd.s32 $0xCBE00, s13;
	s13 =	sshrl.u32 s15, $0x3;
	s15 =	simm.s32 $0x64  }
.LBB2_8:
0x11: {  	s3 =	sadd.s32 $0x1, s3  }
0x12: {  	p0 =	sne.s32 s3, s12  }
.Ltmp1:
0x13: {  	[bflag:$0x0] =	sbarrier.arrive $0xFFFF;
	(pc) =	sbr.rel @!p0 .LBB2_9-.Ltmp1, $4  }
0x14: {  	[hbm:s11], [sflag:s8] =	dma.local [spmem:s13], $0x2780  }
0x15: {  	_ =	swait.ge [sflag:s14], $0x2780  }
0x16: {  	[sflag:s14] =	ssyncset.done $0x0  }
0x17: {  	[sflag:s14] =	ssyncadd.s32 $0xFFFFD880  }
.LBB2_1:
0x18: {  	[spmem:s13], [sflag:s8] =	dma.local [hbm:s7], $0x2780  }
.Ltmp2:
0x19: {  	_ =	swait.ge [sflag:s14], $0x2780;
	(pc) =	sbr.rel .LBB2_2-.Ltmp2, $4  }
0x1a: {  	[sflag:s14] =	ssyncset.done $0x0  }
0x1b: {  	[sflag:s14] =	ssyncadd.s32 $0xFFFFD880  }
0x1c: {  	[bflag:$0x0] =	sbarrier.arrive $0xFFFF  }
0x1d: {  	s25 =	simm.s32 $0x0  }
.LBB2_7:
0x1e: {  	_ =	swait.ge [sflag:s19], $0x3200  }
0x1f: {  	[sflag:s19] =	ssyncset.done $0x0  }
0x20: {  	[sflag:s19] =	ssyncadd.s32 $0xFFFFCE00  }
0x21: {  	[spmem:s1] =	stream.indirect.scatter.add.f32 [tilespmem:s20], [sflag:$0x4], $0x80, s21, s15, $0xb8;
	v63 =	vld [tilespmem:$0x0]  }
0x22: {  	_ =	swait.ge [sflag:s14], $0x3200  }
0x23: {  	[sflag:s14] =	ssyncset.done $0x0  }
0x24: {  	[sflag:s14] =	ssyncadd.s32 $0xFFFFCE00  }
0x25: {  	s25 =	sadd.s32 $0x1, s25;
	_ =	swait.ge [sflag:s22], $0x3200  }
0x26: {  	p0 =	sne.s32 s25, $0x5;
	[sflag:s22] =	ssyncset.done $0x0  }
.Ltmp3:
0x27: {  	[sflag:s22] =	ssyncadd.s32 $0xFFFFCE00;
	(pc) =	sbr.rel @!p0 .LBB2_8-.Ltmp3, $4  }
0x28: {  	[spmem:s1] =	stream.indirect.scatter.add.f32 [tilespmem:s16], [sflag:$0x4], $0x80, s23, s15, $0xb8;
	v63 =	vld [tilespmem:$0x0]  }
0x29: {  	_ =	swait.ge [sflag:s14], $0x3200  }
0x2a: {  	[sflag:s14] =	ssyncset.done $0x0  }
0x2b: {  	[sflag:s14] =	ssyncadd.s32 $0xFFFFCE00  }
.LBB2_2:
0x2c: {  	s26 =	smul.u32 $0x28, s25;
	_ =	sdelay $0x1  }
0x2d: {  	s28 =	sadd.s32 s9, s26  }
0x2e: {  	s26 =	sshll.u32 s28, $0x7  }
0x2f: {  	s26 =	sadd.s32 s10, s26  }
0x30: {  	s26 =	sshrl.u32 s26, $0x3  }
0x31: {  	s29 =	sadd.s32 s5, s26;
	s26 =	simm.s32 $0x0  }
0x32: {  	[tilespmem:s26], [sflag:$0x4] =	stream.linear.gather [hbm4b:s29+s26], $0x1400, $0x38;
	v63 =	vld [tilespmem:$0x0]  }
0x33: {  	_ =	swait.ge [sflag:s14], $0x1400  }
0x34: {  	s28 =	sshll.u32 s28, $0x4;
	[sflag:s14] =	ssyncset.done $0x0  }
0x35: {  	s29 =	sadd.s32 s6, s28;
	s28 =	simm.s32 $0x1400;
	[sflag:s14] =	ssyncadd.s32 $0xFFFFEC00  }
0x36: {  	[tilespmem:s28], [sflag:$0x4] =	stream.linear.gather [hbm4b:s29+s26], $0x1400, $0x38;
	v63 =	vld [tilespmem:$0x0]  }
0x37: {  	_ =	swait.ge [sflag:s14], $0x1400  }
.Ltmp4:
0x38: {  	[sflag:s14] =	ssyncset.done $0x0;
	(pc) =	sbr.rel .LBB2_3-.Ltmp4, $4  }
0x39: {  	[sflag:s14] =	ssyncadd.s32 $0xFFFFEC00  }
0x3a: {  	[tilespmem:s16], [sflag:$0x1] =	stream.indirect.gather [hbm4b:s4+s15], $0x80, s26, s15, $0xb8;
	v63 =	vld [tilespmem:$0x0]  }
0x3b: {  	s29 =	simm.s32 $0x100  }
0x3c: {  	[tilespmem:s18], [sflag:$0x2] =	stream.indirect.gather [hbm4b:s4+s15], $0x80, s17, s15, $0xb8;
	v63 =	vld [tilespmem:$0x0]  }
.LBB2_5:
0x3d: {  	_ =	swait.ge [sflag:s19], $0x3200  }
0x3e: {  	[sflag:s19] =	ssyncset.done $0x0  }
0x3f: {  	[sflag:s19] =	ssyncadd.s32 $0xFFFFCE00  }
0x40: {  	[spmem:s1] =	stream.indirect.scatter.add.f32 [tilespmem:s20], [sflag:$0x4], $0x80, s28, s15, $0xb8;
	v63 =	vld [tilespmem:$0x0]  }
0x41: {  	_ =	swait.ge [sflag:s14], $0x3200  }
0x42: {  	[sflag:s14] =	ssyncset.done $0x0  }
0x43: {  	[sflag:s14] =	ssyncadd.s32 $0xFFFFCE00  }
0x44: {  	[tilespmem:s18], [sflag:$0x2] =	stream.indirect.gather [hbm4b:s4+s15], $0x80, s29, s15, $0xb8;
	v63 =	vld [tilespmem:$0x0]  }
.LBB2_6:
0x45: {  	s26 =	sadd.s32 $0x1, s26  }
0x46: {  	p0 =	sne.s32 s26, $0x26  }
.Ltmp5:
0x47: {  	_ = 	snop;
	(pc) =	sbr.rel @!p0 .LBB2_7-.Ltmp5, $2  }
0x48: {  	_ =	sdelay $0x2  }
0x49: {  	s29 =	sadd.s32 $0x80, s29;
	s28 =	sadd.s32 $0x80, s28  }
.LBB2_3:
0x4a: {  	s30 =	smul.u32 $0xAB, s26;
	_ =	sdelay $0x1  }
0x4b: {  	s30 =	sshrl.u32 s30, $0x9  }
0x4c: {  	s30 =	sand.u32 $0x7F, s30  }
0x4d: {  	s30 =	smul.u32 $0x3, s30;
	_ =	sdelay $0x1  }
0x4e: {  	s30 =	ssub.s32 s26, s30  }
0x4f: {  	s30 =	sand.u32 $0xFF, s30  }
0x50: {  	p0 =	seq.s32 s30, $0x2  }
.Ltmp6:
0x51: {  	_ = 	snop;
	(pc) =	sbr.rel @p0 .LBB2_5-.Ltmp6, $1  }
0x52: {  	_ =	sdelay $0x3  }
0x53: {  	p0 =	seq.s32 s30, $0x1  }
0x54: {  	_ =	swait.ge @p0 [sflag:s24], $0x3200  }
0x55: {  	[sflag:s24] =	ssyncset.done @p0 $0x0  }
0x56: {  	[sflag:s24] =	ssyncadd.s32 @p0 $0xFFFFCE00  }
0x57: {  	[spmem:s1] =	stream.indirect.scatter.add.f32 @p0 [tilespmem:s18], [sflag:$0x4], $0x80, s28, s15, $0xb8;
	v63 =	vld [tilespmem:$0x0]  }
0x58: {  	_ =	swait.ge @p0 [sflag:s14], $0x3200  }
0x59: {  	[sflag:s14] =	ssyncset.done @p0 $0x0  }
0x5a: {  	[sflag:s14] =	ssyncadd.s32 @p0 $0xFFFFCE00  }
0x5b: {  	[tilespmem:s16], [sflag:$0x1] =	stream.indirect.gather @p0 [hbm4b:s4+s15], $0x80, s29, s15, $0xb8;
	v63 =	vld [tilespmem:$0x0]  }
0x5c: {  	_ =	swait.ge @!p0 [sflag:s22], $0x3200  }
0x5d: {  	[sflag:s22] =	ssyncset.done @!p0 $0x0  }
0x5e: {  	[sflag:s22] =	ssyncadd.s32 @!p0 $0xFFFFCE00  }
0x5f: {  	[spmem:s1] =	stream.indirect.scatter.add.f32 @!p0 [tilespmem:s16], [sflag:$0x4], $0x80, s28, s15, $0xb8;
	v63 =	vld [tilespmem:$0x0]  }
.Ltmp7:
0x60: {  	_ = 	snop;
	(pc) =	sbr.rel .LBB2_6-.Ltmp7, $4  }
0x61: {  	_ =	swait.ge @!p0 [sflag:s14], $0x3200  }
0x62: {  	[sflag:s14] =	ssyncset.done @!p0 $0x0  }
0x63: {  	[sflag:s14] =	ssyncadd.s32 @!p0 $0xFFFFCE00  }
0x64: {  	[tilespmem:s20], [sflag:$0x3] =	stream.indirect.gather @!p0 [hbm4b:s4+s15], $0x80, s29, s15, $0xb8;
	v63 =	vld [tilespmem:$0x0]  }
.LBB2_9:
0x65: {  	_ =	sfence.sel $0x180000  }
0x66: {  	[bflag:$0x0] =	sbarrier.arrive $0xFFFF  }
0x67: {  	p0 =	sne.s32 s2, $0x0;
	_ =	strace $0x9000004A  }
0x68: {  	s0 =	sadd.s32 @!p0 $0x100000, s0;
	[bflag:$0x2] =	sbarrier.arrive $0xFFFF  }
0x69: {  	[sflag:s0] =	ssyncadd.tile.s32 @!p0 $0x1;
	_ =	shalt  }
.Lfunc_end2:
_tile_overlayer_lowered:
.L_overlay_start_2:
0x6a: {  	(tag) =	ssettag $0x2  }
0x6b: {  	s0 =	rddreg [dreg:$0x0];
	s2 =	stileid.u32  }
0x6c: {  	s1 =	rddreg [dreg:$0x1];
	p0 =	sne.s32 s2, $0x0  }
0x6d: {  	s3 =	rddreg [dreg:$0x2];
	[bflag:$0x3] =	sbarrier.arrive $0xFFFF;
	s2 =	simm.s32 @!p0 $0x1C04  }
0x6e: {  	[timem:s3], [sflag:s2] =	dma.local @!p0 [hbm:s0], s1  }
0x6f: {  	s0 =	simm.s32 @!p0 $0x4  }
0x70: {  	_ =	swait.ge @!p0 [sflag:s0], s1  }
0x71: {  	s1 =	ssub.s32 @!p0 $0x0, s1;
	[sflag:s0] =	ssyncset.done @!p0 $0x0  }
0x72: {  	[sflag:s0] =	ssyncadd.s32 @!p0 s1  }
0x73: {  	[bflag:$0x3] =	sbarrier.arrive $0xFFFF  }
0x74: {  	_ =	shalt  }

// kernel: kernel.28.cloned.1.call-start
scs
__scs_entry_jumppad:
0x0: {  	(pc) =	sbr.rel $0x88, $3  }
0x1: {  	(tag) =	ssettag $0x0;
	lr =	simm.s32 $0x1  }
0x2: {  	[smem:$0x3F8A] =	sst lr;
	_ =	strace $0xD0000000  }
0x3: {  	_ = 	snop  }
0x4: {  	_ = 	snop  }
0x5: {  	_ = 	snop  }
0x6: {  	_ = 	snop  }
0x7: {  	_ = 	snop  }
__scs_overlays_trampoline_lowered:
0x8: {  	[smem:$0x3F99] =	sst s0  }
0x9: {  	[smem:$0x3F9A] =	sst s1  }
0xa: {  	[smem:$0x3F9B] =	sst s2  }
0xb: {  	[smem:$0x3F9C] =	sst s3  }
0xc: {  	[smem:$0x3F9D] =	sst s4  }
0xd: {  	[smem:$0x3F9E] =	sst s5  }
0xe: {  	[smem:$0x3F9F] =	sst s6  }
0xf: {  	[smem:$0x3FA0] =	sst s7  }
0x10: {  	[smem:$0x3FA1] =	sst s8  }
0x11: {  	[smem:$0x3FA2] =	sst s9;
	s0 =	simm.s32 @!p0 $0x0  }
0x12: {  	s1 =	sld [smem:$0x3F88];
	s0 =	simm.s32 @p0 $0x1  }
0x13: {  	[smem:$0x3FA3] =	sst s0;
	s0 =	simm.s32 @!p1 $0x0  }
0x14: {  	s2 =	sld [smem:$0x3F87];
	s0 =	simm.s32 @p1 $0x1  }
0x15: {  	[smem:$0x3FA4] =	sst s0;
	s0 =	simm.s32 @!p2 $0x0  }
0x16: {  	s3 =	sld [smem:$0x3FDB];
	s0 =	simm.s32 @p2 $0x1  }
0x17: {  	s4 =	simm.s32 $0x1BF5;
	[smem:$0x3FA6] =	sst s0  }
0x18: {  	s0 =	sld [smem:$0x3F89];
	_ =	swait.ge [sflag:s4], $0x0  }
0x19: {  	s7 =	sld [smem:$0x3F8A]  }
0x1a: {  	s8 =	sadd.s32 $0xFFFFE003, lr  }
0x1b: {  	s9 =	sadd.s32 $0xFFFFFEF7, lr;
	s5 =	simm.s32 $0xFFFFFFFF;
	p2 =	slt.u32 s8, $0xFFFFF086  }
0x1c: {  	p1 =	slt.u32 s9, $0xF7A;
	s5 =	simm.s32 @!p2 $0x0  }
0x1d: {  	s5 =	simm.s32 @p1 $0x1;
	p0 =	seq.s32 s7, s2  }
0x1e: {  	s7 =	smul.u32 @!p0 $0xF7A, s2;
	p2 =	seq.s32 @!p0 s5, $0x0  }
0x1f: {  	s9 =	smul.u32 $0xF7A, s1;
	s8 =	simm.s32 @!p0 $0x1BF5;
	p2 =	por !p2, p0  }
0x20: {  	[sflag:s8] =	ssyncset.s32 @!p0 $0xFFFFF086;
	s6 =	sadd.s32 @!p0 s3, s7;
	s7 =	simm.s32 @!p0 $0x108  }
0x21: {  	s3 =	sadd.s32 s3, s9;
	s6 =	sadd.s32 @!p0 $0x88, s6;
	s7 =	simm.s32 @p2 $0x1082  }
0x22: {  	[simem:s7], [sflag:s8] =	dma.local @!p0 [hbm:s6], $0xF7A  }
0x23: {  	s9 =	sor.u32 $0xD0000000, s2;
	s6 =	simm.s32 $0x108;
	_ =	swait.ge @!p0 [sflag:s8], $0x0  }
0x24: {  	s3 =	sadd.s32 $0x88, s3;
	s6 =	simm.s32 @!p1 $0x1082;
	[sflag:s4] =	ssyncset.s32 $0xFFFFF086  }
0x25: {  	[simem:s6], [sflag:s4] =	dma.local [hbm:s3], $0xF7A  }
0x26: {  	[smem:$0x3F8A] =	sst s1;
	(tag) =	ssettag s2;
	_ =	strace s9  }
0x27: {  	s1 =	sld [smem:$0x3F9A]  }
0x28: {  	s2 =	sld [smem:$0x3F9B]  }
0x29: {  	s4 =	sld [smem:$0x3F9D]  }
0x2a: {  	p0 =	seq.s32 s5, $0x0;
	s5 =	sld [smem:$0x3F9E]  }
0x2b: {  	s6 =	sld [smem:$0x3F9F]  }
0x2c: {  	s7 =	sld [smem:$0x3FA0]  }
0x2d: {  	s3 =	simm.s32 $0x108;
	s8 =	sld [smem:$0x3FA1]  }
0x2e: {  	s3 =	simm.s32 @!p0 $0x1082;
	s9 =	sld [smem:$0x3FA2]  }
0x2f: {  	lr =	sadd.s32 s0, s3;
	s0 =	sld [smem:$0x3F99]  }
0x30: {  	s3 =	sld [smem:$0x3F9C]  }
0x31: {  	[smem:$0x3FA5] =	sst s10  }
0x32: {  	s10 =	sld [smem:$0x3FA3];
	_ =	sdelay $0x3  }
0x33: {  	p0 =	seq.s32 s10, $0x1;
	s10 =	sld [smem:$0x3FA5];
	_ =	sdelay $0x3  }
0x34: {  	[smem:$0x3FA5] =	sst s10  }
0x35: {  	s10 =	sld [smem:$0x3FA4];
	_ =	sdelay $0x3  }
0x36: {  	p1 =	seq.s32 s10, $0x1;
	s10 =	sld [smem:$0x3FA5];
	_ =	sdelay $0x3  }
0x37: {  	[smem:$0x3FA5] =	sst s10  }
0x38: {  	s10 =	sld [smem:$0x3FA6]  }
0x39: {  	_ = 	snop;
	(pc) =	sbr.ind lr, $3  }
0x3a: {  	_ = 	snop  }
0x3b: {  	_ = 	snop  }
0x3c: {  	p2 =	seq.s32 s10, $0x1;
	s10 =	sld [smem:$0x3FA5]  }
0x3d: {  	_ =	shalt  }
0x3e: {  	_ =	shalt  }
0x3f: {  	_ =	shalt  }
0x40: {  	_ =	shalt  }
0x41: {  	_ =	shalt  }
0x42: {  	_ =	shalt  }
0x43: {  	_ =	shalt  }
0x44: {  	_ =	shalt  }
0x45: {  	_ =	shalt  }
0x46: {  	_ =	shalt  }
0x47: {  	_ =	shalt  }
0x48: {  	_ =	shalt  }
0x49: {  	_ =	shalt  }
0x4a: {  	_ =	shalt  }
0x4b: {  	_ =	shalt  }
0x4c: {  	_ =	shalt  }
0x4d: {  	_ =	shalt  }
0x4e: {  	_ =	shalt  }
0x4f: {  	_ =	shalt  }
0x50: {  	_ =	shalt  }
0x51: {  	_ =	shalt  }
0x52: {  	_ =	shalt  }
0x53: {  	_ =	shalt  }
0x54: {  	_ =	shalt  }
0x55: {  	_ =	shalt  }
0x56: {  	_ =	shalt  }
0x57: {  	_ =	shalt  }
0x58: {  	_ =	shalt  }
0x59: {  	_ =	shalt  }
0x5a: {  	_ =	shalt  }
0x5b: {  	_ =	shalt  }
0x5c: {  	_ =	shalt  }
0x5d: {  	_ =	shalt  }
0x5e: {  	_ =	shalt  }
0x5f: {  	_ =	shalt  }
0x60: {  	_ =	shalt  }
0x61: {  	_ =	shalt  }
0x62: {  	_ =	shalt  }
0x63: {  	_ =	shalt  }
0x64: {  	_ =	shalt  }
0x65: {  	_ =	shalt  }
0x66: {  	_ =	shalt  }
0x67: {  	_ =	shalt  }
0x68: {  	_ =	shalt  }
0x69: {  	_ =	shalt  }
0x6a: {  	_ =	shalt  }
0x6b: {  	_ =	shalt  }
0x6c: {  	_ =	shalt  }
0x6d: {  	_ =	shalt  }
0x6e: {  	_ =	shalt  }
0x6f: {  	_ =	shalt  }
0x70: {  	_ =	shalt  }
0x71: {  	_ =	shalt  }
0x72: {  	_ =	shalt  }
0x73: {  	_ =	shalt  }
0x74: {  	_ =	shalt  }
0x75: {  	_ =	shalt  }
0x76: {  	_ =	shalt  }
0x77: {  	_ =	shalt  }
0x78: {  	_ =	shalt  }
0x79: {  	_ =	shalt  }
0x7a: {  	_ =	shalt  }
0x7b: {  	_ =	shalt  }
0x7c: {  	_ =	shalt  }
0x7d: {  	_ =	shalt  }
0x7e: {  	_ =	shalt  }
0x7f: {  	_ =	shalt  }
0x80: {  	_ =	shalt  }
0x81: {  	_ =	shalt  }
0x82: {  	_ =	shalt  }
0x83: {  	_ =	shalt  }
0x84: {  	_ =	shalt  }
0x85: {  	_ =	shalt  }
0x86: {  	_ =	shalt  }
0x87: {  	_ =	shalt  }
.Lfunc_end0:
.L_simem_size_0:
called_computation.2_lowered:
.L_overlay_start_0:
0x88: {  	s2 =	sld [smem:$0x3FD9]  }
0x89: {  	s3 =	sld [smem:$0x3FFE];
	_ =	sdelay $0x1  }
0x8a: {  	s1 =	srdreg.scid  }
0x8b: {  	s0 =	sand.u32 $0x1, s1  }
0x8c: {  	s16 =	sshll.u32 s0, $0xA;
	s2 =	sadd.s32 s3, s2  }
0x8d: {  	s2 =	sadd.s32 s2, s16  }
0x8e: {  	[smem:$0x3FB1] =	sst s2  }
0x8f: {  	_ = 	snop  }
0x90: {  	(tm) =	ssettm $0x1  }
0x91: {  	s17 =	sld [smem:$0x3FFB];
	_ =	sdelay $0x3  }
0x92: {  	_ =	strace s17  }
0x93: {  	s2 =	sld [smem:$0x3FFC];
	_ =	sdelay $0x3  }
0x94: {  	_ =	strace s2  }
0x95: {  	s2 =	sld [smem:$0x3FFD];
	_ =	sdelay $0x3  }
0x96: {  	_ =	strace s2  }
0x97: {  	_ =	strace $0x8FFFFFFF  }
0x98: {  	s18 =	sld [smem:$0x3FDB];
	_ =	sdelay $0x1  }
0x99: {  	s19 =	simm.s32 $_scs_section_size  }
0x9a: {  	s4 =	simm.s32 $_size__tile_overlayer_lowered;
	s5 =	simm.s32 $_tile_overlayer_lowered  }
0x9b: {  	s22 =	simm.s32 $0x1BFF;
	s21 =	sshll.u32 s5, $0x1;
	s2 =	sadd.s32 s19, s18  }
0x9c: {  	s6 =	simm.s32 $0x0;
	s20 =	sshll.u32 s4, $0x1;
	s4 =	sadd.s32 s21, s2  }
0x9d: {  	[timem:s6], [sflag:s22] =	dma.local [hbm:s4], s20  }
0x9e: {  	_ =	swait.ge [sflag:s22], s20  }
0x9f: {  	s3 =	ssub.s32 $0x0, s20;
	[sflag:s22] =	ssyncset.done $0x0  }
0xa0: {  	[sflag:s22] =	ssyncadd.s32 s3;
	_ =	sdelay $0x1  }
0xa1: {  	s23 =	simm.s32 $0x1B8B  }
0xa2: {  	_ =	swait.ge [sflag:s23], $0x1  }
0xa3: {  	[sflag:s23] =	ssyncset.done $0x0  }
0xa4: {  	s25 =	simm.s32 $0x1B8E;
	s24 =	sld [smem:$0x3FFE];
	[sflag:s23] =	ssyncadd.s32 $0xFFFFFFFF  }
0xa5: {  	s26 =	simm.s32 $execute0_lowered;
	[smem:$0x3FD2] =	sst s25  }
0xa6: {  	s4 =	sshll.u32 s26, $0x1;
	_ =	strace $0x8000004C;
	[dreg:$0x1] =	wrdreg $0xFFFFFFFF  }
0xa7: {  	s28 =	simm.s32 $_size_execute0_lowered;
	s2 =	sadd.s32 s2, s4;
	[dreg:$0x0] =	wrdreg $0x0  }
0xa8: {  	s4 =	sshll.u32 s28, $0x1;
	[dreg:$0x2] =	wrdreg s2  }
0xa9: {  	[dreg:$0x3] =	wrdreg s4  }
0xaa: {  	[dreg:$0x4] =	wrdreg $0xC0  }
0xab: {  	_ =	task [dreg:s6], $0x5FFFF  }
0xac: {  	[dreg:$0x1] =	wrdreg $0xFFFFFFFF  }
0xad: {  	[dreg:$0x0] =	wrdreg $0x60  }
0xae: {  	[dreg:$0x2] =	wrdreg s24  }
0xaf: {  	[dreg:$0x3] =	wrdreg $0xC4000  }
0xb0: {  	[dreg:$0x4] =	wrdreg $0x9  }
0xb1: {  	_ =	task.clear_ibuf [dreg:s6], $0x5FFFF;
	_ =	strace $0x9000004C  }
0xb2: {  	s29 =	simm.s32 $0x9;
	_ =	strace $0x8000004E  }
0xb3: {  	_ =	swait.ge [sflag:s29], $0x1  }
0xb4: {  	[sflag:s29] =	ssyncadd.s32 $0xFFFFFFFF  }
0xb5: {  	_ =	strace $0x9000004E  }
0xb6: {  	_ =	sfence  }
0xb7: {  	s30 =	sld [smem:$0x0];
	_ =	sdelay $0x2  }
0xb8: {  	s31 =	sshll.u32 s1, $0xD;
	s1 =	sshrl.u32 s1, $0x2  }
0xb9: {  	s3 =	sand.u32 $0x4000, s31;
	s1 =	sadd.s32 s1, s30  }
0xba: {  	s0 =	sor.u32 s3, s0;
	s1 =	sshll.u32 s1, $0x11  }
0xbb: {  	s0 =	sor.u32 s1, s0  }
0xbc: {  	s0 =	sadd.s32 $0x8F2B, s0  }
0xbd: {  	[sflag:s0] =	ssyncadd.remote.s32 $0x1  }
0xbe: {  	_ =	sfence.sel $0xFFFF  }
0xbf: {  	[dreg:$0x0] =	wrdreg $0xFFFFFFFF;
	(pc) =	sbr.abs _section_cstart, $3  }
0xc0: {  	[dreg:$0x1] =	wrdreg $0xFFFFFFFF  }
0xc1: {  	_ =	task.clear_ibuf [dreg:s6], $0x2FFFF;
	_ =	strace $0x9FFFFFFF  }
0xc2: {  	(tm) =	ssettm $0x7FFFFFFF  }
0xc3: {  	_ =	shalt  }
tec
execute0_lowered:
.L_overlay_start_1:
0x0: {  	(tag) =	ssettag $0x1  }
0x1: {  	s8 =	rddreg [dreg:$0x0]  }
0x2: {  	s1 =	rddreg [dreg:$0x1]  }
0x3: {  	s2 =	srdreg.scid;
	s0 =	rddreg [dreg:$0x2]  }
0x4: {  	s3 =	simm.s32 $0x0;
	s16 =	simm.s32 $0x2800;
	s17 =	simm.s32 $0x80  }
0x5: {  	s18 =	simm.s32 $0x5C00;
	s19 =	simm.s32 $0x3;
	s20 =	simm.s32 $0x9000  }
0x6: {  	s21 =	simm.s32 $0x2700;
	s22 =	simm.s32 $0x1;
	s23 =	simm.s32 $0x2780  }
0x7: {  	s24 =	simm.s32 $0x2;
	s10 =	sand.u32 $0x1, s2;
	s2 =	stileid.u32  }
0x8: {  	[smem:$0x7FF] =	sst s3;
	s4 =	sadd.s32 $0x7DC00, s8;
	s7 =	smul.u32 $0x13C000, s10  }
0x9: {  	s5 =	sadd.s32 $0x7A00, s8;
	s6 =	sadd.s32 $0x20A00, s8;
	s9 =	smul.u32 $0x13C00, s2  }
0xa: {  	_ =	strace $0x8000004D;
	s11 =	ssub.s32 $0x2, s10;
	s12 =	smul.u32 $0x4F000, s2  }
0xb: {  	s31 =	sshll.u32 s2, $0x6;
	s10 =	smul.u32 $0x64000, s10;
	s29 =	sshrl.u32 s11, $0x1  }
.Ltmp0:
0xc: {  	s7 =	sadd.s32 s9, s7;
	s14 =	ssub.s32 s11, s29;
	(pc) =	sbr.rel .LBB2_1-.Ltmp0, $4  }
0xd: {  	s30 =	sshrl.u32 s12, $0x2;
	s9 =	sshrl.u32 s7, $0x3;
	s7 =	sadd.s32 $0x7B400, s8  }
0xe: {  	s15 =	sadd.s32 s30, s1;
	s12 =	smax.u32 s14, $0x1;
	s14 =	simm.s32 $0x4  }
0xf: {  	s13 =	sadd.s32 s9, s8;
	s8 =	sor.u32 $0x1C04, s31;
	s9 =	smul.u32 $0xC8, s2  }
0x10: {  	s11 =	sadd.s32 $0xCBE00, s13;
	s13 =	sshrl.u32 s15, $0x3;
	s15 =	simm.s32 $0x64  }
.LBB2_8:
0x11: {  	s3 =	sadd.s32 $0x1, s3  }
0x12: {  	p0 =	sne.s32 s3, s12  }
.Ltmp1:
0x13: {  	[bflag:$0x0] =	sbarrier.arrive $0xFFFF;
	(pc) =	sbr.rel @!p0 .LBB2_9-.Ltmp1, $4  }
0x14: {  	[hbm:s11], [sflag:s8] =	dma.local [spmem:s13], $0x2780  }
0x15: {  	_ =	swait.ge [sflag:s14], $0x2780  }
0x16: {  	[sflag:s14] =	ssyncset.done $0x0  }
0x17: {  	[sflag:s14] =	ssyncadd.s32 $0xFFFFD880  }
.LBB2_1:
0x18: {  	[spmem:s13], [sflag:s8] =	dma.local [hbm:s7], $0x2780  }
.Ltmp2:
0x19: {  	_ =	swait.ge [sflag:s14], $0x2780;
	(pc) =	sbr.rel .LBB2_2-.Ltmp2, $4  }
0x1a: {  	[sflag:s14] =	ssyncset.done $0x0  }
0x1b: {  	[sflag:s14] =	ssyncadd.s32 $0xFFFFD880  }
0x1c: {  	[bflag:$0x0] =	sbarrier.arrive $0xFFFF  }
0x1d: {  	s25 =	simm.s32 $0x0  }
.LBB2_7:
0x1e: {  	_ =	swait.ge [sflag:s19], $0x3200  }
0x1f: {  	[sflag:s19] =	ssyncset.done $0x0  }
0x20: {  	[sflag:s19] =	ssyncadd.s32 $0xFFFFCE00  }
0x21: {  	[spmem:s1] =	stream.indirect.scatter.add.f32 [tilespmem:s20], [sflag:$0x4], $0x80, s21, s15, $0xb8;
	v63 =	vld [tilespmem:$0x0]  }
0x22: {  	_ =	swait.ge [sflag:s14], $0x3200  }
0x23: {  	[sflag:s14] =	ssyncset.done $0x0  }
0x24: {  	[sflag:s14] =	ssyncadd.s32 $0xFFFFCE00  }
0x25: {  	s25 =	sadd.s32 $0x1, s25;
	_ =	swait.ge [sflag:s22], $0x3200  }
0x26: {  	p0 =	sne.s32 s25, $0x5;
	[sflag:s22] =	ssyncset.done $0x0  }
.Ltmp3:
0x27: {  	[sflag:s22] =	ssyncadd.s32 $0xFFFFCE00;
	(pc) =	sbr.rel @!p0 .LBB2_8-.Ltmp3, $4  }
0x28: {  	[spmem:s1] =	stream.indirect.scatter.add.f32 [tilespmem:s16], [sflag:$0x4], $0x80, s23, s15, $0xb8;
	v63 =	vld [tilespmem:$0x0]  }
0x29: {  	_ =	swait.ge [sflag:s14], $0x3200  }
0x2a: {  	[sflag:s14] =	ssyncset.done $0x0  }
0x2b: {  	[sflag:s14] =	ssyncadd.s32 $0xFFFFCE00  }
.LBB2_2:
0x2c: {  	s26 =	smul.u32 $0x28, s25;
	_ =	sdelay $0x1  }
0x2d: {  	s28 =	sadd.s32 s9, s26  }
0x2e: {  	s26 =	sshll.u32 s28, $0x7  }
0x2f: {  	s26 =	sadd.s32 s10, s26  }
0x30: {  	s26 =	sshrl.u32 s26, $0x3  }
0x31: {  	s29 =	sadd.s32 s5, s26;
	s26 =	simm.s32 $0x0  }
0x32: {  	[tilespmem:s26], [sflag:$0x4] =	stream.linear.gather [hbm4b:s29+s26], $0x1400, $0x38;
	v63 =	vld [tilespmem:$0x0]  }
0x33: {  	_ =	swait.ge [sflag:s14], $0x1400  }
0x34: {  	s28 =	sshll.u32 s28, $0x4;
	[sflag:s14] =	ssyncset.done $0x0  }
0x35: {  	s29 =	sadd.s32 s6, s28;
	s28 =	simm.s32 $0x1400;
	[sflag:s14] =	ssyncadd.s32 $0xFFFFEC00  }
0x36: {  	[tilespmem:s28], [sflag:$0x4] =	stream.linear.gather [hbm4b:s29+s26], $0x1400, $0x38;
	v63 =	vld [tilespmem:$0x0]  }
0x37: {  	_ =	swait.ge [sflag:s14], $0x1400  }
.Ltmp4:
0x38: {  	[sflag:s14] =	ssyncset.done $0x0;
	(pc) =	sbr.rel .LBB2_3-.Ltmp4, $4  }
0x39: {  	[sflag:s14] =	ssyncadd.s32 $0xFFFFEC00  }
0x3a: {  	[tilespmem:s16], [sflag:$0x1] =	stream.indirect.gather [hbm4b:s4+s15], $0x80, s26, s15, $0xb8;
	v63 =	vld [tilespmem:$0x0]  }
0x3b: {  	s29 =	simm.s32 $0x100  }
0x3c: {  	[tilespmem:s18], [sflag:$0x2] =	stream.indirect.gather [hbm4b:s4+s15], $0x80, s17, s15, $0xb8;
	v63 =	vld [tilespmem:$0x0]  }
.LBB2_5:
0x3d: {  	_ =	swait.ge [sflag:s19], $0x3200  }
0x3e: {  	[sflag:s19] =	ssyncset.done $0x0  }
0x3f: {  	[sflag:s19] =	ssyncadd.s32 $0xFFFFCE00  }
0x40: {  	[spmem:s1] =	stream.indirect.scatter.add.f32 [tilespmem:s20], [sflag:$0x4], $0x80, s28, s15, $0xb8;
	v63 =	vld [tilespmem:$0x0]  }
0x41: {  	_ =	swait.ge [sflag:s14], $0x3200  }
0x42: {  	[sflag:s14] =	ssyncset.done $0x0  }
0x43: {  	[sflag:s14] =	ssyncadd.s32 $0xFFFFCE00  }
0x44: {  	[tilespmem:s18], [sflag:$0x2] =	stream.indirect.gather [hbm4b:s4+s15], $0x80, s29, s15, $0xb8;
	v63 =	vld [tilespmem:$0x0]  }
.LBB2_6:
0x45: {  	s26 =	sadd.s32 $0x1, s26  }
0x46: {  	p0 =	sne.s32 s26, $0x26  }
.Ltmp5:
0x47: {  	_ = 	snop;
	(pc) =	sbr.rel @!p0 .LBB2_7-.Ltmp5, $2  }
0x48: {  	_ =	sdelay $0x2  }
0x49: {  	s29 =	sadd.s32 $0x80, s29;
	s28 =	sadd.s32 $0x80, s28  }
.LBB2_3:
0x4a: {  	s30 =	smul.u32 $0xAB, s26;
	_ =	sdelay $0x1  }
0x4b: {  	s30 =	sshrl.u32 s30, $0x9  }
0x4c: {  	s30 =	sand.u32 $0x7F, s30  }
0x4d: {  	s30 =	smul.u32 $0x3, s30;
	_ =	sdelay $0x1  }
0x4e: {  	s30 =	ssub.s32 s26, s30  }
0x4f: {  	s30 =	sand.u32 $0xFF, s30  }
0x50: {  	p0 =	seq.s32 s30, $0x2  }
.Ltmp6:
0x51: {  	_ = 	snop;
	(pc) =	sbr.rel @p0 .LBB2_5-.Ltmp6, $1  }
0x52: {  	_ =	sdelay $0x3  }
0x53: {  	p0 =	seq.s32 s30, $0x1  }
0x54: {  	_ =	swait.ge @p0 [sflag:s24], $0x3200  }
0x55: {  	[sflag:s24] =	ssyncset.done @p0 $0x0  }
0x56: {  	[sflag:s24] =	ssyncadd.s32 @p0 $0xFFFFCE00  }
0x57: {  	[spmem:s1] =	stream.indirect.scatter.add.f32 @p0 [tilespmem:s18], [sflag:$0x4], $0x80, s28, s15, $0xb8;
	v63 =	vld [tilespmem:$0x0]  }
0x58: {  	_ =	swait.ge @p0 [sflag:s14], $0x3200  }
0x59: {  	[sflag:s14] =	ssyncset.done @p0 $0x0  }
0x5a: {  	[sflag:s14] =	ssyncadd.s32 @p0 $0xFFFFCE00  }
0x5b: {  	[tilespmem:s16], [sflag:$0x1] =	stream.indirect.gather @p0 [hbm4b:s4+s15], $0x80, s29, s15, $0xb8;
	v63 =	vld [tilespmem:$0x0]  }
0x5c: {  	_ =	swait.ge @!p0 [sflag:s22], $0x3200  }
0x5d: {  	[sflag:s22] =	ssyncset.done @!p0 $0x0  }
0x5e: {  	[sflag:s22] =	ssyncadd.s32 @!p0 $0xFFFFCE00  }
0x5f: {  	[spmem:s1] =	stream.indirect.scatter.add.f32 @!p0 [tilespmem:s16], [sflag:$0x4], $0x80, s28, s15, $0xb8;
	v63 =	vld [tilespmem:$0x0]  }
.Ltmp7:
0x60: {  	_ = 	snop;
	(pc) =	sbr.rel .LBB2_6-.Ltmp7, $4  }
0x61: {  	_ =	swait.ge @!p0 [sflag:s14], $0x3200  }
0x62: {  	[sflag:s14] =	ssyncset.done @!p0 $0x0  }
0x63: {  	[sflag:s14] =	ssyncadd.s32 @!p0 $0xFFFFCE00  }
0x64: {  	[tilespmem:s20], [sflag:$0x3] =	stream.indirect.gather @!p0 [hbm4b:s4+s15], $0x80, s29, s15, $0xb8;
	v63 =	vld [tilespmem:$0x0]  }
.LBB2_9:
0x65: {  	_ =	sfence.sel $0x180000  }
0x66: {  	[bflag:$0x0] =	sbarrier.arrive $0xFFFF  }
0x67: {  	p0 =	sne.s32 s2, $0x0;
	_ =	strace $0x9000004D  }
0x68: {  	s0 =	sadd.s32 @!p0 $0x100000, s0;
	[bflag:$0x2] =	sbarrier.arrive $0xFFFF  }
0x69: {  	[sflag:s0] =	ssyncadd.tile.s32 @!p0 $0x1;
	_ =	shalt  }
.Lfunc_end2:
_tile_overlayer_lowered:
.L_overlay_start_2:
0x6a: {  	(tag) =	ssettag $0x2  }
0x6b: {  	s0 =	rddreg [dreg:$0x0];
	s2 =	stileid.u32  }
0x6c: {  	s1 =	rddreg [dreg:$0x1];
	p0 =	sne.s32 s2, $0x0  }
0x6d: {  	s3 =	rddreg [dreg:$0x2];
	[bflag:$0x3] =	sbarrier.arrive $0xFFFF;
	s2 =	simm.s32 @!p0 $0x1C04  }
0x6e: {  	[timem:s3], [sflag:s2] =	dma.local @!p0 [hbm:s0], s1  }
0x6f: {  	s0 =	simm.s32 @!p0 $0x4  }
0x70: {  	_ =	swait.ge @!p0 [sflag:s0], s1  }
0x71: {  	s1 =	ssub.s32 @!p0 $0x0, s1;
	[sflag:s0] =	ssyncset.done @!p0 $0x0  }
0x72: {  	[sflag:s0] =	ssyncadd.s32 @!p0 s1  }
0x73: {  	[bflag:$0x3] =	sbarrier.arrive $0xFFFF  }
0x74: {  	_ =	shalt  }

// kernel: kernel.31.cloned.1.call-start
scs
__scs_entry_jumppad:
0x0: {  	(pc) =	sbr.rel $0x88, $3  }
0x1: {  	(tag) =	ssettag $0x0;
	lr =	simm.s32 $0x1  }
0x2: {  	[smem:$0x3F8A] =	sst lr;
	_ =	strace $0xD0000000  }
0x3: {  	_ = 	snop  }
0x4: {  	_ = 	snop  }
0x5: {  	_ = 	snop  }
0x6: {  	_ = 	snop  }
0x7: {  	_ = 	snop  }
__scs_overlays_trampoline_lowered:
0x8: {  	[smem:$0x3F99] =	sst s0  }
0x9: {  	[smem:$0x3F9A] =	sst s1  }
0xa: {  	[smem:$0x3F9B] =	sst s2  }
0xb: {  	[smem:$0x3F9C] =	sst s3  }
0xc: {  	[smem:$0x3F9D] =	sst s4  }
0xd: {  	[smem:$0x3F9E] =	sst s5  }
0xe: {  	[smem:$0x3F9F] =	sst s6  }
0xf: {  	[smem:$0x3FA0] =	sst s7  }
0x10: {  	[smem:$0x3FA1] =	sst s8  }
0x11: {  	[smem:$0x3FA2] =	sst s9;
	s0 =	simm.s32 @!p0 $0x0  }
0x12: {  	s1 =	sld [smem:$0x3F88];
	s0 =	simm.s32 @p0 $0x1  }
0x13: {  	[smem:$0x3FA3] =	sst s0;
	s0 =	simm.s32 @!p1 $0x0  }
0x14: {  	s2 =	sld [smem:$0x3F87];
	s0 =	simm.s32 @p1 $0x1  }
0x15: {  	[smem:$0x3FA4] =	sst s0;
	s0 =	simm.s32 @!p2 $0x0  }
0x16: {  	s3 =	sld [smem:$0x3FDB];
	s0 =	simm.s32 @p2 $0x1  }
0x17: {  	s4 =	simm.s32 $0x1BF5;
	[smem:$0x3FA6] =	sst s0  }
0x18: {  	s0 =	sld [smem:$0x3F89];
	_ =	swait.ge [sflag:s4], $0x0  }
0x19: {  	s7 =	sld [smem:$0x3F8A]  }
0x1a: {  	s8 =	sadd.s32 $0xFFFFE003, lr  }
0x1b: {  	s9 =	sadd.s32 $0xFFFFFEF7, lr;
	s5 =	simm.s32 $0xFFFFFFFF;
	p2 =	slt.u32 s8, $0xFFFFF086  }
0x1c: {  	p1 =	slt.u32 s9, $0xF7A;
	s5 =	simm.s32 @!p2 $0x0  }
0x1d: {  	s5 =	simm.s32 @p1 $0x1;
	p0 =	seq.s32 s7, s2  }
0x1e: {  	s7 =	smul.u32 @!p0 $0xF7A, s2;
	p2 =	seq.s32 @!p0 s5, $0x0  }
0x1f: {  	s9 =	smul.u32 $0xF7A, s1;
	s8 =	simm.s32 @!p0 $0x1BF5;
	p2 =	por !p2, p0  }
0x20: {  	[sflag:s8] =	ssyncset.s32 @!p0 $0xFFFFF086;
	s6 =	sadd.s32 @!p0 s3, s7;
	s7 =	simm.s32 @!p0 $0x108  }
0x21: {  	s3 =	sadd.s32 s3, s9;
	s6 =	sadd.s32 @!p0 $0x88, s6;
	s7 =	simm.s32 @p2 $0x1082  }
0x22: {  	[simem:s7], [sflag:s8] =	dma.local @!p0 [hbm:s6], $0xF7A  }
0x23: {  	s9 =	sor.u32 $0xD0000000, s2;
	s6 =	simm.s32 $0x108;
	_ =	swait.ge @!p0 [sflag:s8], $0x0  }
0x24: {  	s3 =	sadd.s32 $0x88, s3;
	s6 =	simm.s32 @!p1 $0x1082;
	[sflag:s4] =	ssyncset.s32 $0xFFFFF086  }
0x25: {  	[simem:s6], [sflag:s4] =	dma.local [hbm:s3], $0xF7A  }
0x26: {  	[smem:$0x3F8A] =	sst s1;
	(tag) =	ssettag s2;
	_ =	strace s9  }
0x27: {  	s1 =	sld [smem:$0x3F9A]  }
0x28: {  	s2 =	sld [smem:$0x3F9B]  }
0x29: {  	s4 =	sld [smem:$0x3F9D]  }
0x2a: {  	p0 =	seq.s32 s5, $0x0;
	s5 =	sld [smem:$0x3F9E]  }
0x2b: {  	s6 =	sld [smem:$0x3F9F]  }
0x2c: {  	s7 =	sld [smem:$0x3FA0]  }
0x2d: {  	s3 =	simm.s32 $0x108;
	s8 =	sld [smem:$0x3FA1]  }
0x2e: {  	s3 =	simm.s32 @!p0 $0x1082;
	s9 =	sld [smem:$0x3FA2]  }
0x2f: {  	lr =	sadd.s32 s0, s3;
	s0 =	sld [smem:$0x3F99]  }
0x30: {  	s3 =	sld [smem:$0x3F9C]  }
0x31: {  	[smem:$0x3FA5] =	sst s10  }
0x32: {  	s10 =	sld [smem:$0x3FA3];
	_ =	sdelay $0x3  }
0x33: {  	p0 =	seq.s32 s10, $0x1;
	s10 =	sld [smem:$0x3FA5];
	_ =	sdelay $0x3  }
0x34: {  	[smem:$0x3FA5] =	sst s10  }
0x35: {  	s10 =	sld [smem:$0x3FA4];
	_ =	sdelay $0x3  }
0x36: {  	p1 =	seq.s32 s10, $0x1;
	s10 =	sld [smem:$0x3FA5];
	_ =	sdelay $0x3  }
0x37: {  	[smem:$0x3FA5] =	sst s10  }
0x38: {  	s10 =	sld [smem:$0x3FA6]  }
0x39: {  	_ = 	snop;
	(pc) =	sbr.ind lr, $3  }
0x3a: {  	_ = 	snop  }
0x3b: {  	_ = 	snop  }
0x3c: {  	p2 =	seq.s32 s10, $0x1;
	s10 =	sld [smem:$0x3FA5]  }
0x3d: {  	_ =	shalt  }
0x3e: {  	_ =	shalt  }
0x3f: {  	_ =	shalt  }
0x40: {  	_ =	shalt  }
0x41: {  	_ =	shalt  }
0x42: {  	_ =	shalt  }
0x43: {  	_ =	shalt  }
0x44: {  	_ =	shalt  }
0x45: {  	_ =	shalt  }
0x46: {  	_ =	shalt  }
0x47: {  	_ =	shalt  }
0x48: {  	_ =	shalt  }
0x49: {  	_ =	shalt  }
0x4a: {  	_ =	shalt  }
0x4b: {  	_ =	shalt  }
0x4c: {  	_ =	shalt  }
0x4d: {  	_ =	shalt  }
0x4e: {  	_ =	shalt  }
0x4f: {  	_ =	shalt  }
0x50: {  	_ =	shalt  }
0x51: {  	_ =	shalt  }
0x52: {  	_ =	shalt  }
0x53: {  	_ =	shalt  }
0x54: {  	_ =	shalt  }
0x55: {  	_ =	shalt  }
0x56: {  	_ =	shalt  }
0x57: {  	_ =	shalt  }
0x58: {  	_ =	shalt  }
0x59: {  	_ =	shalt  }
0x5a: {  	_ =	shalt  }
0x5b: {  	_ =	shalt  }
0x5c: {  	_ =	shalt  }
0x5d: {  	_ =	shalt  }
0x5e: {  	_ =	shalt  }
0x5f: {  	_ =	shalt  }
0x60: {  	_ =	shalt  }
0x61: {  	_ =	shalt  }
0x62: {  	_ =	shalt  }
0x63: {  	_ =	shalt  }
0x64: {  	_ =	shalt  }
0x65: {  	_ =	shalt  }
0x66: {  	_ =	shalt  }
0x67: {  	_ =	shalt  }
0x68: {  	_ =	shalt  }
0x69: {  	_ =	shalt  }
0x6a: {  	_ =	shalt  }
0x6b: {  	_ =	shalt  }
0x6c: {  	_ =	shalt  }
0x6d: {  	_ =	shalt  }
0x6e: {  	_ =	shalt  }
0x6f: {  	_ =	shalt  }
0x70: {  	_ =	shalt  }
0x71: {  	_ =	shalt  }
0x72: {  	_ =	shalt  }
0x73: {  	_ =	shalt  }
0x74: {  	_ =	shalt  }
0x75: {  	_ =	shalt  }
0x76: {  	_ =	shalt  }
0x77: {  	_ =	shalt  }
0x78: {  	_ =	shalt  }
0x79: {  	_ =	shalt  }
0x7a: {  	_ =	shalt  }
0x7b: {  	_ =	shalt  }
0x7c: {  	_ =	shalt  }
0x7d: {  	_ =	shalt  }
0x7e: {  	_ =	shalt  }
0x7f: {  	_ =	shalt  }
0x80: {  	_ =	shalt  }
0x81: {  	_ =	shalt  }
0x82: {  	_ =	shalt  }
0x83: {  	_ =	shalt  }
0x84: {  	_ =	shalt  }
0x85: {  	_ =	shalt  }
0x86: {  	_ =	shalt  }
0x87: {  	_ =	shalt  }
.Lfunc_end0:
.L_simem_size_0:
called_computation.3_lowered:
.L_overlay_start_0:
0x88: {  	s2 =	sld [smem:$0x3FD9]  }
0x89: {  	s3 =	sld [smem:$0x3FFE];
	_ =	sdelay $0x1  }
0x8a: {  	s1 =	srdreg.scid  }
0x8b: {  	s0 =	sand.u32 $0x1, s1  }
0x8c: {  	s16 =	sshll.u32 s0, $0xA;
	s2 =	sadd.s32 s3, s2  }
0x8d: {  	s2 =	sadd.s32 s2, s16  }
0x8e: {  	[smem:$0x3FB1] =	sst s2  }
0x8f: {  	_ = 	snop  }
0x90: {  	(tm) =	ssettm $0x1  }
0x91: {  	s17 =	sld [smem:$0x3FFB];
	_ =	sdelay $0x3  }
0x92: {  	_ =	strace s17  }
0x93: {  	s2 =	sld [smem:$0x3FFC];
	_ =	sdelay $0x3  }
0x94: {  	_ =	strace s2  }
0x95: {  	s2 =	sld [smem:$0x3FFD];
	_ =	sdelay $0x3  }
0x96: {  	_ =	strace s2  }
0x97: {  	_ =	strace $0x8FFFFFFF  }
0x98: {  	s18 =	sld [smem:$0x3FDB];
	_ =	sdelay $0x1  }
0x99: {  	s19 =	simm.s32 $_scs_section_size  }
0x9a: {  	s4 =	simm.s32 $_size__tile_overlayer_lowered;
	s5 =	simm.s32 $_tile_overlayer_lowered  }
0x9b: {  	s22 =	simm.s32 $0x1BFF;
	s21 =	sshll.u32 s5, $0x1;
	s2 =	sadd.s32 s19, s18  }
0x9c: {  	s6 =	simm.s32 $0x0;
	s20 =	sshll.u32 s4, $0x1;
	s4 =	sadd.s32 s21, s2  }
0x9d: {  	[timem:s6], [sflag:s22] =	dma.local [hbm:s4], s20  }
0x9e: {  	_ =	swait.ge [sflag:s22], s20  }
0x9f: {  	s3 =	ssub.s32 $0x0, s20;
	[sflag:s22] =	ssyncset.done $0x0  }
0xa0: {  	[sflag:s22] =	ssyncadd.s32 s3;
	_ =	sdelay $0x1  }
0xa1: {  	s23 =	simm.s32 $0x1B8B  }
0xa2: {  	_ =	swait.ge [sflag:s23], $0x1  }
0xa3: {  	[sflag:s23] =	ssyncset.done $0x0  }
0xa4: {  	s25 =	simm.s32 $0x1B8E;
	s24 =	sld [smem:$0x3FFE];
	[sflag:s23] =	ssyncadd.s32 $0xFFFFFFFF  }
0xa5: {  	s26 =	simm.s32 $execute0_lowered;
	[smem:$0x3FD2] =	sst s25  }
0xa6: {  	s4 =	sshll.u32 s26, $0x1;
	_ =	strace $0x8000004F;
	[dreg:$0x1] =	wrdreg $0xFFFFFFFF  }
0xa7: {  	s28 =	simm.s32 $_size_execute0_lowered;
	s2 =	sadd.s32 s2, s4;
	[dreg:$0x0] =	wrdreg $0x0  }
0xa8: {  	s4 =	sshll.u32 s28, $0x1;
	[dreg:$0x2] =	wrdreg s2  }
0xa9: {  	[dreg:$0x3] =	wrdreg s4  }
0xaa: {  	[dreg:$0x4] =	wrdreg $0xC0  }
0xab: {  	_ =	task [dreg:s6], $0x5FFFF  }
0xac: {  	[dreg:$0x1] =	wrdreg $0xFFFFFFFF  }
0xad: {  	[dreg:$0x0] =	wrdreg $0x60  }
0xae: {  	[dreg:$0x2] =	wrdreg s24  }
0xaf: {  	[dreg:$0x3] =	wrdreg $0xC4000  }
0xb0: {  	[dreg:$0x4] =	wrdreg $0x9  }
0xb1: {  	_ =	task.clear_ibuf [dreg:s6], $0x5FFFF;
	_ =	strace $0x9000004F  }
0xb2: {  	s29 =	simm.s32 $0x9;
	_ =	strace $0x80000051  }
0xb3: {  	_ =	swait.ge [sflag:s29], $0x1  }
0xb4: {  	[sflag:s29] =	ssyncadd.s32 $0xFFFFFFFF  }
0xb5: {  	_ =	strace $0x90000051  }
0xb6: {  	_ =	sfence  }
0xb7: {  	s30 =	sld [smem:$0x0];
	_ =	sdelay $0x2  }
0xb8: {  	s31 =	sshll.u32 s1, $0xD;
	s1 =	sshrl.u32 s1, $0x2  }
0xb9: {  	s3 =	sand.u32 $0x4000, s31;
	s1 =	sadd.s32 s1, s30  }
0xba: {  	s0 =	sor.u32 s3, s0;
	s1 =	sshll.u32 s1, $0x11  }
0xbb: {  	s0 =	sor.u32 s1, s0  }
0xbc: {  	s0 =	sadd.s32 $0x8F2B, s0  }
0xbd: {  	[sflag:s0] =	ssyncadd.remote.s32 $0x1  }
0xbe: {  	_ =	sfence.sel $0xFFFF  }
0xbf: {  	[dreg:$0x0] =	wrdreg $0xFFFFFFFF;
	(pc) =	sbr.abs _section_cstart, $3  }
0xc0: {  	[dreg:$0x1] =	wrdreg $0xFFFFFFFF  }
0xc1: {  	_ =	task.clear_ibuf [dreg:s6], $0x2FFFF;
	_ =	strace $0x9FFFFFFF  }
0xc2: {  	(tm) =	ssettm $0x7FFFFFFF  }
0xc3: {  	_ =	shalt  }
tec
execute0_lowered:
.L_overlay_start_1:
0x0: {  	(tag) =	ssettag $0x1  }
0x1: {  	s8 =	rddreg [dreg:$0x0]  }
0x2: {  	s1 =	rddreg [dreg:$0x1]  }
0x3: {  	s2 =	srdreg.scid;
	s0 =	rddreg [dreg:$0x2]  }
0x4: {  	s3 =	simm.s32 $0x0;
	s16 =	simm.s32 $0x2800;
	s17 =	simm.s32 $0x80  }
0x5: {  	s18 =	simm.s32 $0x5C00;
	s19 =	simm.s32 $0x3;
	s20 =	simm.s32 $0x9000  }
0x6: {  	s21 =	simm.s32 $0x2700;
	s22 =	simm.s32 $0x1;
	s23 =	simm.s32 $0x2780  }
0x7: {  	s24 =	simm.s32 $0x2;
	s10 =	sand.u32 $0x1, s2;
	s2 =	stileid.u32  }
0x8: {  	[smem:$0x7FF] =	sst s3;
	s4 =	sadd.s32 $0x7DC00, s8;
	s7 =	smul.u32 $0x13C000, s10  }
0x9: {  	s5 =	sadd.s32 $0x7A00, s8;
	s6 =	sadd.s32 $0x20A00, s8;
	s9 =	smul.u32 $0x13C00, s2  }
0xa: {  	_ =	strace $0x80000050;
	s11 =	ssub.s32 $0x2, s10;
	s12 =	smul.u32 $0x4F000, s2  }
0xb: {  	s31 =	sshll.u32 s2, $0x6;
	s10 =	smul.u32 $0x64000, s10;
	s29 =	sshrl.u32 s11, $0x1  }
.Ltmp0:
0xc: {  	s7 =	sadd.s32 s9, s7;
	s14 =	ssub.s32 s11, s29;
	(pc) =	sbr.rel .LBB2_1-.Ltmp0, $4  }
0xd: {  	s30 =	sshrl.u32 s12, $0x2;
	s9 =	sshrl.u32 s7, $0x3;
	s7 =	sadd.s32 $0x7B400, s8  }
0xe: {  	s15 =	sadd.s32 s30, s1;
	s12 =	smax.u32 s14, $0x1;
	s14 =	simm.s32 $0x4  }
0xf: {  	s13 =	sadd.s32 s9, s8;
	s8 =	sor.u32 $0x1C04, s31;
	s9 =	smul.u32 $0xC8, s2  }
0x10: {  	s11 =	sadd.s32 $0xCBE00, s13;
	s13 =	sshrl.u32 s15, $0x3;
	s15 =	simm.s32 $0x64  }
.LBB2_8:
0x11: {  	s3 =	sadd.s32 $0x1, s3  }
0x12: {  	p0 =	sne.s32 s3, s12  }
.Ltmp1:
0x13: {  	[bflag:$0x0] =	sbarrier.arrive $0xFFFF;
	(pc) =	sbr.rel @!p0 .LBB2_9-.Ltmp1, $4  }
0x14: {  	[hbm:s11], [sflag:s8] =	dma.local [spmem:s13], $0x2780  }
0x15: {  	_ =	swait.ge [sflag:s14], $0x2780  }
0x16: {  	[sflag:s14] =	ssyncset.done $0x0  }
0x17: {  	[sflag:s14] =	ssyncadd.s32 $0xFFFFD880  }
.LBB2_1:
0x18: {  	[spmem:s13], [sflag:s8] =	dma.local [hbm:s7], $0x2780  }
.Ltmp2:
0x19: {  	_ =	swait.ge [sflag:s14], $0x2780;
	(pc) =	sbr.rel .LBB2_2-.Ltmp2, $4  }
0x1a: {  	[sflag:s14] =	ssyncset.done $0x0  }
0x1b: {  	[sflag:s14] =	ssyncadd.s32 $0xFFFFD880  }
0x1c: {  	[bflag:$0x0] =	sbarrier.arrive $0xFFFF  }
0x1d: {  	s25 =	simm.s32 $0x0  }
.LBB2_7:
0x1e: {  	_ =	swait.ge [sflag:s19], $0x3200  }
0x1f: {  	[sflag:s19] =	ssyncset.done $0x0  }
0x20: {  	[sflag:s19] =	ssyncadd.s32 $0xFFFFCE00  }
0x21: {  	[spmem:s1] =	stream.indirect.scatter.add.f32 [tilespmem:s20], [sflag:$0x4], $0x80, s21, s15, $0xb8;
	v63 =	vld [tilespmem:$0x0]  }
0x22: {  	_ =	swait.ge [sflag:s14], $0x3200  }
0x23: {  	[sflag:s14] =	ssyncset.done $0x0  }
0x24: {  	[sflag:s14] =	ssyncadd.s32 $0xFFFFCE00  }
0x25: {  	s25 =	sadd.s32 $0x1, s25;
	_ =	swait.ge [sflag:s22], $0x3200  }
0x26: {  	p0 =	sne.s32 s25, $0x5;
	[sflag:s22] =	ssyncset.done $0x0  }
.Ltmp3:
0x27: {  	[sflag:s22] =	ssyncadd.s32 $0xFFFFCE00;
	(pc) =	sbr.rel @!p0 .LBB2_8-.Ltmp3, $4  }
0x28: {  	[spmem:s1] =	stream.indirect.scatter.add.f32 [tilespmem:s16], [sflag:$0x4], $0x80, s23, s15, $0xb8;
	v63 =	vld [tilespmem:$0x0]  }
0x29: {  	_ =	swait.ge [sflag:s14], $0x3200  }
0x2a: {  	[sflag:s14] =	ssyncset.done $0x0  }
0x2b: {  	[sflag:s14] =	ssyncadd.s32 $0xFFFFCE00  }
.LBB2_2:
0x2c: {  	s26 =	smul.u32 $0x28, s25;
	_ =	sdelay $0x1  }
0x2d: {  	s28 =	sadd.s32 s9, s26  }
0x2e: {  	s26 =	sshll.u32 s28, $0x7  }
0x2f: {  	s26 =	sadd.s32 s10, s26  }
0x30: {  	s26 =	sshrl.u32 s26, $0x3  }
0x31: {  	s29 =	sadd.s32 s5, s26;
	s26 =	simm.s32 $0x0  }
0x32: {  	[tilespmem:s26], [sflag:$0x4] =	stream.linear.gather [hbm4b:s29+s26], $0x1400, $0x38;
	v63 =	vld [tilespmem:$0x0]  }
0x33: {  	_ =	swait.ge [sflag:s14], $0x1400  }
0x34: {  	s28 =	sshll.u32 s28, $0x4;
	[sflag:s14] =	ssyncset.done $0x0  }
0x35: {  	s29 =	sadd.s32 s6, s28;
	s28 =	simm.s32 $0x1400;
	[sflag:s14] =	ssyncadd.s32 $0xFFFFEC00  }
0x36: {  	[tilespmem:s28], [sflag:$0x4] =	stream.linear.gather [hbm4b:s29+s26], $0x1400, $0x38;
	v63 =	vld [tilespmem:$0x0]  }
0x37: {  	_ =	swait.ge [sflag:s14], $0x1400  }
.Ltmp4:
0x38: {  	[sflag:s14] =	ssyncset.done $0x0;
	(pc) =	sbr.rel .LBB2_3-.Ltmp4, $4  }
0x39: {  	[sflag:s14] =	ssyncadd.s32 $0xFFFFEC00  }
0x3a: {  	[tilespmem:s16], [sflag:$0x1] =	stream.indirect.gather [hbm4b:s4+s15], $0x80, s26, s15, $0xb8;
	v63 =	vld [tilespmem:$0x0]  }
0x3b: {  	s29 =	simm.s32 $0x100  }
0x3c: {  	[tilespmem:s18], [sflag:$0x2] =	stream.indirect.gather [hbm4b:s4+s15], $0x80, s17, s15, $0xb8;
	v63 =	vld [tilespmem:$0x0]  }
.LBB2_5:
0x3d: {  	_ =	swait.ge [sflag:s19], $0x3200  }
0x3e: {  	[sflag:s19] =	ssyncset.done $0x0  }
0x3f: {  	[sflag:s19] =	ssyncadd.s32 $0xFFFFCE00  }
0x40: {  	[spmem:s1] =	stream.indirect.scatter.add.f32 [tilespmem:s20], [sflag:$0x4], $0x80, s28, s15, $0xb8;
	v63 =	vld [tilespmem:$0x0]  }
0x41: {  	_ =	swait.ge [sflag:s14], $0x3200  }
0x42: {  	[sflag:s14] =	ssyncset.done $0x0  }
0x43: {  	[sflag:s14] =	ssyncadd.s32 $0xFFFFCE00  }
0x44: {  	[tilespmem:s18], [sflag:$0x2] =	stream.indirect.gather [hbm4b:s4+s15], $0x80, s29, s15, $0xb8;
	v63 =	vld [tilespmem:$0x0]  }
.LBB2_6:
0x45: {  	s26 =	sadd.s32 $0x1, s26  }
0x46: {  	p0 =	sne.s32 s26, $0x26  }
.Ltmp5:
0x47: {  	_ = 	snop;
	(pc) =	sbr.rel @!p0 .LBB2_7-.Ltmp5, $2  }
0x48: {  	_ =	sdelay $0x2  }
0x49: {  	s29 =	sadd.s32 $0x80, s29;
	s28 =	sadd.s32 $0x80, s28  }
.LBB2_3:
0x4a: {  	s30 =	smul.u32 $0xAB, s26;
	_ =	sdelay $0x1  }
0x4b: {  	s30 =	sshrl.u32 s30, $0x9  }
0x4c: {  	s30 =	sand.u32 $0x7F, s30  }
0x4d: {  	s30 =	smul.u32 $0x3, s30;
	_ =	sdelay $0x1  }
0x4e: {  	s30 =	ssub.s32 s26, s30  }
0x4f: {  	s30 =	sand.u32 $0xFF, s30  }
0x50: {  	p0 =	seq.s32 s30, $0x2  }
.Ltmp6:
0x51: {  	_ = 	snop;
	(pc) =	sbr.rel @p0 .LBB2_5-.Ltmp6, $1  }
0x52: {  	_ =	sdelay $0x3  }
0x53: {  	p0 =	seq.s32 s30, $0x1  }
0x54: {  	_ =	swait.ge @p0 [sflag:s24], $0x3200  }
0x55: {  	[sflag:s24] =	ssyncset.done @p0 $0x0  }
0x56: {  	[sflag:s24] =	ssyncadd.s32 @p0 $0xFFFFCE00  }
0x57: {  	[spmem:s1] =	stream.indirect.scatter.add.f32 @p0 [tilespmem:s18], [sflag:$0x4], $0x80, s28, s15, $0xb8;
	v63 =	vld [tilespmem:$0x0]  }
0x58: {  	_ =	swait.ge @p0 [sflag:s14], $0x3200  }
0x59: {  	[sflag:s14] =	ssyncset.done @p0 $0x0  }
0x5a: {  	[sflag:s14] =	ssyncadd.s32 @p0 $0xFFFFCE00  }
0x5b: {  	[tilespmem:s16], [sflag:$0x1] =	stream.indirect.gather @p0 [hbm4b:s4+s15], $0x80, s29, s15, $0xb8;
	v63 =	vld [tilespmem:$0x0]  }
0x5c: {  	_ =	swait.ge @!p0 [sflag:s22], $0x3200  }
0x5d: {  	[sflag:s22] =	ssyncset.done @!p0 $0x0  }
0x5e: {  	[sflag:s22] =	ssyncadd.s32 @!p0 $0xFFFFCE00  }
0x5f: {  	[spmem:s1] =	stream.indirect.scatter.add.f32 @!p0 [tilespmem:s16], [sflag:$0x4], $0x80, s28, s15, $0xb8;
	v63 =	vld [tilespmem:$0x0]  }
.Ltmp7:
0x60: {  	_ = 	snop;
	(pc) =	sbr.rel .LBB2_6-.Ltmp7, $4  }
0x61: {  	_ =	swait.ge @!p0 [sflag:s14], $0x3200  }
0x62: {  	[sflag:s14] =	ssyncset.done @!p0 $0x0  }
0x63: {  	[sflag:s14] =	ssyncadd.s32 @!p0 $0xFFFFCE00  }
0x64: {  	[tilespmem:s20], [sflag:$0x3] =	stream.indirect.gather @!p0 [hbm4b:s4+s15], $0x80, s29, s15, $0xb8;
	v63 =	vld [tilespmem:$0x0]  }
.LBB2_9:
0x65: {  	_ =	sfence.sel $0x180000  }
0x66: {  	[bflag:$0x0] =	sbarrier.arrive $0xFFFF  }
0x67: {  	p0 =	sne.s32 s2, $0x0;
	_ =	strace $0x90000050  }
0x68: {  	s0 =	sadd.s32 @!p0 $0x100000, s0;
	[bflag:$0x2] =	sbarrier.arrive $0xFFFF  }
0x69: {  	[sflag:s0] =	ssyncadd.tile.s32 @!p0 $0x1;
	_ =	shalt  }
.Lfunc_end2:
_tile_overlayer_lowered:
.L_overlay_start_2:
0x6a: {  	(tag) =	ssettag $0x2  }
0x6b: {  	s0 =	rddreg [dreg:$0x0];
	s2 =	stileid.u32  }
0x6c: {  	s1 =	rddreg [dreg:$0x1];
	p0 =	sne.s32 s2, $0x0  }
0x6d: {  	s3 =	rddreg [dreg:$0x2];
	[bflag:$0x3] =	sbarrier.arrive $0xFFFF;
	s2 =	simm.s32 @!p0 $0x1C04  }
0x6e: {  	[timem:s3], [sflag:s2] =	dma.local @!p0 [hbm:s0], s1  }
0x6f: {  	s0 =	simm.s32 @!p0 $0x4  }
0x70: {  	_ =	swait.ge @!p0 [sflag:s0], s1  }
0x71: {  	s1 =	ssub.s32 @!p0 $0x0, s1;
	[sflag:s0] =	ssyncset.done @!p0 $0x0  }
0x72: {  	[sflag:s0] =	ssyncadd.s32 @!p0 s1  }
0x73: {  	[bflag:$0x3] =	sbarrier.arrive $0xFFFF  }
0x74: {  	_ =	shalt  }

// kernel: kernel.34.cloned.1.call-start
scs
__scs_entry_jumppad:
0x0: {  	(pc) =	sbr.rel $0x88, $3  }
0x1: {  	(tag) =	ssettag $0x0;
	lr =	simm.s32 $0x1  }
0x2: {  	[smem:$0x3F8A] =	sst lr;
	_ =	strace $0xD0000000  }
0x3: {  	_ = 	snop  }
0x4: {  	_ = 	snop  }
0x5: {  	_ = 	snop  }
0x6: {  	_ = 	snop  }
0x7: {  	_ = 	snop  }
__scs_overlays_trampoline_lowered:
0x8: {  	[smem:$0x3F99] =	sst s0  }
0x9: {  	[smem:$0x3F9A] =	sst s1  }
0xa: {  	[smem:$0x3F9B] =	sst s2  }
0xb: {  	[smem:$0x3F9C] =	sst s3  }
0xc: {  	[smem:$0x3F9D] =	sst s4  }
0xd: {  	[smem:$0x3F9E] =	sst s5  }
0xe: {  	[smem:$0x3F9F] =	sst s6  }
0xf: {  	[smem:$0x3FA0] =	sst s7  }
0x10: {  	[smem:$0x3FA1] =	sst s8  }
0x11: {  	[smem:$0x3FA2] =	sst s9;
	s0 =	simm.s32 @!p0 $0x0  }
0x12: {  	s1 =	sld [smem:$0x3F88];
	s0 =	simm.s32 @p0 $0x1  }
0x13: {  	[smem:$0x3FA3] =	sst s0;
	s0 =	simm.s32 @!p1 $0x0  }
0x14: {  	s2 =	sld [smem:$0x3F87];
	s0 =	simm.s32 @p1 $0x1  }
0x15: {  	[smem:$0x3FA4] =	sst s0;
	s0 =	simm.s32 @!p2 $0x0  }
0x16: {  	s3 =	sld [smem:$0x3FDB];
	s0 =	simm.s32 @p2 $0x1  }
0x17: {  	s4 =	simm.s32 $0x1BF5;
	[smem:$0x3FA6] =	sst s0  }
0x18: {  	s0 =	sld [smem:$0x3F89];
	_ =	swait.ge [sflag:s4], $0x0  }
0x19: {  	s7 =	sld [smem:$0x3F8A]  }
0x1a: {  	s8 =	sadd.s32 $0xFFFFE003, lr  }
0x1b: {  	s9 =	sadd.s32 $0xFFFFFEF7, lr;
	s5 =	simm.s32 $0xFFFFFFFF;
	p2 =	slt.u32 s8, $0xFFFFF086  }
0x1c: {  	p1 =	slt.u32 s9, $0xF7A;
	s5 =	simm.s32 @!p2 $0x0  }
0x1d: {  	s5 =	simm.s32 @p1 $0x1;
	p0 =	seq.s32 s7, s2  }
0x1e: {  	s7 =	smul.u32 @!p0 $0xF7A, s2;
	p2 =	seq.s32 @!p0 s5, $0x0  }
0x1f: {  	s9 =	smul.u32 $0xF7A, s1;
	s8 =	simm.s32 @!p0 $0x1BF5;
	p2 =	por !p2, p0  }
0x20: {  	[sflag:s8] =	ssyncset.s32 @!p0 $0xFFFFF086;
	s6 =	sadd.s32 @!p0 s3, s7;
	s7 =	simm.s32 @!p0 $0x108  }
0x21: {  	s3 =	sadd.s32 s3, s9;
	s6 =	sadd.s32 @!p0 $0x88, s6;
	s7 =	simm.s32 @p2 $0x1082  }
0x22: {  	[simem:s7], [sflag:s8] =	dma.local @!p0 [hbm:s6], $0xF7A  }
0x23: {  	s9 =	sor.u32 $0xD0000000, s2;
	s6 =	simm.s32 $0x108;
	_ =	swait.ge @!p0 [sflag:s8], $0x0  }
0x24: {  	s3 =	sadd.s32 $0x88, s3;
	s6 =	simm.s32 @!p1 $0x1082;
	[sflag:s4] =	ssyncset.s32 $0xFFFFF086  }
0x25: {  	[simem:s6], [sflag:s4] =	dma.local [hbm:s3], $0xF7A  }
0x26: {  	[smem:$0x3F8A] =	sst s1;
	(tag) =	ssettag s2;
	_ =	strace s9  }
0x27: {  	s1 =	sld [smem:$0x3F9A]  }
0x28: {  	s2 =	sld [smem:$0x3F9B]  }
0x29: {  	s4 =	sld [smem:$0x3F9D]  }
0x2a: {  	p0 =	seq.s32 s5, $0x0;
	s5 =	sld [smem:$0x3F9E]  }
0x2b: {  	s6 =	sld [smem:$0x3F9F]  }
0x2c: {  	s7 =	sld [smem:$0x3FA0]  }
0x2d: {  	s3 =	simm.s32 $0x108;
	s8 =	sld [smem:$0x3FA1]  }
0x2e: {  	s3 =	simm.s32 @!p0 $0x1082;
	s9 =	sld [smem:$0x3FA2]  }
0x2f: {  	lr =	sadd.s32 s0, s3;
	s0 =	sld [smem:$0x3F99]  }
0x30: {  	s3 =	sld [smem:$0x3F9C]  }
0x31: {  	[smem:$0x3FA5] =	sst s10  }
0x32: {  	s10 =	sld [smem:$0x3FA3];
	_ =	sdelay $0x3  }
0x33: {  	p0 =	seq.s32 s10, $0x1;
	s10 =	sld [smem:$0x3FA5];
	_ =	sdelay $0x3  }
0x34: {  	[smem:$0x3FA5] =	sst s10  }
0x35: {  	s10 =	sld [smem:$0x3FA4];
	_ =	sdelay $0x3  }
0x36: {  	p1 =	seq.s32 s10, $0x1;
	s10 =	sld [smem:$0x3FA5];
	_ =	sdelay $0x3  }
0x37: {  	[smem:$0x3FA5] =	sst s10  }
0x38: {  	s10 =	sld [smem:$0x3FA6]  }
0x39: {  	_ = 	snop;
	(pc) =	sbr.ind lr, $3  }
0x3a: {  	_ = 	snop  }
0x3b: {  	_ = 	snop  }
0x3c: {  	p2 =	seq.s32 s10, $0x1;
	s10 =	sld [smem:$0x3FA5]  }
0x3d: {  	_ =	shalt  }
0x3e: {  	_ =	shalt  }
0x3f: {  	_ =	shalt  }
0x40: {  	_ =	shalt  }
0x41: {  	_ =	shalt  }
0x42: {  	_ =	shalt  }
0x43: {  	_ =	shalt  }
0x44: {  	_ =	shalt  }
0x45: {  	_ =	shalt  }
0x46: {  	_ =	shalt  }
0x47: {  	_ =	shalt  }
0x48: {  	_ =	shalt  }
0x49: {  	_ =	shalt  }
0x4a: {  	_ =	shalt  }
0x4b: {  	_ =	shalt  }
0x4c: {  	_ =	shalt  }
0x4d: {  	_ =	shalt  }
0x4e: {  	_ =	shalt  }
0x4f: {  	_ =	shalt  }
0x50: {  	_ =	shalt  }
0x51: {  	_ =	shalt  }
0x52: {  	_ =	shalt  }
0x53: {  	_ =	shalt  }
0x54: {  	_ =	shalt  }
0x55: {  	_ =	shalt  }
0x56: {  	_ =	shalt  }
0x57: {  	_ =	shalt  }
0x58: {  	_ =	shalt  }
0x59: {  	_ =	shalt  }
0x5a: {  	_ =	shalt  }
0x5b: {  	_ =	shalt  }
0x5c: {  	_ =	shalt  }
0x5d: {  	_ =	shalt  }
0x5e: {  	_ =	shalt  }
0x5f: {  	_ =	shalt  }
0x60: {  	_ =	shalt  }
0x61: {  	_ =	shalt  }
0x62: {  	_ =	shalt  }
0x63: {  	_ =	shalt  }
0x64: {  	_ =	shalt  }
0x65: {  	_ =	shalt  }
0x66: {  	_ =	shalt  }
0x67: {  	_ =	shalt  }
0x68: {  	_ =	shalt  }
0x69: {  	_ =	shalt  }
0x6a: {  	_ =	shalt  }
0x6b: {  	_ =	shalt  }
0x6c: {  	_ =	shalt  }
0x6d: {  	_ =	shalt  }
0x6e: {  	_ =	shalt  }
0x6f: {  	_ =	shalt  }
0x70: {  	_ =	shalt  }
0x71: {  	_ =	shalt  }
0x72: {  	_ =	shalt  }
0x73: {  	_ =	shalt  }
0x74: {  	_ =	shalt  }
0x75: {  	_ =	shalt  }
0x76: {  	_ =	shalt  }
0x77: {  	_ =	shalt  }
0x78: {  	_ =	shalt  }
0x79: {  	_ =	shalt  }
0x7a: {  	_ =	shalt  }
0x7b: {  	_ =	shalt  }
0x7c: {  	_ =	shalt  }
0x7d: {  	_ =	shalt  }
0x7e: {  	_ =	shalt  }
0x7f: {  	_ =	shalt  }
0x80: {  	_ =	shalt  }
0x81: {  	_ =	shalt  }
0x82: {  	_ =	shalt  }
0x83: {  	_ =	shalt  }
0x84: {  	_ =	shalt  }
0x85: {  	_ =	shalt  }
0x86: {  	_ =	shalt  }
0x87: {  	_ =	shalt  }
.Lfunc_end0:
.L_simem_size_0:
called_computation.4_lowered:
.L_overlay_start_0:
0x88: {  	s2 =	sld [smem:$0x3FD9]  }
0x89: {  	s3 =	sld [smem:$0x3FFE];
	_ =	sdelay $0x1  }
0x8a: {  	s1 =	srdreg.scid  }
0x8b: {  	s0 =	sand.u32 $0x1, s1  }
0x8c: {  	s16 =	sshll.u32 s0, $0xA;
	s2 =	sadd.s32 s3, s2  }
0x8d: {  	s2 =	sadd.s32 s2, s16  }
0x8e: {  	[smem:$0x3FB1] =	sst s2  }
0x8f: {  	_ = 	snop  }
0x90: {  	(tm) =	ssettm $0x1  }
0x91: {  	s17 =	sld [smem:$0x3FFB];
	_ =	sdelay $0x3  }
0x92: {  	_ =	strace s17  }
0x93: {  	s2 =	sld [smem:$0x3FFC];
	_ =	sdelay $0x3  }
0x94: {  	_ =	strace s2  }
0x95: {  	s2 =	sld [smem:$0x3FFD];
	_ =	sdelay $0x3  }
0x96: {  	_ =	strace s2  }
0x97: {  	_ =	strace $0x8FFFFFFF  }
0x98: {  	s18 =	sld [smem:$0x3FDB];
	_ =	sdelay $0x1  }
0x99: {  	s19 =	simm.s32 $_scs_section_size  }
0x9a: {  	s4 =	simm.s32 $_size__tile_overlayer_lowered;
	s5 =	simm.s32 $_tile_overlayer_lowered  }
0x9b: {  	s22 =	simm.s32 $0x1BFF;
	s21 =	sshll.u32 s5, $0x1;
	s2 =	sadd.s32 s19, s18  }
0x9c: {  	s6 =	simm.s32 $0x0;
	s20 =	sshll.u32 s4, $0x1;
	s4 =	sadd.s32 s21, s2  }
0x9d: {  	[timem:s6], [sflag:s22] =	dma.local [hbm:s4], s20  }
0x9e: {  	_ =	swait.ge [sflag:s22], s20  }
0x9f: {  	s3 =	ssub.s32 $0x0, s20;
	[sflag:s22] =	ssyncset.done $0x0  }
0xa0: {  	[sflag:s22] =	ssyncadd.s32 s3;
	_ =	sdelay $0x1  }
0xa1: {  	s23 =	simm.s32 $0x1B8B  }
0xa2: {  	_ =	swait.ge [sflag:s23], $0x1  }
0xa3: {  	[sflag:s23] =	ssyncset.done $0x0  }
0xa4: {  	s25 =	simm.s32 $0x1B8E;
	s24 =	sld [smem:$0x3FFE];
	[sflag:s23] =	ssyncadd.s32 $0xFFFFFFFF  }
0xa5: {  	s26 =	simm.s32 $execute0_lowered;
	[smem:$0x3FD2] =	sst s25  }
0xa6: {  	s4 =	sshll.u32 s26, $0x1;
	_ =	strace $0x80000052;
	[dreg:$0x1] =	wrdreg $0xFFFFFFFF  }
0xa7: {  	s28 =	simm.s32 $_size_execute0_lowered;
	s2 =	sadd.s32 s2, s4;
	[dreg:$0x0] =	wrdreg $0x0  }
0xa8: {  	s4 =	sshll.u32 s28, $0x1;
	[dreg:$0x2] =	wrdreg s2  }
0xa9: {  	[dreg:$0x3] =	wrdreg s4  }
0xaa: {  	[dreg:$0x4] =	wrdreg $0xC0  }
0xab: {  	_ =	task [dreg:s6], $0x5FFFF  }
0xac: {  	[dreg:$0x1] =	wrdreg $0xFFFFFFFF  }
0xad: {  	[dreg:$0x0] =	wrdreg $0x60  }
0xae: {  	[dreg:$0x2] =	wrdreg s24  }
0xaf: {  	[dreg:$0x3] =	wrdreg $0xC4000  }
0xb0: {  	[dreg:$0x4] =	wrdreg $0x9  }
0xb1: {  	_ =	task.clear_ibuf [dreg:s6], $0x5FFFF;
	_ =	strace $0x90000052  }
0xb2: {  	s29 =	simm.s32 $0x9;
	_ =	strace $0x80000054  }
0xb3: {  	_ =	swait.ge [sflag:s29], $0x1  }
0xb4: {  	[sflag:s29] =	ssyncadd.s32 $0xFFFFFFFF  }
0xb5: {  	_ =	strace $0x90000054  }
0xb6: {  	_ =	sfence  }
0xb7: {  	s30 =	sld [smem:$0x0];
	_ =	sdelay $0x2  }
0xb8: {  	s31 =	sshll.u32 s1, $0xD;
	s1 =	sshrl.u32 s1, $0x2  }
0xb9: {  	s3 =	sand.u32 $0x4000, s31;
	s1 =	sadd.s32 s1, s30  }
0xba: {  	s0 =	sor.u32 s3, s0;
	s1 =	sshll.u32 s1, $0x11  }
0xbb: {  	s0 =	sor.u32 s1, s0  }
0xbc: {  	s0 =	sadd.s32 $0x8F2B, s0  }
0xbd: {  	[sflag:s0] =	ssyncadd.remote.s32 $0x1  }
0xbe: {  	_ =	sfence.sel $0xFFFF  }
0xbf: {  	[dreg:$0x0] =	wrdreg $0xFFFFFFFF;
	(pc) =	sbr.abs _section_cstart, $3  }
0xc0: {  	[dreg:$0x1] =	wrdreg $0xFFFFFFFF  }
0xc1: {  	_ =	task.clear_ibuf [dreg:s6], $0x2FFFF;
	_ =	strace $0x9FFFFFFF  }
0xc2: {  	(tm) =	ssettm $0x7FFFFFFF  }
0xc3: {  	_ =	shalt  }
tec
execute0_lowered:
.L_overlay_start_1:
0x0: {  	(tag) =	ssettag $0x1  }
0x1: {  	s8 =	rddreg [dreg:$0x0]  }
0x2: {  	s1 =	rddreg [dreg:$0x1]  }
0x3: {  	s2 =	srdreg.scid;
	s0 =	rddreg [dreg:$0x2]  }
0x4: {  	s3 =	simm.s32 $0x0;
	s16 =	simm.s32 $0x2800;
	s17 =	simm.s32 $0x80  }
0x5: {  	s18 =	simm.s32 $0x5C00;
	s19 =	simm.s32 $0x3;
	s20 =	simm.s32 $0x9000  }
0x6: {  	s21 =	simm.s32 $0x2700;
	s22 =	simm.s32 $0x1;
	s23 =	simm.s32 $0x2780  }
0x7: {  	s24 =	simm.s32 $0x2;
	s10 =	sand.u32 $0x1, s2;
	s2 =	stileid.u32  }
0x8: {  	[smem:$0x7FF] =	sst s3;
	s4 =	sadd.s32 $0x7DC00, s8;
	s7 =	smul.u32 $0x13C000, s10  }
0x9: {  	s5 =	sadd.s32 $0x7A00, s8;
	s6 =	sadd.s32 $0x20A00, s8;
	s9 =	smul.u32 $0x13C00, s2  }
0xa: {  	_ =	strace $0x80000053;
	s11 =	ssub.s32 $0x2, s10;
	s12 =	smul.u32 $0x4F000, s2  }
0xb: {  	s31 =	sshll.u32 s2, $0x6;
	s10 =	smul.u32 $0x64000, s10;
	s29 =	sshrl.u32 s11, $0x1  }
.Ltmp0:
0xc: {  	s7 =	sadd.s32 s9, s7;
	s14 =	ssub.s32 s11, s29;
	(pc) =	sbr.rel .LBB2_1-.Ltmp0, $4  }
0xd: {  	s30 =	sshrl.u32 s12, $0x2;
	s9 =	sshrl.u32 s7, $0x3;
	s7 =	sadd.s32 $0x7B400, s8  }
0xe: {  	s15 =	sadd.s32 s30, s1;
	s12 =	smax.u32 s14, $0x1;
	s14 =	simm.s32 $0x4  }
0xf: {  	s13 =	sadd.s32 s9, s8;
	s8 =	sor.u32 $0x1C04, s31;
	s9 =	smul.u32 $0xC8, s2  }
0x10: {  	s11 =	sadd.s32 $0xCBE00, s13;
	s13 =	sshrl.u32 s15, $0x3;
	s15 =	simm.s32 $0x64  }
.LBB2_8:
0x11: {  	s3 =	sadd.s32 $0x1, s3  }
0x12: {  	p0 =	sne.s32 s3, s12  }
.Ltmp1:
0x13: {  	[bflag:$0x0] =	sbarrier.arrive $0xFFFF;
	(pc) =	sbr.rel @!p0 .LBB2_9-.Ltmp1, $4  }
0x14: {  	[hbm:s11], [sflag:s8] =	dma.local [spmem:s13], $0x2780  }
0x15: {  	_ =	swait.ge [sflag:s14], $0x2780  }
0x16: {  	[sflag:s14] =	ssyncset.done $0x0  }
0x17: {  	[sflag:s14] =	ssyncadd.s32 $0xFFFFD880  }
.LBB2_1:
0x18: {  	[spmem:s13], [sflag:s8] =	dma.local [hbm:s7], $0x2780  }
.Ltmp2:
0x19: {  	_ =	swait.ge [sflag:s14], $0x2780;
	(pc) =	sbr.rel .LBB2_2-.Ltmp2, $4  }
0x1a: {  	[sflag:s14] =	ssyncset.done $0x0  }
0x1b: {  	[sflag:s14] =	ssyncadd.s32 $0xFFFFD880  }
0x1c: {  	[bflag:$0x0] =	sbarrier.arrive $0xFFFF  }
0x1d: {  	s25 =	simm.s32 $0x0  }
.LBB2_7:
0x1e: {  	_ =	swait.ge [sflag:s19], $0x3200  }
0x1f: {  	[sflag:s19] =	ssyncset.done $0x0  }
0x20: {  	[sflag:s19] =	ssyncadd.s32 $0xFFFFCE00  }
0x21: {  	[spmem:s1] =	stream.indirect.scatter.add.f32 [tilespmem:s20], [sflag:$0x4], $0x80, s21, s15, $0xb8;
	v63 =	vld [tilespmem:$0x0]  }
0x22: {  	_ =	swait.ge [sflag:s14], $0x3200  }
0x23: {  	[sflag:s14] =	ssyncset.done $0x0  }
0x24: {  	[sflag:s14] =	ssyncadd.s32 $0xFFFFCE00  }
0x25: {  	s25 =	sadd.s32 $0x1, s25;
	_ =	swait.ge [sflag:s22], $0x3200  }
0x26: {  	p0 =	sne.s32 s25, $0x5;
	[sflag:s22] =	ssyncset.done $0x0  }
.Ltmp3:
0x27: {  	[sflag:s22] =	ssyncadd.s32 $0xFFFFCE00;
	(pc) =	sbr.rel @!p0 .LBB2_8-.Ltmp3, $4  }
0x28: {  	[spmem:s1] =	stream.indirect.scatter.add.f32 [tilespmem:s16], [sflag:$0x4], $0x80, s23, s15, $0xb8;
	v63 =	vld [tilespmem:$0x0]  }
0x29: {  	_ =	swait.ge [sflag:s14], $0x3200  }
0x2a: {  	[sflag:s14] =	ssyncset.done $0x0  }
0x2b: {  	[sflag:s14] =	ssyncadd.s32 $0xFFFFCE00  }
.LBB2_2:
0x2c: {  	s26 =	smul.u32 $0x28, s25;
	_ =	sdelay $0x1  }
0x2d: {  	s28 =	sadd.s32 s9, s26  }
0x2e: {  	s26 =	sshll.u32 s28, $0x7  }
0x2f: {  	s26 =	sadd.s32 s10, s26  }
0x30: {  	s26 =	sshrl.u32 s26, $0x3  }
0x31: {  	s29 =	sadd.s32 s5, s26;
	s26 =	simm.s32 $0x0  }
0x32: {  	[tilespmem:s26], [sflag:$0x4] =	stream.linear.gather [hbm4b:s29+s26], $0x1400, $0x38;
	v63 =	vld [tilespmem:$0x0]  }
0x33: {  	_ =	swait.ge [sflag:s14], $0x1400  }
0x34: {  	s28 =	sshll.u32 s28, $0x4;
	[sflag:s14] =	ssyncset.done $0x0  }
0x35: {  	s29 =	sadd.s32 s6, s28;
	s28 =	simm.s32 $0x1400;
	[sflag:s14] =	ssyncadd.s32 $0xFFFFEC00  }
0x36: {  	[tilespmem:s28], [sflag:$0x4] =	stream.linear.gather [hbm4b:s29+s26], $0x1400, $0x38;
	v63 =	vld [tilespmem:$0x0]  }
0x37: {  	_ =	swait.ge [sflag:s14], $0x1400  }
.Ltmp4:
0x38: {  	[sflag:s14] =	ssyncset.done $0x0;
	(pc) =	sbr.rel .LBB2_3-.Ltmp4, $4  }
0x39: {  	[sflag:s14] =	ssyncadd.s32 $0xFFFFEC00  }
0x3a: {  	[tilespmem:s16], [sflag:$0x1] =	stream.indirect.gather [hbm4b:s4+s15], $0x80, s26, s15, $0xb8;
	v63 =	vld [tilespmem:$0x0]  }
0x3b: {  	s29 =	simm.s32 $0x100  }
0x3c: {  	[tilespmem:s18], [sflag:$0x2] =	stream.indirect.gather [hbm4b:s4+s15], $0x80, s17, s15, $0xb8;
	v63 =	vld [tilespmem:$0x0]  }
.LBB2_5:
0x3d: {  	_ =	swait.ge [sflag:s19], $0x3200  }
0x3e: {  	[sflag:s19] =	ssyncset.done $0x0  }
0x3f: {  	[sflag:s19] =	ssyncadd.s32 $0xFFFFCE00  }
0x40: {  	[spmem:s1] =	stream.indirect.scatter.add.f32 [tilespmem:s20], [sflag:$0x4], $0x80, s28, s15, $0xb8;
	v63 =	vld [tilespmem:$0x0]  }
0x41: {  	_ =	swait.ge [sflag:s14], $0x3200  }
0x42: {  	[sflag:s14] =	ssyncset.done $0x0  }
0x43: {  	[sflag:s14] =	ssyncadd.s32 $0xFFFFCE00  }
0x44: {  	[tilespmem:s18], [sflag:$0x2] =	stream.indirect.gather [hbm4b:s4+s15], $0x80, s29, s15, $0xb8;
	v63 =	vld [tilespmem:$0x0]  }
.LBB2_6:
0x45: {  	s26 =	sadd.s32 $0x1, s26  }
0x46: {  	p0 =	sne.s32 s26, $0x26  }
.Ltmp5:
0x47: {  	_ = 	snop;
	(pc) =	sbr.rel @!p0 .LBB2_7-.Ltmp5, $2  }
0x48: {  	_ =	sdelay $0x2  }
0x49: {  	s29 =	sadd.s32 $0x80, s29;
	s28 =	sadd.s32 $0x80, s28  }
.LBB2_3:
0x4a: {  	s30 =	smul.u32 $0xAB, s26;
	_ =	sdelay $0x1  }
0x4b: {  	s30 =	sshrl.u32 s30, $0x9  }
0x4c: {  	s30 =	sand.u32 $0x7F, s30  }
0x4d: {  	s30 =	smul.u32 $0x3, s30;
	_ =	sdelay $0x1  }
0x4e: {  	s30 =	ssub.s32 s26, s30  }
0x4f: {  	s30 =	sand.u32 $0xFF, s30  }
0x50: {  	p0 =	seq.s32 s30, $0x2  }
.Ltmp6:
0x51: {  	_ = 	snop;
	(pc) =	sbr.rel @p0 .LBB2_5-.Ltmp6, $1  }
0x52: {  	_ =	sdelay $0x3  }
0x53: {  	p0 =	seq.s32 s30, $0x1  }
0x54: {  	_ =	swait.ge @p0 [sflag:s24], $0x3200  }
0x55: {  	[sflag:s24] =	ssyncset.done @p0 $0x0  }
0x56: {  	[sflag:s24] =	ssyncadd.s32 @p0 $0xFFFFCE00  }
0x57: {  	[spmem:s1] =	stream.indirect.scatter.add.f32 @p0 [tilespmem:s18], [sflag:$0x4], $0x80, s28, s15, $0xb8;
	v63 =	vld [tilespmem:$0x0]  }
0x58: {  	_ =	swait.ge @p0 [sflag:s14], $0x3200  }
0x59: {  	[sflag:s14] =	ssyncset.done @p0 $0x0  }
0x5a: {  	[sflag:s14] =	ssyncadd.s32 @p0 $0xFFFFCE00  }
0x5b: {  	[tilespmem:s16], [sflag:$0x1] =	stream.indirect.gather @p0 [hbm4b:s4+s15], $0x80, s29, s15, $0xb8;
	v63 =	vld [tilespmem:$0x0]  }
0x5c: {  	_ =	swait.ge @!p0 [sflag:s22], $0x3200  }
0x5d: {  	[sflag:s22] =	ssyncset.done @!p0 $0x0  }
0x5e: {  	[sflag:s22] =	ssyncadd.s32 @!p0 $0xFFFFCE00  }
0x5f: {  	[spmem:s1] =	stream.indirect.scatter.add.f32 @!p0 [tilespmem:s16], [sflag:$0x4], $0x80, s28, s15, $0xb8;
	v63 =	vld [tilespmem:$0x0]  }
.Ltmp7:
0x60: {  	_ = 	snop;
	(pc) =	sbr.rel .LBB2_6-.Ltmp7, $4  }
0x61: {  	_ =	swait.ge @!p0 [sflag:s14], $0x3200  }
0x62: {  	[sflag:s14] =	ssyncset.done @!p0 $0x0  }
0x63: {  	[sflag:s14] =	ssyncadd.s32 @!p0 $0xFFFFCE00  }
0x64: {  	[tilespmem:s20], [sflag:$0x3] =	stream.indirect.gather @!p0 [hbm4b:s4+s15], $0x80, s29, s15, $0xb8;
	v63 =	vld [tilespmem:$0x0]  }
.LBB2_9:
0x65: {  	_ =	sfence.sel $0x180000  }
0x66: {  	[bflag:$0x0] =	sbarrier.arrive $0xFFFF  }
0x67: {  	p0 =	sne.s32 s2, $0x0;
	_ =	strace $0x90000053  }
0x68: {  	s0 =	sadd.s32 @!p0 $0x100000, s0;
	[bflag:$0x2] =	sbarrier.arrive $0xFFFF  }
0x69: {  	[sflag:s0] =	ssyncadd.tile.s32 @!p0 $0x1;
	_ =	shalt  }
.Lfunc_end2:
_tile_overlayer_lowered:
.L_overlay_start_2:
0x6a: {  	(tag) =	ssettag $0x2  }
0x6b: {  	s0 =	rddreg [dreg:$0x0];
	s2 =	stileid.u32  }
0x6c: {  	s1 =	rddreg [dreg:$0x1];
	p0 =	sne.s32 s2, $0x0  }
0x6d: {  	s3 =	rddreg [dreg:$0x2];
	[bflag:$0x3] =	sbarrier.arrive $0xFFFF;
	s2 =	simm.s32 @!p0 $0x1C04  }
0x6e: {  	[timem:s3], [sflag:s2] =	dma.local @!p0 [hbm:s0], s1  }
0x6f: {  	s0 =	simm.s32 @!p0 $0x4  }
0x70: {  	_ =	swait.ge @!p0 [sflag:s0], s1  }
0x71: {  	s1 =	ssub.s32 @!p0 $0x0, s1;
	[sflag:s0] =	ssyncset.done @!p0 $0x0  }
0x72: {  	[sflag:s0] =	ssyncadd.s32 @!p0 s1  }
0x73: {  	[bflag:$0x3] =	sbarrier.arrive $0xFFFF  }
0x74: {  	_ =	shalt  }

// kernel: kernel.37.cloned.1.call-start
scs
__scs_entry_jumppad:
0x0: {  	(pc) =	sbr.rel $0x88, $3  }
0x1: {  	(tag) =	ssettag $0x0;
	lr =	simm.s32 $0x1  }
0x2: {  	[smem:$0x3F8A] =	sst lr;
	_ =	strace $0xD0000000  }
0x3: {  	_ = 	snop  }
0x4: {  	_ = 	snop  }
0x5: {  	_ = 	snop  }
0x6: {  	_ = 	snop  }
0x7: {  	_ = 	snop  }
__scs_overlays_trampoline_lowered:
0x8: {  	[smem:$0x3F99] =	sst s0  }
0x9: {  	[smem:$0x3F9A] =	sst s1  }
0xa: {  	[smem:$0x3F9B] =	sst s2  }
0xb: {  	[smem:$0x3F9C] =	sst s3  }
0xc: {  	[smem:$0x3F9D] =	sst s4  }
0xd: {  	[smem:$0x3F9E] =	sst s5  }
0xe: {  	[smem:$0x3F9F] =	sst s6  }
0xf: {  	[smem:$0x3FA0] =	sst s7  }
0x10: {  	[smem:$0x3FA1] =	sst s8  }
0x11: {  	[smem:$0x3FA2] =	sst s9;
	s0 =	simm.s32 @!p0 $0x0  }
0x12: {  	s1 =	sld [smem:$0x3F88];
	s0 =	simm.s32 @p0 $0x1  }
0x13: {  	[smem:$0x3FA3] =	sst s0;
	s0 =	simm.s32 @!p1 $0x0  }
0x14: {  	s2 =	sld [smem:$0x3F87];
	s0 =	simm.s32 @p1 $0x1  }
0x15: {  	[smem:$0x3FA4] =	sst s0;
	s0 =	simm.s32 @!p2 $0x0  }
0x16: {  	s3 =	sld [smem:$0x3FDB];
	s0 =	simm.s32 @p2 $0x1  }
0x17: {  	s4 =	simm.s32 $0x1BF5;
	[smem:$0x3FA6] =	sst s0  }
0x18: {  	s0 =	sld [smem:$0x3F89];
	_ =	swait.ge [sflag:s4], $0x0  }
0x19: {  	s7 =	sld [smem:$0x3F8A]  }
0x1a: {  	s8 =	sadd.s32 $0xFFFFE003, lr  }
0x1b: {  	s9 =	sadd.s32 $0xFFFFFEF7, lr;
	s5 =	simm.s32 $0xFFFFFFFF;
	p2 =	slt.u32 s8, $0xFFFFF086  }
0x1c: {  	p1 =	slt.u32 s9, $0xF7A;
	s5 =	simm.s32 @!p2 $0x0  }
0x1d: {  	s5 =	simm.s32 @p1 $0x1;
	p0 =	seq.s32 s7, s2  }
0x1e: {  	s7 =	smul.u32 @!p0 $0xF7A, s2;
	p2 =	seq.s32 @!p0 s5, $0x0  }
0x1f: {  	s9 =	smul.u32 $0xF7A, s1;
	s8 =	simm.s32 @!p0 $0x1BF5;
	p2 =	por !p2, p0  }
0x20: {  	[sflag:s8] =	ssyncset.s32 @!p0 $0xFFFFF086;
	s6 =	sadd.s32 @!p0 s3, s7;
	s7 =	simm.s32 @!p0 $0x108  }
0x21: {  	s3 =	sadd.s32 s3, s9;
	s6 =	sadd.s32 @!p0 $0x88, s6;
	s7 =	simm.s32 @p2 $0x1082  }
0x22: {  	[simem:s7], [sflag:s8] =	dma.local @!p0 [hbm:s6], $0xF7A  }
0x23: {  	s9 =	sor.u32 $0xD0000000, s2;
	s6 =	simm.s32 $0x108;
	_ =	swait.ge @!p0 [sflag:s8], $0x0  }
0x24: {  	s3 =	sadd.s32 $0x88, s3;
	s6 =	simm.s32 @!p1 $0x1082;
	[sflag:s4] =	ssyncset.s32 $0xFFFFF086  }
0x25: {  	[simem:s6], [sflag:s4] =	dma.local [hbm:s3], $0xF7A  }
0x26: {  	[smem:$0x3F8A] =	sst s1;
	(tag) =	ssettag s2;
	_ =	strace s9  }
0x27: {  	s1 =	sld [smem:$0x3F9A]  }
0x28: {  	s2 =	sld [smem:$0x3F9B]  }
0x29: {  	s4 =	sld [smem:$0x3F9D]  }
0x2a: {  	p0 =	seq.s32 s5, $0x0;
	s5 =	sld [smem:$0x3F9E]  }
0x2b: {  	s6 =	sld [smem:$0x3F9F]  }
0x2c: {  	s7 =	sld [smem:$0x3FA0]  }
0x2d: {  	s3 =	simm.s32 $0x108;
	s8 =	sld [smem:$0x3FA1]  }
0x2e: {  	s3 =	simm.s32 @!p0 $0x1082;
	s9 =	sld [smem:$0x3FA2]  }
0x2f: {  	lr =	sadd.s32 s0, s3;
	s0 =	sld [smem:$0x3F99]  }
0x30: {  	s3 =	sld [smem:$0x3F9C]  }
0x31: {  	[smem:$0x3FA5] =	sst s10  }
0x32: {  	s10 =	sld [smem:$0x3FA3];
	_ =	sdelay $0x3  }
0x33: {  	p0 =	seq.s32 s10, $0x1;
	s10 =	sld [smem:$0x3FA5];
	_ =	sdelay $0x3  }
0x34: {  	[smem:$0x3FA5] =	sst s10  }
0x35: {  	s10 =	sld [smem:$0x3FA4];
	_ =	sdelay $0x3  }
0x36: {  	p1 =	seq.s32 s10, $0x1;
	s10 =	sld [smem:$0x3FA5];
	_ =	sdelay $0x3  }
0x37: {  	[smem:$0x3FA5] =	sst s10  }
0x38: {  	s10 =	sld [smem:$0x3FA6]  }
0x39: {  	_ = 	snop;
	(pc) =	sbr.ind lr, $3  }
0x3a: {  	_ = 	snop  }
0x3b: {  	_ = 	snop  }
0x3c: {  	p2 =	seq.s32 s10, $0x1;
	s10 =	sld [smem:$0x3FA5]  }
0x3d: {  	_ =	shalt  }
0x3e: {  	_ =	shalt  }
0x3f: {  	_ =	shalt  }
0x40: {  	_ =	shalt  }
0x41: {  	_ =	shalt  }
0x42: {  	_ =	shalt  }
0x43: {  	_ =	shalt  }
0x44: {  	_ =	shalt  }
0x45: {  	_ =	shalt  }
0x46: {  	_ =	shalt  }
0x47: {  	_ =	shalt  }
0x48: {  	_ =	shalt  }
0x49: {  	_ =	shalt  }
0x4a: {  	_ =	shalt  }
0x4b: {  	_ =	shalt  }
0x4c: {  	_ =	shalt  }
0x4d: {  	_ =	shalt  }
0x4e: {  	_ =	shalt  }
0x4f: {  	_ =	shalt  }
0x50: {  	_ =	shalt  }
0x51: {  	_ =	shalt  }
0x52: {  	_ =	shalt  }
0x53: {  	_ =	shalt  }
0x54: {  	_ =	shalt  }
0x55: {  	_ =	shalt  }
0x56: {  	_ =	shalt  }
0x57: {  	_ =	shalt  }
0x58: {  	_ =	shalt  }
0x59: {  	_ =	shalt  }
0x5a: {  	_ =	shalt  }
0x5b: {  	_ =	shalt  }
0x5c: {  	_ =	shalt  }
0x5d: {  	_ =	shalt  }
0x5e: {  	_ =	shalt  }
0x5f: {  	_ =	shalt  }
0x60: {  	_ =	shalt  }
0x61: {  	_ =	shalt  }
0x62: {  	_ =	shalt  }
0x63: {  	_ =	shalt  }
0x64: {  	_ =	shalt  }
0x65: {  	_ =	shalt  }
0x66: {  	_ =	shalt  }
0x67: {  	_ =	shalt  }
0x68: {  	_ =	shalt  }
0x69: {  	_ =	shalt  }
0x6a: {  	_ =	shalt  }
0x6b: {  	_ =	shalt  }
0x6c: {  	_ =	shalt  }
0x6d: {  	_ =	shalt  }
0x6e: {  	_ =	shalt  }
0x6f: {  	_ =	shalt  }
0x70: {  	_ =	shalt  }
0x71: {  	_ =	shalt  }
0x72: {  	_ =	shalt  }
0x73: {  	_ =	shalt  }
0x74: {  	_ =	shalt  }
0x75: {  	_ =	shalt  }
0x76: {  	_ =	shalt  }
0x77: {  	_ =	shalt  }
0x78: {  	_ =	shalt  }
0x79: {  	_ =	shalt  }
0x7a: {  	_ =	shalt  }
0x7b: {  	_ =	shalt  }
0x7c: {  	_ =	shalt  }
0x7d: {  	_ =	shalt  }
0x7e: {  	_ =	shalt  }
0x7f: {  	_ =	shalt  }
0x80: {  	_ =	shalt  }
0x81: {  	_ =	shalt  }
0x82: {  	_ =	shalt  }
0x83: {  	_ =	shalt  }
0x84: {  	_ =	shalt  }
0x85: {  	_ =	shalt  }
0x86: {  	_ =	shalt  }
0x87: {  	_ =	shalt  }
.Lfunc_end0:
.L_simem_size_0:
called_computation.5_lowered:
.L_overlay_start_0:
0x88: {  	s2 =	sld [smem:$0x3FD9]  }
0x89: {  	s3 =	sld [smem:$0x3FFE];
	_ =	sdelay $0x1  }
0x8a: {  	s1 =	srdreg.scid  }
0x8b: {  	s0 =	sand.u32 $0x1, s1  }
0x8c: {  	s16 =	sshll.u32 s0, $0xA;
	s2 =	sadd.s32 s3, s2  }
0x8d: {  	s2 =	sadd.s32 s2, s16  }
0x8e: {  	[smem:$0x3FB1] =	sst s2  }
0x8f: {  	_ = 	snop  }
0x90: {  	(tm) =	ssettm $0x1  }
0x91: {  	s17 =	sld [smem:$0x3FFB];
	_ =	sdelay $0x3  }
0x92: {  	_ =	strace s17  }
0x93: {  	s2 =	sld [smem:$0x3FFC];
	_ =	sdelay $0x3  }
0x94: {  	_ =	strace s2  }
0x95: {  	s2 =	sld [smem:$0x3FFD];
	_ =	sdelay $0x3  }
0x96: {  	_ =	strace s2  }
0x97: {  	_ =	strace $0x8FFFFFFF  }
0x98: {  	s18 =	sld [smem:$0x3FDB];
	_ =	sdelay $0x1  }
0x99: {  	s19 =	simm.s32 $_scs_section_size  }
0x9a: {  	s4 =	simm.s32 $_size__tile_overlayer_lowered;
	s5 =	simm.s32 $_tile_overlayer_lowered  }
0x9b: {  	s22 =	simm.s32 $0x1BFF;
	s21 =	sshll.u32 s5, $0x1;
	s2 =	sadd.s32 s19, s18  }
0x9c: {  	s6 =	simm.s32 $0x0;
	s20 =	sshll.u32 s4, $0x1;
	s4 =	sadd.s32 s21, s2  }
0x9d: {  	[timem:s6], [sflag:s22] =	dma.local [hbm:s4], s20  }
0x9e: {  	_ =	swait.ge [sflag:s22], s20  }
0x9f: {  	s3 =	ssub.s32 $0x0, s20;
	[sflag:s22] =	ssyncset.done $0x0  }
0xa0: {  	[sflag:s22] =	ssyncadd.s32 s3;
	_ =	sdelay $0x1  }
0xa1: {  	s23 =	simm.s32 $0x1B8B  }
0xa2: {  	_ =	swait.ge [sflag:s23], $0x1  }
0xa3: {  	[sflag:s23] =	ssyncset.done $0x0  }
0xa4: {  	s25 =	simm.s32 $0x1B8E;
	s24 =	sld [smem:$0x3FFE];
	[sflag:s23] =	ssyncadd.s32 $0xFFFFFFFF  }
0xa5: {  	s26 =	simm.s32 $execute0_lowered;
	[smem:$0x3FD2] =	sst s25  }
0xa6: {  	s4 =	sshll.u32 s26, $0x1;
	_ =	strace $0x80000055;
	[dreg:$0x1] =	wrdreg $0xFFFFFFFF  }
0xa7: {  	s28 =	simm.s32 $_size_execute0_lowered;
	s2 =	sadd.s32 s2, s4;
	[dreg:$0x0] =	wrdreg $0x0  }
0xa8: {  	s4 =	sshll.u32 s28, $0x1;
	[dreg:$0x2] =	wrdreg s2  }
0xa9: {  	[dreg:$0x3] =	wrdreg s4  }
0xaa: {  	[dreg:$0x4] =	wrdreg $0xC0  }
0xab: {  	_ =	task [dreg:s6], $0x5FFFF  }
0xac: {  	[dreg:$0x1] =	wrdreg $0xFFFFFFFF  }
0xad: {  	[dreg:$0x0] =	wrdreg $0x60  }
0xae: {  	[dreg:$0x2] =	wrdreg s24  }
0xaf: {  	[dreg:$0x3] =	wrdreg $0xC4000  }
0xb0: {  	[dreg:$0x4] =	wrdreg $0x9  }
0xb1: {  	_ =	task.clear_ibuf [dreg:s6], $0x5FFFF;
	_ =	strace $0x90000055  }
0xb2: {  	s29 =	simm.s32 $0x9;
	_ =	strace $0x80000057  }
0xb3: {  	_ =	swait.ge [sflag:s29], $0x1  }
0xb4: {  	[sflag:s29] =	ssyncadd.s32 $0xFFFFFFFF  }
0xb5: {  	_ =	strace $0x90000057  }
0xb6: {  	_ =	sfence  }
0xb7: {  	s30 =	sld [smem:$0x0];
	_ =	sdelay $0x2  }
0xb8: {  	s31 =	sshll.u32 s1, $0xD;
	s1 =	sshrl.u32 s1, $0x2  }
0xb9: {  	s3 =	sand.u32 $0x4000, s31;
	s1 =	sadd.s32 s1, s30  }
0xba: {  	s0 =	sor.u32 s3, s0;
	s1 =	sshll.u32 s1, $0x11  }
0xbb: {  	s0 =	sor.u32 s1, s0  }
0xbc: {  	s0 =	sadd.s32 $0x8F2B, s0  }
0xbd: {  	[sflag:s0] =	ssyncadd.remote.s32 $0x1  }
0xbe: {  	_ =	sfence.sel $0xFFFF  }
0xbf: {  	[dreg:$0x0] =	wrdreg $0xFFFFFFFF;
	(pc) =	sbr.abs _section_cstart, $3  }
0xc0: {  	[dreg:$0x1] =	wrdreg $0xFFFFFFFF  }
0xc1: {  	_ =	task.clear_ibuf [dreg:s6], $0x2FFFF;
	_ =	strace $0x9FFFFFFF  }
0xc2: {  	(tm) =	ssettm $0x7FFFFFFF  }
0xc3: {  	_ =	shalt  }
tec
execute0_lowered:
.L_overlay_start_1:
0x0: {  	(tag) =	ssettag $0x1  }
0x1: {  	s8 =	rddreg [dreg:$0x0]  }
0x2: {  	s1 =	rddreg [dreg:$0x1]  }
0x3: {  	s2 =	srdreg.scid;
	s0 =	rddreg [dreg:$0x2]  }
0x4: {  	s3 =	simm.s32 $0x0;
	s16 =	simm.s32 $0x2800;
	s17 =	simm.s32 $0x80  }
0x5: {  	s18 =	simm.s32 $0x5C00;
	s19 =	simm.s32 $0x3;
	s20 =	simm.s32 $0x9000  }
0x6: {  	s21 =	simm.s32 $0x2700;
	s22 =	simm.s32 $0x1;
	s23 =	simm.s32 $0x2780  }
0x7: {  	s24 =	simm.s32 $0x2;
	s10 =	sand.u32 $0x1, s2;
	s2 =	stileid.u32  }
0x8: {  	[smem:$0x7FF] =	sst s3;
	s4 =	sadd.s32 $0x7DC00, s8;
	s7 =	smul.u32 $0x13C000, s10  }
0x9: {  	s5 =	sadd.s32 $0x7A00, s8;
	s6 =	sadd.s32 $0x20A00, s8;
	s9 =	smul.u32 $0x13C00, s2  }
0xa: {  	_ =	strace $0x80000056;
	s11 =	ssub.s32 $0x2, s10;
	s12 =	smul.u32 $0x4F000, s2  }
0xb: {  	s31 =	sshll.u32 s2, $0x6;
	s10 =	smul.u32 $0x64000, s10;
	s29 =	sshrl.u32 s11, $0x1  }
.Ltmp0:
0xc: {  	s7 =	sadd.s32 s9, s7;
	s14 =	ssub.s32 s11, s29;
	(pc) =	sbr.rel .LBB2_1-.Ltmp0, $4  }
0xd: {  	s30 =	sshrl.u32 s12, $0x2;
	s9 =	sshrl.u32 s7, $0x3;
	s7 =	sadd.s32 $0x7B400, s8  }
0xe: {  	s15 =	sadd.s32 s30, s1;
	s12 =	smax.u32 s14, $0x1;
	s14 =	simm.s32 $0x4  }
0xf: {  	s13 =	sadd.s32 s9, s8;
	s8 =	sor.u32 $0x1C04, s31;
	s9 =	smul.u32 $0xC8, s2  }
0x10: {  	s11 =	sadd.s32 $0xCBE00, s13;
	s13 =	sshrl.u32 s15, $0x3;
	s15 =	simm.s32 $0x64  }
.LBB2_8:
0x11: {  	s3 =	sadd.s32 $0x1, s3  }
0x12: {  	p0 =	sne.s32 s3, s12  }
.Ltmp1:
0x13: {  	[bflag:$0x0] =	sbarrier.arrive $0xFFFF;
	(pc) =	sbr.rel @!p0 .LBB2_9-.Ltmp1, $4  }
0x14: {  	[hbm:s11], [sflag:s8] =	dma.local [spmem:s13], $0x2780  }
0x15: {  	_ =	swait.ge [sflag:s14], $0x2780  }
0x16: {  	[sflag:s14] =	ssyncset.done $0x0  }
0x17: {  	[sflag:s14] =	ssyncadd.s32 $0xFFFFD880  }
.LBB2_1:
0x18: {  	[spmem:s13], [sflag:s8] =	dma.local [hbm:s7], $0x2780  }
.Ltmp2:
0x19: {  	_ =	swait.ge [sflag:s14], $0x2780;
	(pc) =	sbr.rel .LBB2_2-.Ltmp2, $4  }
0x1a: {  	[sflag:s14] =	ssyncset.done $0x0  }
0x1b: {  	[sflag:s14] =	ssyncadd.s32 $0xFFFFD880  }
0x1c: {  	[bflag:$0x0] =	sbarrier.arrive $0xFFFF  }
0x1d: {  	s25 =	simm.s32 $0x0  }
.LBB2_7:
0x1e: {  	_ =	swait.ge [sflag:s19], $0x3200  }
0x1f: {  	[sflag:s19] =	ssyncset.done $0x0  }
0x20: {  	[sflag:s19] =	ssyncadd.s32 $0xFFFFCE00  }
0x21: {  	[spmem:s1] =	stream.indirect.scatter.add.f32 [tilespmem:s20], [sflag:$0x4], $0x80, s21, s15, $0xb8;
	v63 =	vld [tilespmem:$0x0]  }
0x22: {  	_ =	swait.ge [sflag:s14], $0x3200  }
0x23: {  	[sflag:s14] =	ssyncset.done $0x0  }
0x24: {  	[sflag:s14] =	ssyncadd.s32 $0xFFFFCE00  }
0x25: {  	s25 =	sadd.s32 $0x1, s25;
	_ =	swait.ge [sflag:s22], $0x3200  }
0x26: {  	p0 =	sne.s32 s25, $0x5;
	[sflag:s22] =	ssyncset.done $0x0  }
.Ltmp3:
0x27: {  	[sflag:s22] =	ssyncadd.s32 $0xFFFFCE00;
	(pc) =	sbr.rel @!p0 .LBB2_8-.Ltmp3, $4  }
0x28: {  	[spmem:s1] =	stream.indirect.scatter.add.f32 [tilespmem:s16], [sflag:$0x4], $0x80, s23, s15, $0xb8;
	v63 =	vld [tilespmem:$0x0]  }
0x29: {  	_ =	swait.ge [sflag:s14], $0x3200  }
0x2a: {  	[sflag:s14] =	ssyncset.done $0x0  }
0x2b: {  	[sflag:s14] =	ssyncadd.s32 $0xFFFFCE00  }
.LBB2_2:
0x2c: {  	s26 =	smul.u32 $0x28, s25;
	_ =	sdelay $0x1  }
0x2d: {  	s28 =	sadd.s32 s9, s26  }
0x2e: {  	s26 =	sshll.u32 s28, $0x7  }
0x2f: {  	s26 =	sadd.s32 s10, s26  }
0x30: {  	s26 =	sshrl.u32 s26, $0x3  }
0x31: {  	s29 =	sadd.s32 s5, s26;
	s26 =	simm.s32 $0x0  }
0x32: {  	[tilespmem:s26], [sflag:$0x4] =	stream.linear.gather [hbm4b:s29+s26], $0x1400, $0x38;
	v63 =	vld [tilespmem:$0x0]  }
0x33: {  	_ =	swait.ge [sflag:s14], $0x1400  }
0x34: {  	s28 =	sshll.u32 s28, $0x4;
	[sflag:s14] =	ssyncset.done $0x0  }
0x35: {  	s29 =	sadd.s32 s6, s28;
	s28 =	simm.s32 $0x1400;
	[sflag:s14] =	ssyncadd.s32 $0xFFFFEC00  }
0x36: {  	[tilespmem:s28], [sflag:$0x4] =	stream.linear.gather [hbm4b:s29+s26], $0x1400, $0x38;
	v63 =	vld [tilespmem:$0x0]  }
0x37: {  	_ =	swait.ge [sflag:s14], $0x1400  }
.Ltmp4:
0x38: {  	[sflag:s14] =	ssyncset.done $0x0;
	(pc) =	sbr.rel .LBB2_3-.Ltmp4, $4  }
0x39: {  	[sflag:s14] =	ssyncadd.s32 $0xFFFFEC00  }
0x3a: {  	[tilespmem:s16], [sflag:$0x1] =	stream.indirect.gather [hbm4b:s4+s15], $0x80, s26, s15, $0xb8;
	v63 =	vld [tilespmem:$0x0]  }
0x3b: {  	s29 =	simm.s32 $0x100  }
0x3c: {  	[tilespmem:s18], [sflag:$0x2] =	stream.indirect.gather [hbm4b:s4+s15], $0x80, s17, s15, $0xb8;
	v63 =	vld [tilespmem:$0x0]  }
.LBB2_5:
0x3d: {  	_ =	swait.ge [sflag:s19], $0x3200  }
0x3e: {  	[sflag:s19] =	ssyncset.done $0x0  }
0x3f: {  	[sflag:s19] =	ssyncadd.s32 $0xFFFFCE00  }
0x40: {  	[spmem:s1] =	stream.indirect.scatter.add.f32 [tilespmem:s20], [sflag:$0x4], $0x80, s28, s15, $0xb8;
	v63 =	vld [tilespmem:$0x0]  }
0x41: {  	_ =	swait.ge [sflag:s14], $0x3200  }
0x42: {  	[sflag:s14] =	ssyncset.done $0x0  }
0x43: {  	[sflag:s14] =	ssyncadd.s32 $0xFFFFCE00  }
0x44: {  	[tilespmem:s18], [sflag:$0x2] =	stream.indirect.gather [hbm4b:s4+s15], $0x80, s29, s15, $0xb8;
	v63 =	vld [tilespmem:$0x0]  }
.LBB2_6:
0x45: {  	s26 =	sadd.s32 $0x1, s26  }
0x46: {  	p0 =	sne.s32 s26, $0x26  }
.Ltmp5:
0x47: {  	_ = 	snop;
	(pc) =	sbr.rel @!p0 .LBB2_7-.Ltmp5, $2  }
0x48: {  	_ =	sdelay $0x2  }
0x49: {  	s29 =	sadd.s32 $0x80, s29;
	s28 =	sadd.s32 $0x80, s28  }
.LBB2_3:
0x4a: {  	s30 =	smul.u32 $0xAB, s26;
	_ =	sdelay $0x1  }
0x4b: {  	s30 =	sshrl.u32 s30, $0x9  }
0x4c: {  	s30 =	sand.u32 $0x7F, s30  }
0x4d: {  	s30 =	smul.u32 $0x3, s30;
	_ =	sdelay $0x1  }
0x4e: {  	s30 =	ssub.s32 s26, s30  }
0x4f: {  	s30 =	sand.u32 $0xFF, s30  }
0x50: {  	p0 =	seq.s32 s30, $0x2  }
.Ltmp6:
0x51: {  	_ = 	snop;
	(pc) =	sbr.rel @p0 .LBB2_5-.Ltmp6, $1  }
0x52: {  	_ =	sdelay $0x3  }
0x53: {  	p0 =	seq.s32 s30, $0x1  }
0x54: {  	_ =	swait.ge @p0 [sflag:s24], $0x3200  }
0x55: {  	[sflag:s24] =	ssyncset.done @p0 $0x0  }
0x56: {  	[sflag:s24] =	ssyncadd.s32 @p0 $0xFFFFCE00  }
0x57: {  	[spmem:s1] =	stream.indirect.scatter.add.f32 @p0 [tilespmem:s18], [sflag:$0x4], $0x80, s28, s15, $0xb8;
	v63 =	vld [tilespmem:$0x0]  }
0x58: {  	_ =	swait.ge @p0 [sflag:s14], $0x3200  }
0x59: {  	[sflag:s14] =	ssyncset.done @p0 $0x0  }
0x5a: {  	[sflag:s14] =	ssyncadd.s32 @p0 $0xFFFFCE00  }
0x5b: {  	[tilespmem:s16], [sflag:$0x1] =	stream.indirect.gather @p0 [hbm4b:s4+s15], $0x80, s29, s15, $0xb8;
	v63 =	vld [tilespmem:$0x0]  }
0x5c: {  	_ =	swait.ge @!p0 [sflag:s22], $0x3200  }
0x5d: {  	[sflag:s22] =	ssyncset.done @!p0 $0x0  }
0x5e: {  	[sflag:s22] =	ssyncadd.s32 @!p0 $0xFFFFCE00  }
0x5f: {  	[spmem:s1] =	stream.indirect.scatter.add.f32 @!p0 [tilespmem:s16], [sflag:$0x4], $0x80, s28, s15, $0xb8;
	v63 =	vld [tilespmem:$0x0]  }
.Ltmp7:
0x60: {  	_ = 	snop;
	(pc) =	sbr.rel .LBB2_6-.Ltmp7, $4  }
0x61: {  	_ =	swait.ge @!p0 [sflag:s14], $0x3200  }
0x62: {  	[sflag:s14] =	ssyncset.done @!p0 $0x0  }
0x63: {  	[sflag:s14] =	ssyncadd.s32 @!p0 $0xFFFFCE00  }
0x64: {  	[tilespmem:s20], [sflag:$0x3] =	stream.indirect.gather @!p0 [hbm4b:s4+s15], $0x80, s29, s15, $0xb8;
	v63 =	vld [tilespmem:$0x0]  }
.LBB2_9:
0x65: {  	_ =	sfence.sel $0x180000  }
0x66: {  	[bflag:$0x0] =	sbarrier.arrive $0xFFFF  }
0x67: {  	p0 =	sne.s32 s2, $0x0;
	_ =	strace $0x90000056  }
0x68: {  	s0 =	sadd.s32 @!p0 $0x100000, s0;
	[bflag:$0x2] =	sbarrier.arrive $0xFFFF  }
0x69: {  	[sflag:s0] =	ssyncadd.tile.s32 @!p0 $0x1;
	_ =	shalt  }
.Lfunc_end2:
_tile_overlayer_lowered:
.L_overlay_start_2:
0x6a: {  	(tag) =	ssettag $0x2  }
0x6b: {  	s0 =	rddreg [dreg:$0x0];
	s2 =	stileid.u32  }
0x6c: {  	s1 =	rddreg [dreg:$0x1];
	p0 =	sne.s32 s2, $0x0  }
0x6d: {  	s3 =	rddreg [dreg:$0x2];
	[bflag:$0x3] =	sbarrier.arrive $0xFFFF;
	s2 =	simm.s32 @!p0 $0x1C04  }
0x6e: {  	[timem:s3], [sflag:s2] =	dma.local @!p0 [hbm:s0], s1  }
0x6f: {  	s0 =	simm.s32 @!p0 $0x4  }
0x70: {  	_ =	swait.ge @!p0 [sflag:s0], s1  }
0x71: {  	s1 =	ssub.s32 @!p0 $0x0, s1;
	[sflag:s0] =	ssyncset.done @!p0 $0x0  }
0x72: {  	[sflag:s0] =	ssyncadd.s32 @!p0 s1  }
0x73: {  	[bflag:$0x3] =	sbarrier.arrive $0xFFFF  }
0x74: {  	_ =	shalt  }

</sc_bundles>
